<compile_context>
chip_gen: v7x
topology: tpu7x:2x2x1
jax: 0.10.2.dev20260603
libtpu: 0.0.44.dev20260713+nightly
codegen_flags: <defaults>
</compile_context>

<pallas_src>
import functools

import jax
import jax.numpy as jnp
from jax import lax
from jax.experimental import pallas as pl
from jax.experimental.pallas import tpu as pltpu
from jax.experimental.pallas import tpu_sc as plsc

_B, _C, _HD, _WD = 8, 96, 224, 224
_HW = _HD * _WD
_NW = 32
_WPB = _NW // _B
_CPW = _C // _WPB
_CROWS = 8
_CHUNK = _CROWS * _WD
_NCHUNK = _HD // _CROWS
_VPR = _WD // 16
_RSPLIT = 7
_RSUB = _HD // _RSPLIT
_ISPLIT = 4
_ISUB = _HW // _ISPLIT


def _sc_gather(v3, hp):
    mesh = plsc.VectorSubcoreMesh(core_axis_name="c", subcore_axis_name="s")

    @functools.partial(
        pl.kernel,
        mesh=mesh,
        out_type=jax.ShapeDtypeStruct((_B * _C, _HD, _WD), jnp.float32),
        scratch_types=[
            pltpu.VMEM((_HW,), jnp.int32),
            pltpu.VMEM((_HD, _WD), jnp.float32),
            [pltpu.VMEM((_CROWS, _WD), jnp.float32)] * 2,
            [pltpu.SemaphoreType.DMA] * 2,
            pltpu.SemaphoreType.DMA,
        ],
        compiler_params=pltpu.CompilerParams(
            needs_layout_passes=False, use_tc_tiling_on_sc=True
        ),
    )
    def k(v_hbm, h_hbm, out_hbm, idx_v, row_v, outs, osems, rsem):
        cid = lax.axis_index("c")
        sid = lax.axis_index("s")
        wid = sid * 2 + cid
        b = wid // _WPB
        part = wid % _WPB

        icps = [
            pltpu.async_copy(
                h_hbm.at[b, pl.ds(t * _ISUB, _ISUB)],
                idx_v.at[pl.ds(t * _ISUB, _ISUB)],
                rsem,
            )
            for t in range(_ISPLIT)
        ]
        for cp in icps:
            cp.wait()

        def gather_chunk(base, ov):
            vecs = [(orow, vcol) for orow in range(_CROWS) for vcol in range(_VPR)]
            for w0 in range(0, len(vecs), 8):
                wave = vecs[w0 : w0 + 8]
                srcs = [
                    idx_v[pl.ds(base + orow * _WD + vcol * 16, 16)]
                    for (orow, vcol) in wave
                ]
                qs = [lax.shift_right_logical(s, 8) for s in srcs]
                ms = [lax.bitwise_and(s, 255) for s in srcs]
                vals = [
                    plsc.load_gather(row_v, [q, m]) for q, m in zip(qs, ms)
                ]
                for (orow, vcol), v in zip(wave, vals):
                    ov[orow, pl.ds(vcol * 16, 16)] = v

        def chan_body(j, carry):
            r = b * _C + part * _CPW + j
            rcps = [
                pltpu.async_copy(
                    v_hbm.at[r, pl.ds(t * _RSUB, _RSUB), :],
                    row_v.at[pl.ds(t * _RSUB, _RSUB), :],
                    rsem,
                )
                for t in range(_RSPLIT)
            ]
            for cp in rcps:
                cp.wait()

            def chunk_body(t, carry2):
                first = jnp.logical_and(j == 0, t == 0)
                for u in range(2):
                    kk = t * 2 + u

                    @pl.when(jnp.logical_not(first))
                    def _():
                        pltpu.make_async_copy(
                            outs[u],
                            out_hbm.at[r, pl.ds(kk * _CROWS, _CROWS), :],
                            osems[u],
                        ).wait()

                    gather_chunk(kk * _CHUNK, outs[u])
                    pltpu.async_copy(
                        outs[u],
                        out_hbm.at[r, pl.ds(kk * _CROWS, _CROWS), :],
                        osems[u],
                    )
                return carry2

            lax.fori_loop(0, _NCHUNK // 2, chunk_body, 0)
            return carry

        lax.fori_loop(0, _CPW, chan_body, 0)

        r_last = b * _C + part * _CPW + (_CPW - 1)
        for u in range(2):
            kk = _NCHUNK - 2 + u
            pltpu.make_async_copy(
                outs[u],
                out_hbm.at[r_last, pl.ds(kk * _CROWS, _CROWS), :],
                osems[u],
            ).wait()

    return k(v3, hp)


def kernel(V, H):
    b, c, hd, wd = V.shape
    v3 = V.reshape(b * c, hd, wd)
    hp = jnp.left_shift(H // wd, 8) | (H % wd)
    out = _sc_gather(v3, hp)
    return out.reshape(b, c, hd, wd)

# --- scband reference (transcript-rebuilt; emitter-appended) ---
"""Pipeline reference for scband-hard-attention-22789096472779 (READ-ONLY COPY).

The authoritative reference and input builder live on the scoring server;
editing this copy changes nothing except your own understanding.
"""

import jax, jax.numpy as jnp
import numpy as np


def setup_inputs(seed: int = 0) -> dict:
    key = jax.random.key(seed)
    k1, k2 = jax.random.split(key)
    B, C, Hd, Wd = 8, 96, 224, 224
    HW = Hd * Wd
    V = jax.random.normal(k1, (B, C, Hd, Wd), dtype=jnp.float32)
    H = jax.random.randint(k2, (B, HW), 0, HW, dtype=jnp.int32)
    return {"V": V, "H": H}


def reference(V, H):
    B, C, Hd, Wd = V.shape
    HW = Hd * Wd
    V_flat = V.reshape(B, C, -1)
    H_expanded = jnp.broadcast_to(H[:, None, :], (B, C, HW))
    P_flat = jnp.take_along_axis(V_flat, H_expanded, axis=2)
    P = P_flat.reshape(B, C, Hd, Wd)
    return P

if __name__ == "__main__":
    import jax
    _d = setup_inputs()
    print(jax.jit(kernel)(*tuple(_d.values())))

</pallas_src>

<mosaic_0001>
#map = affine_map<(d0, d1) -> (0, 0, 0)>
#map1 = affine_map<(d0, d1) -> (0, 0)>
module attributes {stable_mosaic.version = 14 : i64} {
  func.func @k(%arg0: i32, %arg1: i32, %arg2: memref<768x224x224xf32, #tpu.memory_space<hbm>>, %arg3: memref<8x50176xi32, #tpu.memory_space<hbm>>, %arg4: memref<768x224x224xf32, #tpu.memory_space<hbm>>, %arg5: memref<50176xi32, #tpu.memory_space<vmem>>, %arg6: memref<224x224xf32, #tpu.memory_space<vmem>>, %arg7: memref<8x224xf32, #tpu.memory_space<vmem>>, %arg8: memref<8x224xf32, #tpu.memory_space<vmem>>, %arg9: memref<!tpu.dma_semaphore, #tpu.memory_space<semaphore_mem>>, %arg10: memref<!tpu.dma_semaphore, #tpu.memory_space<semaphore_mem>>, %arg11: memref<!tpu.dma_semaphore, #tpu.memory_space<semaphore_mem>>) attributes {dimension_semantics = [#tpu.dimension_semantics<core_parallel>, #tpu.dimension_semantics<subcore_parallel>], iteration_bounds = array<i64: 2, 16>, scalar_prefetch = 0 : i64, scratch_operands = 7 : i64, tpu.core_type = #tpu.core_type<sc_vector_subcore>, window_params = [{transform_indices = #map}, {transform_indices = #map1}, {transform_indices = #map}]} {
    %mul3A = arith.constant 2 : i32
    %mul3A_0 = arith.muli %arg1, %mul3A : i32
    %add3A = arith.addi %mul3A_0, %arg0 : i32
    %jit3A = arith.constant 4 : i32
    %div3A = arith.divsi %add3A, %jit3A : i32
    %sign3A = arith.constant 0 : i32
    %sign3A_1 = arith.cmpi sgt, %add3A, %sign3A : i32
    %sign3A_2 = arith.extui %sign3A_1 : i1 to i32
    %sign3A_3 = arith.constant 0 : i32
    %sign3A_4 = arith.cmpi slt, %add3A, %sign3A_3 : i32
    %sign3A_5 = arith.extui %sign3A_4 : i1 to i32
    %sign3A_6 = arith.subi %sign3A_2, %sign3A_5 : i32
    %sign3A_7 = arith.constant 0 : i32
    %sign3A_8 = arith.cmpi sgt, %jit3A, %sign3A_7 : i32
    %sign3A_9 = arith.extui %sign3A_8 : i1 to i32
    %sign3A_10 = arith.constant 0 : i32
    %sign3A_11 = arith.cmpi slt, %jit3A, %sign3A_10 : i32
    %sign3A_12 = arith.extui %sign3A_11 : i1 to i32
    %sign3A_13 = arith.subi %sign3A_9, %sign3A_12 : i32
    %ne3A = arith.cmpi ne, %sign3A_6, %sign3A_13 : i32
    %rem3A = arith.remsi %add3A, %jit3A : i32
    %ne3A_14 = arith.constant 0 : i32
    %ne3A_15 = arith.cmpi ne, %rem3A, %ne3A_14 : i32
    %and3A = arith.andi %ne3A, %ne3A_15 : i1
    %sub3A = arith.constant 1 : i32
    %sub3A_16 = arith.subi %div3A, %sub3A : i32
    %select_n3A = arith.select %and3A, %sub3A_16, %div3A : i32
    %jit3A_17 = arith.constant 4 : i32
    %eq3A = arith.constant 0 : i32
    %eq3A_18 = arith.cmpi eq, %jit3A_17, %eq3A : i32
    %jit3A_19 = arith.constant 1 : i32
    %select_n3A_20 = arith.select %eq3A_18, %jit3A_19, %jit3A_17 : i32
    %rem3A_21 = arith.remsi %add3A, %select_n3A_20 : i32
    %ne3A_22 = arith.constant 0 : i32
    %ne3A_23 = arith.cmpi ne, %rem3A_21, %ne3A_22 : i32
    %lt3A = arith.constant 0 : i32
    %lt3A_24 = arith.cmpi slt, %rem3A_21, %lt3A : i32
    %lt3A_25 = arith.constant 0 : i32
    %lt3A_26 = arith.cmpi slt, %select_n3A_20, %lt3A_25 : i32
    %ne3A_27 = arith.xori %lt3A_24, %lt3A_26 : i1
    %and3A_28 = arith.andi %ne3A_27, %ne3A_23 : i1
    %add3A_29 = arith.addi %rem3A_21, %select_n3A_20 : i32
    %select_n3A_30 = arith.select %and3A_28, %add3A_29, %rem3A_21 : i32
    %dma_start3A = arith.constant 0 : i32
    %dma_start3A_31 = tpu.memref_slice %arg5[%dma_start3A] : memref<50176xi32, #tpu.memory_space<vmem>> -> memref<12544xi32, #tpu.memory_space<vmem>>
    %dma_start3A_32 = arith.constant 0 : i32
    %dma_start3A_33 = tpu.memref_slice %arg3[%select_n3A, %dma_start3A_32] : memref<8x50176xi32, #tpu.memory_space<hbm>> -> memref<1x12544xi32, #tpu.memory_space<hbm>>
    %dma_start3A_34 = tpu.memref_squeeze %dma_start3A_33 : memref<1x12544xi32, #tpu.memory_space<hbm>> -> memref<12544xi32, #tpu.memory_space<hbm>>
    %dma_start3A_35 = arith.constant 0 : i32
    %dma_start3A_36 = tpu.memref_slice %arg5[%dma_start3A_35] : memref<50176xi32, #tpu.memory_space<vmem>> -> memref<12544xi32, #tpu.memory_space<vmem>>
    %dma_start3A_37 = arith.constant 0 : i32
    %dma_start3A_38 = tpu.memref_slice %arg3[%select_n3A, %dma_start3A_37] : memref<8x50176xi32, #tpu.memory_space<hbm>> -> memref<1x12544xi32, #tpu.memory_space<hbm>>
    %dma_start3A_39 = tpu.memref_squeeze %dma_start3A_38 : memref<1x12544xi32, #tpu.memory_space<hbm>> -> memref<12544xi32, #tpu.memory_space<hbm>>
    tpu.enqueue_dma source(%dma_start3A_39 : memref<12544xi32, #tpu.memory_space<hbm>>) target(%dma_start3A_36 : memref<12544xi32, #tpu.memory_space<vmem>>) target_semaphore(%arg11 : memref<!tpu.dma_semaphore, #tpu.memory_space<semaphore_mem>>)
    %dma_start3A_40 = arith.constant 12544 : i32
    %dma_start3A_41 = tpu.memref_slice %arg5[%dma_start3A_40] : memref<50176xi32, #tpu.memory_space<vmem>> -> memref<12544xi32, #tpu.memory_space<vmem>>
    %dma_start3A_42 = arith.constant 12544 : i32
    %dma_start3A_43 = tpu.memref_slice %arg3[%select_n3A, %dma_start3A_42] : memref<8x50176xi32, #tpu.memory_space<hbm>> -> memref<1x12544xi32, #tpu.memory_space<hbm>>
    %dma_start3A_44 = tpu.memref_squeeze %dma_start3A_43 : memref<1x12544xi32, #tpu.memory_space<hbm>> -> memref<12544xi32, #tpu.memory_space<hbm>>
    %dma_start3A_45 = arith.constant 12544 : i32
    %dma_start3A_46 = tpu.memref_slice %arg5[%dma_start3A_45] : memref<50176xi32, #tpu.memory_space<vmem>> -> memref<12544xi32, #tpu.memory_space<vmem>>
    %dma_start3A_47 = arith.constant 12544 : i32
    %dma_start3A_48 = tpu.memref_slice %arg3[%select_n3A, %dma_start3A_47] : memref<8x50176xi32, #tpu.memory_space<hbm>> -> memref<1x12544xi32, #tpu.memory_space<hbm>>
    %dma_start3A_49 = tpu.memref_squeeze %dma_start3A_48 : memref<1x12544xi32, #tpu.memory_space<hbm>> -> memref<12544xi32, #tpu.memory_space<hbm>>
    tpu.enqueue_dma source(%dma_start3A_49 : memref<12544xi32, #tpu.memory_space<hbm>>) target(%dma_start3A_46 : memref<12544xi32, #tpu.memory_space<vmem>>) target_semaphore(%arg11 : memref<!tpu.dma_semaphore, #tpu.memory_space<semaphore_mem>>)
    %dma_start3A_50 = arith.constant 25088 : i32
    %dma_start3A_51 = tpu.memref_slice %arg5[%dma_start3A_50] : memref<50176xi32, #tpu.memory_space<vmem>> -> memref<12544xi32, #tpu.memory_space<vmem>>
    %dma_start3A_52 = arith.constant 25088 : i32
    %dma_start3A_53 = tpu.memref_slice %arg3[%select_n3A, %dma_start3A_52] : memref<8x50176xi32, #tpu.memory_space<hbm>> -> memref<1x12544xi32, #tpu.memory_space<hbm>>
    %dma_start3A_54 = tpu.memref_squeeze %dma_start3A_53 : memref<1x12544xi32, #tpu.memory_space<hbm>> -> memref<12544xi32, #tpu.memory_space<hbm>>
    %dma_start3A_55 = arith.constant 25088 : i32
    %dma_start3A_56 = tpu.memref_slice %arg5[%dma_start3A_55] : memref<50176xi32, #tpu.memory_space<vmem>> -> memref<12544xi32, #tpu.memory_space<vmem>>
    %dma_start3A_57 = arith.constant 25088 : i32
    %dma_start3A_58 = tpu.memref_slice %arg3[%select_n3A, %dma_start3A_57] : memref<8x50176xi32, #tpu.memory_space<hbm>> -> memref<1x12544xi32, #tpu.memory_space<hbm>>
    %dma_start3A_59 = tpu.memref_squeeze %dma_start3A_58 : memref<1x12544xi32, #tpu.memory_space<hbm>> -> memref<12544xi32, #tpu.memory_space<hbm>>
    tpu.enqueue_dma source(%dma_start3A_59 : memref<12544xi32, #tpu.memory_space<hbm>>) target(%dma_start3A_56 : memref<12544xi32, #tpu.memory_space<vmem>>) target_semaphore(%arg11 : memref<!tpu.dma_semaphore, #tpu.memory_space<semaphore_mem>>)
    %dma_start3A_60 = arith.constant 37632 : i32
    %dma_start3A_61 = tpu.memref_slice %arg5[%dma_start3A_60] : memref<50176xi32, #tpu.memory_space<vmem>> -> memref<12544xi32, #tpu.memory_space<vmem>>
    %dma_start3A_62 = arith.constant 37632 : i32
    %dma_start3A_63 = tpu.memref_slice %arg3[%select_n3A, %dma_start3A_62] : memref<8x50176xi32, #tpu.memory_space<hbm>> -> memref<1x12544xi32, #tpu.memory_space<hbm>>
    %dma_start3A_64 = tpu.memref_squeeze %dma_start3A_63 : memref<1x12544xi32, #tpu.memory_space<hbm>> -> memref<12544xi32, #tpu.memory_space<hbm>>
    %dma_start3A_65 = arith.constant 37632 : i32
    %dma_start3A_66 = tpu.memref_slice %arg5[%dma_start3A_65] : memref<50176xi32, #tpu.memory_space<vmem>> -> memref<12544xi32, #tpu.memory_space<vmem>>
    %dma_start3A_67 = arith.constant 37632 : i32
    %dma_start3A_68 = tpu.memref_slice %arg3[%select_n3A, %dma_start3A_67] : memref<8x50176xi32, #tpu.memory_space<hbm>> -> memref<1x12544xi32, #tpu.memory_space<hbm>>
    %dma_start3A_69 = tpu.memref_squeeze %dma_start3A_68 : memref<1x12544xi32, #tpu.memory_space<hbm>> -> memref<12544xi32, #tpu.memory_space<hbm>>
    tpu.enqueue_dma source(%dma_start3A_69 : memref<12544xi32, #tpu.memory_space<hbm>>) target(%dma_start3A_66 : memref<12544xi32, #tpu.memory_space<vmem>>) target_semaphore(%arg11 : memref<!tpu.dma_semaphore, #tpu.memory_space<semaphore_mem>>)
    %dma_wait3A = arith.constant 0 : i32
    %dma_wait3A_70 = tpu.memref_slice %arg5[%dma_wait3A] : memref<50176xi32, #tpu.memory_space<vmem>> -> memref<12544xi32, #tpu.memory_space<vmem>>
    %dma_wait3A_71 = arith.constant 0 : i32
    %dma_wait3A_72 = tpu.memref_slice %arg3[%select_n3A, %dma_wait3A_71] : memref<8x50176xi32, #tpu.memory_space<hbm>> -> memref<1x12544xi32, #tpu.memory_space<hbm>>
    %dma_wait3A_73 = tpu.memref_squeeze %dma_wait3A_72 : memref<1x12544xi32, #tpu.memory_space<hbm>> -> memref<12544xi32, #tpu.memory_space<hbm>>
    %dma_wait3A_74 = arith.constant 0 : i32
    %dma_wait3A_75 = tpu.memref_slice %arg5[%dma_wait3A_74] : memref<50176xi32, #tpu.memory_space<vmem>> -> memref<12544xi32, #tpu.memory_space<vmem>>
    %dma_wait3A_76 = arith.constant 0 : i32
    %dma_wait3A_77 = tpu.memref_slice %arg3[%select_n3A, %dma_wait3A_76] : memref<8x50176xi32, #tpu.memory_space<hbm>> -> memref<1x12544xi32, #tpu.memory_space<hbm>>
    %dma_wait3A_78 = tpu.memref_squeeze %dma_wait3A_77 : memref<1x12544xi32, #tpu.memory_space<hbm>> -> memref<12544xi32, #tpu.memory_space<hbm>>
    tpu.wait_dma2 semaphore(%arg11 : memref<!tpu.dma_semaphore, #tpu.memory_space<semaphore_mem>>) src(%dma_wait3A_78 : memref<12544xi32, #tpu.memory_space<hbm>>) dst(%dma_wait3A_75 : memref<12544xi32, #tpu.memory_space<vmem>>)
    %dma_wait3A_79 = arith.constant 12544 : i32
    %dma_wait3A_80 = tpu.memref_slice %arg5[%dma_wait3A_79] : memref<50176xi32, #tpu.memory_space<vmem>> -> memref<12544xi32, #tpu.memory_space<vmem>>
    %dma_wait3A_81 = arith.constant 12544 : i32
    %dma_wait3A_82 = tpu.memref_slice %arg3[%select_n3A, %dma_wait3A_81] : memref<8x50176xi32, #tpu.memory_space<hbm>> -> memref<1x12544xi32, #tpu.memory_space<hbm>>
    %dma_wait3A_83 = tpu.memref_squeeze %dma_wait3A_82 : memref<1x12544xi32, #tpu.memory_space<hbm>> -> memref<12544xi32, #tpu.memory_space<hbm>>
    %dma_wait3A_84 = arith.constant 12544 : i32
    %dma_wait3A_85 = tpu.memref_slice %arg5[%dma_wait3A_84] : memref<50176xi32, #tpu.memory_space<vmem>> -> memref<12544xi32, #tpu.memory_space<vmem>>
    %dma_wait3A_86 = arith.constant 12544 : i32
    %dma_wait3A_87 = tpu.memref_slice %arg3[%select_n3A, %dma_wait3A_86] : memref<8x50176xi32, #tpu.memory_space<hbm>> -> memref<1x12544xi32, #tpu.memory_space<hbm>>
    %dma_wait3A_88 = tpu.memref_squeeze %dma_wait3A_87 : memref<1x12544xi32, #tpu.memory_space<hbm>> -> memref<12544xi32, #tpu.memory_space<hbm>>
    tpu.wait_dma2 semaphore(%arg11 : memref<!tpu.dma_semaphore, #tpu.memory_space<semaphore_mem>>) src(%dma_wait3A_88 : memref<12544xi32, #tpu.memory_space<hbm>>) dst(%dma_wait3A_85 : memref<12544xi32, #tpu.memory_space<vmem>>)
    %dma_wait3A_89 = arith.constant 25088 : i32
    %dma_wait3A_90 = tpu.memref_slice %arg5[%dma_wait3A_89] : memref<50176xi32, #tpu.memory_space<vmem>> -> memref<12544xi32, #tpu.memory_space<vmem>>
    %dma_wait3A_91 = arith.constant 25088 : i32
    %dma_wait3A_92 = tpu.memref_slice %arg3[%select_n3A, %dma_wait3A_91] : memref<8x50176xi32, #tpu.memory_space<hbm>> -> memref<1x12544xi32, #tpu.memory_space<hbm>>
    %dma_wait3A_93 = tpu.memref_squeeze %dma_wait3A_92 : memref<1x12544xi32, #tpu.memory_space<hbm>> -> memref<12544xi32, #tpu.memory_space<hbm>>
    %dma_wait3A_94 = arith.constant 25088 : i32
    %dma_wait3A_95 = tpu.memref_slice %arg5[%dma_wait3A_94] : memref<50176xi32, #tpu.memory_space<vmem>> -> memref<12544xi32, #tpu.memory_space<vmem>>
    %dma_wait3A_96 = arith.constant 25088 : i32
    %dma_wait3A_97 = tpu.memref_slice %arg3[%select_n3A, %dma_wait3A_96] : memref<8x50176xi32, #tpu.memory_space<hbm>> -> memref<1x12544xi32, #tpu.memory_space<hbm>>
    %dma_wait3A_98 = tpu.memref_squeeze %dma_wait3A_97 : memref<1x12544xi32, #tpu.memory_space<hbm>> -> memref<12544xi32, #tpu.memory_space<hbm>>
    tpu.wait_dma2 semaphore(%arg11 : memref<!tpu.dma_semaphore, #tpu.memory_space<semaphore_mem>>) src(%dma_wait3A_98 : memref<12544xi32, #tpu.memory_space<hbm>>) dst(%dma_wait3A_95 : memref<12544xi32, #tpu.memory_space<vmem>>)
    %dma_wait3A_99 = arith.constant 37632 : i32
    %dma_wait3A_100 = tpu.memref_slice %arg5[%dma_wait3A_99] : memref<50176xi32, #tpu.memory_space<vmem>> -> memref<12544xi32, #tpu.memory_space<vmem>>
    %dma_wait3A_101 = arith.constant 37632 : i32
    %dma_wait3A_102 = tpu.memref_slice %arg3[%select_n3A, %dma_wait3A_101] : memref<8x50176xi32, #tpu.memory_space<hbm>> -> memref<1x12544xi32, #tpu.memory_space<hbm>>
    %dma_wait3A_103 = tpu.memref_squeeze %dma_wait3A_102 : memref<1x12544xi32, #tpu.memory_space<hbm>> -> memref<12544xi32, #tpu.memory_space<hbm>>
    %dma_wait3A_104 = arith.constant 37632 : i32
    %dma_wait3A_105 = tpu.memref_slice %arg5[%dma_wait3A_104] : memref<50176xi32, #tpu.memory_space<vmem>> -> memref<12544xi32, #tpu.memory_space<vmem>>
    %dma_wait3A_106 = arith.constant 37632 : i32
    %dma_wait3A_107 = tpu.memref_slice %arg3[%select_n3A, %dma_wait3A_106] : memref<8x50176xi32, #tpu.memory_space<hbm>> -> memref<1x12544xi32, #tpu.memory_space<hbm>>
    %dma_wait3A_108 = tpu.memref_squeeze %dma_wait3A_107 : memref<1x12544xi32, #tpu.memory_space<hbm>> -> memref<12544xi32, #tpu.memory_space<hbm>>
    tpu.wait_dma2 semaphore(%arg11 : memref<!tpu.dma_semaphore, #tpu.memory_space<semaphore_mem>>) src(%dma_wait3A_108 : memref<12544xi32, #tpu.memory_space<hbm>>) dst(%dma_wait3A_105 : memref<12544xi32, #tpu.memory_space<vmem>>)
    %scan3A = arith.constant 0 : i32
    %scan3A_109 = arith.constant 0 : i32
    %scan3A_110 = arith.constant 24 : i32
    %scan3A_111 = arith.addi %scan3A_109, %scan3A_110 : i32
    %scan3A_112 = arith.constant 1 : i32
    scf.for %scan3A_137 = %scan3A_109 to %scan3A_111 step %scan3A_112  : i32 {
      %mul3A_138 = arith.constant 96 : i32
      %mul3A_139 = arith.muli %select_n3A, %mul3A_138 : i32
      %mul3A_140 = arith.constant 24 : i32
      %mul3A_141 = arith.muli %select_n3A_30, %mul3A_140 : i32
      %add3A_142 = arith.addi %mul3A_139, %mul3A_141 : i32
      %add3A_143 = arith.addi %add3A_142, %scan3A_137 : i32
      %dma_start3A_144 = arith.constant 0 : i32
      %dma_start3A_145 = arith.constant 0 : i32
      %dma_start3A_146 = tpu.memref_slice %arg6[%dma_start3A_144, %dma_start3A_145] : memref<224x224xf32, #tpu.memory_space<vmem>> -> memref<32x224xf32, #tpu.memory_space<vmem>>
      %dma_start3A_147 = arith.constant 0 : i32
      %dma_start3A_148 = arith.constant 0 : i32
      %dma_start3A_149 = tpu.memref_slice %arg2[%add3A_143, %dma_start3A_147, %dma_start3A_148] : memref<768x224x224xf32, #tpu.memory_space<hbm>> -> memref<1x32x224xf32, #tpu.memory_space<hbm>>
      %dma_start3A_150 = tpu.memref_squeeze %dma_start3A_149 : memref<1x32x224xf32, #tpu.memory_space<hbm>> -> memref<32x224xf32, #tpu.memory_space<hbm>>
      %dma_start3A_151 = arith.constant 0 : i32
      %dma_start3A_152 = arith.constant 0 : i32
      %dma_start3A_153 = tpu.memref_slice %arg6[%dma_start3A_151, %dma_start3A_152] : memref<224x224xf32, #tpu.memory_space<vmem>> -> memref<32x224xf32, #tpu.memory_space<vmem>>
      %dma_start3A_154 = arith.constant 0 : i32
      %dma_start3A_155 = arith.constant 0 : i32
      %dma_start3A_156 = tpu.memref_slice %arg2[%add3A_143, %dma_start3A_154, %dma_start3A_155] : memref<768x224x224xf32, #tpu.memory_space<hbm>> -> memref<1x32x224xf32, #tpu.memory_space<hbm>>
      %dma_start3A_157 = tpu.memref_squeeze %dma_start3A_156 : memref<1x32x224xf32, #tpu.memory_space<hbm>> -> memref<32x224xf32, #tpu.memory_space<hbm>>
      tpu.enqueue_dma source(%dma_start3A_157 : memref<32x224xf32, #tpu.memory_space<hbm>>) target(%dma_start3A_153 : memref<32x224xf32, #tpu.memory_space<vmem>>) target_semaphore(%arg11 : memref<!tpu.dma_semaphore, #tpu.memory_space<semaphore_mem>>)
      %dma_start3A_158 = arith.constant 32 : i32
      %dma_start3A_159 = arith.constant 0 : i32
      %dma_start3A_160 = tpu.memref_slice %arg6[%dma_start3A_158, %dma_start3A_159] : memref<224x224xf32, #tpu.memory_space<vmem>> -> memref<32x224xf32, #tpu.memory_space<vmem>>
      %dma_start3A_161 = arith.constant 32 : i32
      %dma_start3A_162 = arith.constant 0 : i32
      %dma_start3A_163 = tpu.memref_slice %arg2[%add3A_143, %dma_start3A_161, %dma_start3A_162] : memref<768x224x224xf32, #tpu.memory_space<hbm>> -> memref<1x32x224xf32, #tpu.memory_space<hbm>>
      %dma_start3A_164 = tpu.memref_squeeze %dma_start3A_163 : memref<1x32x224xf32, #tpu.memory_space<hbm>> -> memref<32x224xf32, #tpu.memory_space<hbm>>
      %dma_start3A_165 = arith.constant 32 : i32
      %dma_start3A_166 = arith.constant 0 : i32
      %dma_start3A_167 = tpu.memref_slice %arg6[%dma_start3A_165, %dma_start3A_166] : memref<224x224xf32, #tpu.memory_space<vmem>> -> memref<32x224xf32, #tpu.memory_space<vmem>>
      %dma_start3A_168 = arith.constant 32 : i32
      %dma_start3A_169 = arith.constant 0 : i32
      %dma_start3A_170 = tpu.memref_slice %arg2[%add3A_143, %dma_start3A_168, %dma_start3A_169] : memref<768x224x224xf32, #tpu.memory_space<hbm>> -> memref<1x32x224xf32, #tpu.memory_space<hbm>>
      %dma_start3A_171 = tpu.memref_squeeze %dma_start3A_170 : memref<1x32x224xf32, #tpu.memory_space<hbm>> -> memref<32x224xf32, #tpu.memory_space<hbm>>
      tpu.enqueue_dma source(%dma_start3A_171 : memref<32x224xf32, #tpu.memory_space<hbm>>) target(%dma_start3A_167 : memref<32x224xf32, #tpu.memory_space<vmem>>) target_semaphore(%arg11 : memref<!tpu.dma_semaphore, #tpu.memory_space<semaphore_mem>>)
      %dma_start3A_172 = arith.constant 64 : i32
      %dma_start3A_173 = arith.constant 0 : i32
      %dma_start3A_174 = tpu.memref_slice %arg6[%dma_start3A_172, %dma_start3A_173] : memref<224x224xf32, #tpu.memory_space<vmem>> -> memref<32x224xf32, #tpu.memory_space<vmem>>
      %dma_start3A_175 = arith.constant 64 : i32
      %dma_start3A_176 = arith.constant 0 : i32
      %dma_start3A_177 = tpu.memref_slice %arg2[%add3A_143, %dma_start3A_175, %dma_start3A_176] : memref<768x224x224xf32, #tpu.memory_space<hbm>> -> memref<1x32x224xf32, #tpu.memory_space<hbm>>
      %dma_start3A_178 = tpu.memref_squeeze %dma_start3A_177 : memref<1x32x224xf32, #tpu.memory_space<hbm>> -> memref<32x224xf32, #tpu.memory_space<hbm>>
      %dma_start3A_179 = arith.constant 64 : i32
      %dma_start3A_180 = arith.constant 0 : i32
      %dma_start3A_181 = tpu.memref_slice %arg6[%dma_start3A_179, %dma_start3A_180] : memref<224x224xf32, #tpu.memory_space<vmem>> -> memref<32x224xf32, #tpu.memory_space<vmem>>
      %dma_start3A_182 = arith.constant 64 : i32
      %dma_start3A_183 = arith.constant 0 : i32
      %dma_start3A_184 = tpu.memref_slice %arg2[%add3A_143, %dma_start3A_182, %dma_start3A_183] : memref<768x224x224xf32, #tpu.memory_space<hbm>> -> memref<1x32x224xf32, #tpu.memory_space<hbm>>
      %dma_start3A_185 = tpu.memref_squeeze %dma_start3A_184 : memref<1x32x224xf32, #tpu.memory_space<hbm>> -> memref<32x224xf32, #tpu.memory_space<hbm>>
      tpu.enqueue_dma source(%dma_start3A_185 : memref<32x224xf32, #tpu.memory_space<hbm>>) target(%dma_start3A_181 : memref<32x224xf32, #tpu.memory_space<vmem>>) target_semaphore(%arg11 : memref<!tpu.dma_semaphore, #tpu.memory_space<semaphore_mem>>)
      %dma_start3A_186 = arith.constant 96 : i32
      %dma_start3A_187 = arith.constant 0 : i32
      %dma_start3A_188 = tpu.memref_slice %arg6[%dma_start3A_186, %dma_start3A_187] : memref<224x224xf32, #tpu.memory_space<vmem>> -> memref<32x224xf32, #tpu.memory_space<vmem>>
      %dma_start3A_189 = arith.constant 96 : i32
      %dma_start3A_190 = arith.constant 0 : i32
      %dma_start3A_191 = tpu.memref_slice %arg2[%add3A_143, %dma_start3A_189, %dma_start3A_190] : memref<768x224x224xf32, #tpu.memory_space<hbm>> -> memref<1x32x224xf32, #tpu.memory_space<hbm>>
      %dma_start3A_192 = tpu.memref_squeeze %dma_start3A_191 : memref<1x32x224xf32, #tpu.memory_space<hbm>> -> memref<32x224xf32, #tpu.memory_space<hbm>>
      %dma_start3A_193 = arith.constant 96 : i32
      %dma_start3A_194 = arith.constant 0 : i32
      %dma_start3A_195 = tpu.memref_slice %arg6[%dma_start3A_193, %dma_start3A_194] : memref<224x224xf32, #tpu.memory_space<vmem>> -> memref<32x224xf32, #tpu.memory_space<vmem>>
      %dma_start3A_196 = arith.constant 96 : i32
      %dma_start3A_197 = arith.constant 0 : i32
      %dma_start3A_198 = tpu.memref_slice %arg2[%add3A_143, %dma_start3A_196, %dma_start3A_197] : memref<768x224x224xf32, #tpu.memory_space<hbm>> -> memref<1x32x224xf32, #tpu.memory_space<hbm>>
      %dma_start3A_199 = tpu.memref_squeeze %dma_start3A_198 : memref<1x32x224xf32, #tpu.memory_space<hbm>> -> memref<32x224xf32, #tpu.memory_space<hbm>>
      tpu.enqueue_dma source(%dma_start3A_199 : memref<32x224xf32, #tpu.memory_space<hbm>>) target(%dma_start3A_195 : memref<32x224xf32, #tpu.memory_space<vmem>>) target_semaphore(%arg11 : memref<!tpu.dma_semaphore, #tpu.memory_space<semaphore_mem>>)
      %dma_start3A_200 = arith.constant 128 : i32
      %dma_start3A_201 = arith.constant 0 : i32
      %dma_start3A_202 = tpu.memref_slice %arg6[%dma_start3A_200, %dma_start3A_201] : memref<224x224xf32, #tpu.memory_space<vmem>> -> memref<32x224xf32, #tpu.memory_space<vmem>>
      %dma_start3A_203 = arith.constant 128 : i32
      %dma_start3A_204 = arith.constant 0 : i32
      %dma_start3A_205 = tpu.memref_slice %arg2[%add3A_143, %dma_start3A_203, %dma_start3A_204] : memref<768x224x224xf32, #tpu.memory_space<hbm>> -> memref<1x32x224xf32, #tpu.memory_space<hbm>>
      %dma_start3A_206 = tpu.memref_squeeze %dma_start3A_205 : memref<1x32x224xf32, #tpu.memory_space<hbm>> -> memref<32x224xf32, #tpu.memory_space<hbm>>
      %dma_start3A_207 = arith.constant 128 : i32
      %dma_start3A_208 = arith.constant 0 : i32
      %dma_start3A_209 = tpu.memref_slice %arg6[%dma_start3A_207, %dma_start3A_208] : memref<224x224xf32, #tpu.memory_space<vmem>> -> memref<32x224xf32, #tpu.memory_space<vmem>>
      %dma_start3A_210 = arith.constant 128 : i32
      %dma_start3A_211 = arith.constant 0 : i32
      %dma_start3A_212 = tpu.memref_slice %arg2[%add3A_143, %dma_start3A_210, %dma_start3A_211] : memref<768x224x224xf32, #tpu.memory_space<hbm>> -> memref<1x32x224xf32, #tpu.memory_space<hbm>>
      %dma_start3A_213 = tpu.memref_squeeze %dma_start3A_212 : memref<1x32x224xf32, #tpu.memory_space<hbm>> -> memref<32x224xf32, #tpu.memory_space<hbm>>
      tpu.enqueue_dma source(%dma_start3A_213 : memref<32x224xf32, #tpu.memory_space<hbm>>) target(%dma_start3A_209 : memref<32x224xf32, #tpu.memory_space<vmem>>) target_semaphore(%arg11 : memref<!tpu.dma_semaphore, #tpu.memory_space<semaphore_mem>>)
      %dma_start3A_214 = arith.constant 160 : i32
      %dma_start3A_215 = arith.constant 0 : i32
      %dma_start3A_216 = tpu.memref_slice %arg6[%dma_start3A_214, %dma_start3A_215] : memref<224x224xf32, #tpu.memory_space<vmem>> -> memref<32x224xf32, #tpu.memory_space<vmem>>
      %dma_start3A_217 = arith.constant 160 : i32
      %dma_start3A_218 = arith.constant 0 : i32
      %dma_start3A_219 = tpu.memref_slice %arg2[%add3A_143, %dma_start3A_217, %dma_start3A_218] : memref<768x224x224xf32, #tpu.memory_space<hbm>> -> memref<1x32x224xf32, #tpu.memory_space<hbm>>
      %dma_start3A_220 = tpu.memref_squeeze %dma_start3A_219 : memref<1x32x224xf32, #tpu.memory_space<hbm>> -> memref<32x224xf32, #tpu.memory_space<hbm>>
      %dma_start3A_221 = arith.constant 160 : i32
      %dma_start3A_222 = arith.constant 0 : i32
      %dma_start3A_223 = tpu.memref_slice %arg6[%dma_start3A_221, %dma_start3A_222] : memref<224x224xf32, #tpu.memory_space<vmem>> -> memref<32x224xf32, #tpu.memory_space<vmem>>
      %dma_start3A_224 = arith.constant 160 : i32
      %dma_start3A_225 = arith.constant 0 : i32
      %dma_start3A_226 = tpu.memref_slice %arg2[%add3A_143, %dma_start3A_224, %dma_start3A_225] : memref<768x224x224xf32, #tpu.memory_space<hbm>> -> memref<1x32x224xf32, #tpu.memory_space<hbm>>
      %dma_start3A_227 = tpu.memref_squeeze %dma_start3A_226 : memref<1x32x224xf32, #tpu.memory_space<hbm>> -> memref<32x224xf32, #tpu.memory_space<hbm>>
      tpu.enqueue_dma source(%dma_start3A_227 : memref<32x224xf32, #tpu.memory_space<hbm>>) target(%dma_start3A_223 : memref<32x224xf32, #tpu.memory_space<vmem>>) target_semaphore(%arg11 : memref<!tpu.dma_semaphore, #tpu.memory_space<semaphore_mem>>)
      %dma_start3A_228 = arith.constant 192 : i32
      %dma_start3A_229 = arith.constant 0 : i32
      %dma_start3A_230 = tpu.memref_slice %arg6[%dma_start3A_228, %dma_start3A_229] : memref<224x224xf32, #tpu.memory_space<vmem>> -> memref<32x224xf32, #tpu.memory_space<vmem>>
      %dma_start3A_231 = arith.constant 192 : i32
      %dma_start3A_232 = arith.constant 0 : i32
      %dma_start3A_233 = tpu.memref_slice %arg2[%add3A_143, %dma_start3A_231, %dma_start3A_232] : memref<768x224x224xf32, #tpu.memory_space<hbm>> -> memref<1x32x224xf32, #tpu.memory_space<hbm>>
      %dma_start3A_234 = tpu.memref_squeeze %dma_start3A_233 : memref<1x32x224xf32, #tpu.memory_space<hbm>> -> memref<32x224xf32, #tpu.memory_space<hbm>>
      %dma_start3A_235 = arith.constant 192 : i32
      %dma_start3A_236 = arith.constant 0 : i32
      %dma_start3A_237 = tpu.memref_slice %arg6[%dma_start3A_235, %dma_start3A_236] : memref<224x224xf32, #tpu.memory_space<vmem>> -> memref<32x224xf32, #tpu.memory_space<vmem>>
      %dma_start3A_238 = arith.constant 192 : i32
      %dma_start3A_239 = arith.constant 0 : i32
      %dma_start3A_240 = tpu.memref_slice %arg2[%add3A_143, %dma_start3A_238, %dma_start3A_239] : memref<768x224x224xf32, #tpu.memory_space<hbm>> -> memref<1x32x224xf32, #tpu.memory_space<hbm>>
      %dma_start3A_241 = tpu.memref_squeeze %dma_start3A_240 : memref<1x32x224xf32, #tpu.memory_space<hbm>> -> memref<32x224xf32, #tpu.memory_space<hbm>>
      tpu.enqueue_dma source(%dma_start3A_241 : memref<32x224xf32, #tpu.memory_space<hbm>>) target(%dma_start3A_237 : memref<32x224xf32, #tpu.memory_space<vmem>>) target_semaphore(%arg11 : memref<!tpu.dma_semaphore, #tpu.memory_space<semaphore_mem>>)
      %dma_wait3A_242 = arith.constant 0 : i32
      %dma_wait3A_243 = arith.constant 0 : i32
      %dma_wait3A_244 = tpu.memref_slice %arg6[%dma_wait3A_242, %dma_wait3A_243] : memref<224x224xf32, #tpu.memory_space<vmem>> -> memref<32x224xf32, #tpu.memory_space<vmem>>
      %dma_wait3A_245 = arith.constant 0 : i32
      %dma_wait3A_246 = arith.constant 0 : i32
      %dma_wait3A_247 = tpu.memref_slice %arg2[%add3A_143, %dma_wait3A_245, %dma_wait3A_246] : memref<768x224x224xf32, #tpu.memory_space<hbm>> -> memref<1x32x224xf32, #tpu.memory_space<hbm>>
      %dma_wait3A_248 = tpu.memref_squeeze %dma_wait3A_247 : memref<1x32x224xf32, #tpu.memory_space<hbm>> -> memref<32x224xf32, #tpu.memory_space<hbm>>
      %dma_wait3A_249 = arith.constant 0 : i32
      %dma_wait3A_250 = arith.constant 0 : i32
      %dma_wait3A_251 = tpu.memref_slice %arg6[%dma_wait3A_249, %dma_wait3A_250] : memref<224x224xf32, #tpu.memory_space<vmem>> -> memref<32x224xf32, #tpu.memory_space<vmem>>
      %dma_wait3A_252 = arith.constant 0 : i32
      %dma_wait3A_253 = arith.constant 0 : i32
      %dma_wait3A_254 = tpu.memref_slice %arg2[%add3A_143, %dma_wait3A_252, %dma_wait3A_253] : memref<768x224x224xf32, #tpu.memory_space<hbm>> -> memref<1x32x224xf32, #tpu.memory_space<hbm>>
      %dma_wait3A_255 = tpu.memref_squeeze %dma_wait3A_254 : memref<1x32x224xf32, #tpu.memory_space<hbm>> -> memref<32x224xf32, #tpu.memory_space<hbm>>
      tpu.wait_dma2 semaphore(%arg11 : memref<!tpu.dma_semaphore, #tpu.memory_space<semaphore_mem>>) src(%dma_wait3A_255 : memref<32x224xf32, #tpu.memory_space<hbm>>) dst(%dma_wait3A_251 : memref<32x224xf32, #tpu.memory_space<vmem>>)
      %dma_wait3A_256 = arith.constant 32 : i32
      %dma_wait3A_257 = arith.constant 0 : i32
      %dma_wait3A_258 = tpu.memref_slice %arg6[%dma_wait3A_256, %dma_wait3A_257] : memref<224x224xf32, #tpu.memory_space<vmem>> -> memref<32x224xf32, #tpu.memory_space<vmem>>
      %dma_wait3A_259 = arith.constant 32 : i32
      %dma_wait3A_260 = arith.constant 0 : i32
      %dma_wait3A_261 = tpu.memref_slice %arg2[%add3A_143, %dma_wait3A_259, %dma_wait3A_260] : memref<768x224x224xf32, #tpu.memory_space<hbm>> -> memref<1x32x224xf32, #tpu.memory_space<hbm>>
      %dma_wait3A_262 = tpu.memref_squeeze %dma_wait3A_261 : memref<1x32x224xf32, #tpu.memory_space<hbm>> -> memref<32x224xf32, #tpu.memory_space<hbm>>
      %dma_wait3A_263 = arith.constant 32 : i32
      %dma_wait3A_264 = arith.constant 0 : i32
      %dma_wait3A_265 = tpu.memref_slice %arg6[%dma_wait3A_263, %dma_wait3A_264] : memref<224x224xf32, #tpu.memory_space<vmem>> -> memref<32x224xf32, #tpu.memory_space<vmem>>
      %dma_wait3A_266 = arith.constant 32 : i32
      %dma_wait3A_267 = arith.constant 0 : i32
      %dma_wait3A_268 = tpu.memref_slice %arg2[%add3A_143, %dma_wait3A_266, %dma_wait3A_267] : memref<768x224x224xf32, #tpu.memory_space<hbm>> -> memref<1x32x224xf32, #tpu.memory_space<hbm>>
      %dma_wait3A_269 = tpu.memref_squeeze %dma_wait3A_268 : memref<1x32x224xf32, #tpu.memory_space<hbm>> -> memref<32x224xf32, #tpu.memory_space<hbm>>
      tpu.wait_dma2 semaphore(%arg11 : memref<!tpu.dma_semaphore, #tpu.memory_space<semaphore_mem>>) src(%dma_wait3A_269 : memref<32x224xf32, #tpu.memory_space<hbm>>) dst(%dma_wait3A_265 : memref<32x224xf32, #tpu.memory_space<vmem>>)
      %dma_wait3A_270 = arith.constant 64 : i32
      %dma_wait3A_271 = arith.constant 0 : i32
      %dma_wait3A_272 = tpu.memref_slice %arg6[%dma_wait3A_270, %dma_wait3A_271] : memref<224x224xf32, #tpu.memory_space<vmem>> -> memref<32x224xf32, #tpu.memory_space<vmem>>
      %dma_wait3A_273 = arith.constant 64 : i32
      %dma_wait3A_274 = arith.constant 0 : i32
      %dma_wait3A_275 = tpu.memref_slice %arg2[%add3A_143, %dma_wait3A_273, %dma_wait3A_274] : memref<768x224x224xf32, #tpu.memory_space<hbm>> -> memref<1x32x224xf32, #tpu.memory_space<hbm>>
      %dma_wait3A_276 = tpu.memref_squeeze %dma_wait3A_275 : memref<1x32x224xf32, #tpu.memory_space<hbm>> -> memref<32x224xf32, #tpu.memory_space<hbm>>
      %dma_wait3A_277 = arith.constant 64 : i32
      %dma_wait3A_278 = arith.constant 0 : i32
      %dma_wait3A_279 = tpu.memref_slice %arg6[%dma_wait3A_277, %dma_wait3A_278] : memref<224x224xf32, #tpu.memory_space<vmem>> -> memref<32x224xf32, #tpu.memory_space<vmem>>
      %dma_wait3A_280 = arith.constant 64 : i32
      %dma_wait3A_281 = arith.constant 0 : i32
      %dma_wait3A_282 = tpu.memref_slice %arg2[%add3A_143, %dma_wait3A_280, %dma_wait3A_281] : memref<768x224x224xf32, #tpu.memory_space<hbm>> -> memref<1x32x224xf32, #tpu.memory_space<hbm>>
      %dma_wait3A_283 = tpu.memref_squeeze %dma_wait3A_282 : memref<1x32x224xf32, #tpu.memory_space<hbm>> -> memref<32x224xf32, #tpu.memory_space<hbm>>
      tpu.wait_dma2 semaphore(%arg11 : memref<!tpu.dma_semaphore, #tpu.memory_space<semaphore_mem>>) src(%dma_wait3A_283 : memref<32x224xf32, #tpu.memory_space<hbm>>) dst(%dma_wait3A_279 : memref<32x224xf32, #tpu.memory_space<vmem>>)
      %dma_wait3A_284 = arith.constant 96 : i32
      %dma_wait3A_285 = arith.constant 0 : i32
      %dma_wait3A_286 = tpu.memref_slice %arg6[%dma_wait3A_284, %dma_wait3A_285] : memref<224x224xf32, #tpu.memory_space<vmem>> -> memref<32x224xf32, #tpu.memory_space<vmem>>
      %dma_wait3A_287 = arith.constant 96 : i32
      %dma_wait3A_288 = arith.constant 0 : i32
      %dma_wait3A_289 = tpu.memref_slice %arg2[%add3A_143, %dma_wait3A_287, %dma_wait3A_288] : memref<768x224x224xf32, #tpu.memory_space<hbm>> -> memref<1x32x224xf32, #tpu.memory_space<hbm>>
      %dma_wait3A_290 = tpu.memref_squeeze %dma_wait3A_289 : memref<1x32x224xf32, #tpu.memory_space<hbm>> -> memref<32x224xf32, #tpu.memory_space<hbm>>
      %dma_wait3A_291 = arith.constant 96 : i32
      %dma_wait3A_292 = arith.constant 0 : i32
      %dma_wait3A_293 = tpu.memref_slice %arg6[%dma_wait3A_291, %dma_wait3A_292] : memref<224x224xf32, #tpu.memory_space<vmem>> -> memref<32x224xf32, #tpu.memory_space<vmem>>
      %dma_wait3A_294 = arith.constant 96 : i32
      %dma_wait3A_295 = arith.constant 0 : i32
      %dma_wait3A_296 = tpu.memref_slice %arg2[%add3A_143, %dma_wait3A_294, %dma_wait3A_295] : memref<768x224x224xf32, #tpu.memory_space<hbm>> -> memref<1x32x224xf32, #tpu.memory_space<hbm>>
      %dma_wait3A_297 = tpu.memref_squeeze %dma_wait3A_296 : memref<1x32x224xf32, #tpu.memory_space<hbm>> -> memref<32x224xf32, #tpu.memory_space<hbm>>
      tpu.wait_dma2 semaphore(%arg11 : memref<!tpu.dma_semaphore, #tpu.memory_space<semaphore_mem>>) src(%dma_wait3A_297 : memref<32x224xf32, #tpu.memory_space<hbm>>) dst(%dma_wait3A_293 : memref<32x224xf32, #tpu.memory_space<vmem>>)
      %dma_wait3A_298 = arith.constant 128 : i32
      %dma_wait3A_299 = arith.constant 0 : i32
      %dma_wait3A_300 = tpu.memref_slice %arg6[%dma_wait3A_298, %dma_wait3A_299] : memref<224x224xf32, #tpu.memory_space<vmem>> -> memref<32x224xf32, #tpu.memory_space<vmem>>
      %dma_wait3A_301 = arith.constant 128 : i32
      %dma_wait3A_302 = arith.constant 0 : i32
      %dma_wait3A_303 = tpu.memref_slice %arg2[%add3A_143, %dma_wait3A_301, %dma_wait3A_302] : memref<768x224x224xf32, #tpu.memory_space<hbm>> -> memref<1x32x224xf32, #tpu.memory_space<hbm>>
      %dma_wait3A_304 = tpu.memref_squeeze %dma_wait3A_303 : memref<1x32x224xf32, #tpu.memory_space<hbm>> -> memref<32x224xf32, #tpu.memory_space<hbm>>
      %dma_wait3A_305 = arith.constant 128 : i32
      %dma_wait3A_306 = arith.constant 0 : i32
      %dma_wait3A_307 = tpu.memref_slice %arg6[%dma_wait3A_305, %dma_wait3A_306] : memref<224x224xf32, #tpu.memory_space<vmem>> -> memref<32x224xf32, #tpu.memory_space<vmem>>
      %dma_wait3A_308 = arith.constant 128 : i32
      %dma_wait3A_309 = arith.constant 0 : i32
      %dma_wait3A_310 = tpu.memref_slice %arg2[%add3A_143, %dma_wait3A_308, %dma_wait3A_309] : memref<768x224x224xf32, #tpu.memory_space<hbm>> -> memref<1x32x224xf32, #tpu.memory_space<hbm>>
      %dma_wait3A_311 = tpu.memref_squeeze %dma_wait3A_310 : memref<1x32x224xf32, #tpu.memory_space<hbm>> -> memref<32x224xf32, #tpu.memory_space<hbm>>
      tpu.wait_dma2 semaphore(%arg11 : memref<!tpu.dma_semaphore, #tpu.memory_space<semaphore_mem>>) src(%dma_wait3A_311 : memref<32x224xf32, #tpu.memory_space<hbm>>) dst(%dma_wait3A_307 : memref<32x224xf32, #tpu.memory_space<vmem>>)
      %dma_wait3A_312 = arith.constant 160 : i32
      %dma_wait3A_313 = arith.constant 0 : i32
      %dma_wait3A_314 = tpu.memref_slice %arg6[%dma_wait3A_312, %dma_wait3A_313] : memref<224x224xf32, #tpu.memory_space<vmem>> -> memref<32x224xf32, #tpu.memory_space<vmem>>
      %dma_wait3A_315 = arith.constant 160 : i32
      %dma_wait3A_316 = arith.constant 0 : i32
      %dma_wait3A_317 = tpu.memref_slice %arg2[%add3A_143, %dma_wait3A_315, %dma_wait3A_316] : memref<768x224x224xf32, #tpu.memory_space<hbm>> -> memref<1x32x224xf32, #tpu.memory_space<hbm>>
      %dma_wait3A_318 = tpu.memref_squeeze %dma_wait3A_317 : memref<1x32x224xf32, #tpu.memory_space<hbm>> -> memref<32x224xf32, #tpu.memory_space<hbm>>
      %dma_wait3A_319 = arith.constant 160 : i32
      %dma_wait3A_320 = arith.constant 0 : i32
      %dma_wait3A_321 = tpu.memref_slice %arg6[%dma_wait3A_319, %dma_wait3A_320] : memref<224x224xf32, #tpu.memory_space<vmem>> -> memref<32x224xf32, #tpu.memory_space<vmem>>
      %dma_wait3A_322 = arith.constant 160 : i32
      %dma_wait3A_323 = arith.constant 0 : i32
      %dma_wait3A_324 = tpu.memref_slice %arg2[%add3A_143, %dma_wait3A_322, %dma_wait3A_323] : memref<768x224x224xf32, #tpu.memory_space<hbm>> -> memref<1x32x224xf32, #tpu.memory_space<hbm>>
      %dma_wait3A_325 = tpu.memref_squeeze %dma_wait3A_324 : memref<1x32x224xf32, #tpu.memory_space<hbm>> -> memref<32x224xf32, #tpu.memory_space<hbm>>
      tpu.wait_dma2 semaphore(%arg11 : memref<!tpu.dma_semaphore, #tpu.memory_space<semaphore_mem>>) src(%dma_wait3A_325 : memref<32x224xf32, #tpu.memory_space<hbm>>) dst(%dma_wait3A_321 : memref<32x224xf32, #tpu.memory_space<vmem>>)
      %dma_wait3A_326 = arith.constant 192 : i32
      %dma_wait3A_327 = arith.constant 0 : i32
      %dma_wait3A_328 = tpu.memref_slice %arg6[%dma_wait3A_326, %dma_wait3A_327] : memref<224x224xf32, #tpu.memory_space<vmem>> -> memref<32x224xf32, #tpu.memory_space<vmem>>
      %dma_wait3A_329 = arith.constant 192 : i32
      %dma_wait3A_330 = arith.constant 0 : i32
      %dma_wait3A_331 = tpu.memref_slice %arg2[%add3A_143, %dma_wait3A_329, %dma_wait3A_330] : memref<768x224x224xf32, #tpu.memory_space<hbm>> -> memref<1x32x224xf32, #tpu.memory_space<hbm>>
      %dma_wait3A_332 = tpu.memref_squeeze %dma_wait3A_331 : memref<1x32x224xf32, #tpu.memory_space<hbm>> -> memref<32x224xf32, #tpu.memory_space<hbm>>
      %dma_wait3A_333 = arith.constant 192 : i32
      %dma_wait3A_334 = arith.constant 0 : i32
      %dma_wait3A_335 = tpu.memref_slice %arg6[%dma_wait3A_333, %dma_wait3A_334] : memref<224x224xf32, #tpu.memory_space<vmem>> -> memref<32x224xf32, #tpu.memory_space<vmem>>
      %dma_wait3A_336 = arith.constant 192 : i32
      %dma_wait3A_337 = arith.constant 0 : i32
      %dma_wait3A_338 = tpu.memref_slice %arg2[%add3A_143, %dma_wait3A_336, %dma_wait3A_337] : memref<768x224x224xf32, #tpu.memory_space<hbm>> -> memref<1x32x224xf32, #tpu.memory_space<hbm>>
      %dma_wait3A_339 = tpu.memref_squeeze %dma_wait3A_338 : memref<1x32x224xf32, #tpu.memory_space<hbm>> -> memref<32x224xf32, #tpu.memory_space<hbm>>
      tpu.wait_dma2 semaphore(%arg11 : memref<!tpu.dma_semaphore, #tpu.memory_space<semaphore_mem>>) src(%dma_wait3A_339 : memref<32x224xf32, #tpu.memory_space<hbm>>) dst(%dma_wait3A_335 : memref<32x224xf32, #tpu.memory_space<vmem>>)
      %scan3A_340 = arith.constant 0 : i32
      %scan3A_341 = arith.constant 0 : i32
      %scan3A_342 = arith.constant 14 : i32
      %scan3A_343 = arith.addi %scan3A_341, %scan3A_342 : i32
      %scan3A_344 = arith.constant 1 : i32
      scf.for %scan3A_346 = %scan3A_341 to %scan3A_343 step %scan3A_344  : i32 {
        %eq3A_347 = arith.constant 0 : i32
        %eq3A_348 = arith.cmpi eq, %scan3A_137, %eq3A_347 : i32
        %eq3A_349 = arith.constant 0 : i32
        %eq3A_350 = arith.cmpi eq, %scan3A_346, %eq3A_349 : i32
        %and3A_351 = arith.andi %eq3A_348, %eq3A_350 : i1
        %mul3A_352 = arith.constant 2 : i32
        %mul3A_353 = arith.muli %scan3A_346, %mul3A_352 : i32
        %add3A_354 = arith.constant 0 : i32
        %add3A_355 = arith.addi %mul3A_353, %add3A_354 : i32
        %not3A = arith.constant true
        %not3A_356 = arith.xori %and3A_351, %not3A : i1
        %convert_element_type3A = arith.extui %not3A_356 : i1 to i32
        %cond3A = arith.constant 0 : i32
        %cond3A_357 = arith.cmpi ne, %convert_element_type3A, %cond3A : i32
        scf.if %cond3A_357 {
          %mul3A_4191 = arith.constant 8 : i32
          %mul3A_4192 = arith.muli %add3A_355, %mul3A_4191 : i32
          %dma_wait3A_4193 = arith.constant 0 : i32
          %dma_wait3A_4194 = tpu.memref_slice %arg4[%add3A_143, %mul3A_4192, %dma_wait3A_4193] : memref<768x224x224xf32, #tpu.memory_space<hbm>> -> memref<1x8x224xf32, #tpu.memory_space<hbm>>
          %dma_wait3A_4195 = tpu.memref_squeeze %dma_wait3A_4194 : memref<1x8x224xf32, #tpu.memory_space<hbm>> -> memref<8x224xf32, #tpu.memory_space<hbm>>
          %dma_wait3A_4196 = arith.constant 0 : i32
          %dma_wait3A_4197 = tpu.memref_slice %arg4[%add3A_143, %mul3A_4192, %dma_wait3A_4196] : memref<768x224x224xf32, #tpu.memory_space<hbm>> -> memref<1x8x224xf32, #tpu.memory_space<hbm>>
          %dma_wait3A_4198 = tpu.memref_squeeze %dma_wait3A_4197 : memref<1x8x224xf32, #tpu.memory_space<hbm>> -> memref<8x224xf32, #tpu.memory_space<hbm>>
          tpu.wait_dma2 semaphore(%arg9 : memref<!tpu.dma_semaphore, #tpu.memory_space<semaphore_mem>>) src(%arg7 : memref<8x224xf32, #tpu.memory_space<vmem>>) dst(%dma_wait3A_4198 : memref<8x224xf32, #tpu.memory_space<hbm>>)
        } else {
        }
        %mul3A_358 = arith.constant 1792 : i32
        %mul3A_359 = arith.muli %add3A_355, %mul3A_358 : i32
        %add3A_360 = arith.constant 0 : i32
        %add3A_361 = arith.addi %mul3A_359, %add3A_360 : i32
        %add3A_362 = arith.constant 0 : i32
        %add3A_363 = arith.addi %add3A_361, %add3A_362 : i32
        %get3A = arith.index_cast %add3A_363 : i32 to index
        %get3A_364 = tpu.vector_load %arg5[%get3A] {strides = array<i32>} : memref<50176xi32, #tpu.memory_space<vmem>>, vector<16xi32>,
        %add3A_365 = arith.constant 0 : i32
        %add3A_366 = arith.addi %mul3A_359, %add3A_365 : i32
        %add3A_367 = arith.constant 16 : i32
        %add3A_368 = arith.addi %add3A_366, %add3A_367 : i32
        %get3A_369 = arith.index_cast %add3A_368 : i32 to index
        %get3A_370 = tpu.vector_load %arg5[%get3A_369] {strides = array<i32>} : memref<50176xi32, #tpu.memory_space<vmem>>, vector<16xi32>,
        %add3A_371 = arith.constant 0 : i32
        %add3A_372 = arith.addi %mul3A_359, %add3A_371 : i32
        %add3A_373 = arith.constant 32 : i32
        %add3A_374 = arith.addi %add3A_372, %add3A_373 : i32
        %get3A_375 = arith.index_cast %add3A_374 : i32 to index
        %get3A_376 = tpu.vector_load %arg5[%get3A_375] {strides = array<i32>} : memref<50176xi32, #tpu.memory_space<vmem>>, vector<16xi32>,
        %add3A_377 = arith.constant 0 : i32
        %add3A_378 = arith.addi %mul3A_359, %add3A_377 : i32
        %add3A_379 = arith.constant 48 : i32
        %add3A_380 = arith.addi %add3A_378, %add3A_379 : i32
        %get3A_381 = arith.index_cast %add3A_380 : i32 to index
        %get3A_382 = tpu.vector_load %arg5[%get3A_381] {strides = array<i32>} : memref<50176xi32, #tpu.memory_space<vmem>>, vector<16xi32>,
        %add3A_383 = arith.constant 0 : i32
        %add3A_384 = arith.addi %mul3A_359, %add3A_383 : i32
        %add3A_385 = arith.constant 64 : i32
        %add3A_386 = arith.addi %add3A_384, %add3A_385 : i32
        %get3A_387 = arith.index_cast %add3A_386 : i32 to index
        %get3A_388 = tpu.vector_load %arg5[%get3A_387] {strides = array<i32>} : memref<50176xi32, #tpu.memory_space<vmem>>, vector<16xi32>,
        %add3A_389 = arith.constant 0 : i32
        %add3A_390 = arith.addi %mul3A_359, %add3A_389 : i32
        %add3A_391 = arith.constant 80 : i32
        %add3A_392 = arith.addi %add3A_390, %add3A_391 : i32
        %get3A_393 = arith.index_cast %add3A_392 : i32 to index
        %get3A_394 = tpu.vector_load %arg5[%get3A_393] {strides = array<i32>} : memref<50176xi32, #tpu.memory_space<vmem>>, vector<16xi32>,
        %add3A_395 = arith.constant 0 : i32
        %add3A_396 = arith.addi %mul3A_359, %add3A_395 : i32
        %add3A_397 = arith.constant 96 : i32
        %add3A_398 = arith.addi %add3A_396, %add3A_397 : i32
        %get3A_399 = arith.index_cast %add3A_398 : i32 to index
        %get3A_400 = tpu.vector_load %arg5[%get3A_399] {strides = array<i32>} : memref<50176xi32, #tpu.memory_space<vmem>>, vector<16xi32>,
        %add3A_401 = arith.constant 0 : i32
        %add3A_402 = arith.addi %mul3A_359, %add3A_401 : i32
        %add3A_403 = arith.constant 112 : i32
        %add3A_404 = arith.addi %add3A_402, %add3A_403 : i32
        %get3A_405 = arith.index_cast %add3A_404 : i32 to index
        %get3A_406 = tpu.vector_load %arg5[%get3A_405] {strides = array<i32>} : memref<50176xi32, #tpu.memory_space<vmem>>, vector<16xi32>,
        %shift_right_logical3A = arith.constant 8 : i32
        %shift_right_logical3A_407 = vector.broadcast %shift_right_logical3A : i32 to vector<16xi32>
        %shift_right_logical3A_408 = arith.shrui %get3A_364, %shift_right_logical3A_407 : vector<16xi32>
        %shift_right_logical3A_409 = arith.constant 8 : i32
        %shift_right_logical3A_410 = vector.broadcast %shift_right_logical3A_409 : i32 to vector<16xi32>
        %shift_right_logical3A_411 = arith.shrui %get3A_370, %shift_right_logical3A_410 : vector<16xi32>
        %shift_right_logical3A_412 = arith.constant 8 : i32
        %shift_right_logical3A_413 = vector.broadcast %shift_right_logical3A_412 : i32 to vector<16xi32>
        %shift_right_logical3A_414 = arith.shrui %get3A_376, %shift_right_logical3A_413 : vector<16xi32>
        %shift_right_logical3A_415 = arith.constant 8 : i32
        %shift_right_logical3A_416 = vector.broadcast %shift_right_logical3A_415 : i32 to vector<16xi32>
        %shift_right_logical3A_417 = arith.shrui %get3A_382, %shift_right_logical3A_416 : vector<16xi32>
        %shift_right_logical3A_418 = arith.constant 8 : i32
        %shift_right_logical3A_419 = vector.broadcast %shift_right_logical3A_418 : i32 to vector<16xi32>
        %shift_right_logical3A_420 = arith.shrui %get3A_388, %shift_right_logical3A_419 : vector<16xi32>
        %shift_right_logical3A_421 = arith.constant 8 : i32
        %shift_right_logical3A_422 = vector.broadcast %shift_right_logical3A_421 : i32 to vector<16xi32>
        %shift_right_logical3A_423 = arith.shrui %get3A_394, %shift_right_logical3A_422 : vector<16xi32>
        %shift_right_logical3A_424 = arith.constant 8 : i32
        %shift_right_logical3A_425 = vector.broadcast %shift_right_logical3A_424 : i32 to vector<16xi32>
        %shift_right_logical3A_426 = arith.shrui %get3A_400, %shift_right_logical3A_425 : vector<16xi32>
        %shift_right_logical3A_427 = arith.constant 8 : i32
        %shift_right_logical3A_428 = vector.broadcast %shift_right_logical3A_427 : i32 to vector<16xi32>
        %shift_right_logical3A_429 = arith.shrui %get3A_406, %shift_right_logical3A_428 : vector<16xi32>
        %and3A_430 = arith.constant 255 : i32
        %and3A_431 = vector.broadcast %and3A_430 : i32 to vector<16xi32>
        %and3A_432 = arith.andi %get3A_364, %and3A_431 : vector<16xi32>
        %and3A_433 = arith.constant 255 : i32
        %and3A_434 = vector.broadcast %and3A_433 : i32 to vector<16xi32>
        %and3A_435 = arith.andi %get3A_370, %and3A_434 : vector<16xi32>
        %and3A_436 = arith.constant 255 : i32
        %and3A_437 = vector.broadcast %and3A_436 : i32 to vector<16xi32>
        %and3A_438 = arith.andi %get3A_376, %and3A_437 : vector<16xi32>
        %and3A_439 = arith.constant 255 : i32
        %and3A_440 = vector.broadcast %and3A_439 : i32 to vector<16xi32>
        %and3A_441 = arith.andi %get3A_382, %and3A_440 : vector<16xi32>
        %and3A_442 = arith.constant 255 : i32
        %and3A_443 = vector.broadcast %and3A_442 : i32 to vector<16xi32>
        %and3A_444 = arith.andi %get3A_388, %and3A_443 : vector<16xi32>
        %and3A_445 = arith.constant 255 : i32
        %and3A_446 = vector.broadcast %and3A_445 : i32 to vector<16xi32>
        %and3A_447 = arith.andi %get3A_394, %and3A_446 : vector<16xi32>
        %and3A_448 = arith.constant 255 : i32
        %and3A_449 = vector.broadcast %and3A_448 : i32 to vector<16xi32>
        %and3A_450 = arith.andi %get3A_400, %and3A_449 : vector<16xi32>
        %and3A_451 = arith.constant 255 : i32
        %and3A_452 = vector.broadcast %and3A_451 : i32 to vector<16xi32>
        %and3A_453 = arith.andi %get3A_406, %and3A_452 : vector<16xi32>
        %gather3A = tpu.vector_load_idx %arg6[%shift_right_logical3A_408, %and3A_432] : memref<224x224xf32, #tpu.memory_space<vmem>>[vector<16xi32>, vector<16xi32>], vector<16xf32>,
        %gather3A_454 = tpu.vector_load_idx %arg6[%shift_right_logical3A_411, %and3A_435] : memref<224x224xf32, #tpu.memory_space<vmem>>[vector<16xi32>, vector<16xi32>], vector<16xf32>,
        %gather3A_455 = tpu.vector_load_idx %arg6[%shift_right_logical3A_414, %and3A_438] : memref<224x224xf32, #tpu.memory_space<vmem>>[vector<16xi32>, vector<16xi32>], vector<16xf32>,
        %gather3A_456 = tpu.vector_load_idx %arg6[%shift_right_logical3A_417, %and3A_441] : memref<224x224xf32, #tpu.memory_space<vmem>>[vector<16xi32>, vector<16xi32>], vector<16xf32>,
        %gather3A_457 = tpu.vector_load_idx %arg6[%shift_right_logical3A_420, %and3A_444] : memref<224x224xf32, #tpu.memory_space<vmem>>[vector<16xi32>, vector<16xi32>], vector<16xf32>,
        %gather3A_458 = tpu.vector_load_idx %arg6[%shift_right_logical3A_423, %and3A_447] : memref<224x224xf32, #tpu.memory_space<vmem>>[vector<16xi32>, vector<16xi32>], vector<16xf32>,
        %gather3A_459 = tpu.vector_load_idx %arg6[%shift_right_logical3A_426, %and3A_450] : memref<224x224xf32, #tpu.memory_space<vmem>>[vector<16xi32>, vector<16xi32>], vector<16xf32>,
        %gather3A_460 = tpu.vector_load_idx %arg6[%shift_right_logical3A_429, %and3A_453] : memref<224x224xf32, #tpu.memory_space<vmem>>[vector<16xi32>, vector<16xi32>], vector<16xf32>,
        %swap3A = arith.constant 0 : i32
        %swap3A_461 = arith.index_cast %swap3A : i32 to index
        %swap3A_462 = arith.constant 0 : index
        %swap3A_463 = tpu.vector_load %arg7[%swap3A_461, %swap3A_462] {strides = array<i32>} : memref<8x224xf32, #tpu.memory_space<vmem>>, vector<16xf32>,
        tpu.vector_store %arg7[%swap3A_461, %swap3A_462], %gather3A {strides = array<i32>} : memref<8x224xf32, #tpu.memory_space<vmem>>, vector<16xf32>,
        %swap3A_464 = arith.constant 0 : i32
        %swap3A_465 = arith.index_cast %swap3A_464 : i32 to index
        %swap3A_466 = arith.constant 16 : index
        %swap3A_467 = tpu.vector_load %arg7[%swap3A_465, %swap3A_466] {strides = array<i32>} : memref<8x224xf32, #tpu.memory_space<vmem>>, vector<16xf32>,
        tpu.vector_store %arg7[%swap3A_465, %swap3A_466], %gather3A_454 {strides = array<i32>} : memref<8x224xf32, #tpu.memory_space<vmem>>, vector<16xf32>,
        %swap3A_468 = arith.constant 0 : i32
        %swap3A_469 = arith.index_cast %swap3A_468 : i32 to index
        %swap3A_470 = arith.constant 32 : index
        %swap3A_471 = tpu.vector_load %arg7[%swap3A_469, %swap3A_470] {strides = array<i32>} : memref<8x224xf32, #tpu.memory_space<vmem>>, vector<16xf32>,
        tpu.vector_store %arg7[%swap3A_469, %swap3A_470], %gather3A_455 {strides = array<i32>} : memref<8x224xf32, #tpu.memory_space<vmem>>, vector<16xf32>,
        %swap3A_472 = arith.constant 0 : i32
        %swap3A_473 = arith.index_cast %swap3A_472 : i32 to index
        %swap3A_474 = arith.constant 48 : index
        %swap3A_475 = tpu.vector_load %arg7[%swap3A_473, %swap3A_474] {strides = array<i32>} : memref<8x224xf32, #tpu.memory_space<vmem>>, vector<16xf32>,
        tpu.vector_store %arg7[%swap3A_473, %swap3A_474], %gather3A_456 {strides = array<i32>} : memref<8x224xf32, #tpu.memory_space<vmem>>, vector<16xf32>,
        %swap3A_476 = arith.constant 0 : i32
        %swap3A_477 = arith.index_cast %swap3A_476 : i32 to index
        %swap3A_478 = arith.constant 64 : index
        %swap3A_479 = tpu.vector_load %arg7[%swap3A_477, %swap3A_478] {strides = array<i32>} : memref<8x224xf32, #tpu.memory_space<vmem>>, vector<16xf32>,
        tpu.vector_store %arg7[%swap3A_477, %swap3A_478], %gather3A_457 {strides = array<i32>} : memref<8x224xf32, #tpu.memory_space<vmem>>, vector<16xf32>,
        %swap3A_480 = arith.constant 0 : i32
        %swap3A_481 = arith.index_cast %swap3A_480 : i32 to index
        %swap3A_482 = arith.constant 80 : index
        %swap3A_483 = tpu.vector_load %arg7[%swap3A_481, %swap3A_482] {strides = array<i32>} : memref<8x224xf32, #tpu.memory_space<vmem>>, vector<16xf32>,
        tpu.vector_store %arg7[%swap3A_481, %swap3A_482], %gather3A_458 {strides = array<i32>} : memref<8x224xf32, #tpu.memory_space<vmem>>, vector<16xf32>,
        %swap3A_484 = arith.constant 0 : i32
        %swap3A_485 = arith.index_cast %swap3A_484 : i32 to index
        %swap3A_486 = arith.constant 96 : index
        %swap3A_487 = tpu.vector_load %arg7[%swap3A_485, %swap3A_486] {strides = array<i32>} : memref<8x224xf32, #tpu.memory_space<vmem>>, vector<16xf32>,
        tpu.vector_store %arg7[%swap3A_485, %swap3A_486], %gather3A_459 {strides = array<i32>} : memref<8x224xf32, #tpu.memory_space<vmem>>, vector<16xf32>,
        %swap3A_488 = arith.constant 0 : i32
        %swap3A_489 = arith.index_cast %swap3A_488 : i32 to index
        %swap3A_490 = arith.constant 112 : index
        %swap3A_491 = tpu.vector_load %arg7[%swap3A_489, %swap3A_490] {strides = array<i32>} : memref<8x224xf32, #tpu.memory_space<vmem>>, vector<16xf32>,
        tpu.vector_store %arg7[%swap3A_489, %swap3A_490], %gather3A_460 {strides = array<i32>} : memref<8x224xf32, #tpu.memory_space<vmem>>, vector<16xf32>,
        %add3A_492 = arith.constant 0 : i32
        %add3A_493 = arith.addi %mul3A_359, %add3A_492 : i32
        %add3A_494 = arith.constant 128 : i32
        %add3A_495 = arith.addi %add3A_493, %add3A_494 : i32
        %get3A_496 = arith.index_cast %add3A_495 : i32 to index
        %get3A_497 = tpu.vector_load %arg5[%get3A_496] {strides = array<i32>} : memref<50176xi32, #tpu.memory_space<vmem>>, vector<16xi32>,
        %add3A_498 = arith.constant 0 : i32
        %add3A_499 = arith.addi %mul3A_359, %add3A_498 : i32
        %add3A_500 = arith.constant 144 : i32
        %add3A_501 = arith.addi %add3A_499, %add3A_500 : i32
        %get3A_502 = arith.index_cast %add3A_501 : i32 to index
        %get3A_503 = tpu.vector_load %arg5[%get3A_502] {strides = array<i32>} : memref<50176xi32, #tpu.memory_space<vmem>>, vector<16xi32>,
        %add3A_504 = arith.constant 0 : i32
        %add3A_505 = arith.addi %mul3A_359, %add3A_504 : i32
        %add3A_506 = arith.constant 160 : i32
        %add3A_507 = arith.addi %add3A_505, %add3A_506 : i32
        %get3A_508 = arith.index_cast %add3A_507 : i32 to index
        %get3A_509 = tpu.vector_load %arg5[%get3A_508] {strides = array<i32>} : memref<50176xi32, #tpu.memory_space<vmem>>, vector<16xi32>,
        %add3A_510 = arith.constant 0 : i32
        %add3A_511 = arith.addi %mul3A_359, %add3A_510 : i32
        %add3A_512 = arith.constant 176 : i32
        %add3A_513 = arith.addi %add3A_511, %add3A_512 : i32
        %get3A_514 = arith.index_cast %add3A_513 : i32 to index
        %get3A_515 = tpu.vector_load %arg5[%get3A_514] {strides = array<i32>} : memref<50176xi32, #tpu.memory_space<vmem>>, vector<16xi32>,
        %add3A_516 = arith.constant 0 : i32
        %add3A_517 = arith.addi %mul3A_359, %add3A_516 : i32
        %add3A_518 = arith.constant 192 : i32
        %add3A_519 = arith.addi %add3A_517, %add3A_518 : i32
        %get3A_520 = arith.index_cast %add3A_519 : i32 to index
        %get3A_521 = tpu.vector_load %arg5[%get3A_520] {strides = array<i32>} : memref<50176xi32, #tpu.memory_space<vmem>>, vector<16xi32>,
        %add3A_522 = arith.constant 0 : i32
        %add3A_523 = arith.addi %mul3A_359, %add3A_522 : i32
        %add3A_524 = arith.constant 208 : i32
        %add3A_525 = arith.addi %add3A_523, %add3A_524 : i32
        %get3A_526 = arith.index_cast %add3A_525 : i32 to index
        %get3A_527 = tpu.vector_load %arg5[%get3A_526] {strides = array<i32>} : memref<50176xi32, #tpu.memory_space<vmem>>, vector<16xi32>,
        %add3A_528 = arith.constant 224 : i32
        %add3A_529 = arith.addi %mul3A_359, %add3A_528 : i32
        %add3A_530 = arith.constant 0 : i32
        %add3A_531 = arith.addi %add3A_529, %add3A_530 : i32
        %get3A_532 = arith.index_cast %add3A_531 : i32 to index
        %get3A_533 = tpu.vector_load %arg5[%get3A_532] {strides = array<i32>} : memref<50176xi32, #tpu.memory_space<vmem>>, vector<16xi32>,
        %add3A_534 = arith.constant 224 : i32
        %add3A_535 = arith.addi %mul3A_359, %add3A_534 : i32
        %add3A_536 = arith.constant 16 : i32
        %add3A_537 = arith.addi %add3A_535, %add3A_536 : i32
        %get3A_538 = arith.index_cast %add3A_537 : i32 to index
        %get3A_539 = tpu.vector_load %arg5[%get3A_538] {strides = array<i32>} : memref<50176xi32, #tpu.memory_space<vmem>>, vector<16xi32>,
        %shift_right_logical3A_540 = arith.constant 8 : i32
        %shift_right_logical3A_541 = vector.broadcast %shift_right_logical3A_540 : i32 to vector<16xi32>
        %shift_right_logical3A_542 = arith.shrui %get3A_497, %shift_right_logical3A_541 : vector<16xi32>
        %shift_right_logical3A_543 = arith.constant 8 : i32
        %shift_right_logical3A_544 = vector.broadcast %shift_right_logical3A_543 : i32 to vector<16xi32>
        %shift_right_logical3A_545 = arith.shrui %get3A_503, %shift_right_logical3A_544 : vector<16xi32>
        %shift_right_logical3A_546 = arith.constant 8 : i32
        %shift_right_logical3A_547 = vector.broadcast %shift_right_logical3A_546 : i32 to vector<16xi32>
        %shift_right_logical3A_548 = arith.shrui %get3A_509, %shift_right_logical3A_547 : vector<16xi32>
        %shift_right_logical3A_549 = arith.constant 8 : i32
        %shift_right_logical3A_550 = vector.broadcast %shift_right_logical3A_549 : i32 to vector<16xi32>
        %shift_right_logical3A_551 = arith.shrui %get3A_515, %shift_right_logical3A_550 : vector<16xi32>
        %shift_right_logical3A_552 = arith.constant 8 : i32
        %shift_right_logical3A_553 = vector.broadcast %shift_right_logical3A_552 : i32 to vector<16xi32>
        %shift_right_logical3A_554 = arith.shrui %get3A_521, %shift_right_logical3A_553 : vector<16xi32>
        %shift_right_logical3A_555 = arith.constant 8 : i32
        %shift_right_logical3A_556 = vector.broadcast %shift_right_logical3A_555 : i32 to vector<16xi32>
        %shift_right_logical3A_557 = arith.shrui %get3A_527, %shift_right_logical3A_556 : vector<16xi32>
        %shift_right_logical3A_558 = arith.constant 8 : i32
        %shift_right_logical3A_559 = vector.broadcast %shift_right_logical3A_558 : i32 to vector<16xi32>
        %shift_right_logical3A_560 = arith.shrui %get3A_533, %shift_right_logical3A_559 : vector<16xi32>
        %shift_right_logical3A_561 = arith.constant 8 : i32
        %shift_right_logical3A_562 = vector.broadcast %shift_right_logical3A_561 : i32 to vector<16xi32>
        %shift_right_logical3A_563 = arith.shrui %get3A_539, %shift_right_logical3A_562 : vector<16xi32>
        %and3A_564 = arith.constant 255 : i32
        %and3A_565 = vector.broadcast %and3A_564 : i32 to vector<16xi32>
        %and3A_566 = arith.andi %get3A_497, %and3A_565 : vector<16xi32>
        %and3A_567 = arith.constant 255 : i32
        %and3A_568 = vector.broadcast %and3A_567 : i32 to vector<16xi32>
        %and3A_569 = arith.andi %get3A_503, %and3A_568 : vector<16xi32>
        %and3A_570 = arith.constant 255 : i32
        %and3A_571 = vector.broadcast %and3A_570 : i32 to vector<16xi32>
        %and3A_572 = arith.andi %get3A_509, %and3A_571 : vector<16xi32>
        %and3A_573 = arith.constant 255 : i32
        %and3A_574 = vector.broadcast %and3A_573 : i32 to vector<16xi32>
        %and3A_575 = arith.andi %get3A_515, %and3A_574 : vector<16xi32>
        %and3A_576 = arith.constant 255 : i32
        %and3A_577 = vector.broadcast %and3A_576 : i32 to vector<16xi32>
        %and3A_578 = arith.andi %get3A_521, %and3A_577 : vector<16xi32>
        %and3A_579 = arith.constant 255 : i32
        %and3A_580 = vector.broadcast %and3A_579 : i32 to vector<16xi32>
        %and3A_581 = arith.andi %get3A_527, %and3A_580 : vector<16xi32>
        %and3A_582 = arith.constant 255 : i32
        %and3A_583 = vector.broadcast %and3A_582 : i32 to vector<16xi32>
        %and3A_584 = arith.andi %get3A_533, %and3A_583 : vector<16xi32>
        %and3A_585 = arith.constant 255 : i32
        %and3A_586 = vector.broadcast %and3A_585 : i32 to vector<16xi32>
        %and3A_587 = arith.andi %get3A_539, %and3A_586 : vector<16xi32>
        %gather3A_588 = tpu.vector_load_idx %arg6[%shift_right_logical3A_542, %and3A_566] : memref<224x224xf32, #tpu.memory_space<vmem>>[vector<16xi32>, vector<16xi32>], vector<16xf32>,
        %gather3A_589 = tpu.vector_load_idx %arg6[%shift_right_logical3A_545, %and3A_569] : memref<224x224xf32, #tpu.memory_space<vmem>>[vector<16xi32>, vector<16xi32>], vector<16xf32>,
        %gather3A_590 = tpu.vector_load_idx %arg6[%shift_right_logical3A_548, %and3A_572] : memref<224x224xf32, #tpu.memory_space<vmem>>[vector<16xi32>, vector<16xi32>], vector<16xf32>,
        %gather3A_591 = tpu.vector_load_idx %arg6[%shift_right_logical3A_551, %and3A_575] : memref<224x224xf32, #tpu.memory_space<vmem>>[vector<16xi32>, vector<16xi32>], vector<16xf32>,
        %gather3A_592 = tpu.vector_load_idx %arg6[%shift_right_logical3A_554, %and3A_578] : memref<224x224xf32, #tpu.memory_space<vmem>>[vector<16xi32>, vector<16xi32>], vector<16xf32>,
        %gather3A_593 = tpu.vector_load_idx %arg6[%shift_right_logical3A_557, %and3A_581] : memref<224x224xf32, #tpu.memory_space<vmem>>[vector<16xi32>, vector<16xi32>], vector<16xf32>,
        %gather3A_594 = tpu.vector_load_idx %arg6[%shift_right_logical3A_560, %and3A_584] : memref<224x224xf32, #tpu.memory_space<vmem>>[vector<16xi32>, vector<16xi32>], vector<16xf32>,
        %gather3A_595 = tpu.vector_load_idx %arg6[%shift_right_logical3A_563, %and3A_587] : memref<224x224xf32, #tpu.memory_space<vmem>>[vector<16xi32>, vector<16xi32>], vector<16xf32>,
        %swap3A_596 = arith.constant 0 : i32
        %swap3A_597 = arith.index_cast %swap3A_596 : i32 to index
        %swap3A_598 = arith.constant 128 : index
        %swap3A_599 = tpu.vector_load %arg7[%swap3A_597, %swap3A_598] {strides = array<i32>} : memref<8x224xf32, #tpu.memory_space<vmem>>, vector<16xf32>,
        tpu.vector_store %arg7[%swap3A_597, %swap3A_598], %gather3A_588 {strides = array<i32>} : memref<8x224xf32, #tpu.memory_space<vmem>>, vector<16xf32>,
        %swap3A_600 = arith.constant 0 : i32
        %swap3A_601 = arith.index_cast %swap3A_600 : i32 to index
        %swap3A_602 = arith.constant 144 : index
        %swap3A_603 = tpu.vector_load %arg7[%swap3A_601, %swap3A_602] {strides = array<i32>} : memref<8x224xf32, #tpu.memory_space<vmem>>, vector<16xf32>,
        tpu.vector_store %arg7[%swap3A_601, %swap3A_602], %gather3A_589 {strides = array<i32>} : memref<8x224xf32, #tpu.memory_space<vmem>>, vector<16xf32>,
        %swap3A_604 = arith.constant 0 : i32
        %swap3A_605 = arith.index_cast %swap3A_604 : i32 to index
        %swap3A_606 = arith.constant 160 : index
        %swap3A_607 = tpu.vector_load %arg7[%swap3A_605, %swap3A_606] {strides = array<i32>} : memref<8x224xf32, #tpu.memory_space<vmem>>, vector<16xf32>,
        tpu.vector_store %arg7[%swap3A_605, %swap3A_606], %gather3A_590 {strides = array<i32>} : memref<8x224xf32, #tpu.memory_space<vmem>>, vector<16xf32>,
        %swap3A_608 = arith.constant 0 : i32
        %swap3A_609 = arith.index_cast %swap3A_608 : i32 to index
        %swap3A_610 = arith.constant 176 : index
        %swap3A_611 = tpu.vector_load %arg7[%swap3A_609, %swap3A_610] {strides = array<i32>} : memref<8x224xf32, #tpu.memory_space<vmem>>, vector<16xf32>,
        tpu.vector_store %arg7[%swap3A_609, %swap3A_610], %gather3A_591 {strides = array<i32>} : memref<8x224xf32, #tpu.memory_space<vmem>>, vector<16xf32>,
        %swap3A_612 = arith.constant 0 : i32
        %swap3A_613 = arith.index_cast %swap3A_612 : i32 to index
        %swap3A_614 = arith.constant 192 : index
        %swap3A_615 = tpu.vector_load %arg7[%swap3A_613, %swap3A_614] {strides = array<i32>} : memref<8x224xf32, #tpu.memory_space<vmem>>, vector<16xf32>,
        tpu.vector_store %arg7[%swap3A_613, %swap3A_614], %gather3A_592 {strides = array<i32>} : memref<8x224xf32, #tpu.memory_space<vmem>>, vector<16xf32>,
        %swap3A_616 = arith.constant 0 : i32
        %swap3A_617 = arith.index_cast %swap3A_616 : i32 to index
        %swap3A_618 = arith.constant 208 : index
        %swap3A_619 = tpu.vector_load %arg7[%swap3A_617, %swap3A_618] {strides = array<i32>} : memref<8x224xf32, #tpu.memory_space<vmem>>, vector<16xf32>,
        tpu.vector_store %arg7[%swap3A_617, %swap3A_618], %gather3A_593 {strides = array<i32>} : memref<8x224xf32, #tpu.memory_space<vmem>>, vector<16xf32>,
        %swap3A_620 = arith.constant 1 : i32
        %swap3A_621 = arith.index_cast %swap3A_620 : i32 to index
        %swap3A_622 = arith.constant 0 : index
        %swap3A_623 = tpu.vector_load %arg7[%swap3A_621, %swap3A_622] {strides = array<i32>} : memref<8x224xf32, #tpu.memory_space<vmem>>, vector<16xf32>,
        tpu.vector_store %arg7[%swap3A_621, %swap3A_622], %gather3A_594 {strides = array<i32>} : memref<8x224xf32, #tpu.memory_space<vmem>>, vector<16xf32>,
        %swap3A_624 = arith.constant 1 : i32
        %swap3A_625 = arith.index_cast %swap3A_624 : i32 to index
        %swap3A_626 = arith.constant 16 : index
        %swap3A_627 = tpu.vector_load %arg7[%swap3A_625, %swap3A_626] {strides = array<i32>} : memref<8x224xf32, #tpu.memory_space<vmem>>, vector<16xf32>,
        tpu.vector_store %arg7[%swap3A_625, %swap3A_626], %gather3A_595 {strides = array<i32>} : memref<8x224xf32, #tpu.memory_space<vmem>>, vector<16xf32>,
        %add3A_628 = arith.constant 224 : i32
        %add3A_629 = arith.addi %mul3A_359, %add3A_628 : i32
        %add3A_630 = arith.constant 32 : i32
        %add3A_631 = arith.addi %add3A_629, %add3A_630 : i32
        %get3A_632 = arith.index_cast %add3A_631 : i32 to index
        %get3A_633 = tpu.vector_load %arg5[%get3A_632] {strides = array<i32>} : memref<50176xi32, #tpu.memory_space<vmem>>, vector<16xi32>,
        %add3A_634 = arith.constant 224 : i32
        %add3A_635 = arith.addi %mul3A_359, %add3A_634 : i32
        %add3A_636 = arith.constant 48 : i32
        %add3A_637 = arith.addi %add3A_635, %add3A_636 : i32
        %get3A_638 = arith.index_cast %add3A_637 : i32 to index
        %get3A_639 = tpu.vector_load %arg5[%get3A_638] {strides = array<i32>} : memref<50176xi32, #tpu.memory_space<vmem>>, vector<16xi32>,
        %add3A_640 = arith.constant 224 : i32
        %add3A_641 = arith.addi %mul3A_359, %add3A_640 : i32
        %add3A_642 = arith.constant 64 : i32
        %add3A_643 = arith.addi %add3A_641, %add3A_642 : i32
        %get3A_644 = arith.index_cast %add3A_643 : i32 to index
        %get3A_645 = tpu.vector_load %arg5[%get3A_644] {strides = array<i32>} : memref<50176xi32, #tpu.memory_space<vmem>>, vector<16xi32>,
        %add3A_646 = arith.constant 224 : i32
        %add3A_647 = arith.addi %mul3A_359, %add3A_646 : i32
        %add3A_648 = arith.constant 80 : i32
        %add3A_649 = arith.addi %add3A_647, %add3A_648 : i32
        %get3A_650 = arith.index_cast %add3A_649 : i32 to index
        %get3A_651 = tpu.vector_load %arg5[%get3A_650] {strides = array<i32>} : memref<50176xi32, #tpu.memory_space<vmem>>, vector<16xi32>,
        %add3A_652 = arith.constant 224 : i32
        %add3A_653 = arith.addi %mul3A_359, %add3A_652 : i32
        %add3A_654 = arith.constant 96 : i32
        %add3A_655 = arith.addi %add3A_653, %add3A_654 : i32
        %get3A_656 = arith.index_cast %add3A_655 : i32 to index
        %get3A_657 = tpu.vector_load %arg5[%get3A_656] {strides = array<i32>} : memref<50176xi32, #tpu.memory_space<vmem>>, vector<16xi32>,
        %add3A_658 = arith.constant 224 : i32
        %add3A_659 = arith.addi %mul3A_359, %add3A_658 : i32
        %add3A_660 = arith.constant 112 : i32
        %add3A_661 = arith.addi %add3A_659, %add3A_660 : i32
        %get3A_662 = arith.index_cast %add3A_661 : i32 to index
        %get3A_663 = tpu.vector_load %arg5[%get3A_662] {strides = array<i32>} : memref<50176xi32, #tpu.memory_space<vmem>>, vector<16xi32>,
        %add3A_664 = arith.constant 224 : i32
        %add3A_665 = arith.addi %mul3A_359, %add3A_664 : i32
        %add3A_666 = arith.constant 128 : i32
        %add3A_667 = arith.addi %add3A_665, %add3A_666 : i32
        %get3A_668 = arith.index_cast %add3A_667 : i32 to index
        %get3A_669 = tpu.vector_load %arg5[%get3A_668] {strides = array<i32>} : memref<50176xi32, #tpu.memory_space<vmem>>, vector<16xi32>,
        %add3A_670 = arith.constant 224 : i32
        %add3A_671 = arith.addi %mul3A_359, %add3A_670 : i32
        %add3A_672 = arith.constant 144 : i32
        %add3A_673 = arith.addi %add3A_671, %add3A_672 : i32
        %get3A_674 = arith.index_cast %add3A_673 : i32 to index
        %get3A_675 = tpu.vector_load %arg5[%get3A_674] {strides = array<i32>} : memref<50176xi32, #tpu.memory_space<vmem>>, vector<16xi32>,
        %shift_right_logical3A_676 = arith.constant 8 : i32
        %shift_right_logical3A_677 = vector.broadcast %shift_right_logical3A_676 : i32 to vector<16xi32>
        %shift_right_logical3A_678 = arith.shrui %get3A_633, %shift_right_logical3A_677 : vector<16xi32>
        %shift_right_logical3A_679 = arith.constant 8 : i32
        %shift_right_logical3A_680 = vector.broadcast %shift_right_logical3A_679 : i32 to vector<16xi32>
        %shift_right_logical3A_681 = arith.shrui %get3A_639, %shift_right_logical3A_680 : vector<16xi32>
        %shift_right_logical3A_682 = arith.constant 8 : i32
        %shift_right_logical3A_683 = vector.broadcast %shift_right_logical3A_682 : i32 to vector<16xi32>
        %shift_right_logical3A_684 = arith.shrui %get3A_645, %shift_right_logical3A_683 : vector<16xi32>
        %shift_right_logical3A_685 = arith.constant 8 : i32
        %shift_right_logical3A_686 = vector.broadcast %shift_right_logical3A_685 : i32 to vector<16xi32>
        %shift_right_logical3A_687 = arith.shrui %get3A_651, %shift_right_logical3A_686 : vector<16xi32>
        %shift_right_logical3A_688 = arith.constant 8 : i32
        %shift_right_logical3A_689 = vector.broadcast %shift_right_logical3A_688 : i32 to vector<16xi32>
        %shift_right_logical3A_690 = arith.shrui %get3A_657, %shift_right_logical3A_689 : vector<16xi32>
        %shift_right_logical3A_691 = arith.constant 8 : i32
        %shift_right_logical3A_692 = vector.broadcast %shift_right_logical3A_691 : i32 to vector<16xi32>
        %shift_right_logical3A_693 = arith.shrui %get3A_663, %shift_right_logical3A_692 : vector<16xi32>
        %shift_right_logical3A_694 = arith.constant 8 : i32
        %shift_right_logical3A_695 = vector.broadcast %shift_right_logical3A_694 : i32 to vector<16xi32>
        %shift_right_logical3A_696 = arith.shrui %get3A_669, %shift_right_logical3A_695 : vector<16xi32>
        %shift_right_logical3A_697 = arith.constant 8 : i32
        %shift_right_logical3A_698 = vector.broadcast %shift_right_logical3A_697 : i32 to vector<16xi32>
        %shift_right_logical3A_699 = arith.shrui %get3A_675, %shift_right_logical3A_698 : vector<16xi32>
        %and3A_700 = arith.constant 255 : i32
        %and3A_701 = vector.broadcast %and3A_700 : i32 to vector<16xi32>
        %and3A_702 = arith.andi %get3A_633, %and3A_701 : vector<16xi32>
        %and3A_703 = arith.constant 255 : i32
        %and3A_704 = vector.broadcast %and3A_703 : i32 to vector<16xi32>
        %and3A_705 = arith.andi %get3A_639, %and3A_704 : vector<16xi32>
        %and3A_706 = arith.constant 255 : i32
        %and3A_707 = vector.broadcast %and3A_706 : i32 to vector<16xi32>
        %and3A_708 = arith.andi %get3A_645, %and3A_707 : vector<16xi32>
        %and3A_709 = arith.constant 255 : i32
        %and3A_710 = vector.broadcast %and3A_709 : i32 to vector<16xi32>
        %and3A_711 = arith.andi %get3A_651, %and3A_710 : vector<16xi32>
        %and3A_712 = arith.constant 255 : i32
        %and3A_713 = vector.broadcast %and3A_712 : i32 to vector<16xi32>
        %and3A_714 = arith.andi %get3A_657, %and3A_713 : vector<16xi32>
        %and3A_715 = arith.constant 255 : i32
        %and3A_716 = vector.broadcast %and3A_715 : i32 to vector<16xi32>
        %and3A_717 = arith.andi %get3A_663, %and3A_716 : vector<16xi32>
        %and3A_718 = arith.constant 255 : i32
        %and3A_719 = vector.broadcast %and3A_718 : i32 to vector<16xi32>
        %and3A_720 = arith.andi %get3A_669, %and3A_719 : vector<16xi32>
        %and3A_721 = arith.constant 255 : i32
        %and3A_722 = vector.broadcast %and3A_721 : i32 to vector<16xi32>
        %and3A_723 = arith.andi %get3A_675, %and3A_722 : vector<16xi32>
        %gather3A_724 = tpu.vector_load_idx %arg6[%shift_right_logical3A_678, %and3A_702] : memref<224x224xf32, #tpu.memory_space<vmem>>[vector<16xi32>, vector<16xi32>], vector<16xf32>,
        %gather3A_725 = tpu.vector_load_idx %arg6[%shift_right_logical3A_681, %and3A_705] : memref<224x224xf32, #tpu.memory_space<vmem>>[vector<16xi32>, vector<16xi32>], vector<16xf32>,
        %gather3A_726 = tpu.vector_load_idx %arg6[%shift_right_logical3A_684, %and3A_708] : memref<224x224xf32, #tpu.memory_space<vmem>>[vector<16xi32>, vector<16xi32>], vector<16xf32>,
        %gather3A_727 = tpu.vector_load_idx %arg6[%shift_right_logical3A_687, %and3A_711] : memref<224x224xf32, #tpu.memory_space<vmem>>[vector<16xi32>, vector<16xi32>], vector<16xf32>,
        %gather3A_728 = tpu.vector_load_idx %arg6[%shift_right_logical3A_690, %and3A_714] : memref<224x224xf32, #tpu.memory_space<vmem>>[vector<16xi32>, vector<16xi32>], vector<16xf32>,
        %gather3A_729 = tpu.vector_load_idx %arg6[%shift_right_logical3A_693, %and3A_717] : memref<224x224xf32, #tpu.memory_space<vmem>>[vector<16xi32>, vector<16xi32>], vector<16xf32>,
        %gather3A_730 = tpu.vector_load_idx %arg6[%shift_right_logical3A_696, %and3A_720] : memref<224x224xf32, #tpu.memory_space<vmem>>[vector<16xi32>, vector<16xi32>], vector<16xf32>,
        %gather3A_731 = tpu.vector_load_idx %arg6[%shift_right_logical3A_699, %and3A_723] : memref<224x224xf32, #tpu.memory_space<vmem>>[vector<16xi32>, vector<16xi32>], vector<16xf32>,
        %swap3A_732 = arith.constant 1 : i32
        %swap3A_733 = arith.index_cast %swap3A_732 : i32 to index
        %swap3A_734 = arith.constant 32 : index
        %swap3A_735 = tpu.vector_load %arg7[%swap3A_733, %swap3A_734] {strides = array<i32>} : memref<8x224xf32, #tpu.memory_space<vmem>>, vector<16xf32>,
        tpu.vector_store %arg7[%swap3A_733, %swap3A_734], %gather3A_724 {strides = array<i32>} : memref<8x224xf32, #tpu.memory_space<vmem>>, vector<16xf32>,
        %swap3A_736 = arith.constant 1 : i32
        %swap3A_737 = arith.index_cast %swap3A_736 : i32 to index
        %swap3A_738 = arith.constant 48 : index
        %swap3A_739 = tpu.vector_load %arg7[%swap3A_737, %swap3A_738] {strides = array<i32>} : memref<8x224xf32, #tpu.memory_space<vmem>>, vector<16xf32>,
        tpu.vector_store %arg7[%swap3A_737, %swap3A_738], %gather3A_725 {strides = array<i32>} : memref<8x224xf32, #tpu.memory_space<vmem>>, vector<16xf32>,
        %swap3A_740 = arith.constant 1 : i32
        %swap3A_741 = arith.index_cast %swap3A_740 : i32 to index
        %swap3A_742 = arith.constant 64 : index
        %swap3A_743 = tpu.vector_load %arg7[%swap3A_741, %swap3A_742] {strides = array<i32>} : memref<8x224xf32, #tpu.memory_space<vmem>>, vector<16xf32>,
        tpu.vector_store %arg7[%swap3A_741, %swap3A_742], %gather3A_726 {strides = array<i32>} : memref<8x224xf32, #tpu.memory_space<vmem>>, vector<16xf32>,
        %swap3A_744 = arith.constant 1 : i32
        %swap3A_745 = arith.index_cast %swap3A_744 : i32 to index
        %swap3A_746 = arith.constant 80 : index
        %swap3A_747 = tpu.vector_load %arg7[%swap3A_745, %swap3A_746] {strides = array<i32>} : memref<8x224xf32, #tpu.memory_space<vmem>>, vector<16xf32>,
        tpu.vector_store %arg7[%swap3A_745, %swap3A_746], %gather3A_727 {strides = array<i32>} : memref<8x224xf32, #tpu.memory_space<vmem>>, vector<16xf32>,
        %swap3A_748 = arith.constant 1 : i32
        %swap3A_749 = arith.index_cast %swap3A_748 : i32 to index
        %swap3A_750 = arith.constant 96 : index
        %swap3A_751 = tpu.vector_load %arg7[%swap3A_749, %swap3A_750] {strides = array<i32>} : memref<8x224xf32, #tpu.memory_space<vmem>>, vector<16xf32>,
        tpu.vector_store %arg7[%swap3A_749, %swap3A_750], %gather3A_728 {strides = array<i32>} : memref<8x224xf32, #tpu.memory_space<vmem>>, vector<16xf32>,
        %swap3A_752 = arith.constant 1 : i32
        %swap3A_753 = arith.index_cast %swap3A_752 : i32 to index
        %swap3A_754 = arith.constant 112 : index
        %swap3A_755 = tpu.vector_load %arg7[%swap3A_753, %swap3A_754] {strides = array<i32>} : memref<8x224xf32, #tpu.memory_space<vmem>>, vector<16xf32>,
        tpu.vector_store %arg7[%swap3A_753, %swap3A_754], %gather3A_729 {strides = array<i32>} : memref<8x224xf32, #tpu.memory_space<vmem>>, vector<16xf32>,
        %swap3A_756 = arith.constant 1 : i32
        %swap3A_757 = arith.index_cast %swap3A_756 : i32 to index
        %swap3A_758 = arith.constant 128 : index
        %swap3A_759 = tpu.vector_load %arg7[%swap3A_757, %swap3A_758] {strides = array<i32>} : memref<8x224xf32, #tpu.memory_space<vmem>>, vector<16xf32>,
        tpu.vector_store %arg7[%swap3A_757, %swap3A_758], %gather3A_730 {strides = array<i32>} : memref<8x224xf32, #tpu.memory_space<vmem>>, vector<16xf32>,
        %swap3A_760 = arith.constant 1 : i32
        %swap3A_761 = arith.index_cast %swap3A_760 : i32 to index
        %swap3A_762 = arith.constant 144 : index
        %swap3A_763 = tpu.vector_load %arg7[%swap3A_761, %swap3A_762] {strides = array<i32>} : memref<8x224xf32, #tpu.memory_space<vmem>>, vector<16xf32>,
        tpu.vector_store %arg7[%swap3A_761, %swap3A_762], %gather3A_731 {strides = array<i32>} : memref<8x224xf32, #tpu.memory_space<vmem>>, vector<16xf32>,
        %add3A_764 = arith.constant 224 : i32
        %add3A_765 = arith.addi %mul3A_359, %add3A_764 : i32
        %add3A_766 = arith.constant 160 : i32
        %add3A_767 = arith.addi %add3A_765, %add3A_766 : i32
        %get3A_768 = arith.index_cast %add3A_767 : i32 to index
        %get3A_769 = tpu.vector_load %arg5[%get3A_768] {strides = array<i32>} : memref<50176xi32, #tpu.memory_space<vmem>>, vector<16xi32>,
        %add3A_770 = arith.constant 224 : i32
        %add3A_771 = arith.addi %mul3A_359, %add3A_770 : i32
        %add3A_772 = arith.constant 176 : i32
        %add3A_773 = arith.addi %add3A_771, %add3A_772 : i32
        %get3A_774 = arith.index_cast %add3A_773 : i32 to index
        %get3A_775 = tpu.vector_load %arg5[%get3A_774] {strides = array<i32>} : memref<50176xi32, #tpu.memory_space<vmem>>, vector<16xi32>,
        %add3A_776 = arith.constant 224 : i32
        %add3A_777 = arith.addi %mul3A_359, %add3A_776 : i32
        %add3A_778 = arith.constant 192 : i32
        %add3A_779 = arith.addi %add3A_777, %add3A_778 : i32
        %get3A_780 = arith.index_cast %add3A_779 : i32 to index
        %get3A_781 = tpu.vector_load %arg5[%get3A_780] {strides = array<i32>} : memref<50176xi32, #tpu.memory_space<vmem>>, vector<16xi32>,
        %add3A_782 = arith.constant 224 : i32
        %add3A_783 = arith.addi %mul3A_359, %add3A_782 : i32
        %add3A_784 = arith.constant 208 : i32
        %add3A_785 = arith.addi %add3A_783, %add3A_784 : i32
        %get3A_786 = arith.index_cast %add3A_785 : i32 to index
        %get3A_787 = tpu.vector_load %arg5[%get3A_786] {strides = array<i32>} : memref<50176xi32, #tpu.memory_space<vmem>>, vector<16xi32>,
        %add3A_788 = arith.constant 448 : i32
        %add3A_789 = arith.addi %mul3A_359, %add3A_788 : i32
        %add3A_790 = arith.constant 0 : i32
        %add3A_791 = arith.addi %add3A_789, %add3A_790 : i32
        %get3A_792 = arith.index_cast %add3A_791 : i32 to index
        %get3A_793 = tpu.vector_load %arg5[%get3A_792] {strides = array<i32>} : memref<50176xi32, #tpu.memory_space<vmem>>, vector<16xi32>,
        %add3A_794 = arith.constant 448 : i32
        %add3A_795 = arith.addi %mul3A_359, %add3A_794 : i32
        %add3A_796 = arith.constant 16 : i32
        %add3A_797 = arith.addi %add3A_795, %add3A_796 : i32
        %get3A_798 = arith.index_cast %add3A_797 : i32 to index
        %get3A_799 = tpu.vector_load %arg5[%get3A_798] {strides = array<i32>} : memref<50176xi32, #tpu.memory_space<vmem>>, vector<16xi32>,
        %add3A_800 = arith.constant 448 : i32
        %add3A_801 = arith.addi %mul3A_359, %add3A_800 : i32
        %add3A_802 = arith.constant 32 : i32
        %add3A_803 = arith.addi %add3A_801, %add3A_802 : i32
        %get3A_804 = arith.index_cast %add3A_803 : i32 to index
        %get3A_805 = tpu.vector_load %arg5[%get3A_804] {strides = array<i32>} : memref<50176xi32, #tpu.memory_space<vmem>>, vector<16xi32>,
        %add3A_806 = arith.constant 448 : i32
        %add3A_807 = arith.addi %mul3A_359, %add3A_806 : i32
        %add3A_808 = arith.constant 48 : i32
        %add3A_809 = arith.addi %add3A_807, %add3A_808 : i32
        %get3A_810 = arith.index_cast %add3A_809 : i32 to index
        %get3A_811 = tpu.vector_load %arg5[%get3A_810] {strides = array<i32>} : memref<50176xi32, #tpu.memory_space<vmem>>, vector<16xi32>,
        %shift_right_logical3A_812 = arith.constant 8 : i32
        %shift_right_logical3A_813 = vector.broadcast %shift_right_logical3A_812 : i32 to vector<16xi32>
        %shift_right_logical3A_814 = arith.shrui %get3A_769, %shift_right_logical3A_813 : vector<16xi32>
        %shift_right_logical3A_815 = arith.constant 8 : i32
        %shift_right_logical3A_816 = vector.broadcast %shift_right_logical3A_815 : i32 to vector<16xi32>
        %shift_right_logical3A_817 = arith.shrui %get3A_775, %shift_right_logical3A_816 : vector<16xi32>
        %shift_right_logical3A_818 = arith.constant 8 : i32
        %shift_right_logical3A_819 = vector.broadcast %shift_right_logical3A_818 : i32 to vector<16xi32>
        %shift_right_logical3A_820 = arith.shrui %get3A_781, %shift_right_logical3A_819 : vector<16xi32>
        %shift_right_logical3A_821 = arith.constant 8 : i32
        %shift_right_logical3A_822 = vector.broadcast %shift_right_logical3A_821 : i32 to vector<16xi32>
        %shift_right_logical3A_823 = arith.shrui %get3A_787, %shift_right_logical3A_822 : vector<16xi32>
        %shift_right_logical3A_824 = arith.constant 8 : i32
        %shift_right_logical3A_825 = vector.broadcast %shift_right_logical3A_824 : i32 to vector<16xi32>
        %shift_right_logical3A_826 = arith.shrui %get3A_793, %shift_right_logical3A_825 : vector<16xi32>
        %shift_right_logical3A_827 = arith.constant 8 : i32
        %shift_right_logical3A_828 = vector.broadcast %shift_right_logical3A_827 : i32 to vector<16xi32>
        %shift_right_logical3A_829 = arith.shrui %get3A_799, %shift_right_logical3A_828 : vector<16xi32>
        %shift_right_logical3A_830 = arith.constant 8 : i32
        %shift_right_logical3A_831 = vector.broadcast %shift_right_logical3A_830 : i32 to vector<16xi32>
        %shift_right_logical3A_832 = arith.shrui %get3A_805, %shift_right_logical3A_831 : vector<16xi32>
        %shift_right_logical3A_833 = arith.constant 8 : i32
        %shift_right_logical3A_834 = vector.broadcast %shift_right_logical3A_833 : i32 to vector<16xi32>
        %shift_right_logical3A_835 = arith.shrui %get3A_811, %shift_right_logical3A_834 : vector<16xi32>
        %and3A_836 = arith.constant 255 : i32
        %and3A_837 = vector.broadcast %and3A_836 : i32 to vector<16xi32>
        %and3A_838 = arith.andi %get3A_769, %and3A_837 : vector<16xi32>
        %and3A_839 = arith.constant 255 : i32
        %and3A_840 = vector.broadcast %and3A_839 : i32 to vector<16xi32>
        %and3A_841 = arith.andi %get3A_775, %and3A_840 : vector<16xi32>
        %and3A_842 = arith.constant 255 : i32
        %and3A_843 = vector.broadcast %and3A_842 : i32 to vector<16xi32>
        %and3A_844 = arith.andi %get3A_781, %and3A_843 : vector<16xi32>
        %and3A_845 = arith.constant 255 : i32
        %and3A_846 = vector.broadcast %and3A_845 : i32 to vector<16xi32>
        %and3A_847 = arith.andi %get3A_787, %and3A_846 : vector<16xi32>
        %and3A_848 = arith.constant 255 : i32
        %and3A_849 = vector.broadcast %and3A_848 : i32 to vector<16xi32>
        %and3A_850 = arith.andi %get3A_793, %and3A_849 : vector<16xi32>
        %and3A_851 = arith.constant 255 : i32
        %and3A_852 = vector.broadcast %and3A_851 : i32 to vector<16xi32>
        %and3A_853 = arith.andi %get3A_799, %and3A_852 : vector<16xi32>
        %and3A_854 = arith.constant 255 : i32
        %and3A_855 = vector.broadcast %and3A_854 : i32 to vector<16xi32>
        %and3A_856 = arith.andi %get3A_805, %and3A_855 : vector<16xi32>
        %and3A_857 = arith.constant 255 : i32
        %and3A_858 = vector.broadcast %and3A_857 : i32 to vector<16xi32>
        %and3A_859 = arith.andi %get3A_811, %and3A_858 : vector<16xi32>
        %gather3A_860 = tpu.vector_load_idx %arg6[%shift_right_logical3A_814, %and3A_838] : memref<224x224xf32, #tpu.memory_space<vmem>>[vector<16xi32>, vector<16xi32>], vector<16xf32>,
        %gather3A_861 = tpu.vector_load_idx %arg6[%shift_right_logical3A_817, %and3A_841] : memref<224x224xf32, #tpu.memory_space<vmem>>[vector<16xi32>, vector<16xi32>], vector<16xf32>,
        %gather3A_862 = tpu.vector_load_idx %arg6[%shift_right_logical3A_820, %and3A_844] : memref<224x224xf32, #tpu.memory_space<vmem>>[vector<16xi32>, vector<16xi32>], vector<16xf32>,
        %gather3A_863 = tpu.vector_load_idx %arg6[%shift_right_logical3A_823, %and3A_847] : memref<224x224xf32, #tpu.memory_space<vmem>>[vector<16xi32>, vector<16xi32>], vector<16xf32>,
        %gather3A_864 = tpu.vector_load_idx %arg6[%shift_right_logical3A_826, %and3A_850] : memref<224x224xf32, #tpu.memory_space<vmem>>[vector<16xi32>, vector<16xi32>], vector<16xf32>,
        %gather3A_865 = tpu.vector_load_idx %arg6[%shift_right_logical3A_829, %and3A_853] : memref<224x224xf32, #tpu.memory_space<vmem>>[vector<16xi32>, vector<16xi32>], vector<16xf32>,
        %gather3A_866 = tpu.vector_load_idx %arg6[%shift_right_logical3A_832, %and3A_856] : memref<224x224xf32, #tpu.memory_space<vmem>>[vector<16xi32>, vector<16xi32>], vector<16xf32>,
        %gather3A_867 = tpu.vector_load_idx %arg6[%shift_right_logical3A_835, %and3A_859] : memref<224x224xf32, #tpu.memory_space<vmem>>[vector<16xi32>, vector<16xi32>], vector<16xf32>,
        %swap3A_868 = arith.constant 1 : i32
        %swap3A_869 = arith.index_cast %swap3A_868 : i32 to index
        %swap3A_870 = arith.constant 160 : index
        %swap3A_871 = tpu.vector_load %arg7[%swap3A_869, %swap3A_870] {strides = array<i32>} : memref<8x224xf32, #tpu.memory_space<vmem>>, vector<16xf32>,
        tpu.vector_store %arg7[%swap3A_869, %swap3A_870], %gather3A_860 {strides = array<i32>} : memref<8x224xf32, #tpu.memory_space<vmem>>, vector<16xf32>,
        %swap3A_872 = arith.constant 1 : i32
        %swap3A_873 = arith.index_cast %swap3A_872 : i32 to index
        %swap3A_874 = arith.constant 176 : index
        %swap3A_875 = tpu.vector_load %arg7[%swap3A_873, %swap3A_874] {strides = array<i32>} : memref<8x224xf32, #tpu.memory_space<vmem>>, vector<16xf32>,
        tpu.vector_store %arg7[%swap3A_873, %swap3A_874], %gather3A_861 {strides = array<i32>} : memref<8x224xf32, #tpu.memory_space<vmem>>, vector<16xf32>,
        %swap3A_876 = arith.constant 1 : i32
        %swap3A_877 = arith.index_cast %swap3A_876 : i32 to index
        %swap3A_878 = arith.constant 192 : index
        %swap3A_879 = tpu.vector_load %arg7[%swap3A_877, %swap3A_878] {strides = array<i32>} : memref<8x224xf32, #tpu.memory_space<vmem>>, vector<16xf32>,
        tpu.vector_store %arg7[%swap3A_877, %swap3A_878], %gather3A_862 {strides = array<i32>} : memref<8x224xf32, #tpu.memory_space<vmem>>, vector<16xf32>,
        %swap3A_880 = arith.constant 1 : i32
        %swap3A_881 = arith.index_cast %swap3A_880 : i32 to index
        %swap3A_882 = arith.constant 208 : index
        %swap3A_883 = tpu.vector_load %arg7[%swap3A_881, %swap3A_882] {strides = array<i32>} : memref<8x224xf32, #tpu.memory_space<vmem>>, vector<16xf32>,
        tpu.vector_store %arg7[%swap3A_881, %swap3A_882], %gather3A_863 {strides = array<i32>} : memref<8x224xf32, #tpu.memory_space<vmem>>, vector<16xf32>,
        %swap3A_884 = arith.constant 2 : i32
        %swap3A_885 = arith.index_cast %swap3A_884 : i32 to index
        %swap3A_886 = arith.constant 0 : index
        %swap3A_887 = tpu.vector_load %arg7[%swap3A_885, %swap3A_886] {strides = array<i32>} : memref<8x224xf32, #tpu.memory_space<vmem>>, vector<16xf32>,
        tpu.vector_store %arg7[%swap3A_885, %swap3A_886], %gather3A_864 {strides = array<i32>} : memref<8x224xf32, #tpu.memory_space<vmem>>, vector<16xf32>,
        %swap3A_888 = arith.constant 2 : i32
        %swap3A_889 = arith.index_cast %swap3A_888 : i32 to index
        %swap3A_890 = arith.constant 16 : index
        %swap3A_891 = tpu.vector_load %arg7[%swap3A_889, %swap3A_890] {strides = array<i32>} : memref<8x224xf32, #tpu.memory_space<vmem>>, vector<16xf32>,
        tpu.vector_store %arg7[%swap3A_889, %swap3A_890], %gather3A_865 {strides = array<i32>} : memref<8x224xf32, #tpu.memory_space<vmem>>, vector<16xf32>,
        %swap3A_892 = arith.constant 2 : i32
        %swap3A_893 = arith.index_cast %swap3A_892 : i32 to index
        %swap3A_894 = arith.constant 32 : index
        %swap3A_895 = tpu.vector_load %arg7[%swap3A_893, %swap3A_894] {strides = array<i32>} : memref<8x224xf32, #tpu.memory_space<vmem>>, vector<16xf32>,
        tpu.vector_store %arg7[%swap3A_893, %swap3A_894], %gather3A_866 {strides = array<i32>} : memref<8x224xf32, #tpu.memory_space<vmem>>, vector<16xf32>,
        %swap3A_896 = arith.constant 2 : i32
        %swap3A_897 = arith.index_cast %swap3A_896 : i32 to index
        %swap3A_898 = arith.constant 48 : index
        %swap3A_899 = tpu.vector_load %arg7[%swap3A_897, %swap3A_898] {strides = array<i32>} : memref<8x224xf32, #tpu.memory_space<vmem>>, vector<16xf32>,
        tpu.vector_store %arg7[%swap3A_897, %swap3A_898], %gather3A_867 {strides = array<i32>} : memref<8x224xf32, #tpu.memory_space<vmem>>, vector<16xf32>,
        %add3A_900 = arith.constant 448 : i32
        %add3A_901 = arith.addi %mul3A_359, %add3A_900 : i32
        %add3A_902 = arith.constant 64 : i32
        %add3A_903 = arith.addi %add3A_901, %add3A_902 : i32
        %get3A_904 = arith.index_cast %add3A_903 : i32 to index
        %get3A_905 = tpu.vector_load %arg5[%get3A_904] {strides = array<i32>} : memref<50176xi32, #tpu.memory_space<vmem>>, vector<16xi32>,
        %add3A_906 = arith.constant 448 : i32
        %add3A_907 = arith.addi %mul3A_359, %add3A_906 : i32
        %add3A_908 = arith.constant 80 : i32
        %add3A_909 = arith.addi %add3A_907, %add3A_908 : i32
        %get3A_910 = arith.index_cast %add3A_909 : i32 to index
        %get3A_911 = tpu.vector_load %arg5[%get3A_910] {strides = array<i32>} : memref<50176xi32, #tpu.memory_space<vmem>>, vector<16xi32>,
        %add3A_912 = arith.constant 448 : i32
        %add3A_913 = arith.addi %mul3A_359, %add3A_912 : i32
        %add3A_914 = arith.constant 96 : i32
        %add3A_915 = arith.addi %add3A_913, %add3A_914 : i32
        %get3A_916 = arith.index_cast %add3A_915 : i32 to index
        %get3A_917 = tpu.vector_load %arg5[%get3A_916] {strides = array<i32>} : memref<50176xi32, #tpu.memory_space<vmem>>, vector<16xi32>,
        %add3A_918 = arith.constant 448 : i32
        %add3A_919 = arith.addi %mul3A_359, %add3A_918 : i32
        %add3A_920 = arith.constant 112 : i32
        %add3A_921 = arith.addi %add3A_919, %add3A_920 : i32
        %get3A_922 = arith.index_cast %add3A_921 : i32 to index
        %get3A_923 = tpu.vector_load %arg5[%get3A_922] {strides = array<i32>} : memref<50176xi32, #tpu.memory_space<vmem>>, vector<16xi32>,
        %add3A_924 = arith.constant 448 : i32
        %add3A_925 = arith.addi %mul3A_359, %add3A_924 : i32
        %add3A_926 = arith.constant 128 : i32
        %add3A_927 = arith.addi %add3A_925, %add3A_926 : i32
        %get3A_928 = arith.index_cast %add3A_927 : i32 to index
        %get3A_929 = tpu.vector_load %arg5[%get3A_928] {strides = array<i32>} : memref<50176xi32, #tpu.memory_space<vmem>>, vector<16xi32>,
        %add3A_930 = arith.constant 448 : i32
        %add3A_931 = arith.addi %mul3A_359, %add3A_930 : i32
        %add3A_932 = arith.constant 144 : i32
        %add3A_933 = arith.addi %add3A_931, %add3A_932 : i32
        %get3A_934 = arith.index_cast %add3A_933 : i32 to index
        %get3A_935 = tpu.vector_load %arg5[%get3A_934] {strides = array<i32>} : memref<50176xi32, #tpu.memory_space<vmem>>, vector<16xi32>,
        %add3A_936 = arith.constant 448 : i32
        %add3A_937 = arith.addi %mul3A_359, %add3A_936 : i32
        %add3A_938 = arith.constant 160 : i32
        %add3A_939 = arith.addi %add3A_937, %add3A_938 : i32
        %get3A_940 = arith.index_cast %add3A_939 : i32 to index
        %get3A_941 = tpu.vector_load %arg5[%get3A_940] {strides = array<i32>} : memref<50176xi32, #tpu.memory_space<vmem>>, vector<16xi32>,
        %add3A_942 = arith.constant 448 : i32
        %add3A_943 = arith.addi %mul3A_359, %add3A_942 : i32
        %add3A_944 = arith.constant 176 : i32
        %add3A_945 = arith.addi %add3A_943, %add3A_944 : i32
        %get3A_946 = arith.index_cast %add3A_945 : i32 to index
        %get3A_947 = tpu.vector_load %arg5[%get3A_946] {strides = array<i32>} : memref<50176xi32, #tpu.memory_space<vmem>>, vector<16xi32>,
        %shift_right_logical3A_948 = arith.constant 8 : i32
        %shift_right_logical3A_949 = vector.broadcast %shift_right_logical3A_948 : i32 to vector<16xi32>
        %shift_right_logical3A_950 = arith.shrui %get3A_905, %shift_right_logical3A_949 : vector<16xi32>
        %shift_right_logical3A_951 = arith.constant 8 : i32
        %shift_right_logical3A_952 = vector.broadcast %shift_right_logical3A_951 : i32 to vector<16xi32>
        %shift_right_logical3A_953 = arith.shrui %get3A_911, %shift_right_logical3A_952 : vector<16xi32>
        %shift_right_logical3A_954 = arith.constant 8 : i32
        %shift_right_logical3A_955 = vector.broadcast %shift_right_logical3A_954 : i32 to vector<16xi32>
        %shift_right_logical3A_956 = arith.shrui %get3A_917, %shift_right_logical3A_955 : vector<16xi32>
        %shift_right_logical3A_957 = arith.constant 8 : i32
        %shift_right_logical3A_958 = vector.broadcast %shift_right_logical3A_957 : i32 to vector<16xi32>
        %shift_right_logical3A_959 = arith.shrui %get3A_923, %shift_right_logical3A_958 : vector<16xi32>
        %shift_right_logical3A_960 = arith.constant 8 : i32
        %shift_right_logical3A_961 = vector.broadcast %shift_right_logical3A_960 : i32 to vector<16xi32>
        %shift_right_logical3A_962 = arith.shrui %get3A_929, %shift_right_logical3A_961 : vector<16xi32>
        %shift_right_logical3A_963 = arith.constant 8 : i32
        %shift_right_logical3A_964 = vector.broadcast %shift_right_logical3A_963 : i32 to vector<16xi32>
        %shift_right_logical3A_965 = arith.shrui %get3A_935, %shift_right_logical3A_964 : vector<16xi32>
        %shift_right_logical3A_966 = arith.constant 8 : i32
        %shift_right_logical3A_967 = vector.broadcast %shift_right_logical3A_966 : i32 to vector<16xi32>
        %shift_right_logical3A_968 = arith.shrui %get3A_941, %shift_right_logical3A_967 : vector<16xi32>
        %shift_right_logical3A_969 = arith.constant 8 : i32
        %shift_right_logical3A_970 = vector.broadcast %shift_right_logical3A_969 : i32 to vector<16xi32>
        %shift_right_logical3A_971 = arith.shrui %get3A_947, %shift_right_logical3A_970 : vector<16xi32>
        %and3A_972 = arith.constant 255 : i32
        %and3A_973 = vector.broadcast %and3A_972 : i32 to vector<16xi32>
        %and3A_974 = arith.andi %get3A_905, %and3A_973 : vector<16xi32>
        %and3A_975 = arith.constant 255 : i32
        %and3A_976 = vector.broadcast %and3A_975 : i32 to vector<16xi32>
        %and3A_977 = arith.andi %get3A_911, %and3A_976 : vector<16xi32>
        %and3A_978 = arith.constant 255 : i32
        %and3A_979 = vector.broadcast %and3A_978 : i32 to vector<16xi32>
        %and3A_980 = arith.andi %get3A_917, %and3A_979 : vector<16xi32>
        %and3A_981 = arith.constant 255 : i32
        %and3A_982 = vector.broadcast %and3A_981 : i32 to vector<16xi32>
        %and3A_983 = arith.andi %get3A_923, %and3A_982 : vector<16xi32>
        %and3A_984 = arith.constant 255 : i32
        %and3A_985 = vector.broadcast %and3A_984 : i32 to vector<16xi32>
        %and3A_986 = arith.andi %get3A_929, %and3A_985 : vector<16xi32>
        %and3A_987 = arith.constant 255 : i32
        %and3A_988 = vector.broadcast %and3A_987 : i32 to vector<16xi32>
        %and3A_989 = arith.andi %get3A_935, %and3A_988 : vector<16xi32>
        %and3A_990 = arith.constant 255 : i32
        %and3A_991 = vector.broadcast %and3A_990 : i32 to vector<16xi32>
        %and3A_992 = arith.andi %get3A_941, %and3A_991 : vector<16xi32>
        %and3A_993 = arith.constant 255 : i32
        %and3A_994 = vector.broadcast %and3A_993 : i32 to vector<16xi32>
        %and3A_995 = arith.andi %get3A_947, %and3A_994 : vector<16xi32>
        %gather3A_996 = tpu.vector_load_idx %arg6[%shift_right_logical3A_950, %and3A_974] : memref<224x224xf32, #tpu.memory_space<vmem>>[vector<16xi32>, vector<16xi32>], vector<16xf32>,
        %gather3A_997 = tpu.vector_load_idx %arg6[%shift_right_logical3A_953, %and3A_977] : memref<224x224xf32, #tpu.memory_space<vmem>>[vector<16xi32>, vector<16xi32>], vector<16xf32>,
        %gather3A_998 = tpu.vector_load_idx %arg6[%shift_right_logical3A_956, %and3A_980] : memref<224x224xf32, #tpu.memory_space<vmem>>[vector<16xi32>, vector<16xi32>], vector<16xf32>,
        %gather3A_999 = tpu.vector_load_idx %arg6[%shift_right_logical3A_959, %and3A_983] : memref<224x224xf32, #tpu.memory_space<vmem>>[vector<16xi32>, vector<16xi32>], vector<16xf32>,
        %gather3A_1000 = tpu.vector_load_idx %arg6[%shift_right_logical3A_962, %and3A_986] : memref<224x224xf32, #tpu.memory_space<vmem>>[vector<16xi32>, vector<16xi32>], vector<16xf32>,
        %gather3A_1001 = tpu.vector_load_idx %arg6[%shift_right_logical3A_965, %and3A_989] : memref<224x224xf32, #tpu.memory_space<vmem>>[vector<16xi32>, vector<16xi32>], vector<16xf32>,
        %gather3A_1002 = tpu.vector_load_idx %arg6[%shift_right_logical3A_968, %and3A_992] : memref<224x224xf32, #tpu.memory_space<vmem>>[vector<16xi32>, vector<16xi32>], vector<16xf32>,
        %gather3A_1003 = tpu.vector_load_idx %arg6[%shift_right_logical3A_971, %and3A_995] : memref<224x224xf32, #tpu.memory_space<vmem>>[vector<16xi32>, vector<16xi32>], vector<16xf32>,
        %swap3A_1004 = arith.constant 2 : i32
        %swap3A_1005 = arith.index_cast %swap3A_1004 : i32 to index
        %swap3A_1006 = arith.constant 64 : index
        %swap3A_1007 = tpu.vector_load %arg7[%swap3A_1005, %swap3A_1006] {strides = array<i32>} : memref<8x224xf32, #tpu.memory_space<vmem>>, vector<16xf32>,
        tpu.vector_store %arg7[%swap3A_1005, %swap3A_1006], %gather3A_996 {strides = array<i32>} : memref<8x224xf32, #tpu.memory_space<vmem>>, vector<16xf32>,
        %swap3A_1008 = arith.constant 2 : i32
        %swap3A_1009 = arith.index_cast %swap3A_1008 : i32 to index
        %swap3A_1010 = arith.constant 80 : index
        %swap3A_1011 = tpu.vector_load %arg7[%swap3A_1009, %swap3A_1010] {strides = array<i32>} : memref<8x224xf32, #tpu.memory_space<vmem>>, vector<16xf32>,
        tpu.vector_store %arg7[%swap3A_1009, %swap3A_1010], %gather3A_997 {strides = array<i32>} : memref<8x224xf32, #tpu.memory_space<vmem>>, vector<16xf32>,
        %swap3A_1012 = arith.constant 2 : i32
        %swap3A_1013 = arith.index_cast %swap3A_1012 : i32 to index
        %swap3A_1014 = arith.constant 96 : index
        %swap3A_1015 = tpu.vector_load %arg7[%swap3A_1013, %swap3A_1014] {strides = array<i32>} : memref<8x224xf32, #tpu.memory_space<vmem>>, vector<16xf32>,
        tpu.vector_store %arg7[%swap3A_1013, %swap3A_1014], %gather3A_998 {strides = array<i32>} : memref<8x224xf32, #tpu.memory_space<vmem>>, vector<16xf32>,
        %swap3A_1016 = arith.constant 2 : i32
        %swap3A_1017 = arith.index_cast %swap3A_1016 : i32 to index
        %swap3A_1018 = arith.constant 112 : index
        %swap3A_1019 = tpu.vector_load %arg7[%swap3A_1017, %swap3A_1018] {strides = array<i32>} : memref<8x224xf32, #tpu.memory_space<vmem>>, vector<16xf32>,
        tpu.vector_store %arg7[%swap3A_1017, %swap3A_1018], %gather3A_999 {strides = array<i32>} : memref<8x224xf32, #tpu.memory_space<vmem>>, vector<16xf32>,
        %swap3A_1020 = arith.constant 2 : i32
        %swap3A_1021 = arith.index_cast %swap3A_1020 : i32 to index
        %swap3A_1022 = arith.constant 128 : index
        %swap3A_1023 = tpu.vector_load %arg7[%swap3A_1021, %swap3A_1022] {strides = array<i32>} : memref<8x224xf32, #tpu.memory_space<vmem>>, vector<16xf32>,
        tpu.vector_store %arg7[%swap3A_1021, %swap3A_1022], %gather3A_1000 {strides = array<i32>} : memref<8x224xf32, #tpu.memory_space<vmem>>, vector<16xf32>,
        %swap3A_1024 = arith.constant 2 : i32
        %swap3A_1025 = arith.index_cast %swap3A_1024 : i32 to index
        %swap3A_1026 = arith.constant 144 : index
        %swap3A_1027 = tpu.vector_load %arg7[%swap3A_1025, %swap3A_1026] {strides = array<i32>} : memref<8x224xf32, #tpu.memory_space<vmem>>, vector<16xf32>,
        tpu.vector_store %arg7[%swap3A_1025, %swap3A_1026], %gather3A_1001 {strides = array<i32>} : memref<8x224xf32, #tpu.memory_space<vmem>>, vector<16xf32>,
        %swap3A_1028 = arith.constant 2 : i32
        %swap3A_1029 = arith.index_cast %swap3A_1028 : i32 to index
        %swap3A_1030 = arith.constant 160 : index
        %swap3A_1031 = tpu.vector_load %arg7[%swap3A_1029, %swap3A_1030] {strides = array<i32>} : memref<8x224xf32, #tpu.memory_space<vmem>>, vector<16xf32>,
        tpu.vector_store %arg7[%swap3A_1029, %swap3A_1030], %gather3A_1002 {strides = array<i32>} : memref<8x224xf32, #tpu.memory_space<vmem>>, vector<16xf32>,
        %swap3A_1032 = arith.constant 2 : i32
        %swap3A_1033 = arith.index_cast %swap3A_1032 : i32 to index
        %swap3A_1034 = arith.constant 176 : index
        %swap3A_1035 = tpu.vector_load %arg7[%swap3A_1033, %swap3A_1034] {strides = array<i32>} : memref<8x224xf32, #tpu.memory_space<vmem>>, vector<16xf32>,
        tpu.vector_store %arg7[%swap3A_1033, %swap3A_1034], %gather3A_1003 {strides = array<i32>} : memref<8x224xf32, #tpu.memory_space<vmem>>, vector<16xf32>,
        %add3A_1036 = arith.constant 448 : i32
        %add3A_1037 = arith.addi %mul3A_359, %add3A_1036 : i32
        %add3A_1038 = arith.constant 192 : i32
        %add3A_1039 = arith.addi %add3A_1037, %add3A_1038 : i32
        %get3A_1040 = arith.index_cast %add3A_1039 : i32 to index
        %get3A_1041 = tpu.vector_load %arg5[%get3A_1040] {strides = array<i32>} : memref<50176xi32, #tpu.memory_space<vmem>>, vector<16xi32>,
        %add3A_1042 = arith.constant 448 : i32
        %add3A_1043 = arith.addi %mul3A_359, %add3A_1042 : i32
        %add3A_1044 = arith.constant 208 : i32
        %add3A_1045 = arith.addi %add3A_1043, %add3A_1044 : i32
        %get3A_1046 = arith.index_cast %add3A_1045 : i32 to index
        %get3A_1047 = tpu.vector_load %arg5[%get3A_1046] {strides = array<i32>} : memref<50176xi32, #tpu.memory_space<vmem>>, vector<16xi32>,
        %add3A_1048 = arith.constant 672 : i32
        %add3A_1049 = arith.addi %mul3A_359, %add3A_1048 : i32
        %add3A_1050 = arith.constant 0 : i32
        %add3A_1051 = arith.addi %add3A_1049, %add3A_1050 : i32
        %get3A_1052 = arith.index_cast %add3A_1051 : i32 to index
        %get3A_1053 = tpu.vector_load %arg5[%get3A_1052] {strides = array<i32>} : memref<50176xi32, #tpu.memory_space<vmem>>, vector<16xi32>,
        %add3A_1054 = arith.constant 672 : i32
        %add3A_1055 = arith.addi %mul3A_359, %add3A_1054 : i32
        %add3A_1056 = arith.constant 16 : i32
        %add3A_1057 = arith.addi %add3A_1055, %add3A_1056 : i32
        %get3A_1058 = arith.index_cast %add3A_1057 : i32 to index
        %get3A_1059 = tpu.vector_load %arg5[%get3A_1058] {strides = array<i32>} : memref<50176xi32, #tpu.memory_space<vmem>>, vector<16xi32>,
        %add3A_1060 = arith.constant 672 : i32
        %add3A_1061 = arith.addi %mul3A_359, %add3A_1060 : i32
        %add3A_1062 = arith.constant 32 : i32
        %add3A_1063 = arith.addi %add3A_1061, %add3A_1062 : i32
        %get3A_1064 = arith.index_cast %add3A_1063 : i32 to index
        %get3A_1065 = tpu.vector_load %arg5[%get3A_1064] {strides = array<i32>} : memref<50176xi32, #tpu.memory_space<vmem>>, vector<16xi32>,
        %add3A_1066 = arith.constant 672 : i32
        %add3A_1067 = arith.addi %mul3A_359, %add3A_1066 : i32
        %add3A_1068 = arith.constant 48 : i32
        %add3A_1069 = arith.addi %add3A_1067, %add3A_1068 : i32
        %get3A_1070 = arith.index_cast %add3A_1069 : i32 to index
        %get3A_1071 = tpu.vector_load %arg5[%get3A_1070] {strides = array<i32>} : memref<50176xi32, #tpu.memory_space<vmem>>, vector<16xi32>,
        %add3A_1072 = arith.constant 672 : i32
        %add3A_1073 = arith.addi %mul3A_359, %add3A_1072 : i32
        %add3A_1074 = arith.constant 64 : i32
        %add3A_1075 = arith.addi %add3A_1073, %add3A_1074 : i32
        %get3A_1076 = arith.index_cast %add3A_1075 : i32 to index
        %get3A_1077 = tpu.vector_load %arg5[%get3A_1076] {strides = array<i32>} : memref<50176xi32, #tpu.memory_space<vmem>>, vector<16xi32>,
        %add3A_1078 = arith.constant 672 : i32
        %add3A_1079 = arith.addi %mul3A_359, %add3A_1078 : i32
        %add3A_1080 = arith.constant 80 : i32
        %add3A_1081 = arith.addi %add3A_1079, %add3A_1080 : i32
        %get3A_1082 = arith.index_cast %add3A_1081 : i32 to index
        %get3A_1083 = tpu.vector_load %arg5[%get3A_1082] {strides = array<i32>} : memref<50176xi32, #tpu.memory_space<vmem>>, vector<16xi32>,
        %shift_right_logical3A_1084 = arith.constant 8 : i32
        %shift_right_logical3A_1085 = vector.broadcast %shift_right_logical3A_1084 : i32 to vector<16xi32>
        %shift_right_logical3A_1086 = arith.shrui %get3A_1041, %shift_right_logical3A_1085 : vector<16xi32>
        %shift_right_logical3A_1087 = arith.constant 8 : i32
        %shift_right_logical3A_1088 = vector.broadcast %shift_right_logical3A_1087 : i32 to vector<16xi32>
        %shift_right_logical3A_1089 = arith.shrui %get3A_1047, %shift_right_logical3A_1088 : vector<16xi32>
        %shift_right_logical3A_1090 = arith.constant 8 : i32
        %shift_right_logical3A_1091 = vector.broadcast %shift_right_logical3A_1090 : i32 to vector<16xi32>
        %shift_right_logical3A_1092 = arith.shrui %get3A_1053, %shift_right_logical3A_1091 : vector<16xi32>
        %shift_right_logical3A_1093 = arith.constant 8 : i32
        %shift_right_logical3A_1094 = vector.broadcast %shift_right_logical3A_1093 : i32 to vector<16xi32>
        %shift_right_logical3A_1095 = arith.shrui %get3A_1059, %shift_right_logical3A_1094 : vector<16xi32>
        %shift_right_logical3A_1096 = arith.constant 8 : i32
        %shift_right_logical3A_1097 = vector.broadcast %shift_right_logical3A_1096 : i32 to vector<16xi32>
        %shift_right_logical3A_1098 = arith.shrui %get3A_1065, %shift_right_logical3A_1097 : vector<16xi32>
        %shift_right_logical3A_1099 = arith.constant 8 : i32
        %shift_right_logical3A_1100 = vector.broadcast %shift_right_logical3A_1099 : i32 to vector<16xi32>
        %shift_right_logical3A_1101 = arith.shrui %get3A_1071, %shift_right_logical3A_1100 : vector<16xi32>
        %shift_right_logical3A_1102 = arith.constant 8 : i32
        %shift_right_logical3A_1103 = vector.broadcast %shift_right_logical3A_1102 : i32 to vector<16xi32>
        %shift_right_logical3A_1104 = arith.shrui %get3A_1077, %shift_right_logical3A_1103 : vector<16xi32>
        %shift_right_logical3A_1105 = arith.constant 8 : i32
        %shift_right_logical3A_1106 = vector.broadcast %shift_right_logical3A_1105 : i32 to vector<16xi32>
        %shift_right_logical3A_1107 = arith.shrui %get3A_1083, %shift_right_logical3A_1106 : vector<16xi32>
        %and3A_1108 = arith.constant 255 : i32
        %and3A_1109 = vector.broadcast %and3A_1108 : i32 to vector<16xi32>
        %and3A_1110 = arith.andi %get3A_1041, %and3A_1109 : vector<16xi32>
        %and3A_1111 = arith.constant 255 : i32
        %and3A_1112 = vector.broadcast %and3A_1111 : i32 to vector<16xi32>
        %and3A_1113 = arith.andi %get3A_1047, %and3A_1112 : vector<16xi32>
        %and3A_1114 = arith.constant 255 : i32
        %and3A_1115 = vector.broadcast %and3A_1114 : i32 to vector<16xi32>
        %and3A_1116 = arith.andi %get3A_1053, %and3A_1115 : vector<16xi32>
        %and3A_1117 = arith.constant 255 : i32
        %and3A_1118 = vector.broadcast %and3A_1117 : i32 to vector<16xi32>
        %and3A_1119 = arith.andi %get3A_1059, %and3A_1118 : vector<16xi32>
        %and3A_1120 = arith.constant 255 : i32
        %and3A_1121 = vector.broadcast %and3A_1120 : i32 to vector<16xi32>
        %and3A_1122 = arith.andi %get3A_1065, %and3A_1121 : vector<16xi32>
        %and3A_1123 = arith.constant 255 : i32
        %and3A_1124 = vector.broadcast %and3A_1123 : i32 to vector<16xi32>
        %and3A_1125 = arith.andi %get3A_1071, %and3A_1124 : vector<16xi32>
        %and3A_1126 = arith.constant 255 : i32
        %and3A_1127 = vector.broadcast %and3A_1126 : i32 to vector<16xi32>
        %and3A_1128 = arith.andi %get3A_1077, %and3A_1127 : vector<16xi32>
        %and3A_1129 = arith.constant 255 : i32
        %and3A_1130 = vector.broadcast %and3A_1129 : i32 to vector<16xi32>
        %and3A_1131 = arith.andi %get3A_1083, %and3A_1130 : vector<16xi32>
        %gather3A_1132 = tpu.vector_load_idx %arg6[%shift_right_logical3A_1086, %and3A_1110] : memref<224x224xf32, #tpu.memory_space<vmem>>[vector<16xi32>, vector<16xi32>], vector<16xf32>,
        %gather3A_1133 = tpu.vector_load_idx %arg6[%shift_right_logical3A_1089, %and3A_1113] : memref<224x224xf32, #tpu.memory_space<vmem>>[vector<16xi32>, vector<16xi32>], vector<16xf32>,
        %gather3A_1134 = tpu.vector_load_idx %arg6[%shift_right_logical3A_1092, %and3A_1116] : memref<224x224xf32, #tpu.memory_space<vmem>>[vector<16xi32>, vector<16xi32>], vector<16xf32>,
        %gather3A_1135 = tpu.vector_load_idx %arg6[%shift_right_logical3A_1095, %and3A_1119] : memref<224x224xf32, #tpu.memory_space<vmem>>[vector<16xi32>, vector<16xi32>], vector<16xf32>,
        %gather3A_1136 = tpu.vector_load_idx %arg6[%shift_right_logical3A_1098, %and3A_1122] : memref<224x224xf32, #tpu.memory_space<vmem>>[vector<16xi32>, vector<16xi32>], vector<16xf32>,
        %gather3A_1137 = tpu.vector_load_idx %arg6[%shift_right_logical3A_1101, %and3A_1125] : memref<224x224xf32, #tpu.memory_space<vmem>>[vector<16xi32>, vector<16xi32>], vector<16xf32>,
        %gather3A_1138 = tpu.vector_load_idx %arg6[%shift_right_logical3A_1104, %and3A_1128] : memref<224x224xf32, #tpu.memory_space<vmem>>[vector<16xi32>, vector<16xi32>], vector<16xf32>,
        %gather3A_1139 = tpu.vector_load_idx %arg6[%shift_right_logical3A_1107, %and3A_1131] : memref<224x224xf32, #tpu.memory_space<vmem>>[vector<16xi32>, vector<16xi32>], vector<16xf32>,
        %swap3A_1140 = arith.constant 2 : i32
        %swap3A_1141 = arith.index_cast %swap3A_1140 : i32 to index
        %swap3A_1142 = arith.constant 192 : index
        %swap3A_1143 = tpu.vector_load %arg7[%swap3A_1141, %swap3A_1142] {strides = array<i32>} : memref<8x224xf32, #tpu.memory_space<vmem>>, vector<16xf32>,
        tpu.vector_store %arg7[%swap3A_1141, %swap3A_1142], %gather3A_1132 {strides = array<i32>} : memref<8x224xf32, #tpu.memory_space<vmem>>, vector<16xf32>,
        %swap3A_1144 = arith.constant 2 : i32
        %swap3A_1145 = arith.index_cast %swap3A_1144 : i32 to index
        %swap3A_1146 = arith.constant 208 : index
        %swap3A_1147 = tpu.vector_load %arg7[%swap3A_1145, %swap3A_1146] {strides = array<i32>} : memref<8x224xf32, #tpu.memory_space<vmem>>, vector<16xf32>,
        tpu.vector_store %arg7[%swap3A_1145, %swap3A_1146], %gather3A_1133 {strides = array<i32>} : memref<8x224xf32, #tpu.memory_space<vmem>>, vector<16xf32>,
        %swap3A_1148 = arith.constant 3 : i32
        %swap3A_1149 = arith.index_cast %swap3A_1148 : i32 to index
        %swap3A_1150 = arith.constant 0 : index
        %swap3A_1151 = tpu.vector_load %arg7[%swap3A_1149, %swap3A_1150] {strides = array<i32>} : memref<8x224xf32, #tpu.memory_space<vmem>>, vector<16xf32>,
        tpu.vector_store %arg7[%swap3A_1149, %swap3A_1150], %gather3A_1134 {strides = array<i32>} : memref<8x224xf32, #tpu.memory_space<vmem>>, vector<16xf32>,
        %swap3A_1152 = arith.constant 3 : i32
        %swap3A_1153 = arith.index_cast %swap3A_1152 : i32 to index
        %swap3A_1154 = arith.constant 16 : index
        %swap3A_1155 = tpu.vector_load %arg7[%swap3A_1153, %swap3A_1154] {strides = array<i32>} : memref<8x224xf32, #tpu.memory_space<vmem>>, vector<16xf32>,
        tpu.vector_store %arg7[%swap3A_1153, %swap3A_1154], %gather3A_1135 {strides = array<i32>} : memref<8x224xf32, #tpu.memory_space<vmem>>, vector<16xf32>,
        %swap3A_1156 = arith.constant 3 : i32
        %swap3A_1157 = arith.index_cast %swap3A_1156 : i32 to index
        %swap3A_1158 = arith.constant 32 : index
        %swap3A_1159 = tpu.vector_load %arg7[%swap3A_1157, %swap3A_1158] {strides = array<i32>} : memref<8x224xf32, #tpu.memory_space<vmem>>, vector<16xf32>,
        tpu.vector_store %arg7[%swap3A_1157, %swap3A_1158], %gather3A_1136 {strides = array<i32>} : memref<8x224xf32, #tpu.memory_space<vmem>>, vector<16xf32>,
        %swap3A_1160 = arith.constant 3 : i32
        %swap3A_1161 = arith.index_cast %swap3A_1160 : i32 to index
        %swap3A_1162 = arith.constant 48 : index
        %swap3A_1163 = tpu.vector_load %arg7[%swap3A_1161, %swap3A_1162] {strides = array<i32>} : memref<8x224xf32, #tpu.memory_space<vmem>>, vector<16xf32>,
        tpu.vector_store %arg7[%swap3A_1161, %swap3A_1162], %gather3A_1137 {strides = array<i32>} : memref<8x224xf32, #tpu.memory_space<vmem>>, vector<16xf32>,
        %swap3A_1164 = arith.constant 3 : i32
        %swap3A_1165 = arith.index_cast %swap3A_1164 : i32 to index
        %swap3A_1166 = arith.constant 64 : index
        %swap3A_1167 = tpu.vector_load %arg7[%swap3A_1165, %swap3A_1166] {strides = array<i32>} : memref<8x224xf32, #tpu.memory_space<vmem>>, vector<16xf32>,
        tpu.vector_store %arg7[%swap3A_1165, %swap3A_1166], %gather3A_1138 {strides = array<i32>} : memref<8x224xf32, #tpu.memory_space<vmem>>, vector<16xf32>,
        %swap3A_1168 = arith.constant 3 : i32
        %swap3A_1169 = arith.index_cast %swap3A_1168 : i32 to index
        %swap3A_1170 = arith.constant 80 : index
        %swap3A_1171 = tpu.vector_load %arg7[%swap3A_1169, %swap3A_1170] {strides = array<i32>} : memref<8x224xf32, #tpu.memory_space<vmem>>, vector<16xf32>,
        tpu.vector_store %arg7[%swap3A_1169, %swap3A_1170], %gather3A_1139 {strides = array<i32>} : memref<8x224xf32, #tpu.memory_space<vmem>>, vector<16xf32>,
        %add3A_1172 = arith.constant 672 : i32
        %add3A_1173 = arith.addi %mul3A_359, %add3A_1172 : i32
        %add3A_1174 = arith.constant 96 : i32
        %add3A_1175 = arith.addi %add3A_1173, %add3A_1174 : i32
        %get3A_1176 = arith.index_cast %add3A_1175 : i32 to index
        %get3A_1177 = tpu.vector_load %arg5[%get3A_1176] {strides = array<i32>} : memref<50176xi32, #tpu.memory_space<vmem>>, vector<16xi32>,
        %add3A_1178 = arith.constant 672 : i32
        %add3A_1179 = arith.addi %mul3A_359, %add3A_1178 : i32
        %add3A_1180 = arith.constant 112 : i32
        %add3A_1181 = arith.addi %add3A_1179, %add3A_1180 : i32
        %get3A_1182 = arith.index_cast %add3A_1181 : i32 to index
        %get3A_1183 = tpu.vector_load %arg5[%get3A_1182] {strides = array<i32>} : memref<50176xi32, #tpu.memory_space<vmem>>, vector<16xi32>,
        %add3A_1184 = arith.constant 672 : i32
        %add3A_1185 = arith.addi %mul3A_359, %add3A_1184 : i32
        %add3A_1186 = arith.constant 128 : i32
        %add3A_1187 = arith.addi %add3A_1185, %add3A_1186 : i32
        %get3A_1188 = arith.index_cast %add3A_1187 : i32 to index
        %get3A_1189 = tpu.vector_load %arg5[%get3A_1188] {strides = array<i32>} : memref<50176xi32, #tpu.memory_space<vmem>>, vector<16xi32>,
        %add3A_1190 = arith.constant 672 : i32
        %add3A_1191 = arith.addi %mul3A_359, %add3A_1190 : i32
        %add3A_1192 = arith.constant 144 : i32
        %add3A_1193 = arith.addi %add3A_1191, %add3A_1192 : i32
        %get3A_1194 = arith.index_cast %add3A_1193 : i32 to index
        %get3A_1195 = tpu.vector_load %arg5[%get3A_1194] {strides = array<i32>} : memref<50176xi32, #tpu.memory_space<vmem>>, vector<16xi32>,
        %add3A_1196 = arith.constant 672 : i32
        %add3A_1197 = arith.addi %mul3A_359, %add3A_1196 : i32
        %add3A_1198 = arith.constant 160 : i32
        %add3A_1199 = arith.addi %add3A_1197, %add3A_1198 : i32
        %get3A_1200 = arith.index_cast %add3A_1199 : i32 to index
        %get3A_1201 = tpu.vector_load %arg5[%get3A_1200] {strides = array<i32>} : memref<50176xi32, #tpu.memory_space<vmem>>, vector<16xi32>,
        %add3A_1202 = arith.constant 672 : i32
        %add3A_1203 = arith.addi %mul3A_359, %add3A_1202 : i32
        %add3A_1204 = arith.constant 176 : i32
        %add3A_1205 = arith.addi %add3A_1203, %add3A_1204 : i32
        %get3A_1206 = arith.index_cast %add3A_1205 : i32 to index
        %get3A_1207 = tpu.vector_load %arg5[%get3A_1206] {strides = array<i32>} : memref<50176xi32, #tpu.memory_space<vmem>>, vector<16xi32>,
        %add3A_1208 = arith.constant 672 : i32
        %add3A_1209 = arith.addi %mul3A_359, %add3A_1208 : i32
        %add3A_1210 = arith.constant 192 : i32
        %add3A_1211 = arith.addi %add3A_1209, %add3A_1210 : i32
        %get3A_1212 = arith.index_cast %add3A_1211 : i32 to index
        %get3A_1213 = tpu.vector_load %arg5[%get3A_1212] {strides = array<i32>} : memref<50176xi32, #tpu.memory_space<vmem>>, vector<16xi32>,
        %add3A_1214 = arith.constant 672 : i32
        %add3A_1215 = arith.addi %mul3A_359, %add3A_1214 : i32
        %add3A_1216 = arith.constant 208 : i32
        %add3A_1217 = arith.addi %add3A_1215, %add3A_1216 : i32
        %get3A_1218 = arith.index_cast %add3A_1217 : i32 to index
        %get3A_1219 = tpu.vector_load %arg5[%get3A_1218] {strides = array<i32>} : memref<50176xi32, #tpu.memory_space<vmem>>, vector<16xi32>,
        %shift_right_logical3A_1220 = arith.constant 8 : i32
        %shift_right_logical3A_1221 = vector.broadcast %shift_right_logical3A_1220 : i32 to vector<16xi32>
        %shift_right_logical3A_1222 = arith.shrui %get3A_1177, %shift_right_logical3A_1221 : vector<16xi32>
        %shift_right_logical3A_1223 = arith.constant 8 : i32
        %shift_right_logical3A_1224 = vector.broadcast %shift_right_logical3A_1223 : i32 to vector<16xi32>
        %shift_right_logical3A_1225 = arith.shrui %get3A_1183, %shift_right_logical3A_1224 : vector<16xi32>
        %shift_right_logical3A_1226 = arith.constant 8 : i32
        %shift_right_logical3A_1227 = vector.broadcast %shift_right_logical3A_1226 : i32 to vector<16xi32>
        %shift_right_logical3A_1228 = arith.shrui %get3A_1189, %shift_right_logical3A_1227 : vector<16xi32>
        %shift_right_logical3A_1229 = arith.constant 8 : i32
        %shift_right_logical3A_1230 = vector.broadcast %shift_right_logical3A_1229 : i32 to vector<16xi32>
        %shift_right_logical3A_1231 = arith.shrui %get3A_1195, %shift_right_logical3A_1230 : vector<16xi32>
        %shift_right_logical3A_1232 = arith.constant 8 : i32
        %shift_right_logical3A_1233 = vector.broadcast %shift_right_logical3A_1232 : i32 to vector<16xi32>
        %shift_right_logical3A_1234 = arith.shrui %get3A_1201, %shift_right_logical3A_1233 : vector<16xi32>
        %shift_right_logical3A_1235 = arith.constant 8 : i32
        %shift_right_logical3A_1236 = vector.broadcast %shift_right_logical3A_1235 : i32 to vector<16xi32>
        %shift_right_logical3A_1237 = arith.shrui %get3A_1207, %shift_right_logical3A_1236 : vector<16xi32>
        %shift_right_logical3A_1238 = arith.constant 8 : i32
        %shift_right_logical3A_1239 = vector.broadcast %shift_right_logical3A_1238 : i32 to vector<16xi32>
        %shift_right_logical3A_1240 = arith.shrui %get3A_1213, %shift_right_logical3A_1239 : vector<16xi32>
        %shift_right_logical3A_1241 = arith.constant 8 : i32
        %shift_right_logical3A_1242 = vector.broadcast %shift_right_logical3A_1241 : i32 to vector<16xi32>
        %shift_right_logical3A_1243 = arith.shrui %get3A_1219, %shift_right_logical3A_1242 : vector<16xi32>
        %and3A_1244 = arith.constant 255 : i32
        %and3A_1245 = vector.broadcast %and3A_1244 : i32 to vector<16xi32>
        %and3A_1246 = arith.andi %get3A_1177, %and3A_1245 : vector<16xi32>
        %and3A_1247 = arith.constant 255 : i32
        %and3A_1248 = vector.broadcast %and3A_1247 : i32 to vector<16xi32>
        %and3A_1249 = arith.andi %get3A_1183, %and3A_1248 : vector<16xi32>
        %and3A_1250 = arith.constant 255 : i32
        %and3A_1251 = vector.broadcast %and3A_1250 : i32 to vector<16xi32>
        %and3A_1252 = arith.andi %get3A_1189, %and3A_1251 : vector<16xi32>
        %and3A_1253 = arith.constant 255 : i32
        %and3A_1254 = vector.broadcast %and3A_1253 : i32 to vector<16xi32>
        %and3A_1255 = arith.andi %get3A_1195, %and3A_1254 : vector<16xi32>
        %and3A_1256 = arith.constant 255 : i32
        %and3A_1257 = vector.broadcast %and3A_1256 : i32 to vector<16xi32>
        %and3A_1258 = arith.andi %get3A_1201, %and3A_1257 : vector<16xi32>
        %and3A_1259 = arith.constant 255 : i32
        %and3A_1260 = vector.broadcast %and3A_1259 : i32 to vector<16xi32>
        %and3A_1261 = arith.andi %get3A_1207, %and3A_1260 : vector<16xi32>
        %and3A_1262 = arith.constant 255 : i32
        %and3A_1263 = vector.broadcast %and3A_1262 : i32 to vector<16xi32>
        %and3A_1264 = arith.andi %get3A_1213, %and3A_1263 : vector<16xi32>
        %and3A_1265 = arith.constant 255 : i32
        %and3A_1266 = vector.broadcast %and3A_1265 : i32 to vector<16xi32>
        %and3A_1267 = arith.andi %get3A_1219, %and3A_1266 : vector<16xi32>
        %gather3A_1268 = tpu.vector_load_idx %arg6[%shift_right_logical3A_1222, %and3A_1246] : memref<224x224xf32, #tpu.memory_space<vmem>>[vector<16xi32>, vector<16xi32>], vector<16xf32>,
        %gather3A_1269 = tpu.vector_load_idx %arg6[%shift_right_logical3A_1225, %and3A_1249] : memref<224x224xf32, #tpu.memory_space<vmem>>[vector<16xi32>, vector<16xi32>], vector<16xf32>,
        %gather3A_1270 = tpu.vector_load_idx %arg6[%shift_right_logical3A_1228, %and3A_1252] : memref<224x224xf32, #tpu.memory_space<vmem>>[vector<16xi32>, vector<16xi32>], vector<16xf32>,
        %gather3A_1271 = tpu.vector_load_idx %arg6[%shift_right_logical3A_1231, %and3A_1255] : memref<224x224xf32, #tpu.memory_space<vmem>>[vector<16xi32>, vector<16xi32>], vector<16xf32>,
        %gather3A_1272 = tpu.vector_load_idx %arg6[%shift_right_logical3A_1234, %and3A_1258] : memref<224x224xf32, #tpu.memory_space<vmem>>[vector<16xi32>, vector<16xi32>], vector<16xf32>,
        %gather3A_1273 = tpu.vector_load_idx %arg6[%shift_right_logical3A_1237, %and3A_1261] : memref<224x224xf32, #tpu.memory_space<vmem>>[vector<16xi32>, vector<16xi32>], vector<16xf32>,
        %gather3A_1274 = tpu.vector_load_idx %arg6[%shift_right_logical3A_1240, %and3A_1264] : memref<224x224xf32, #tpu.memory_space<vmem>>[vector<16xi32>, vector<16xi32>], vector<16xf32>,
        %gather3A_1275 = tpu.vector_load_idx %arg6[%shift_right_logical3A_1243, %and3A_1267] : memref<224x224xf32, #tpu.memory_space<vmem>>[vector<16xi32>, vector<16xi32>], vector<16xf32>,
        %swap3A_1276 = arith.constant 3 : i32
        %swap3A_1277 = arith.index_cast %swap3A_1276 : i32 to index
        %swap3A_1278 = arith.constant 96 : index
        %swap3A_1279 = tpu.vector_load %arg7[%swap3A_1277, %swap3A_1278] {strides = array<i32>} : memref<8x224xf32, #tpu.memory_space<vmem>>, vector<16xf32>,
        tpu.vector_store %arg7[%swap3A_1277, %swap3A_1278], %gather3A_1268 {strides = array<i32>} : memref<8x224xf32, #tpu.memory_space<vmem>>, vector<16xf32>,
        %swap3A_1280 = arith.constant 3 : i32
        %swap3A_1281 = arith.index_cast %swap3A_1280 : i32 to index
        %swap3A_1282 = arith.constant 112 : index
        %swap3A_1283 = tpu.vector_load %arg7[%swap3A_1281, %swap3A_1282] {strides = array<i32>} : memref<8x224xf32, #tpu.memory_space<vmem>>, vector<16xf32>,
        tpu.vector_store %arg7[%swap3A_1281, %swap3A_1282], %gather3A_1269 {strides = array<i32>} : memref<8x224xf32, #tpu.memory_space<vmem>>, vector<16xf32>,
        %swap3A_1284 = arith.constant 3 : i32
        %swap3A_1285 = arith.index_cast %swap3A_1284 : i32 to index
        %swap3A_1286 = arith.constant 128 : index
        %swap3A_1287 = tpu.vector_load %arg7[%swap3A_1285, %swap3A_1286] {strides = array<i32>} : memref<8x224xf32, #tpu.memory_space<vmem>>, vector<16xf32>,
        tpu.vector_store %arg7[%swap3A_1285, %swap3A_1286], %gather3A_1270 {strides = array<i32>} : memref<8x224xf32, #tpu.memory_space<vmem>>, vector<16xf32>,
        %swap3A_1288 = arith.constant 3 : i32
        %swap3A_1289 = arith.index_cast %swap3A_1288 : i32 to index
        %swap3A_1290 = arith.constant 144 : index
        %swap3A_1291 = tpu.vector_load %arg7[%swap3A_1289, %swap3A_1290] {strides = array<i32>} : memref<8x224xf32, #tpu.memory_space<vmem>>, vector<16xf32>,
        tpu.vector_store %arg7[%swap3A_1289, %swap3A_1290], %gather3A_1271 {strides = array<i32>} : memref<8x224xf32, #tpu.memory_space<vmem>>, vector<16xf32>,
        %swap3A_1292 = arith.constant 3 : i32
        %swap3A_1293 = arith.index_cast %swap3A_1292 : i32 to index
        %swap3A_1294 = arith.constant 160 : index
        %swap3A_1295 = tpu.vector_load %arg7[%swap3A_1293, %swap3A_1294] {strides = array<i32>} : memref<8x224xf32, #tpu.memory_space<vmem>>, vector<16xf32>,
        tpu.vector_store %arg7[%swap3A_1293, %swap3A_1294], %gather3A_1272 {strides = array<i32>} : memref<8x224xf32, #tpu.memory_space<vmem>>, vector<16xf32>,
        %swap3A_1296 = arith.constant 3 : i32
        %swap3A_1297 = arith.index_cast %swap3A_1296 : i32 to index
        %swap3A_1298 = arith.constant 176 : index
        %swap3A_1299 = tpu.vector_load %arg7[%swap3A_1297, %swap3A_1298] {strides = array<i32>} : memref<8x224xf32, #tpu.memory_space<vmem>>, vector<16xf32>,
        tpu.vector_store %arg7[%swap3A_1297, %swap3A_1298], %gather3A_1273 {strides = array<i32>} : memref<8x224xf32, #tpu.memory_space<vmem>>, vector<16xf32>,
        %swap3A_1300 = arith.constant 3 : i32
        %swap3A_1301 = arith.index_cast %swap3A_1300 : i32 to index
        %swap3A_1302 = arith.constant 192 : index
        %swap3A_1303 = tpu.vector_load %arg7[%swap3A_1301, %swap3A_1302] {strides = array<i32>} : memref<8x224xf32, #tpu.memory_space<vmem>>, vector<16xf32>,
        tpu.vector_store %arg7[%swap3A_1301, %swap3A_1302], %gather3A_1274 {strides = array<i32>} : memref<8x224xf32, #tpu.memory_space<vmem>>, vector<16xf32>,
        %swap3A_1304 = arith.constant 3 : i32
        %swap3A_1305 = arith.index_cast %swap3A_1304 : i32 to index
        %swap3A_1306 = arith.constant 208 : index
        %swap3A_1307 = tpu.vector_load %arg7[%swap3A_1305, %swap3A_1306] {strides = array<i32>} : memref<8x224xf32, #tpu.memory_space<vmem>>, vector<16xf32>,
        tpu.vector_store %arg7[%swap3A_1305, %swap3A_1306], %gather3A_1275 {strides = array<i32>} : memref<8x224xf32, #tpu.memory_space<vmem>>, vector<16xf32>,
        %add3A_1308 = arith.constant 896 : i32
        %add3A_1309 = arith.addi %mul3A_359, %add3A_1308 : i32
        %add3A_1310 = arith.constant 0 : i32
        %add3A_1311 = arith.addi %add3A_1309, %add3A_1310 : i32
        %get3A_1312 = arith.index_cast %add3A_1311 : i32 to index
        %get3A_1313 = tpu.vector_load %arg5[%get3A_1312] {strides = array<i32>} : memref<50176xi32, #tpu.memory_space<vmem>>, vector<16xi32>,
        %add3A_1314 = arith.constant 896 : i32
        %add3A_1315 = arith.addi %mul3A_359, %add3A_1314 : i32
        %add3A_1316 = arith.constant 16 : i32
        %add3A_1317 = arith.addi %add3A_1315, %add3A_1316 : i32
        %get3A_1318 = arith.index_cast %add3A_1317 : i32 to index
        %get3A_1319 = tpu.vector_load %arg5[%get3A_1318] {strides = array<i32>} : memref<50176xi32, #tpu.memory_space<vmem>>, vector<16xi32>,
        %add3A_1320 = arith.constant 896 : i32
        %add3A_1321 = arith.addi %mul3A_359, %add3A_1320 : i32
        %add3A_1322 = arith.constant 32 : i32
        %add3A_1323 = arith.addi %add3A_1321, %add3A_1322 : i32
        %get3A_1324 = arith.index_cast %add3A_1323 : i32 to index
        %get3A_1325 = tpu.vector_load %arg5[%get3A_1324] {strides = array<i32>} : memref<50176xi32, #tpu.memory_space<vmem>>, vector<16xi32>,
        %add3A_1326 = arith.constant 896 : i32
        %add3A_1327 = arith.addi %mul3A_359, %add3A_1326 : i32
        %add3A_1328 = arith.constant 48 : i32
        %add3A_1329 = arith.addi %add3A_1327, %add3A_1328 : i32
        %get3A_1330 = arith.index_cast %add3A_1329 : i32 to index
        %get3A_1331 = tpu.vector_load %arg5[%get3A_1330] {strides = array<i32>} : memref<50176xi32, #tpu.memory_space<vmem>>, vector<16xi32>,
        %add3A_1332 = arith.constant 896 : i32
        %add3A_1333 = arith.addi %mul3A_359, %add3A_1332 : i32
        %add3A_1334 = arith.constant 64 : i32
        %add3A_1335 = arith.addi %add3A_1333, %add3A_1334 : i32
        %get3A_1336 = arith.index_cast %add3A_1335 : i32 to index
        %get3A_1337 = tpu.vector_load %arg5[%get3A_1336] {strides = array<i32>} : memref<50176xi32, #tpu.memory_space<vmem>>, vector<16xi32>,
        %add3A_1338 = arith.constant 896 : i32
        %add3A_1339 = arith.addi %mul3A_359, %add3A_1338 : i32
        %add3A_1340 = arith.constant 80 : i32
        %add3A_1341 = arith.addi %add3A_1339, %add3A_1340 : i32
        %get3A_1342 = arith.index_cast %add3A_1341 : i32 to index
        %get3A_1343 = tpu.vector_load %arg5[%get3A_1342] {strides = array<i32>} : memref<50176xi32, #tpu.memory_space<vmem>>, vector<16xi32>,
        %add3A_1344 = arith.constant 896 : i32
        %add3A_1345 = arith.addi %mul3A_359, %add3A_1344 : i32
        %add3A_1346 = arith.constant 96 : i32
        %add3A_1347 = arith.addi %add3A_1345, %add3A_1346 : i32
        %get3A_1348 = arith.index_cast %add3A_1347 : i32 to index
        %get3A_1349 = tpu.vector_load %arg5[%get3A_1348] {strides = array<i32>} : memref<50176xi32, #tpu.memory_space<vmem>>, vector<16xi32>,
        %add3A_1350 = arith.constant 896 : i32
        %add3A_1351 = arith.addi %mul3A_359, %add3A_1350 : i32
        %add3A_1352 = arith.constant 112 : i32
        %add3A_1353 = arith.addi %add3A_1351, %add3A_1352 : i32
        %get3A_1354 = arith.index_cast %add3A_1353 : i32 to index
        %get3A_1355 = tpu.vector_load %arg5[%get3A_1354] {strides = array<i32>} : memref<50176xi32, #tpu.memory_space<vmem>>, vector<16xi32>,
        %shift_right_logical3A_1356 = arith.constant 8 : i32
        %shift_right_logical3A_1357 = vector.broadcast %shift_right_logical3A_1356 : i32 to vector<16xi32>
        %shift_right_logical3A_1358 = arith.shrui %get3A_1313, %shift_right_logical3A_1357 : vector<16xi32>
        %shift_right_logical3A_1359 = arith.constant 8 : i32
        %shift_right_logical3A_1360 = vector.broadcast %shift_right_logical3A_1359 : i32 to vector<16xi32>
        %shift_right_logical3A_1361 = arith.shrui %get3A_1319, %shift_right_logical3A_1360 : vector<16xi32>
        %shift_right_logical3A_1362 = arith.constant 8 : i32
        %shift_right_logical3A_1363 = vector.broadcast %shift_right_logical3A_1362 : i32 to vector<16xi32>
        %shift_right_logical3A_1364 = arith.shrui %get3A_1325, %shift_right_logical3A_1363 : vector<16xi32>
        %shift_right_logical3A_1365 = arith.constant 8 : i32
        %shift_right_logical3A_1366 = vector.broadcast %shift_right_logical3A_1365 : i32 to vector<16xi32>
        %shift_right_logical3A_1367 = arith.shrui %get3A_1331, %shift_right_logical3A_1366 : vector<16xi32>
        %shift_right_logical3A_1368 = arith.constant 8 : i32
        %shift_right_logical3A_1369 = vector.broadcast %shift_right_logical3A_1368 : i32 to vector<16xi32>
        %shift_right_logical3A_1370 = arith.shrui %get3A_1337, %shift_right_logical3A_1369 : vector<16xi32>
        %shift_right_logical3A_1371 = arith.constant 8 : i32
        %shift_right_logical3A_1372 = vector.broadcast %shift_right_logical3A_1371 : i32 to vector<16xi32>
        %shift_right_logical3A_1373 = arith.shrui %get3A_1343, %shift_right_logical3A_1372 : vector<16xi32>
        %shift_right_logical3A_1374 = arith.constant 8 : i32
        %shift_right_logical3A_1375 = vector.broadcast %shift_right_logical3A_1374 : i32 to vector<16xi32>
        %shift_right_logical3A_1376 = arith.shrui %get3A_1349, %shift_right_logical3A_1375 : vector<16xi32>
        %shift_right_logical3A_1377 = arith.constant 8 : i32
        %shift_right_logical3A_1378 = vector.broadcast %shift_right_logical3A_1377 : i32 to vector<16xi32>
        %shift_right_logical3A_1379 = arith.shrui %get3A_1355, %shift_right_logical3A_1378 : vector<16xi32>
        %and3A_1380 = arith.constant 255 : i32
        %and3A_1381 = vector.broadcast %and3A_1380 : i32 to vector<16xi32>
        %and3A_1382 = arith.andi %get3A_1313, %and3A_1381 : vector<16xi32>
        %and3A_1383 = arith.constant 255 : i32
        %and3A_1384 = vector.broadcast %and3A_1383 : i32 to vector<16xi32>
        %and3A_1385 = arith.andi %get3A_1319, %and3A_1384 : vector<16xi32>
        %and3A_1386 = arith.constant 255 : i32
        %and3A_1387 = vector.broadcast %and3A_1386 : i32 to vector<16xi32>
        %and3A_1388 = arith.andi %get3A_1325, %and3A_1387 : vector<16xi32>
        %and3A_1389 = arith.constant 255 : i32
        %and3A_1390 = vector.broadcast %and3A_1389 : i32 to vector<16xi32>
        %and3A_1391 = arith.andi %get3A_1331, %and3A_1390 : vector<16xi32>
        %and3A_1392 = arith.constant 255 : i32
        %and3A_1393 = vector.broadcast %and3A_1392 : i32 to vector<16xi32>
        %and3A_1394 = arith.andi %get3A_1337, %and3A_1393 : vector<16xi32>
        %and3A_1395 = arith.constant 255 : i32
        %and3A_1396 = vector.broadcast %and3A_1395 : i32 to vector<16xi32>
        %and3A_1397 = arith.andi %get3A_1343, %and3A_1396 : vector<16xi32>
        %and3A_1398 = arith.constant 255 : i32
        %and3A_1399 = vector.broadcast %and3A_1398 : i32 to vector<16xi32>
        %and3A_1400 = arith.andi %get3A_1349, %and3A_1399 : vector<16xi32>
        %and3A_1401 = arith.constant 255 : i32
        %and3A_1402 = vector.broadcast %and3A_1401 : i32 to vector<16xi32>
        %and3A_1403 = arith.andi %get3A_1355, %and3A_1402 : vector<16xi32>
        %gather3A_1404 = tpu.vector_load_idx %arg6[%shift_right_logical3A_1358, %and3A_1382] : memref<224x224xf32, #tpu.memory_space<vmem>>[vector<16xi32>, vector<16xi32>], vector<16xf32>,
        %gather3A_1405 = tpu.vector_load_idx %arg6[%shift_right_logical3A_1361, %and3A_1385] : memref<224x224xf32, #tpu.memory_space<vmem>>[vector<16xi32>, vector<16xi32>], vector<16xf32>,
        %gather3A_1406 = tpu.vector_load_idx %arg6[%shift_right_logical3A_1364, %and3A_1388] : memref<224x224xf32, #tpu.memory_space<vmem>>[vector<16xi32>, vector<16xi32>], vector<16xf32>,
        %gather3A_1407 = tpu.vector_load_idx %arg6[%shift_right_logical3A_1367, %and3A_1391] : memref<224x224xf32, #tpu.memory_space<vmem>>[vector<16xi32>, vector<16xi32>], vector<16xf32>,
        %gather3A_1408 = tpu.vector_load_idx %arg6[%shift_right_logical3A_1370, %and3A_1394] : memref<224x224xf32, #tpu.memory_space<vmem>>[vector<16xi32>, vector<16xi32>], vector<16xf32>,
        %gather3A_1409 = tpu.vector_load_idx %arg6[%shift_right_logical3A_1373, %and3A_1397] : memref<224x224xf32, #tpu.memory_space<vmem>>[vector<16xi32>, vector<16xi32>], vector<16xf32>,
        %gather3A_1410 = tpu.vector_load_idx %arg6[%shift_right_logical3A_1376, %and3A_1400] : memref<224x224xf32, #tpu.memory_space<vmem>>[vector<16xi32>, vector<16xi32>], vector<16xf32>,
        %gather3A_1411 = tpu.vector_load_idx %arg6[%shift_right_logical3A_1379, %and3A_1403] : memref<224x224xf32, #tpu.memory_space<vmem>>[vector<16xi32>, vector<16xi32>], vector<16xf32>,
        %swap3A_1412 = arith.constant 4 : i32
        %swap3A_1413 = arith.index_cast %swap3A_1412 : i32 to index
        %swap3A_1414 = arith.constant 0 : index
        %swap3A_1415 = tpu.vector_load %arg7[%swap3A_1413, %swap3A_1414] {strides = array<i32>} : memref<8x224xf32, #tpu.memory_space<vmem>>, vector<16xf32>,
        tpu.vector_store %arg7[%swap3A_1413, %swap3A_1414], %gather3A_1404 {strides = array<i32>} : memref<8x224xf32, #tpu.memory_space<vmem>>, vector<16xf32>,
        %swap3A_1416 = arith.constant 4 : i32
        %swap3A_1417 = arith.index_cast %swap3A_1416 : i32 to index
        %swap3A_1418 = arith.constant 16 : index
        %swap3A_1419 = tpu.vector_load %arg7[%swap3A_1417, %swap3A_1418] {strides = array<i32>} : memref<8x224xf32, #tpu.memory_space<vmem>>, vector<16xf32>,
        tpu.vector_store %arg7[%swap3A_1417, %swap3A_1418], %gather3A_1405 {strides = array<i32>} : memref<8x224xf32, #tpu.memory_space<vmem>>, vector<16xf32>,
        %swap3A_1420 = arith.constant 4 : i32
        %swap3A_1421 = arith.index_cast %swap3A_1420 : i32 to index
        %swap3A_1422 = arith.constant 32 : index
        %swap3A_1423 = tpu.vector_load %arg7[%swap3A_1421, %swap3A_1422] {strides = array<i32>} : memref<8x224xf32, #tpu.memory_space<vmem>>, vector<16xf32>,
        tpu.vector_store %arg7[%swap3A_1421, %swap3A_1422], %gather3A_1406 {strides = array<i32>} : memref<8x224xf32, #tpu.memory_space<vmem>>, vector<16xf32>,
        %swap3A_1424 = arith.constant 4 : i32
        %swap3A_1425 = arith.index_cast %swap3A_1424 : i32 to index
        %swap3A_1426 = arith.constant 48 : index
        %swap3A_1427 = tpu.vector_load %arg7[%swap3A_1425, %swap3A_1426] {strides = array<i32>} : memref<8x224xf32, #tpu.memory_space<vmem>>, vector<16xf32>,
        tpu.vector_store %arg7[%swap3A_1425, %swap3A_1426], %gather3A_1407 {strides = array<i32>} : memref<8x224xf32, #tpu.memory_space<vmem>>, vector<16xf32>,
        %swap3A_1428 = arith.constant 4 : i32
        %swap3A_1429 = arith.index_cast %swap3A_1428 : i32 to index
        %swap3A_1430 = arith.constant 64 : index
        %swap3A_1431 = tpu.vector_load %arg7[%swap3A_1429, %swap3A_1430] {strides = array<i32>} : memref<8x224xf32, #tpu.memory_space<vmem>>, vector<16xf32>,
        tpu.vector_store %arg7[%swap3A_1429, %swap3A_1430], %gather3A_1408 {strides = array<i32>} : memref<8x224xf32, #tpu.memory_space<vmem>>, vector<16xf32>,
        %swap3A_1432 = arith.constant 4 : i32
        %swap3A_1433 = arith.index_cast %swap3A_1432 : i32 to index
        %swap3A_1434 = arith.constant 80 : index
        %swap3A_1435 = tpu.vector_load %arg7[%swap3A_1433, %swap3A_1434] {strides = array<i32>} : memref<8x224xf32, #tpu.memory_space<vmem>>, vector<16xf32>,
        tpu.vector_store %arg7[%swap3A_1433, %swap3A_1434], %gather3A_1409 {strides = array<i32>} : memref<8x224xf32, #tpu.memory_space<vmem>>, vector<16xf32>,
        %swap3A_1436 = arith.constant 4 : i32
        %swap3A_1437 = arith.index_cast %swap3A_1436 : i32 to index
        %swap3A_1438 = arith.constant 96 : index
        %swap3A_1439 = tpu.vector_load %arg7[%swap3A_1437, %swap3A_1438] {strides = array<i32>} : memref<8x224xf32, #tpu.memory_space<vmem>>, vector<16xf32>,
        tpu.vector_store %arg7[%swap3A_1437, %swap3A_1438], %gather3A_1410 {strides = array<i32>} : memref<8x224xf32, #tpu.memory_space<vmem>>, vector<16xf32>,
        %swap3A_1440 = arith.constant 4 : i32
        %swap3A_1441 = arith.index_cast %swap3A_1440 : i32 to index
        %swap3A_1442 = arith.constant 112 : index
        %swap3A_1443 = tpu.vector_load %arg7[%swap3A_1441, %swap3A_1442] {strides = array<i32>} : memref<8x224xf32, #tpu.memory_space<vmem>>, vector<16xf32>,
        tpu.vector_store %arg7[%swap3A_1441, %swap3A_1442], %gather3A_1411 {strides = array<i32>} : memref<8x224xf32, #tpu.memory_space<vmem>>, vector<16xf32>,
        %add3A_1444 = arith.constant 896 : i32
        %add3A_1445 = arith.addi %mul3A_359, %add3A_1444 : i32
        %add3A_1446 = arith.constant 128 : i32
        %add3A_1447 = arith.addi %add3A_1445, %add3A_1446 : i32
        %get3A_1448 = arith.index_cast %add3A_1447 : i32 to index
        %get3A_1449 = tpu.vector_load %arg5[%get3A_1448] {strides = array<i32>} : memref<50176xi32, #tpu.memory_space<vmem>>, vector<16xi32>,
        %add3A_1450 = arith.constant 896 : i32
        %add3A_1451 = arith.addi %mul3A_359, %add3A_1450 : i32
        %add3A_1452 = arith.constant 144 : i32
        %add3A_1453 = arith.addi %add3A_1451, %add3A_1452 : i32
        %get3A_1454 = arith.index_cast %add3A_1453 : i32 to index
        %get3A_1455 = tpu.vector_load %arg5[%get3A_1454] {strides = array<i32>} : memref<50176xi32, #tpu.memory_space<vmem>>, vector<16xi32>,
        %add3A_1456 = arith.constant 896 : i32
        %add3A_1457 = arith.addi %mul3A_359, %add3A_1456 : i32
        %add3A_1458 = arith.constant 160 : i32
        %add3A_1459 = arith.addi %add3A_1457, %add3A_1458 : i32
        %get3A_1460 = arith.index_cast %add3A_1459 : i32 to index
        %get3A_1461 = tpu.vector_load %arg5[%get3A_1460] {strides = array<i32>} : memref<50176xi32, #tpu.memory_space<vmem>>, vector<16xi32>,
        %add3A_1462 = arith.constant 896 : i32
        %add3A_1463 = arith.addi %mul3A_359, %add3A_1462 : i32
        %add3A_1464 = arith.constant 176 : i32
        %add3A_1465 = arith.addi %add3A_1463, %add3A_1464 : i32
        %get3A_1466 = arith.index_cast %add3A_1465 : i32 to index
        %get3A_1467 = tpu.vector_load %arg5[%get3A_1466] {strides = array<i32>} : memref<50176xi32, #tpu.memory_space<vmem>>, vector<16xi32>,
        %add3A_1468 = arith.constant 896 : i32
        %add3A_1469 = arith.addi %mul3A_359, %add3A_1468 : i32
        %add3A_1470 = arith.constant 192 : i32
        %add3A_1471 = arith.addi %add3A_1469, %add3A_1470 : i32
        %get3A_1472 = arith.index_cast %add3A_1471 : i32 to index
        %get3A_1473 = tpu.vector_load %arg5[%get3A_1472] {strides = array<i32>} : memref<50176xi32, #tpu.memory_space<vmem>>, vector<16xi32>,
        %add3A_1474 = arith.constant 896 : i32
        %add3A_1475 = arith.addi %mul3A_359, %add3A_1474 : i32
        %add3A_1476 = arith.constant 208 : i32
        %add3A_1477 = arith.addi %add3A_1475, %add3A_1476 : i32
        %get3A_1478 = arith.index_cast %add3A_1477 : i32 to index
        %get3A_1479 = tpu.vector_load %arg5[%get3A_1478] {strides = array<i32>} : memref<50176xi32, #tpu.memory_space<vmem>>, vector<16xi32>,
        %add3A_1480 = arith.constant 1120 : i32
        %add3A_1481 = arith.addi %mul3A_359, %add3A_1480 : i32
        %add3A_1482 = arith.constant 0 : i32
        %add3A_1483 = arith.addi %add3A_1481, %add3A_1482 : i32
        %get3A_1484 = arith.index_cast %add3A_1483 : i32 to index
        %get3A_1485 = tpu.vector_load %arg5[%get3A_1484] {strides = array<i32>} : memref<50176xi32, #tpu.memory_space<vmem>>, vector<16xi32>,
        %add3A_1486 = arith.constant 1120 : i32
        %add3A_1487 = arith.addi %mul3A_359, %add3A_1486 : i32
        %add3A_1488 = arith.constant 16 : i32
        %add3A_1489 = arith.addi %add3A_1487, %add3A_1488 : i32
        %get3A_1490 = arith.index_cast %add3A_1489 : i32 to index
        %get3A_1491 = tpu.vector_load %arg5[%get3A_1490] {strides = array<i32>} : memref<50176xi32, #tpu.memory_space<vmem>>, vector<16xi32>,
        %shift_right_logical3A_1492 = arith.constant 8 : i32
        %shift_right_logical3A_1493 = vector.broadcast %shift_right_logical3A_1492 : i32 to vector<16xi32>
        %shift_right_logical3A_1494 = arith.shrui %get3A_1449, %shift_right_logical3A_1493 : vector<16xi32>
        %shift_right_logical3A_1495 = arith.constant 8 : i32
        %shift_right_logical3A_1496 = vector.broadcast %shift_right_logical3A_1495 : i32 to vector<16xi32>
        %shift_right_logical3A_1497 = arith.shrui %get3A_1455, %shift_right_logical3A_1496 : vector<16xi32>
        %shift_right_logical3A_1498 = arith.constant 8 : i32
        %shift_right_logical3A_1499 = vector.broadcast %shift_right_logical3A_1498 : i32 to vector<16xi32>
        %shift_right_logical3A_1500 = arith.shrui %get3A_1461, %shift_right_logical3A_1499 : vector<16xi32>
        %shift_right_logical3A_1501 = arith.constant 8 : i32
        %shift_right_logical3A_1502 = vector.broadcast %shift_right_logical3A_1501 : i32 to vector<16xi32>
        %shift_right_logical3A_1503 = arith.shrui %get3A_1467, %shift_right_logical3A_1502 : vector<16xi32>
        %shift_right_logical3A_1504 = arith.constant 8 : i32
        %shift_right_logical3A_1505 = vector.broadcast %shift_right_logical3A_1504 : i32 to vector<16xi32>
        %shift_right_logical3A_1506 = arith.shrui %get3A_1473, %shift_right_logical3A_1505 : vector<16xi32>
        %shift_right_logical3A_1507 = arith.constant 8 : i32
        %shift_right_logical3A_1508 = vector.broadcast %shift_right_logical3A_1507 : i32 to vector<16xi32>
        %shift_right_logical3A_1509 = arith.shrui %get3A_1479, %shift_right_logical3A_1508 : vector<16xi32>
        %shift_right_logical3A_1510 = arith.constant 8 : i32
        %shift_right_logical3A_1511 = vector.broadcast %shift_right_logical3A_1510 : i32 to vector<16xi32>
        %shift_right_logical3A_1512 = arith.shrui %get3A_1485, %shift_right_logical3A_1511 : vector<16xi32>
        %shift_right_logical3A_1513 = arith.constant 8 : i32
        %shift_right_logical3A_1514 = vector.broadcast %shift_right_logical3A_1513 : i32 to vector<16xi32>
        %shift_right_logical3A_1515 = arith.shrui %get3A_1491, %shift_right_logical3A_1514 : vector<16xi32>
        %and3A_1516 = arith.constant 255 : i32
        %and3A_1517 = vector.broadcast %and3A_1516 : i32 to vector<16xi32>
        %and3A_1518 = arith.andi %get3A_1449, %and3A_1517 : vector<16xi32>
        %and3A_1519 = arith.constant 255 : i32
        %and3A_1520 = vector.broadcast %and3A_1519 : i32 to vector<16xi32>
        %and3A_1521 = arith.andi %get3A_1455, %and3A_1520 : vector<16xi32>
        %and3A_1522 = arith.constant 255 : i32
        %and3A_1523 = vector.broadcast %and3A_1522 : i32 to vector<16xi32>
        %and3A_1524 = arith.andi %get3A_1461, %and3A_1523 : vector<16xi32>
        %and3A_1525 = arith.constant 255 : i32
        %and3A_1526 = vector.broadcast %and3A_1525 : i32 to vector<16xi32>
        %and3A_1527 = arith.andi %get3A_1467, %and3A_1526 : vector<16xi32>
        %and3A_1528 = arith.constant 255 : i32
        %and3A_1529 = vector.broadcast %and3A_1528 : i32 to vector<16xi32>
        %and3A_1530 = arith.andi %get3A_1473, %and3A_1529 : vector<16xi32>
        %and3A_1531 = arith.constant 255 : i32
        %and3A_1532 = vector.broadcast %and3A_1531 : i32 to vector<16xi32>
        %and3A_1533 = arith.andi %get3A_1479, %and3A_1532 : vector<16xi32>
        %and3A_1534 = arith.constant 255 : i32
        %and3A_1535 = vector.broadcast %and3A_1534 : i32 to vector<16xi32>
        %and3A_1536 = arith.andi %get3A_1485, %and3A_1535 : vector<16xi32>
        %and3A_1537 = arith.constant 255 : i32
        %and3A_1538 = vector.broadcast %and3A_1537 : i32 to vector<16xi32>
        %and3A_1539 = arith.andi %get3A_1491, %and3A_1538 : vector<16xi32>
        %gather3A_1540 = tpu.vector_load_idx %arg6[%shift_right_logical3A_1494, %and3A_1518] : memref<224x224xf32, #tpu.memory_space<vmem>>[vector<16xi32>, vector<16xi32>], vector<16xf32>,
        %gather3A_1541 = tpu.vector_load_idx %arg6[%shift_right_logical3A_1497, %and3A_1521] : memref<224x224xf32, #tpu.memory_space<vmem>>[vector<16xi32>, vector<16xi32>], vector<16xf32>,
        %gather3A_1542 = tpu.vector_load_idx %arg6[%shift_right_logical3A_1500, %and3A_1524] : memref<224x224xf32, #tpu.memory_space<vmem>>[vector<16xi32>, vector<16xi32>], vector<16xf32>,
        %gather3A_1543 = tpu.vector_load_idx %arg6[%shift_right_logical3A_1503, %and3A_1527] : memref<224x224xf32, #tpu.memory_space<vmem>>[vector<16xi32>, vector<16xi32>], vector<16xf32>,
        %gather3A_1544 = tpu.vector_load_idx %arg6[%shift_right_logical3A_1506, %and3A_1530] : memref<224x224xf32, #tpu.memory_space<vmem>>[vector<16xi32>, vector<16xi32>], vector<16xf32>,
        %gather3A_1545 = tpu.vector_load_idx %arg6[%shift_right_logical3A_1509, %and3A_1533] : memref<224x224xf32, #tpu.memory_space<vmem>>[vector<16xi32>, vector<16xi32>], vector<16xf32>,
        %gather3A_1546 = tpu.vector_load_idx %arg6[%shift_right_logical3A_1512, %and3A_1536] : memref<224x224xf32, #tpu.memory_space<vmem>>[vector<16xi32>, vector<16xi32>], vector<16xf32>,
        %gather3A_1547 = tpu.vector_load_idx %arg6[%shift_right_logical3A_1515, %and3A_1539] : memref<224x224xf32, #tpu.memory_space<vmem>>[vector<16xi32>, vector<16xi32>], vector<16xf32>,
        %swap3A_1548 = arith.constant 4 : i32
        %swap3A_1549 = arith.index_cast %swap3A_1548 : i32 to index
        %swap3A_1550 = arith.constant 128 : index
        %swap3A_1551 = tpu.vector_load %arg7[%swap3A_1549, %swap3A_1550] {strides = array<i32>} : memref<8x224xf32, #tpu.memory_space<vmem>>, vector<16xf32>,
        tpu.vector_store %arg7[%swap3A_1549, %swap3A_1550], %gather3A_1540 {strides = array<i32>} : memref<8x224xf32, #tpu.memory_space<vmem>>, vector<16xf32>,
        %swap3A_1552 = arith.constant 4 : i32
        %swap3A_1553 = arith.index_cast %swap3A_1552 : i32 to index
        %swap3A_1554 = arith.constant 144 : index
        %swap3A_1555 = tpu.vector_load %arg7[%swap3A_1553, %swap3A_1554] {strides = array<i32>} : memref<8x224xf32, #tpu.memory_space<vmem>>, vector<16xf32>,
        tpu.vector_store %arg7[%swap3A_1553, %swap3A_1554], %gather3A_1541 {strides = array<i32>} : memref<8x224xf32, #tpu.memory_space<vmem>>, vector<16xf32>,
        %swap3A_1556 = arith.constant 4 : i32
        %swap3A_1557 = arith.index_cast %swap3A_1556 : i32 to index
        %swap3A_1558 = arith.constant 160 : index
        %swap3A_1559 = tpu.vector_load %arg7[%swap3A_1557, %swap3A_1558] {strides = array<i32>} : memref<8x224xf32, #tpu.memory_space<vmem>>, vector<16xf32>,
        tpu.vector_store %arg7[%swap3A_1557, %swap3A_1558], %gather3A_1542 {strides = array<i32>} : memref<8x224xf32, #tpu.memory_space<vmem>>, vector<16xf32>,
        %swap3A_1560 = arith.constant 4 : i32
        %swap3A_1561 = arith.index_cast %swap3A_1560 : i32 to index
        %swap3A_1562 = arith.constant 176 : index
        %swap3A_1563 = tpu.vector_load %arg7[%swap3A_1561, %swap3A_1562] {strides = array<i32>} : memref<8x224xf32, #tpu.memory_space<vmem>>, vector<16xf32>,
        tpu.vector_store %arg7[%swap3A_1561, %swap3A_1562], %gather3A_1543 {strides = array<i32>} : memref<8x224xf32, #tpu.memory_space<vmem>>, vector<16xf32>,
        %swap3A_1564 = arith.constant 4 : i32
        %swap3A_1565 = arith.index_cast %swap3A_1564 : i32 to index
        %swap3A_1566 = arith.constant 192 : index
        %swap3A_1567 = tpu.vector_load %arg7[%swap3A_1565, %swap3A_1566] {strides = array<i32>} : memref<8x224xf32, #tpu.memory_space<vmem>>, vector<16xf32>,
        tpu.vector_store %arg7[%swap3A_1565, %swap3A_1566], %gather3A_1544 {strides = array<i32>} : memref<8x224xf32, #tpu.memory_space<vmem>>, vector<16xf32>,
        %swap3A_1568 = arith.constant 4 : i32
        %swap3A_1569 = arith.index_cast %swap3A_1568 : i32 to index
        %swap3A_1570 = arith.constant 208 : index
        %swap3A_1571 = tpu.vector_load %arg7[%swap3A_1569, %swap3A_1570] {strides = array<i32>} : memref<8x224xf32, #tpu.memory_space<vmem>>, vector<16xf32>,
        tpu.vector_store %arg7[%swap3A_1569, %swap3A_1570], %gather3A_1545 {strides = array<i32>} : memref<8x224xf32, #tpu.memory_space<vmem>>, vector<16xf32>,
        %swap3A_1572 = arith.constant 5 : i32
        %swap3A_1573 = arith.index_cast %swap3A_1572 : i32 to index
        %swap3A_1574 = arith.constant 0 : index
        %swap3A_1575 = tpu.vector_load %arg7[%swap3A_1573, %swap3A_1574] {strides = array<i32>} : memref<8x224xf32, #tpu.memory_space<vmem>>, vector<16xf32>,
        tpu.vector_store %arg7[%swap3A_1573, %swap3A_1574], %gather3A_1546 {strides = array<i32>} : memref<8x224xf32, #tpu.memory_space<vmem>>, vector<16xf32>,
        %swap3A_1576 = arith.constant 5 : i32
        %swap3A_1577 = arith.index_cast %swap3A_1576 : i32 to index
        %swap3A_1578 = arith.constant 16 : index
        %swap3A_1579 = tpu.vector_load %arg7[%swap3A_1577, %swap3A_1578] {strides = array<i32>} : memref<8x224xf32, #tpu.memory_space<vmem>>, vector<16xf32>,
        tpu.vector_store %arg7[%swap3A_1577, %swap3A_1578], %gather3A_1547 {strides = array<i32>} : memref<8x224xf32, #tpu.memory_space<vmem>>, vector<16xf32>,
        %add3A_1580 = arith.constant 1120 : i32
        %add3A_1581 = arith.addi %mul3A_359, %add3A_1580 : i32
        %add3A_1582 = arith.constant 32 : i32
        %add3A_1583 = arith.addi %add3A_1581, %add3A_1582 : i32
        %get3A_1584 = arith.index_cast %add3A_1583 : i32 to index
        %get3A_1585 = tpu.vector_load %arg5[%get3A_1584] {strides = array<i32>} : memref<50176xi32, #tpu.memory_space<vmem>>, vector<16xi32>,
        %add3A_1586 = arith.constant 1120 : i32
        %add3A_1587 = arith.addi %mul3A_359, %add3A_1586 : i32
        %add3A_1588 = arith.constant 48 : i32
        %add3A_1589 = arith.addi %add3A_1587, %add3A_1588 : i32
        %get3A_1590 = arith.index_cast %add3A_1589 : i32 to index
        %get3A_1591 = tpu.vector_load %arg5[%get3A_1590] {strides = array<i32>} : memref<50176xi32, #tpu.memory_space<vmem>>, vector<16xi32>,
        %add3A_1592 = arith.constant 1120 : i32
        %add3A_1593 = arith.addi %mul3A_359, %add3A_1592 : i32
        %add3A_1594 = arith.constant 64 : i32
        %add3A_1595 = arith.addi %add3A_1593, %add3A_1594 : i32
        %get3A_1596 = arith.index_cast %add3A_1595 : i32 to index
        %get3A_1597 = tpu.vector_load %arg5[%get3A_1596] {strides = array<i32>} : memref<50176xi32, #tpu.memory_space<vmem>>, vector<16xi32>,
        %add3A_1598 = arith.constant 1120 : i32
        %add3A_1599 = arith.addi %mul3A_359, %add3A_1598 : i32
        %add3A_1600 = arith.constant 80 : i32
        %add3A_1601 = arith.addi %add3A_1599, %add3A_1600 : i32
        %get3A_1602 = arith.index_cast %add3A_1601 : i32 to index
        %get3A_1603 = tpu.vector_load %arg5[%get3A_1602] {strides = array<i32>} : memref<50176xi32, #tpu.memory_space<vmem>>, vector<16xi32>,
        %add3A_1604 = arith.constant 1120 : i32
        %add3A_1605 = arith.addi %mul3A_359, %add3A_1604 : i32
        %add3A_1606 = arith.constant 96 : i32
        %add3A_1607 = arith.addi %add3A_1605, %add3A_1606 : i32
        %get3A_1608 = arith.index_cast %add3A_1607 : i32 to index
        %get3A_1609 = tpu.vector_load %arg5[%get3A_1608] {strides = array<i32>} : memref<50176xi32, #tpu.memory_space<vmem>>, vector<16xi32>,
        %add3A_1610 = arith.constant 1120 : i32
        %add3A_1611 = arith.addi %mul3A_359, %add3A_1610 : i32
        %add3A_1612 = arith.constant 112 : i32
        %add3A_1613 = arith.addi %add3A_1611, %add3A_1612 : i32
        %get3A_1614 = arith.index_cast %add3A_1613 : i32 to index
        %get3A_1615 = tpu.vector_load %arg5[%get3A_1614] {strides = array<i32>} : memref<50176xi32, #tpu.memory_space<vmem>>, vector<16xi32>,
        %add3A_1616 = arith.constant 1120 : i32
        %add3A_1617 = arith.addi %mul3A_359, %add3A_1616 : i32
        %add3A_1618 = arith.constant 128 : i32
        %add3A_1619 = arith.addi %add3A_1617, %add3A_1618 : i32
        %get3A_1620 = arith.index_cast %add3A_1619 : i32 to index
        %get3A_1621 = tpu.vector_load %arg5[%get3A_1620] {strides = array<i32>} : memref<50176xi32, #tpu.memory_space<vmem>>, vector<16xi32>,
        %add3A_1622 = arith.constant 1120 : i32
        %add3A_1623 = arith.addi %mul3A_359, %add3A_1622 : i32
        %add3A_1624 = arith.constant 144 : i32
        %add3A_1625 = arith.addi %add3A_1623, %add3A_1624 : i32
        %get3A_1626 = arith.index_cast %add3A_1625 : i32 to index
        %get3A_1627 = tpu.vector_load %arg5[%get3A_1626] {strides = array<i32>} : memref<50176xi32, #tpu.memory_space<vmem>>, vector<16xi32>,
        %shift_right_logical3A_1628 = arith.constant 8 : i32
        %shift_right_logical3A_1629 = vector.broadcast %shift_right_logical3A_1628 : i32 to vector<16xi32>
        %shift_right_logical3A_1630 = arith.shrui %get3A_1585, %shift_right_logical3A_1629 : vector<16xi32>
        %shift_right_logical3A_1631 = arith.constant 8 : i32
        %shift_right_logical3A_1632 = vector.broadcast %shift_right_logical3A_1631 : i32 to vector<16xi32>
        %shift_right_logical3A_1633 = arith.shrui %get3A_1591, %shift_right_logical3A_1632 : vector<16xi32>
        %shift_right_logical3A_1634 = arith.constant 8 : i32
        %shift_right_logical3A_1635 = vector.broadcast %shift_right_logical3A_1634 : i32 to vector<16xi32>
        %shift_right_logical3A_1636 = arith.shrui %get3A_1597, %shift_right_logical3A_1635 : vector<16xi32>
        %shift_right_logical3A_1637 = arith.constant 8 : i32
        %shift_right_logical3A_1638 = vector.broadcast %shift_right_logical3A_1637 : i32 to vector<16xi32>
        %shift_right_logical3A_1639 = arith.shrui %get3A_1603, %shift_right_logical3A_1638 : vector<16xi32>
        %shift_right_logical3A_1640 = arith.constant 8 : i32
        %shift_right_logical3A_1641 = vector.broadcast %shift_right_logical3A_1640 : i32 to vector<16xi32>
        %shift_right_logical3A_1642 = arith.shrui %get3A_1609, %shift_right_logical3A_1641 : vector<16xi32>
        %shift_right_logical3A_1643 = arith.constant 8 : i32
        %shift_right_logical3A_1644 = vector.broadcast %shift_right_logical3A_1643 : i32 to vector<16xi32>
        %shift_right_logical3A_1645 = arith.shrui %get3A_1615, %shift_right_logical3A_1644 : vector<16xi32>
        %shift_right_logical3A_1646 = arith.constant 8 : i32
        %shift_right_logical3A_1647 = vector.broadcast %shift_right_logical3A_1646 : i32 to vector<16xi32>
        %shift_right_logical3A_1648 = arith.shrui %get3A_1621, %shift_right_logical3A_1647 : vector<16xi32>
        %shift_right_logical3A_1649 = arith.constant 8 : i32
        %shift_right_logical3A_1650 = vector.broadcast %shift_right_logical3A_1649 : i32 to vector<16xi32>
        %shift_right_logical3A_1651 = arith.shrui %get3A_1627, %shift_right_logical3A_1650 : vector<16xi32>
        %and3A_1652 = arith.constant 255 : i32
        %and3A_1653 = vector.broadcast %and3A_1652 : i32 to vector<16xi32>
        %and3A_1654 = arith.andi %get3A_1585, %and3A_1653 : vector<16xi32>
        %and3A_1655 = arith.constant 255 : i32
        %and3A_1656 = vector.broadcast %and3A_1655 : i32 to vector<16xi32>
        %and3A_1657 = arith.andi %get3A_1591, %and3A_1656 : vector<16xi32>
        %and3A_1658 = arith.constant 255 : i32
        %and3A_1659 = vector.broadcast %and3A_1658 : i32 to vector<16xi32>
        %and3A_1660 = arith.andi %get3A_1597, %and3A_1659 : vector<16xi32>
        %and3A_1661 = arith.constant 255 : i32
        %and3A_1662 = vector.broadcast %and3A_1661 : i32 to vector<16xi32>
        %and3A_1663 = arith.andi %get3A_1603, %and3A_1662 : vector<16xi32>
        %and3A_1664 = arith.constant 255 : i32
        %and3A_1665 = vector.broadcast %and3A_1664 : i32 to vector<16xi32>
        %and3A_1666 = arith.andi %get3A_1609, %and3A_1665 : vector<16xi32>
        %and3A_1667 = arith.constant 255 : i32
        %and3A_1668 = vector.broadcast %and3A_1667 : i32 to vector<16xi32>
        %and3A_1669 = arith.andi %get3A_1615, %and3A_1668 : vector<16xi32>
        %and3A_1670 = arith.constant 255 : i32
        %and3A_1671 = vector.broadcast %and3A_1670 : i32 to vector<16xi32>
        %and3A_1672 = arith.andi %get3A_1621, %and3A_1671 : vector<16xi32>
        %and3A_1673 = arith.constant 255 : i32
        %and3A_1674 = vector.broadcast %and3A_1673 : i32 to vector<16xi32>
        %and3A_1675 = arith.andi %get3A_1627, %and3A_1674 : vector<16xi32>
        %gather3A_1676 = tpu.vector_load_idx %arg6[%shift_right_logical3A_1630, %and3A_1654] : memref<224x224xf32, #tpu.memory_space<vmem>>[vector<16xi32>, vector<16xi32>], vector<16xf32>,
        %gather3A_1677 = tpu.vector_load_idx %arg6[%shift_right_logical3A_1633, %and3A_1657] : memref<224x224xf32, #tpu.memory_space<vmem>>[vector<16xi32>, vector<16xi32>], vector<16xf32>,
        %gather3A_1678 = tpu.vector_load_idx %arg6[%shift_right_logical3A_1636, %and3A_1660] : memref<224x224xf32, #tpu.memory_space<vmem>>[vector<16xi32>, vector<16xi32>], vector<16xf32>,
        %gather3A_1679 = tpu.vector_load_idx %arg6[%shift_right_logical3A_1639, %and3A_1663] : memref<224x224xf32, #tpu.memory_space<vmem>>[vector<16xi32>, vector<16xi32>], vector<16xf32>,
        %gather3A_1680 = tpu.vector_load_idx %arg6[%shift_right_logical3A_1642, %and3A_1666] : memref<224x224xf32, #tpu.memory_space<vmem>>[vector<16xi32>, vector<16xi32>], vector<16xf32>,
        %gather3A_1681 = tpu.vector_load_idx %arg6[%shift_right_logical3A_1645, %and3A_1669] : memref<224x224xf32, #tpu.memory_space<vmem>>[vector<16xi32>, vector<16xi32>], vector<16xf32>,
        %gather3A_1682 = tpu.vector_load_idx %arg6[%shift_right_logical3A_1648, %and3A_1672] : memref<224x224xf32, #tpu.memory_space<vmem>>[vector<16xi32>, vector<16xi32>], vector<16xf32>,
        %gather3A_1683 = tpu.vector_load_idx %arg6[%shift_right_logical3A_1651, %and3A_1675] : memref<224x224xf32, #tpu.memory_space<vmem>>[vector<16xi32>, vector<16xi32>], vector<16xf32>,
        %swap3A_1684 = arith.constant 5 : i32
        %swap3A_1685 = arith.index_cast %swap3A_1684 : i32 to index
        %swap3A_1686 = arith.constant 32 : index
        %swap3A_1687 = tpu.vector_load %arg7[%swap3A_1685, %swap3A_1686] {strides = array<i32>} : memref<8x224xf32, #tpu.memory_space<vmem>>, vector<16xf32>,
        tpu.vector_store %arg7[%swap3A_1685, %swap3A_1686], %gather3A_1676 {strides = array<i32>} : memref<8x224xf32, #tpu.memory_space<vmem>>, vector<16xf32>,
        %swap3A_1688 = arith.constant 5 : i32
        %swap3A_1689 = arith.index_cast %swap3A_1688 : i32 to index
        %swap3A_1690 = arith.constant 48 : index
        %swap3A_1691 = tpu.vector_load %arg7[%swap3A_1689, %swap3A_1690] {strides = array<i32>} : memref<8x224xf32, #tpu.memory_space<vmem>>, vector<16xf32>,
        tpu.vector_store %arg7[%swap3A_1689, %swap3A_1690], %gather3A_1677 {strides = array<i32>} : memref<8x224xf32, #tpu.memory_space<vmem>>, vector<16xf32>,
        %swap3A_1692 = arith.constant 5 : i32
        %swap3A_1693 = arith.index_cast %swap3A_1692 : i32 to index
        %swap3A_1694 = arith.constant 64 : index
        %swap3A_1695 = tpu.vector_load %arg7[%swap3A_1693, %swap3A_1694] {strides = array<i32>} : memref<8x224xf32, #tpu.memory_space<vmem>>, vector<16xf32>,
        tpu.vector_store %arg7[%swap3A_1693, %swap3A_1694], %gather3A_1678 {strides = array<i32>} : memref<8x224xf32, #tpu.memory_space<vmem>>, vector<16xf32>,
        %swap3A_1696 = arith.constant 5 : i32
        %swap3A_1697 = arith.index_cast %swap3A_1696 : i32 to index
        %swap3A_1698 = arith.constant 80 : index
        %swap3A_1699 = tpu.vector_load %arg7[%swap3A_1697, %swap3A_1698] {strides = array<i32>} : memref<8x224xf32, #tpu.memory_space<vmem>>, vector<16xf32>,
        tpu.vector_store %arg7[%swap3A_1697, %swap3A_1698], %gather3A_1679 {strides = array<i32>} : memref<8x224xf32, #tpu.memory_space<vmem>>, vector<16xf32>,
        %swap3A_1700 = arith.constant 5 : i32
        %swap3A_1701 = arith.index_cast %swap3A_1700 : i32 to index
        %swap3A_1702 = arith.constant 96 : index
        %swap3A_1703 = tpu.vector_load %arg7[%swap3A_1701, %swap3A_1702] {strides = array<i32>} : memref<8x224xf32, #tpu.memory_space<vmem>>, vector<16xf32>,
        tpu.vector_store %arg7[%swap3A_1701, %swap3A_1702], %gather3A_1680 {strides = array<i32>} : memref<8x224xf32, #tpu.memory_space<vmem>>, vector<16xf32>,
        %swap3A_1704 = arith.constant 5 : i32
        %swap3A_1705 = arith.index_cast %swap3A_1704 : i32 to index
        %swap3A_1706 = arith.constant 112 : index
        %swap3A_1707 = tpu.vector_load %arg7[%swap3A_1705, %swap3A_1706] {strides = array<i32>} : memref<8x224xf32, #tpu.memory_space<vmem>>, vector<16xf32>,
        tpu.vector_store %arg7[%swap3A_1705, %swap3A_1706], %gather3A_1681 {strides = array<i32>} : memref<8x224xf32, #tpu.memory_space<vmem>>, vector<16xf32>,
        %swap3A_1708 = arith.constant 5 : i32
        %swap3A_1709 = arith.index_cast %swap3A_1708 : i32 to index
        %swap3A_1710 = arith.constant 128 : index
        %swap3A_1711 = tpu.vector_load %arg7[%swap3A_1709, %swap3A_1710] {strides = array<i32>} : memref<8x224xf32, #tpu.memory_space<vmem>>, vector<16xf32>,
        tpu.vector_store %arg7[%swap3A_1709, %swap3A_1710], %gather3A_1682 {strides = array<i32>} : memref<8x224xf32, #tpu.memory_space<vmem>>, vector<16xf32>,
        %swap3A_1712 = arith.constant 5 : i32
        %swap3A_1713 = arith.index_cast %swap3A_1712 : i32 to index
        %swap3A_1714 = arith.constant 144 : index
        %swap3A_1715 = tpu.vector_load %arg7[%swap3A_1713, %swap3A_1714] {strides = array<i32>} : memref<8x224xf32, #tpu.memory_space<vmem>>, vector<16xf32>,
        tpu.vector_store %arg7[%swap3A_1713, %swap3A_1714], %gather3A_1683 {strides = array<i32>} : memref<8x224xf32, #tpu.memory_space<vmem>>, vector<16xf32>,
        %add3A_1716 = arith.constant 1120 : i32
        %add3A_1717 = arith.addi %mul3A_359, %add3A_1716 : i32
        %add3A_1718 = arith.constant 160 : i32
        %add3A_1719 = arith.addi %add3A_1717, %add3A_1718 : i32
        %get3A_1720 = arith.index_cast %add3A_1719 : i32 to index
        %get3A_1721 = tpu.vector_load %arg5[%get3A_1720] {strides = array<i32>} : memref<50176xi32, #tpu.memory_space<vmem>>, vector<16xi32>,
        %add3A_1722 = arith.constant 1120 : i32
        %add3A_1723 = arith.addi %mul3A_359, %add3A_1722 : i32
        %add3A_1724 = arith.constant 176 : i32
        %add3A_1725 = arith.addi %add3A_1723, %add3A_1724 : i32
        %get3A_1726 = arith.index_cast %add3A_1725 : i32 to index
        %get3A_1727 = tpu.vector_load %arg5[%get3A_1726] {strides = array<i32>} : memref<50176xi32, #tpu.memory_space<vmem>>, vector<16xi32>,
        %add3A_1728 = arith.constant 1120 : i32
        %add3A_1729 = arith.addi %mul3A_359, %add3A_1728 : i32
        %add3A_1730 = arith.constant 192 : i32
        %add3A_1731 = arith.addi %add3A_1729, %add3A_1730 : i32
        %get3A_1732 = arith.index_cast %add3A_1731 : i32 to index
        %get3A_1733 = tpu.vector_load %arg5[%get3A_1732] {strides = array<i32>} : memref<50176xi32, #tpu.memory_space<vmem>>, vector<16xi32>,
        %add3A_1734 = arith.constant 1120 : i32
        %add3A_1735 = arith.addi %mul3A_359, %add3A_1734 : i32
        %add3A_1736 = arith.constant 208 : i32
        %add3A_1737 = arith.addi %add3A_1735, %add3A_1736 : i32
        %get3A_1738 = arith.index_cast %add3A_1737 : i32 to index
        %get3A_1739 = tpu.vector_load %arg5[%get3A_1738] {strides = array<i32>} : memref<50176xi32, #tpu.memory_space<vmem>>, vector<16xi32>,
        %add3A_1740 = arith.constant 1344 : i32
        %add3A_1741 = arith.addi %mul3A_359, %add3A_1740 : i32
        %add3A_1742 = arith.constant 0 : i32
        %add3A_1743 = arith.addi %add3A_1741, %add3A_1742 : i32
        %get3A_1744 = arith.index_cast %add3A_1743 : i32 to index
        %get3A_1745 = tpu.vector_load %arg5[%get3A_1744] {strides = array<i32>} : memref<50176xi32, #tpu.memory_space<vmem>>, vector<16xi32>,
        %add3A_1746 = arith.constant 1344 : i32
        %add3A_1747 = arith.addi %mul3A_359, %add3A_1746 : i32
        %add3A_1748 = arith.constant 16 : i32
        %add3A_1749 = arith.addi %add3A_1747, %add3A_1748 : i32
        %get3A_1750 = arith.index_cast %add3A_1749 : i32 to index
        %get3A_1751 = tpu.vector_load %arg5[%get3A_1750] {strides = array<i32>} : memref<50176xi32, #tpu.memory_space<vmem>>, vector<16xi32>,
        %add3A_1752 = arith.constant 1344 : i32
        %add3A_1753 = arith.addi %mul3A_359, %add3A_1752 : i32
        %add3A_1754 = arith.constant 32 : i32
        %add3A_1755 = arith.addi %add3A_1753, %add3A_1754 : i32
        %get3A_1756 = arith.index_cast %add3A_1755 : i32 to index
        %get3A_1757 = tpu.vector_load %arg5[%get3A_1756] {strides = array<i32>} : memref<50176xi32, #tpu.memory_space<vmem>>, vector<16xi32>,
        %add3A_1758 = arith.constant 1344 : i32
        %add3A_1759 = arith.addi %mul3A_359, %add3A_1758 : i32
        %add3A_1760 = arith.constant 48 : i32
        %add3A_1761 = arith.addi %add3A_1759, %add3A_1760 : i32
        %get3A_1762 = arith.index_cast %add3A_1761 : i32 to index
        %get3A_1763 = tpu.vector_load %arg5[%get3A_1762] {strides = array<i32>} : memref<50176xi32, #tpu.memory_space<vmem>>, vector<16xi32>,
        %shift_right_logical3A_1764 = arith.constant 8 : i32
        %shift_right_logical3A_1765 = vector.broadcast %shift_right_logical3A_1764 : i32 to vector<16xi32>
        %shift_right_logical3A_1766 = arith.shrui %get3A_1721, %shift_right_logical3A_1765 : vector<16xi32>
        %shift_right_logical3A_1767 = arith.constant 8 : i32
        %shift_right_logical3A_1768 = vector.broadcast %shift_right_logical3A_1767 : i32 to vector<16xi32>
        %shift_right_logical3A_1769 = arith.shrui %get3A_1727, %shift_right_logical3A_1768 : vector<16xi32>
        %shift_right_logical3A_1770 = arith.constant 8 : i32
        %shift_right_logical3A_1771 = vector.broadcast %shift_right_logical3A_1770 : i32 to vector<16xi32>
        %shift_right_logical3A_1772 = arith.shrui %get3A_1733, %shift_right_logical3A_1771 : vector<16xi32>
        %shift_right_logical3A_1773 = arith.constant 8 : i32
        %shift_right_logical3A_1774 = vector.broadcast %shift_right_logical3A_1773 : i32 to vector<16xi32>
        %shift_right_logical3A_1775 = arith.shrui %get3A_1739, %shift_right_logical3A_1774 : vector<16xi32>
        %shift_right_logical3A_1776 = arith.constant 8 : i32
        %shift_right_logical3A_1777 = vector.broadcast %shift_right_logical3A_1776 : i32 to vector<16xi32>
        %shift_right_logical3A_1778 = arith.shrui %get3A_1745, %shift_right_logical3A_1777 : vector<16xi32>
        %shift_right_logical3A_1779 = arith.constant 8 : i32
        %shift_right_logical3A_1780 = vector.broadcast %shift_right_logical3A_1779 : i32 to vector<16xi32>
        %shift_right_logical3A_1781 = arith.shrui %get3A_1751, %shift_right_logical3A_1780 : vector<16xi32>
        %shift_right_logical3A_1782 = arith.constant 8 : i32
        %shift_right_logical3A_1783 = vector.broadcast %shift_right_logical3A_1782 : i32 to vector<16xi32>
        %shift_right_logical3A_1784 = arith.shrui %get3A_1757, %shift_right_logical3A_1783 : vector<16xi32>
        %shift_right_logical3A_1785 = arith.constant 8 : i32
        %shift_right_logical3A_1786 = vector.broadcast %shift_right_logical3A_1785 : i32 to vector<16xi32>
        %shift_right_logical3A_1787 = arith.shrui %get3A_1763, %shift_right_logical3A_1786 : vector<16xi32>
        %and3A_1788 = arith.constant 255 : i32
        %and3A_1789 = vector.broadcast %and3A_1788 : i32 to vector<16xi32>
        %and3A_1790 = arith.andi %get3A_1721, %and3A_1789 : vector<16xi32>
        %and3A_1791 = arith.constant 255 : i32
        %and3A_1792 = vector.broadcast %and3A_1791 : i32 to vector<16xi32>
        %and3A_1793 = arith.andi %get3A_1727, %and3A_1792 : vector<16xi32>
        %and3A_1794 = arith.constant 255 : i32
        %and3A_1795 = vector.broadcast %and3A_1794 : i32 to vector<16xi32>
        %and3A_1796 = arith.andi %get3A_1733, %and3A_1795 : vector<16xi32>
        %and3A_1797 = arith.constant 255 : i32
        %and3A_1798 = vector.broadcast %and3A_1797 : i32 to vector<16xi32>
        %and3A_1799 = arith.andi %get3A_1739, %and3A_1798 : vector<16xi32>
        %and3A_1800 = arith.constant 255 : i32
        %and3A_1801 = vector.broadcast %and3A_1800 : i32 to vector<16xi32>
        %and3A_1802 = arith.andi %get3A_1745, %and3A_1801 : vector<16xi32>
        %and3A_1803 = arith.constant 255 : i32
        %and3A_1804 = vector.broadcast %and3A_1803 : i32 to vector<16xi32>
        %and3A_1805 = arith.andi %get3A_1751, %and3A_1804 : vector<16xi32>
        %and3A_1806 = arith.constant 255 : i32
        %and3A_1807 = vector.broadcast %and3A_1806 : i32 to vector<16xi32>
        %and3A_1808 = arith.andi %get3A_1757, %and3A_1807 : vector<16xi32>
        %and3A_1809 = arith.constant 255 : i32
        %and3A_1810 = vector.broadcast %and3A_1809 : i32 to vector<16xi32>
        %and3A_1811 = arith.andi %get3A_1763, %and3A_1810 : vector<16xi32>
        %gather3A_1812 = tpu.vector_load_idx %arg6[%shift_right_logical3A_1766, %and3A_1790] : memref<224x224xf32, #tpu.memory_space<vmem>>[vector<16xi32>, vector<16xi32>], vector<16xf32>,
        %gather3A_1813 = tpu.vector_load_idx %arg6[%shift_right_logical3A_1769, %and3A_1793] : memref<224x224xf32, #tpu.memory_space<vmem>>[vector<16xi32>, vector<16xi32>], vector<16xf32>,
        %gather3A_1814 = tpu.vector_load_idx %arg6[%shift_right_logical3A_1772, %and3A_1796] : memref<224x224xf32, #tpu.memory_space<vmem>>[vector<16xi32>, vector<16xi32>], vector<16xf32>,
        %gather3A_1815 = tpu.vector_load_idx %arg6[%shift_right_logical3A_1775, %and3A_1799] : memref<224x224xf32, #tpu.memory_space<vmem>>[vector<16xi32>, vector<16xi32>], vector<16xf32>,
        %gather3A_1816 = tpu.vector_load_idx %arg6[%shift_right_logical3A_1778, %and3A_1802] : memref<224x224xf32, #tpu.memory_space<vmem>>[vector<16xi32>, vector<16xi32>], vector<16xf32>,
        %gather3A_1817 = tpu.vector_load_idx %arg6[%shift_right_logical3A_1781, %and3A_1805] : memref<224x224xf32, #tpu.memory_space<vmem>>[vector<16xi32>, vector<16xi32>], vector<16xf32>,
        %gather3A_1818 = tpu.vector_load_idx %arg6[%shift_right_logical3A_1784, %and3A_1808] : memref<224x224xf32, #tpu.memory_space<vmem>>[vector<16xi32>, vector<16xi32>], vector<16xf32>,
        %gather3A_1819 = tpu.vector_load_idx %arg6[%shift_right_logical3A_1787, %and3A_1811] : memref<224x224xf32, #tpu.memory_space<vmem>>[vector<16xi32>, vector<16xi32>], vector<16xf32>,
        %swap3A_1820 = arith.constant 5 : i32
        %swap3A_1821 = arith.index_cast %swap3A_1820 : i32 to index
        %swap3A_1822 = arith.constant 160 : index
        %swap3A_1823 = tpu.vector_load %arg7[%swap3A_1821, %swap3A_1822] {strides = array<i32>} : memref<8x224xf32, #tpu.memory_space<vmem>>, vector<16xf32>,
        tpu.vector_store %arg7[%swap3A_1821, %swap3A_1822], %gather3A_1812 {strides = array<i32>} : memref<8x224xf32, #tpu.memory_space<vmem>>, vector<16xf32>,
        %swap3A_1824 = arith.constant 5 : i32
        %swap3A_1825 = arith.index_cast %swap3A_1824 : i32 to index
        %swap3A_1826 = arith.constant 176 : index
        %swap3A_1827 = tpu.vector_load %arg7[%swap3A_1825, %swap3A_1826] {strides = array<i32>} : memref<8x224xf32, #tpu.memory_space<vmem>>, vector<16xf32>,
        tpu.vector_store %arg7[%swap3A_1825, %swap3A_1826], %gather3A_1813 {strides = array<i32>} : memref<8x224xf32, #tpu.memory_space<vmem>>, vector<16xf32>,
        %swap3A_1828 = arith.constant 5 : i32
        %swap3A_1829 = arith.index_cast %swap3A_1828 : i32 to index
        %swap3A_1830 = arith.constant 192 : index
        %swap3A_1831 = tpu.vector_load %arg7[%swap3A_1829, %swap3A_1830] {strides = array<i32>} : memref<8x224xf32, #tpu.memory_space<vmem>>, vector<16xf32>,
        tpu.vector_store %arg7[%swap3A_1829, %swap3A_1830], %gather3A_1814 {strides = array<i32>} : memref<8x224xf32, #tpu.memory_space<vmem>>, vector<16xf32>,
        %swap3A_1832 = arith.constant 5 : i32
        %swap3A_1833 = arith.index_cast %swap3A_1832 : i32 to index
        %swap3A_1834 = arith.constant 208 : index
        %swap3A_1835 = tpu.vector_load %arg7[%swap3A_1833, %swap3A_1834] {strides = array<i32>} : memref<8x224xf32, #tpu.memory_space<vmem>>, vector<16xf32>,
        tpu.vector_store %arg7[%swap3A_1833, %swap3A_1834], %gather3A_1815 {strides = array<i32>} : memref<8x224xf32, #tpu.memory_space<vmem>>, vector<16xf32>,
        %swap3A_1836 = arith.constant 6 : i32
        %swap3A_1837 = arith.index_cast %swap3A_1836 : i32 to index
        %swap3A_1838 = arith.constant 0 : index
        %swap3A_1839 = tpu.vector_load %arg7[%swap3A_1837, %swap3A_1838] {strides = array<i32>} : memref<8x224xf32, #tpu.memory_space<vmem>>, vector<16xf32>,
        tpu.vector_store %arg7[%swap3A_1837, %swap3A_1838], %gather3A_1816 {strides = array<i32>} : memref<8x224xf32, #tpu.memory_space<vmem>>, vector<16xf32>,
        %swap3A_1840 = arith.constant 6 : i32
        %swap3A_1841 = arith.index_cast %swap3A_1840 : i32 to index
        %swap3A_1842 = arith.constant 16 : index
        %swap3A_1843 = tpu.vector_load %arg7[%swap3A_1841, %swap3A_1842] {strides = array<i32>} : memref<8x224xf32, #tpu.memory_space<vmem>>, vector<16xf32>,
        tpu.vector_store %arg7[%swap3A_1841, %swap3A_1842], %gather3A_1817 {strides = array<i32>} : memref<8x224xf32, #tpu.memory_space<vmem>>, vector<16xf32>,
        %swap3A_1844 = arith.constant 6 : i32
        %swap3A_1845 = arith.index_cast %swap3A_1844 : i32 to index
        %swap3A_1846 = arith.constant 32 : index
        %swap3A_1847 = tpu.vector_load %arg7[%swap3A_1845, %swap3A_1846] {strides = array<i32>} : memref<8x224xf32, #tpu.memory_space<vmem>>, vector<16xf32>,
        tpu.vector_store %arg7[%swap3A_1845, %swap3A_1846], %gather3A_1818 {strides = array<i32>} : memref<8x224xf32, #tpu.memory_space<vmem>>, vector<16xf32>,
        %swap3A_1848 = arith.constant 6 : i32
        %swap3A_1849 = arith.index_cast %swap3A_1848 : i32 to index
        %swap3A_1850 = arith.constant 48 : index
        %swap3A_1851 = tpu.vector_load %arg7[%swap3A_1849, %swap3A_1850] {strides = array<i32>} : memref<8x224xf32, #tpu.memory_space<vmem>>, vector<16xf32>,
        tpu.vector_store %arg7[%swap3A_1849, %swap3A_1850], %gather3A_1819 {strides = array<i32>} : memref<8x224xf32, #tpu.memory_space<vmem>>, vector<16xf32>,
        %add3A_1852 = arith.constant 1344 : i32
        %add3A_1853 = arith.addi %mul3A_359, %add3A_1852 : i32
        %add3A_1854 = arith.constant 64 : i32
        %add3A_1855 = arith.addi %add3A_1853, %add3A_1854 : i32
        %get3A_1856 = arith.index_cast %add3A_1855 : i32 to index
        %get3A_1857 = tpu.vector_load %arg5[%get3A_1856] {strides = array<i32>} : memref<50176xi32, #tpu.memory_space<vmem>>, vector<16xi32>,
        %add3A_1858 = arith.constant 1344 : i32
        %add3A_1859 = arith.addi %mul3A_359, %add3A_1858 : i32
        %add3A_1860 = arith.constant 80 : i32
        %add3A_1861 = arith.addi %add3A_1859, %add3A_1860 : i32
        %get3A_1862 = arith.index_cast %add3A_1861 : i32 to index
        %get3A_1863 = tpu.vector_load %arg5[%get3A_1862] {strides = array<i32>} : memref<50176xi32, #tpu.memory_space<vmem>>, vector<16xi32>,
        %add3A_1864 = arith.constant 1344 : i32
        %add3A_1865 = arith.addi %mul3A_359, %add3A_1864 : i32
        %add3A_1866 = arith.constant 96 : i32
        %add3A_1867 = arith.addi %add3A_1865, %add3A_1866 : i32
        %get3A_1868 = arith.index_cast %add3A_1867 : i32 to index
        %get3A_1869 = tpu.vector_load %arg5[%get3A_1868] {strides = array<i32>} : memref<50176xi32, #tpu.memory_space<vmem>>, vector<16xi32>,
        %add3A_1870 = arith.constant 1344 : i32
        %add3A_1871 = arith.addi %mul3A_359, %add3A_1870 : i32
        %add3A_1872 = arith.constant 112 : i32
        %add3A_1873 = arith.addi %add3A_1871, %add3A_1872 : i32
        %get3A_1874 = arith.index_cast %add3A_1873 : i32 to index
        %get3A_1875 = tpu.vector_load %arg5[%get3A_1874] {strides = array<i32>} : memref<50176xi32, #tpu.memory_space<vmem>>, vector<16xi32>,
        %add3A_1876 = arith.constant 1344 : i32
        %add3A_1877 = arith.addi %mul3A_359, %add3A_1876 : i32
        %add3A_1878 = arith.constant 128 : i32
        %add3A_1879 = arith.addi %add3A_1877, %add3A_1878 : i32
        %get3A_1880 = arith.index_cast %add3A_1879 : i32 to index
        %get3A_1881 = tpu.vector_load %arg5[%get3A_1880] {strides = array<i32>} : memref<50176xi32, #tpu.memory_space<vmem>>, vector<16xi32>,
        %add3A_1882 = arith.constant 1344 : i32
        %add3A_1883 = arith.addi %mul3A_359, %add3A_1882 : i32
        %add3A_1884 = arith.constant 144 : i32
        %add3A_1885 = arith.addi %add3A_1883, %add3A_1884 : i32
        %get3A_1886 = arith.index_cast %add3A_1885 : i32 to index
        %get3A_1887 = tpu.vector_load %arg5[%get3A_1886] {strides = array<i32>} : memref<50176xi32, #tpu.memory_space<vmem>>, vector<16xi32>,
        %add3A_1888 = arith.constant 1344 : i32
        %add3A_1889 = arith.addi %mul3A_359, %add3A_1888 : i32
        %add3A_1890 = arith.constant 160 : i32
        %add3A_1891 = arith.addi %add3A_1889, %add3A_1890 : i32
        %get3A_1892 = arith.index_cast %add3A_1891 : i32 to index
        %get3A_1893 = tpu.vector_load %arg5[%get3A_1892] {strides = array<i32>} : memref<50176xi32, #tpu.memory_space<vmem>>, vector<16xi32>,
        %add3A_1894 = arith.constant 1344 : i32
        %add3A_1895 = arith.addi %mul3A_359, %add3A_1894 : i32
        %add3A_1896 = arith.constant 176 : i32
        %add3A_1897 = arith.addi %add3A_1895, %add3A_1896 : i32
        %get3A_1898 = arith.index_cast %add3A_1897 : i32 to index
        %get3A_1899 = tpu.vector_load %arg5[%get3A_1898] {strides = array<i32>} : memref<50176xi32, #tpu.memory_space<vmem>>, vector<16xi32>,
        %shift_right_logical3A_1900 = arith.constant 8 : i32
        %shift_right_logical3A_1901 = vector.broadcast %shift_right_logical3A_1900 : i32 to vector<16xi32>
        %shift_right_logical3A_1902 = arith.shrui %get3A_1857, %shift_right_logical3A_1901 : vector<16xi32>
        %shift_right_logical3A_1903 = arith.constant 8 : i32
        %shift_right_logical3A_1904 = vector.broadcast %shift_right_logical3A_1903 : i32 to vector<16xi32>
        %shift_right_logical3A_1905 = arith.shrui %get3A_1863, %shift_right_logical3A_1904 : vector<16xi32>
        %shift_right_logical3A_1906 = arith.constant 8 : i32
        %shift_right_logical3A_1907 = vector.broadcast %shift_right_logical3A_1906 : i32 to vector<16xi32>
        %shift_right_logical3A_1908 = arith.shrui %get3A_1869, %shift_right_logical3A_1907 : vector<16xi32>
        %shift_right_logical3A_1909 = arith.constant 8 : i32
        %shift_right_logical3A_1910 = vector.broadcast %shift_right_logical3A_1909 : i32 to vector<16xi32>
        %shift_right_logical3A_1911 = arith.shrui %get3A_1875, %shift_right_logical3A_1910 : vector<16xi32>
        %shift_right_logical3A_1912 = arith.constant 8 : i32
        %shift_right_logical3A_1913 = vector.broadcast %shift_right_logical3A_1912 : i32 to vector<16xi32>
        %shift_right_logical3A_1914 = arith.shrui %get3A_1881, %shift_right_logical3A_1913 : vector<16xi32>
        %shift_right_logical3A_1915 = arith.constant 8 : i32
        %shift_right_logical3A_1916 = vector.broadcast %shift_right_logical3A_1915 : i32 to vector<16xi32>
        %shift_right_logical3A_1917 = arith.shrui %get3A_1887, %shift_right_logical3A_1916 : vector<16xi32>
        %shift_right_logical3A_1918 = arith.constant 8 : i32
        %shift_right_logical3A_1919 = vector.broadcast %shift_right_logical3A_1918 : i32 to vector<16xi32>
        %shift_right_logical3A_1920 = arith.shrui %get3A_1893, %shift_right_logical3A_1919 : vector<16xi32>
        %shift_right_logical3A_1921 = arith.constant 8 : i32
        %shift_right_logical3A_1922 = vector.broadcast %shift_right_logical3A_1921 : i32 to vector<16xi32>
        %shift_right_logical3A_1923 = arith.shrui %get3A_1899, %shift_right_logical3A_1922 : vector<16xi32>
        %and3A_1924 = arith.constant 255 : i32
        %and3A_1925 = vector.broadcast %and3A_1924 : i32 to vector<16xi32>
        %and3A_1926 = arith.andi %get3A_1857, %and3A_1925 : vector<16xi32>
        %and3A_1927 = arith.constant 255 : i32
        %and3A_1928 = vector.broadcast %and3A_1927 : i32 to vector<16xi32>
        %and3A_1929 = arith.andi %get3A_1863, %and3A_1928 : vector<16xi32>
        %and3A_1930 = arith.constant 255 : i32
        %and3A_1931 = vector.broadcast %and3A_1930 : i32 to vector<16xi32>
        %and3A_1932 = arith.andi %get3A_1869, %and3A_1931 : vector<16xi32>
        %and3A_1933 = arith.constant 255 : i32
        %and3A_1934 = vector.broadcast %and3A_1933 : i32 to vector<16xi32>
        %and3A_1935 = arith.andi %get3A_1875, %and3A_1934 : vector<16xi32>
        %and3A_1936 = arith.constant 255 : i32
        %and3A_1937 = vector.broadcast %and3A_1936 : i32 to vector<16xi32>
        %and3A_1938 = arith.andi %get3A_1881, %and3A_1937 : vector<16xi32>
        %and3A_1939 = arith.constant 255 : i32
        %and3A_1940 = vector.broadcast %and3A_1939 : i32 to vector<16xi32>
        %and3A_1941 = arith.andi %get3A_1887, %and3A_1940 : vector<16xi32>
        %and3A_1942 = arith.constant 255 : i32
        %and3A_1943 = vector.broadcast %and3A_1942 : i32 to vector<16xi32>
        %and3A_1944 = arith.andi %get3A_1893, %and3A_1943 : vector<16xi32>
        %and3A_1945 = arith.constant 255 : i32
        %and3A_1946 = vector.broadcast %and3A_1945 : i32 to vector<16xi32>
        %and3A_1947 = arith.andi %get3A_1899, %and3A_1946 : vector<16xi32>
        %gather3A_1948 = tpu.vector_load_idx %arg6[%shift_right_logical3A_1902, %and3A_1926] : memref<224x224xf32, #tpu.memory_space<vmem>>[vector<16xi32>, vector<16xi32>], vector<16xf32>,
        %gather3A_1949 = tpu.vector_load_idx %arg6[%shift_right_logical3A_1905, %and3A_1929] : memref<224x224xf32, #tpu.memory_space<vmem>>[vector<16xi32>, vector<16xi32>], vector<16xf32>,
        %gather3A_1950 = tpu.vector_load_idx %arg6[%shift_right_logical3A_1908, %and3A_1932] : memref<224x224xf32, #tpu.memory_space<vmem>>[vector<16xi32>, vector<16xi32>], vector<16xf32>,
        %gather3A_1951 = tpu.vector_load_idx %arg6[%shift_right_logical3A_1911, %and3A_1935] : memref<224x224xf32, #tpu.memory_space<vmem>>[vector<16xi32>, vector<16xi32>], vector<16xf32>,
        %gather3A_1952 = tpu.vector_load_idx %arg6[%shift_right_logical3A_1914, %and3A_1938] : memref<224x224xf32, #tpu.memory_space<vmem>>[vector<16xi32>, vector<16xi32>], vector<16xf32>,
        %gather3A_1953 = tpu.vector_load_idx %arg6[%shift_right_logical3A_1917, %and3A_1941] : memref<224x224xf32, #tpu.memory_space<vmem>>[vector<16xi32>, vector<16xi32>], vector<16xf32>,
        %gather3A_1954 = tpu.vector_load_idx %arg6[%shift_right_logical3A_1920, %and3A_1944] : memref<224x224xf32, #tpu.memory_space<vmem>>[vector<16xi32>, vector<16xi32>], vector<16xf32>,
        %gather3A_1955 = tpu.vector_load_idx %arg6[%shift_right_logical3A_1923, %and3A_1947] : memref<224x224xf32, #tpu.memory_space<vmem>>[vector<16xi32>, vector<16xi32>], vector<16xf32>,
        %swap3A_1956 = arith.constant 6 : i32
        %swap3A_1957 = arith.index_cast %swap3A_1956 : i32 to index
        %swap3A_1958 = arith.constant 64 : index
        %swap3A_1959 = tpu.vector_load %arg7[%swap3A_1957, %swap3A_1958] {strides = array<i32>} : memref<8x224xf32, #tpu.memory_space<vmem>>, vector<16xf32>,
        tpu.vector_store %arg7[%swap3A_1957, %swap3A_1958], %gather3A_1948 {strides = array<i32>} : memref<8x224xf32, #tpu.memory_space<vmem>>, vector<16xf32>,
        %swap3A_1960 = arith.constant 6 : i32
        %swap3A_1961 = arith.index_cast %swap3A_1960 : i32 to index
        %swap3A_1962 = arith.constant 80 : index
        %swap3A_1963 = tpu.vector_load %arg7[%swap3A_1961, %swap3A_1962] {strides = array<i32>} : memref<8x224xf32, #tpu.memory_space<vmem>>, vector<16xf32>,
        tpu.vector_store %arg7[%swap3A_1961, %swap3A_1962], %gather3A_1949 {strides = array<i32>} : memref<8x224xf32, #tpu.memory_space<vmem>>, vector<16xf32>,
        %swap3A_1964 = arith.constant 6 : i32
        %swap3A_1965 = arith.index_cast %swap3A_1964 : i32 to index
        %swap3A_1966 = arith.constant 96 : index
        %swap3A_1967 = tpu.vector_load %arg7[%swap3A_1965, %swap3A_1966] {strides = array<i32>} : memref<8x224xf32, #tpu.memory_space<vmem>>, vector<16xf32>,
        tpu.vector_store %arg7[%swap3A_1965, %swap3A_1966], %gather3A_1950 {strides = array<i32>} : memref<8x224xf32, #tpu.memory_space<vmem>>, vector<16xf32>,
        %swap3A_1968 = arith.constant 6 : i32
        %swap3A_1969 = arith.index_cast %swap3A_1968 : i32 to index
        %swap3A_1970 = arith.constant 112 : index
        %swap3A_1971 = tpu.vector_load %arg7[%swap3A_1969, %swap3A_1970] {strides = array<i32>} : memref<8x224xf32, #tpu.memory_space<vmem>>, vector<16xf32>,
        tpu.vector_store %arg7[%swap3A_1969, %swap3A_1970], %gather3A_1951 {strides = array<i32>} : memref<8x224xf32, #tpu.memory_space<vmem>>, vector<16xf32>,
        %swap3A_1972 = arith.constant 6 : i32
        %swap3A_1973 = arith.index_cast %swap3A_1972 : i32 to index
        %swap3A_1974 = arith.constant 128 : index
        %swap3A_1975 = tpu.vector_load %arg7[%swap3A_1973, %swap3A_1974] {strides = array<i32>} : memref<8x224xf32, #tpu.memory_space<vmem>>, vector<16xf32>,
        tpu.vector_store %arg7[%swap3A_1973, %swap3A_1974], %gather3A_1952 {strides = array<i32>} : memref<8x224xf32, #tpu.memory_space<vmem>>, vector<16xf32>,
        %swap3A_1976 = arith.constant 6 : i32
        %swap3A_1977 = arith.index_cast %swap3A_1976 : i32 to index
        %swap3A_1978 = arith.constant 144 : index
        %swap3A_1979 = tpu.vector_load %arg7[%swap3A_1977, %swap3A_1978] {strides = array<i32>} : memref<8x224xf32, #tpu.memory_space<vmem>>, vector<16xf32>,
        tpu.vector_store %arg7[%swap3A_1977, %swap3A_1978], %gather3A_1953 {strides = array<i32>} : memref<8x224xf32, #tpu.memory_space<vmem>>, vector<16xf32>,
        %swap3A_1980 = arith.constant 6 : i32
        %swap3A_1981 = arith.index_cast %swap3A_1980 : i32 to index
        %swap3A_1982 = arith.constant 160 : index
        %swap3A_1983 = tpu.vector_load %arg7[%swap3A_1981, %swap3A_1982] {strides = array<i32>} : memref<8x224xf32, #tpu.memory_space<vmem>>, vector<16xf32>,
        tpu.vector_store %arg7[%swap3A_1981, %swap3A_1982], %gather3A_1954 {strides = array<i32>} : memref<8x224xf32, #tpu.memory_space<vmem>>, vector<16xf32>,
        %swap3A_1984 = arith.constant 6 : i32
        %swap3A_1985 = arith.index_cast %swap3A_1984 : i32 to index
        %swap3A_1986 = arith.constant 176 : index
        %swap3A_1987 = tpu.vector_load %arg7[%swap3A_1985, %swap3A_1986] {strides = array<i32>} : memref<8x224xf32, #tpu.memory_space<vmem>>, vector<16xf32>,
        tpu.vector_store %arg7[%swap3A_1985, %swap3A_1986], %gather3A_1955 {strides = array<i32>} : memref<8x224xf32, #tpu.memory_space<vmem>>, vector<16xf32>,
        %add3A_1988 = arith.constant 1344 : i32
        %add3A_1989 = arith.addi %mul3A_359, %add3A_1988 : i32
        %add3A_1990 = arith.constant 192 : i32
        %add3A_1991 = arith.addi %add3A_1989, %add3A_1990 : i32
        %get3A_1992 = arith.index_cast %add3A_1991 : i32 to index
        %get3A_1993 = tpu.vector_load %arg5[%get3A_1992] {strides = array<i32>} : memref<50176xi32, #tpu.memory_space<vmem>>, vector<16xi32>,
        %add3A_1994 = arith.constant 1344 : i32
        %add3A_1995 = arith.addi %mul3A_359, %add3A_1994 : i32
        %add3A_1996 = arith.constant 208 : i32
        %add3A_1997 = arith.addi %add3A_1995, %add3A_1996 : i32
        %get3A_1998 = arith.index_cast %add3A_1997 : i32 to index
        %get3A_1999 = tpu.vector_load %arg5[%get3A_1998] {strides = array<i32>} : memref<50176xi32, #tpu.memory_space<vmem>>, vector<16xi32>,
        %add3A_2000 = arith.constant 1568 : i32
        %add3A_2001 = arith.addi %mul3A_359, %add3A_2000 : i32
        %add3A_2002 = arith.constant 0 : i32
        %add3A_2003 = arith.addi %add3A_2001, %add3A_2002 : i32
        %get3A_2004 = arith.index_cast %add3A_2003 : i32 to index
        %get3A_2005 = tpu.vector_load %arg5[%get3A_2004] {strides = array<i32>} : memref<50176xi32, #tpu.memory_space<vmem>>, vector<16xi32>,
        %add3A_2006 = arith.constant 1568 : i32
        %add3A_2007 = arith.addi %mul3A_359, %add3A_2006 : i32
        %add3A_2008 = arith.constant 16 : i32
        %add3A_2009 = arith.addi %add3A_2007, %add3A_2008 : i32
        %get3A_2010 = arith.index_cast %add3A_2009 : i32 to index
        %get3A_2011 = tpu.vector_load %arg5[%get3A_2010] {strides = array<i32>} : memref<50176xi32, #tpu.memory_space<vmem>>, vector<16xi32>,
        %add3A_2012 = arith.constant 1568 : i32
        %add3A_2013 = arith.addi %mul3A_359, %add3A_2012 : i32
        %add3A_2014 = arith.constant 32 : i32
        %add3A_2015 = arith.addi %add3A_2013, %add3A_2014 : i32
        %get3A_2016 = arith.index_cast %add3A_2015 : i32 to index
        %get3A_2017 = tpu.vector_load %arg5[%get3A_2016] {strides = array<i32>} : memref<50176xi32, #tpu.memory_space<vmem>>, vector<16xi32>,
        %add3A_2018 = arith.constant 1568 : i32
        %add3A_2019 = arith.addi %mul3A_359, %add3A_2018 : i32
        %add3A_2020 = arith.constant 48 : i32
        %add3A_2021 = arith.addi %add3A_2019, %add3A_2020 : i32
        %get3A_2022 = arith.index_cast %add3A_2021 : i32 to index
        %get3A_2023 = tpu.vector_load %arg5[%get3A_2022] {strides = array<i32>} : memref<50176xi32, #tpu.memory_space<vmem>>, vector<16xi32>,
        %add3A_2024 = arith.constant 1568 : i32
        %add3A_2025 = arith.addi %mul3A_359, %add3A_2024 : i32
        %add3A_2026 = arith.constant 64 : i32
        %add3A_2027 = arith.addi %add3A_2025, %add3A_2026 : i32
        %get3A_2028 = arith.index_cast %add3A_2027 : i32 to index
        %get3A_2029 = tpu.vector_load %arg5[%get3A_2028] {strides = array<i32>} : memref<50176xi32, #tpu.memory_space<vmem>>, vector<16xi32>,
        %add3A_2030 = arith.constant 1568 : i32
        %add3A_2031 = arith.addi %mul3A_359, %add3A_2030 : i32
        %add3A_2032 = arith.constant 80 : i32
        %add3A_2033 = arith.addi %add3A_2031, %add3A_2032 : i32
        %get3A_2034 = arith.index_cast %add3A_2033 : i32 to index
        %get3A_2035 = tpu.vector_load %arg5[%get3A_2034] {strides = array<i32>} : memref<50176xi32, #tpu.memory_space<vmem>>, vector<16xi32>,
        %shift_right_logical3A_2036 = arith.constant 8 : i32
        %shift_right_logical3A_2037 = vector.broadcast %shift_right_logical3A_2036 : i32 to vector<16xi32>
        %shift_right_logical3A_2038 = arith.shrui %get3A_1993, %shift_right_logical3A_2037 : vector<16xi32>
        %shift_right_logical3A_2039 = arith.constant 8 : i32
        %shift_right_logical3A_2040 = vector.broadcast %shift_right_logical3A_2039 : i32 to vector<16xi32>
        %shift_right_logical3A_2041 = arith.shrui %get3A_1999, %shift_right_logical3A_2040 : vector<16xi32>
        %shift_right_logical3A_2042 = arith.constant 8 : i32
        %shift_right_logical3A_2043 = vector.broadcast %shift_right_logical3A_2042 : i32 to vector<16xi32>
        %shift_right_logical3A_2044 = arith.shrui %get3A_2005, %shift_right_logical3A_2043 : vector<16xi32>
        %shift_right_logical3A_2045 = arith.constant 8 : i32
        %shift_right_logical3A_2046 = vector.broadcast %shift_right_logical3A_2045 : i32 to vector<16xi32>
        %shift_right_logical3A_2047 = arith.shrui %get3A_2011, %shift_right_logical3A_2046 : vector<16xi32>
        %shift_right_logical3A_2048 = arith.constant 8 : i32
        %shift_right_logical3A_2049 = vector.broadcast %shift_right_logical3A_2048 : i32 to vector<16xi32>
        %shift_right_logical3A_2050 = arith.shrui %get3A_2017, %shift_right_logical3A_2049 : vector<16xi32>
        %shift_right_logical3A_2051 = arith.constant 8 : i32
        %shift_right_logical3A_2052 = vector.broadcast %shift_right_logical3A_2051 : i32 to vector<16xi32>
        %shift_right_logical3A_2053 = arith.shrui %get3A_2023, %shift_right_logical3A_2052 : vector<16xi32>
        %shift_right_logical3A_2054 = arith.constant 8 : i32
        %shift_right_logical3A_2055 = vector.broadcast %shift_right_logical3A_2054 : i32 to vector<16xi32>
        %shift_right_logical3A_2056 = arith.shrui %get3A_2029, %shift_right_logical3A_2055 : vector<16xi32>
        %shift_right_logical3A_2057 = arith.constant 8 : i32
        %shift_right_logical3A_2058 = vector.broadcast %shift_right_logical3A_2057 : i32 to vector<16xi32>
        %shift_right_logical3A_2059 = arith.shrui %get3A_2035, %shift_right_logical3A_2058 : vector<16xi32>
        %and3A_2060 = arith.constant 255 : i32
        %and3A_2061 = vector.broadcast %and3A_2060 : i32 to vector<16xi32>
        %and3A_2062 = arith.andi %get3A_1993, %and3A_2061 : vector<16xi32>
        %and3A_2063 = arith.constant 255 : i32
        %and3A_2064 = vector.broadcast %and3A_2063 : i32 to vector<16xi32>
        %and3A_2065 = arith.andi %get3A_1999, %and3A_2064 : vector<16xi32>
        %and3A_2066 = arith.constant 255 : i32
        %and3A_2067 = vector.broadcast %and3A_2066 : i32 to vector<16xi32>
        %and3A_2068 = arith.andi %get3A_2005, %and3A_2067 : vector<16xi32>
        %and3A_2069 = arith.constant 255 : i32
        %and3A_2070 = vector.broadcast %and3A_2069 : i32 to vector<16xi32>
        %and3A_2071 = arith.andi %get3A_2011, %and3A_2070 : vector<16xi32>
        %and3A_2072 = arith.constant 255 : i32
        %and3A_2073 = vector.broadcast %and3A_2072 : i32 to vector<16xi32>
        %and3A_2074 = arith.andi %get3A_2017, %and3A_2073 : vector<16xi32>
        %and3A_2075 = arith.constant 255 : i32
        %and3A_2076 = vector.broadcast %and3A_2075 : i32 to vector<16xi32>
        %and3A_2077 = arith.andi %get3A_2023, %and3A_2076 : vector<16xi32>
        %and3A_2078 = arith.constant 255 : i32
        %and3A_2079 = vector.broadcast %and3A_2078 : i32 to vector<16xi32>
        %and3A_2080 = arith.andi %get3A_2029, %and3A_2079 : vector<16xi32>
        %and3A_2081 = arith.constant 255 : i32
        %and3A_2082 = vector.broadcast %and3A_2081 : i32 to vector<16xi32>
        %and3A_2083 = arith.andi %get3A_2035, %and3A_2082 : vector<16xi32>
        %gather3A_2084 = tpu.vector_load_idx %arg6[%shift_right_logical3A_2038, %and3A_2062] : memref<224x224xf32, #tpu.memory_space<vmem>>[vector<16xi32>, vector<16xi32>], vector<16xf32>,
        %gather3A_2085 = tpu.vector_load_idx %arg6[%shift_right_logical3A_2041, %and3A_2065] : memref<224x224xf32, #tpu.memory_space<vmem>>[vector<16xi32>, vector<16xi32>], vector<16xf32>,
        %gather3A_2086 = tpu.vector_load_idx %arg6[%shift_right_logical3A_2044, %and3A_2068] : memref<224x224xf32, #tpu.memory_space<vmem>>[vector<16xi32>, vector<16xi32>], vector<16xf32>,
        %gather3A_2087 = tpu.vector_load_idx %arg6[%shift_right_logical3A_2047, %and3A_2071] : memref<224x224xf32, #tpu.memory_space<vmem>>[vector<16xi32>, vector<16xi32>], vector<16xf32>,
        %gather3A_2088 = tpu.vector_load_idx %arg6[%shift_right_logical3A_2050, %and3A_2074] : memref<224x224xf32, #tpu.memory_space<vmem>>[vector<16xi32>, vector<16xi32>], vector<16xf32>,
        %gather3A_2089 = tpu.vector_load_idx %arg6[%shift_right_logical3A_2053, %and3A_2077] : memref<224x224xf32, #tpu.memory_space<vmem>>[vector<16xi32>, vector<16xi32>], vector<16xf32>,
        %gather3A_2090 = tpu.vector_load_idx %arg6[%shift_right_logical3A_2056, %and3A_2080] : memref<224x224xf32, #tpu.memory_space<vmem>>[vector<16xi32>, vector<16xi32>], vector<16xf32>,
        %gather3A_2091 = tpu.vector_load_idx %arg6[%shift_right_logical3A_2059, %and3A_2083] : memref<224x224xf32, #tpu.memory_space<vmem>>[vector<16xi32>, vector<16xi32>], vector<16xf32>,
        %swap3A_2092 = arith.constant 6 : i32
        %swap3A_2093 = arith.index_cast %swap3A_2092 : i32 to index
        %swap3A_2094 = arith.constant 192 : index
        %swap3A_2095 = tpu.vector_load %arg7[%swap3A_2093, %swap3A_2094] {strides = array<i32>} : memref<8x224xf32, #tpu.memory_space<vmem>>, vector<16xf32>,
        tpu.vector_store %arg7[%swap3A_2093, %swap3A_2094], %gather3A_2084 {strides = array<i32>} : memref<8x224xf32, #tpu.memory_space<vmem>>, vector<16xf32>,
        %swap3A_2096 = arith.constant 6 : i32
        %swap3A_2097 = arith.index_cast %swap3A_2096 : i32 to index
        %swap3A_2098 = arith.constant 208 : index
        %swap3A_2099 = tpu.vector_load %arg7[%swap3A_2097, %swap3A_2098] {strides = array<i32>} : memref<8x224xf32, #tpu.memory_space<vmem>>, vector<16xf32>,
        tpu.vector_store %arg7[%swap3A_2097, %swap3A_2098], %gather3A_2085 {strides = array<i32>} : memref<8x224xf32, #tpu.memory_space<vmem>>, vector<16xf32>,
        %swap3A_2100 = arith.constant 7 : i32
        %swap3A_2101 = arith.index_cast %swap3A_2100 : i32 to index
        %swap3A_2102 = arith.constant 0 : index
        %swap3A_2103 = tpu.vector_load %arg7[%swap3A_2101, %swap3A_2102] {strides = array<i32>} : memref<8x224xf32, #tpu.memory_space<vmem>>, vector<16xf32>,
        tpu.vector_store %arg7[%swap3A_2101, %swap3A_2102], %gather3A_2086 {strides = array<i32>} : memref<8x224xf32, #tpu.memory_space<vmem>>, vector<16xf32>,
        %swap3A_2104 = arith.constant 7 : i32
        %swap3A_2105 = arith.index_cast %swap3A_2104 : i32 to index
        %swap3A_2106 = arith.constant 16 : index
        %swap3A_2107 = tpu.vector_load %arg7[%swap3A_2105, %swap3A_2106] {strides = array<i32>} : memref<8x224xf32, #tpu.memory_space<vmem>>, vector<16xf32>,
        tpu.vector_store %arg7[%swap3A_2105, %swap3A_2106], %gather3A_2087 {strides = array<i32>} : memref<8x224xf32, #tpu.memory_space<vmem>>, vector<16xf32>,
        %swap3A_2108 = arith.constant 7 : i32
        %swap3A_2109 = arith.index_cast %swap3A_2108 : i32 to index
        %swap3A_2110 = arith.constant 32 : index
        %swap3A_2111 = tpu.vector_load %arg7[%swap3A_2109, %swap3A_2110] {strides = array<i32>} : memref<8x224xf32, #tpu.memory_space<vmem>>, vector<16xf32>,
        tpu.vector_store %arg7[%swap3A_2109, %swap3A_2110], %gather3A_2088 {strides = array<i32>} : memref<8x224xf32, #tpu.memory_space<vmem>>, vector<16xf32>,
        %swap3A_2112 = arith.constant 7 : i32
        %swap3A_2113 = arith.index_cast %swap3A_2112 : i32 to index
        %swap3A_2114 = arith.constant 48 : index
        %swap3A_2115 = tpu.vector_load %arg7[%swap3A_2113, %swap3A_2114] {strides = array<i32>} : memref<8x224xf32, #tpu.memory_space<vmem>>, vector<16xf32>,
        tpu.vector_store %arg7[%swap3A_2113, %swap3A_2114], %gather3A_2089 {strides = array<i32>} : memref<8x224xf32, #tpu.memory_space<vmem>>, vector<16xf32>,
        %swap3A_2116 = arith.constant 7 : i32
        %swap3A_2117 = arith.index_cast %swap3A_2116 : i32 to index
        %swap3A_2118 = arith.constant 64 : index
        %swap3A_2119 = tpu.vector_load %arg7[%swap3A_2117, %swap3A_2118] {strides = array<i32>} : memref<8x224xf32, #tpu.memory_space<vmem>>, vector<16xf32>,
        tpu.vector_store %arg7[%swap3A_2117, %swap3A_2118], %gather3A_2090 {strides = array<i32>} : memref<8x224xf32, #tpu.memory_space<vmem>>, vector<16xf32>,
        %swap3A_2120 = arith.constant 7 : i32
        %swap3A_2121 = arith.index_cast %swap3A_2120 : i32 to index
        %swap3A_2122 = arith.constant 80 : index
        %swap3A_2123 = tpu.vector_load %arg7[%swap3A_2121, %swap3A_2122] {strides = array<i32>} : memref<8x224xf32, #tpu.memory_space<vmem>>, vector<16xf32>,
        tpu.vector_store %arg7[%swap3A_2121, %swap3A_2122], %gather3A_2091 {strides = array<i32>} : memref<8x224xf32, #tpu.memory_space<vmem>>, vector<16xf32>,
        %add3A_2124 = arith.constant 1568 : i32
        %add3A_2125 = arith.addi %mul3A_359, %add3A_2124 : i32
        %add3A_2126 = arith.constant 96 : i32
        %add3A_2127 = arith.addi %add3A_2125, %add3A_2126 : i32
        %get3A_2128 = arith.index_cast %add3A_2127 : i32 to index
        %get3A_2129 = tpu.vector_load %arg5[%get3A_2128] {strides = array<i32>} : memref<50176xi32, #tpu.memory_space<vmem>>, vector<16xi32>,
        %add3A_2130 = arith.constant 1568 : i32
        %add3A_2131 = arith.addi %mul3A_359, %add3A_2130 : i32
        %add3A_2132 = arith.constant 112 : i32
        %add3A_2133 = arith.addi %add3A_2131, %add3A_2132 : i32
        %get3A_2134 = arith.index_cast %add3A_2133 : i32 to index
        %get3A_2135 = tpu.vector_load %arg5[%get3A_2134] {strides = array<i32>} : memref<50176xi32, #tpu.memory_space<vmem>>, vector<16xi32>,
        %add3A_2136 = arith.constant 1568 : i32
        %add3A_2137 = arith.addi %mul3A_359, %add3A_2136 : i32
        %add3A_2138 = arith.constant 128 : i32
        %add3A_2139 = arith.addi %add3A_2137, %add3A_2138 : i32
        %get3A_2140 = arith.index_cast %add3A_2139 : i32 to index
        %get3A_2141 = tpu.vector_load %arg5[%get3A_2140] {strides = array<i32>} : memref<50176xi32, #tpu.memory_space<vmem>>, vector<16xi32>,
        %add3A_2142 = arith.constant 1568 : i32
        %add3A_2143 = arith.addi %mul3A_359, %add3A_2142 : i32
        %add3A_2144 = arith.constant 144 : i32
        %add3A_2145 = arith.addi %add3A_2143, %add3A_2144 : i32
        %get3A_2146 = arith.index_cast %add3A_2145 : i32 to index
        %get3A_2147 = tpu.vector_load %arg5[%get3A_2146] {strides = array<i32>} : memref<50176xi32, #tpu.memory_space<vmem>>, vector<16xi32>,
        %add3A_2148 = arith.constant 1568 : i32
        %add3A_2149 = arith.addi %mul3A_359, %add3A_2148 : i32
        %add3A_2150 = arith.constant 160 : i32
        %add3A_2151 = arith.addi %add3A_2149, %add3A_2150 : i32
        %get3A_2152 = arith.index_cast %add3A_2151 : i32 to index
        %get3A_2153 = tpu.vector_load %arg5[%get3A_2152] {strides = array<i32>} : memref<50176xi32, #tpu.memory_space<vmem>>, vector<16xi32>,
        %add3A_2154 = arith.constant 1568 : i32
        %add3A_2155 = arith.addi %mul3A_359, %add3A_2154 : i32
        %add3A_2156 = arith.constant 176 : i32
        %add3A_2157 = arith.addi %add3A_2155, %add3A_2156 : i32
        %get3A_2158 = arith.index_cast %add3A_2157 : i32 to index
        %get3A_2159 = tpu.vector_load %arg5[%get3A_2158] {strides = array<i32>} : memref<50176xi32, #tpu.memory_space<vmem>>, vector<16xi32>,
        %add3A_2160 = arith.constant 1568 : i32
        %add3A_2161 = arith.addi %mul3A_359, %add3A_2160 : i32
        %add3A_2162 = arith.constant 192 : i32
        %add3A_2163 = arith.addi %add3A_2161, %add3A_2162 : i32
        %get3A_2164 = arith.index_cast %add3A_2163 : i32 to index
        %get3A_2165 = tpu.vector_load %arg5[%get3A_2164] {strides = array<i32>} : memref<50176xi32, #tpu.memory_space<vmem>>, vector<16xi32>,
        %add3A_2166 = arith.constant 1568 : i32
        %add3A_2167 = arith.addi %mul3A_359, %add3A_2166 : i32
        %add3A_2168 = arith.constant 208 : i32
        %add3A_2169 = arith.addi %add3A_2167, %add3A_2168 : i32
        %get3A_2170 = arith.index_cast %add3A_2169 : i32 to index
        %get3A_2171 = tpu.vector_load %arg5[%get3A_2170] {strides = array<i32>} : memref<50176xi32, #tpu.memory_space<vmem>>, vector<16xi32>,
        %shift_right_logical3A_2172 = arith.constant 8 : i32
        %shift_right_logical3A_2173 = vector.broadcast %shift_right_logical3A_2172 : i32 to vector<16xi32>
        %shift_right_logical3A_2174 = arith.shrui %get3A_2129, %shift_right_logical3A_2173 : vector<16xi32>
        %shift_right_logical3A_2175 = arith.constant 8 : i32
        %shift_right_logical3A_2176 = vector.broadcast %shift_right_logical3A_2175 : i32 to vector<16xi32>
        %shift_right_logical3A_2177 = arith.shrui %get3A_2135, %shift_right_logical3A_2176 : vector<16xi32>
        %shift_right_logical3A_2178 = arith.constant 8 : i32
        %shift_right_logical3A_2179 = vector.broadcast %shift_right_logical3A_2178 : i32 to vector<16xi32>
        %shift_right_logical3A_2180 = arith.shrui %get3A_2141, %shift_right_logical3A_2179 : vector<16xi32>
        %shift_right_logical3A_2181 = arith.constant 8 : i32
        %shift_right_logical3A_2182 = vector.broadcast %shift_right_logical3A_2181 : i32 to vector<16xi32>
        %shift_right_logical3A_2183 = arith.shrui %get3A_2147, %shift_right_logical3A_2182 : vector<16xi32>
        %shift_right_logical3A_2184 = arith.constant 8 : i32
        %shift_right_logical3A_2185 = vector.broadcast %shift_right_logical3A_2184 : i32 to vector<16xi32>
        %shift_right_logical3A_2186 = arith.shrui %get3A_2153, %shift_right_logical3A_2185 : vector<16xi32>
        %shift_right_logical3A_2187 = arith.constant 8 : i32
        %shift_right_logical3A_2188 = vector.broadcast %shift_right_logical3A_2187 : i32 to vector<16xi32>
        %shift_right_logical3A_2189 = arith.shrui %get3A_2159, %shift_right_logical3A_2188 : vector<16xi32>
        %shift_right_logical3A_2190 = arith.constant 8 : i32
        %shift_right_logical3A_2191 = vector.broadcast %shift_right_logical3A_2190 : i32 to vector<16xi32>
        %shift_right_logical3A_2192 = arith.shrui %get3A_2165, %shift_right_logical3A_2191 : vector<16xi32>
        %shift_right_logical3A_2193 = arith.constant 8 : i32
        %shift_right_logical3A_2194 = vector.broadcast %shift_right_logical3A_2193 : i32 to vector<16xi32>
        %shift_right_logical3A_2195 = arith.shrui %get3A_2171, %shift_right_logical3A_2194 : vector<16xi32>
        %and3A_2196 = arith.constant 255 : i32
        %and3A_2197 = vector.broadcast %and3A_2196 : i32 to vector<16xi32>
        %and3A_2198 = arith.andi %get3A_2129, %and3A_2197 : vector<16xi32>
        %and3A_2199 = arith.constant 255 : i32
        %and3A_2200 = vector.broadcast %and3A_2199 : i32 to vector<16xi32>
        %and3A_2201 = arith.andi %get3A_2135, %and3A_2200 : vector<16xi32>
        %and3A_2202 = arith.constant 255 : i32
        %and3A_2203 = vector.broadcast %and3A_2202 : i32 to vector<16xi32>
        %and3A_2204 = arith.andi %get3A_2141, %and3A_2203 : vector<16xi32>
        %and3A_2205 = arith.constant 255 : i32
        %and3A_2206 = vector.broadcast %and3A_2205 : i32 to vector<16xi32>
        %and3A_2207 = arith.andi %get3A_2147, %and3A_2206 : vector<16xi32>
        %and3A_2208 = arith.constant 255 : i32
        %and3A_2209 = vector.broadcast %and3A_2208 : i32 to vector<16xi32>
        %and3A_2210 = arith.andi %get3A_2153, %and3A_2209 : vector<16xi32>
        %and3A_2211 = arith.constant 255 : i32
        %and3A_2212 = vector.broadcast %and3A_2211 : i32 to vector<16xi32>
        %and3A_2213 = arith.andi %get3A_2159, %and3A_2212 : vector<16xi32>
        %and3A_2214 = arith.constant 255 : i32
        %and3A_2215 = vector.broadcast %and3A_2214 : i32 to vector<16xi32>
        %and3A_2216 = arith.andi %get3A_2165, %and3A_2215 : vector<16xi32>
        %and3A_2217 = arith.constant 255 : i32
        %and3A_2218 = vector.broadcast %and3A_2217 : i32 to vector<16xi32>
        %and3A_2219 = arith.andi %get3A_2171, %and3A_2218 : vector<16xi32>
        %gather3A_2220 = tpu.vector_load_idx %arg6[%shift_right_logical3A_2174, %and3A_2198] : memref<224x224xf32, #tpu.memory_space<vmem>>[vector<16xi32>, vector<16xi32>], vector<16xf32>,
        %gather3A_2221 = tpu.vector_load_idx %arg6[%shift_right_logical3A_2177, %and3A_2201] : memref<224x224xf32, #tpu.memory_space<vmem>>[vector<16xi32>, vector<16xi32>], vector<16xf32>,
        %gather3A_2222 = tpu.vector_load_idx %arg6[%shift_right_logical3A_2180, %and3A_2204] : memref<224x224xf32, #tpu.memory_space<vmem>>[vector<16xi32>, vector<16xi32>], vector<16xf32>,
        %gather3A_2223 = tpu.vector_load_idx %arg6[%shift_right_logical3A_2183, %and3A_2207] : memref<224x224xf32, #tpu.memory_space<vmem>>[vector<16xi32>, vector<16xi32>], vector<16xf32>,
        %gather3A_2224 = tpu.vector_load_idx %arg6[%shift_right_logical3A_2186, %and3A_2210] : memref<224x224xf32, #tpu.memory_space<vmem>>[vector<16xi32>, vector<16xi32>], vector<16xf32>,
        %gather3A_2225 = tpu.vector_load_idx %arg6[%shift_right_logical3A_2189, %and3A_2213] : memref<224x224xf32, #tpu.memory_space<vmem>>[vector<16xi32>, vector<16xi32>], vector<16xf32>,
        %gather3A_2226 = tpu.vector_load_idx %arg6[%shift_right_logical3A_2192, %and3A_2216] : memref<224x224xf32, #tpu.memory_space<vmem>>[vector<16xi32>, vector<16xi32>], vector<16xf32>,
        %gather3A_2227 = tpu.vector_load_idx %arg6[%shift_right_logical3A_2195, %and3A_2219] : memref<224x224xf32, #tpu.memory_space<vmem>>[vector<16xi32>, vector<16xi32>], vector<16xf32>,
        %swap3A_2228 = arith.constant 7 : i32
        %swap3A_2229 = arith.index_cast %swap3A_2228 : i32 to index
        %swap3A_2230 = arith.constant 96 : index
        %swap3A_2231 = tpu.vector_load %arg7[%swap3A_2229, %swap3A_2230] {strides = array<i32>} : memref<8x224xf32, #tpu.memory_space<vmem>>, vector<16xf32>,
        tpu.vector_store %arg7[%swap3A_2229, %swap3A_2230], %gather3A_2220 {strides = array<i32>} : memref<8x224xf32, #tpu.memory_space<vmem>>, vector<16xf32>,
        %swap3A_2232 = arith.constant 7 : i32
        %swap3A_2233 = arith.index_cast %swap3A_2232 : i32 to index
        %swap3A_2234 = arith.constant 112 : index
        %swap3A_2235 = tpu.vector_load %arg7[%swap3A_2233, %swap3A_2234] {strides = array<i32>} : memref<8x224xf32, #tpu.memory_space<vmem>>, vector<16xf32>,
        tpu.vector_store %arg7[%swap3A_2233, %swap3A_2234], %gather3A_2221 {strides = array<i32>} : memref<8x224xf32, #tpu.memory_space<vmem>>, vector<16xf32>,
        %swap3A_2236 = arith.constant 7 : i32
        %swap3A_2237 = arith.index_cast %swap3A_2236 : i32 to index
        %swap3A_2238 = arith.constant 128 : index
        %swap3A_2239 = tpu.vector_load %arg7[%swap3A_2237, %swap3A_2238] {strides = array<i32>} : memref<8x224xf32, #tpu.memory_space<vmem>>, vector<16xf32>,
        tpu.vector_store %arg7[%swap3A_2237, %swap3A_2238], %gather3A_2222 {strides = array<i32>} : memref<8x224xf32, #tpu.memory_space<vmem>>, vector<16xf32>,
        %swap3A_2240 = arith.constant 7 : i32
        %swap3A_2241 = arith.index_cast %swap3A_2240 : i32 to index
        %swap3A_2242 = arith.constant 144 : index
        %swap3A_2243 = tpu.vector_load %arg7[%swap3A_2241, %swap3A_2242] {strides = array<i32>} : memref<8x224xf32, #tpu.memory_space<vmem>>, vector<16xf32>,
        tpu.vector_store %arg7[%swap3A_2241, %swap3A_2242], %gather3A_2223 {strides = array<i32>} : memref<8x224xf32, #tpu.memory_space<vmem>>, vector<16xf32>,
        %swap3A_2244 = arith.constant 7 : i32
        %swap3A_2245 = arith.index_cast %swap3A_2244 : i32 to index
        %swap3A_2246 = arith.constant 160 : index
        %swap3A_2247 = tpu.vector_load %arg7[%swap3A_2245, %swap3A_2246] {strides = array<i32>} : memref<8x224xf32, #tpu.memory_space<vmem>>, vector<16xf32>,
        tpu.vector_store %arg7[%swap3A_2245, %swap3A_2246], %gather3A_2224 {strides = array<i32>} : memref<8x224xf32, #tpu.memory_space<vmem>>, vector<16xf32>,
        %swap3A_2248 = arith.constant 7 : i32
        %swap3A_2249 = arith.index_cast %swap3A_2248 : i32 to index
        %swap3A_2250 = arith.constant 176 : index
        %swap3A_2251 = tpu.vector_load %arg7[%swap3A_2249, %swap3A_2250] {strides = array<i32>} : memref<8x224xf32, #tpu.memory_space<vmem>>, vector<16xf32>,
        tpu.vector_store %arg7[%swap3A_2249, %swap3A_2250], %gather3A_2225 {strides = array<i32>} : memref<8x224xf32, #tpu.memory_space<vmem>>, vector<16xf32>,
        %swap3A_2252 = arith.constant 7 : i32
        %swap3A_2253 = arith.index_cast %swap3A_2252 : i32 to index
        %swap3A_2254 = arith.constant 192 : index
        %swap3A_2255 = tpu.vector_load %arg7[%swap3A_2253, %swap3A_2254] {strides = array<i32>} : memref<8x224xf32, #tpu.memory_space<vmem>>, vector<16xf32>,
        tpu.vector_store %arg7[%swap3A_2253, %swap3A_2254], %gather3A_2226 {strides = array<i32>} : memref<8x224xf32, #tpu.memory_space<vmem>>, vector<16xf32>,
        %swap3A_2256 = arith.constant 7 : i32
        %swap3A_2257 = arith.index_cast %swap3A_2256 : i32 to index
        %swap3A_2258 = arith.constant 208 : index
        %swap3A_2259 = tpu.vector_load %arg7[%swap3A_2257, %swap3A_2258] {strides = array<i32>} : memref<8x224xf32, #tpu.memory_space<vmem>>, vector<16xf32>,
        tpu.vector_store %arg7[%swap3A_2257, %swap3A_2258], %gather3A_2227 {strides = array<i32>} : memref<8x224xf32, #tpu.memory_space<vmem>>, vector<16xf32>,
        %mul3A_2260 = arith.constant 8 : i32
        %mul3A_2261 = arith.muli %add3A_355, %mul3A_2260 : i32
        %dma_start3A_2262 = arith.constant 0 : i32
        %dma_start3A_2263 = tpu.memref_slice %arg4[%add3A_143, %mul3A_2261, %dma_start3A_2262] : memref<768x224x224xf32, #tpu.memory_space<hbm>> -> memref<1x8x224xf32, #tpu.memory_space<hbm>>
        %dma_start3A_2264 = tpu.memref_squeeze %dma_start3A_2263 : memref<1x8x224xf32, #tpu.memory_space<hbm>> -> memref<8x224xf32, #tpu.memory_space<hbm>>
        %dma_start3A_2265 = arith.constant 0 : i32
        %dma_start3A_2266 = tpu.memref_slice %arg4[%add3A_143, %mul3A_2261, %dma_start3A_2265] : memref<768x224x224xf32, #tpu.memory_space<hbm>> -> memref<1x8x224xf32, #tpu.memory_space<hbm>>
        %dma_start3A_2267 = tpu.memref_squeeze %dma_start3A_2266 : memref<1x8x224xf32, #tpu.memory_space<hbm>> -> memref<8x224xf32, #tpu.memory_space<hbm>>
        tpu.enqueue_dma source(%arg7 : memref<8x224xf32, #tpu.memory_space<vmem>>) target(%dma_start3A_2267 : memref<8x224xf32, #tpu.memory_space<hbm>>) target_semaphore(%arg9 : memref<!tpu.dma_semaphore, #tpu.memory_space<semaphore_mem>>)
        %mul3A_2268 = arith.constant 2 : i32
        %mul3A_2269 = arith.muli %scan3A_346, %mul3A_2268 : i32
        %add3A_2270 = arith.constant 1 : i32
        %add3A_2271 = arith.addi %mul3A_2269, %add3A_2270 : i32
        %not3A_2272 = arith.constant true
        %not3A_2273 = arith.xori %and3A_351, %not3A_2272 : i1
        %convert_element_type3A_2274 = arith.extui %not3A_2273 : i1 to i32
        %cond3A_2275 = arith.constant 0 : i32
        %cond3A_2276 = arith.cmpi ne, %convert_element_type3A_2274, %cond3A_2275 : i32
        scf.if %cond3A_2276 {
          %mul3A_4191 = arith.constant 8 : i32
          %mul3A_4192 = arith.muli %add3A_2271, %mul3A_4191 : i32
          %dma_wait3A_4193 = arith.constant 0 : i32
          %dma_wait3A_4194 = tpu.memref_slice %arg4[%add3A_143, %mul3A_4192, %dma_wait3A_4193] : memref<768x224x224xf32, #tpu.memory_space<hbm>> -> memref<1x8x224xf32, #tpu.memory_space<hbm>>
          %dma_wait3A_4195 = tpu.memref_squeeze %dma_wait3A_4194 : memref<1x8x224xf32, #tpu.memory_space<hbm>> -> memref<8x224xf32, #tpu.memory_space<hbm>>
          %dma_wait3A_4196 = arith.constant 0 : i32
          %dma_wait3A_4197 = tpu.memref_slice %arg4[%add3A_143, %mul3A_4192, %dma_wait3A_4196] : memref<768x224x224xf32, #tpu.memory_space<hbm>> -> memref<1x8x224xf32, #tpu.memory_space<hbm>>
          %dma_wait3A_4198 = tpu.memref_squeeze %dma_wait3A_4197 : memref<1x8x224xf32, #tpu.memory_space<hbm>> -> memref<8x224xf32, #tpu.memory_space<hbm>>
          tpu.wait_dma2 semaphore(%arg10 : memref<!tpu.dma_semaphore, #tpu.memory_space<semaphore_mem>>) src(%arg8 : memref<8x224xf32, #tpu.memory_space<vmem>>) dst(%dma_wait3A_4198 : memref<8x224xf32, #tpu.memory_space<hbm>>)
        } else {
        }
        %mul3A_2277 = arith.constant 1792 : i32
        %mul3A_2278 = arith.muli %add3A_2271, %mul3A_2277 : i32
        %add3A_2279 = arith.constant 0 : i32
        %add3A_2280 = arith.addi %mul3A_2278, %add3A_2279 : i32
        %add3A_2281 = arith.constant 0 : i32
        %add3A_2282 = arith.addi %add3A_2280, %add3A_2281 : i32
        %get3A_2283 = arith.index_cast %add3A_2282 : i32 to index
        %get3A_2284 = tpu.vector_load %arg5[%get3A_2283] {strides = array<i32>} : memref<50176xi32, #tpu.memory_space<vmem>>, vector<16xi32>,
        %add3A_2285 = arith.constant 0 : i32
        %add3A_2286 = arith.addi %mul3A_2278, %add3A_2285 : i32
        %add3A_2287 = arith.constant 16 : i32
        %add3A_2288 = arith.addi %add3A_2286, %add3A_2287 : i32
        %get3A_2289 = arith.index_cast %add3A_2288 : i32 to index
        %get3A_2290 = tpu.vector_load %arg5[%get3A_2289] {strides = array<i32>} : memref<50176xi32, #tpu.memory_space<vmem>>, vector<16xi32>,
        %add3A_2291 = arith.constant 0 : i32
        %add3A_2292 = arith.addi %mul3A_2278, %add3A_2291 : i32
        %add3A_2293 = arith.constant 32 : i32
        %add3A_2294 = arith.addi %add3A_2292, %add3A_2293 : i32
        %get3A_2295 = arith.index_cast %add3A_2294 : i32 to index
        %get3A_2296 = tpu.vector_load %arg5[%get3A_2295] {strides = array<i32>} : memref<50176xi32, #tpu.memory_space<vmem>>, vector<16xi32>,
        %add3A_2297 = arith.constant 0 : i32
        %add3A_2298 = arith.addi %mul3A_2278, %add3A_2297 : i32
        %add3A_2299 = arith.constant 48 : i32
        %add3A_2300 = arith.addi %add3A_2298, %add3A_2299 : i32
        %get3A_2301 = arith.index_cast %add3A_2300 : i32 to index
        %get3A_2302 = tpu.vector_load %arg5[%get3A_2301] {strides = array<i32>} : memref<50176xi32, #tpu.memory_space<vmem>>, vector<16xi32>,
        %add3A_2303 = arith.constant 0 : i32
        %add3A_2304 = arith.addi %mul3A_2278, %add3A_2303 : i32
        %add3A_2305 = arith.constant 64 : i32
        %add3A_2306 = arith.addi %add3A_2304, %add3A_2305 : i32
        %get3A_2307 = arith.index_cast %add3A_2306 : i32 to index
        %get3A_2308 = tpu.vector_load %arg5[%get3A_2307] {strides = array<i32>} : memref<50176xi32, #tpu.memory_space<vmem>>, vector<16xi32>,
        %add3A_2309 = arith.constant 0 : i32
        %add3A_2310 = arith.addi %mul3A_2278, %add3A_2309 : i32
        %add3A_2311 = arith.constant 80 : i32
        %add3A_2312 = arith.addi %add3A_2310, %add3A_2311 : i32
        %get3A_2313 = arith.index_cast %add3A_2312 : i32 to index
        %get3A_2314 = tpu.vector_load %arg5[%get3A_2313] {strides = array<i32>} : memref<50176xi32, #tpu.memory_space<vmem>>, vector<16xi32>,
        %add3A_2315 = arith.constant 0 : i32
        %add3A_2316 = arith.addi %mul3A_2278, %add3A_2315 : i32
        %add3A_2317 = arith.constant 96 : i32
        %add3A_2318 = arith.addi %add3A_2316, %add3A_2317 : i32
        %get3A_2319 = arith.index_cast %add3A_2318 : i32 to index
        %get3A_2320 = tpu.vector_load %arg5[%get3A_2319] {strides = array<i32>} : memref<50176xi32, #tpu.memory_space<vmem>>, vector<16xi32>,
        %add3A_2321 = arith.constant 0 : i32
        %add3A_2322 = arith.addi %mul3A_2278, %add3A_2321 : i32
        %add3A_2323 = arith.constant 112 : i32
        %add3A_2324 = arith.addi %add3A_2322, %add3A_2323 : i32
        %get3A_2325 = arith.index_cast %add3A_2324 : i32 to index
        %get3A_2326 = tpu.vector_load %arg5[%get3A_2325] {strides = array<i32>} : memref<50176xi32, #tpu.memory_space<vmem>>, vector<16xi32>,
        %shift_right_logical3A_2327 = arith.constant 8 : i32
        %shift_right_logical3A_2328 = vector.broadcast %shift_right_logical3A_2327 : i32 to vector<16xi32>
        %shift_right_logical3A_2329 = arith.shrui %get3A_2284, %shift_right_logical3A_2328 : vector<16xi32>
        %shift_right_logical3A_2330 = arith.constant 8 : i32
        %shift_right_logical3A_2331 = vector.broadcast %shift_right_logical3A_2330 : i32 to vector<16xi32>
        %shift_right_logical3A_2332 = arith.shrui %get3A_2290, %shift_right_logical3A_2331 : vector<16xi32>
        %shift_right_logical3A_2333 = arith.constant 8 : i32
        %shift_right_logical3A_2334 = vector.broadcast %shift_right_logical3A_2333 : i32 to vector<16xi32>
        %shift_right_logical3A_2335 = arith.shrui %get3A_2296, %shift_right_logical3A_2334 : vector<16xi32>
        %shift_right_logical3A_2336 = arith.constant 8 : i32
        %shift_right_logical3A_2337 = vector.broadcast %shift_right_logical3A_2336 : i32 to vector<16xi32>
        %shift_right_logical3A_2338 = arith.shrui %get3A_2302, %shift_right_logical3A_2337 : vector<16xi32>
        %shift_right_logical3A_2339 = arith.constant 8 : i32
        %shift_right_logical3A_2340 = vector.broadcast %shift_right_logical3A_2339 : i32 to vector<16xi32>
        %shift_right_logical3A_2341 = arith.shrui %get3A_2308, %shift_right_logical3A_2340 : vector<16xi32>
        %shift_right_logical3A_2342 = arith.constant 8 : i32
        %shift_right_logical3A_2343 = vector.broadcast %shift_right_logical3A_2342 : i32 to vector<16xi32>
        %shift_right_logical3A_2344 = arith.shrui %get3A_2314, %shift_right_logical3A_2343 : vector<16xi32>
        %shift_right_logical3A_2345 = arith.constant 8 : i32
        %shift_right_logical3A_2346 = vector.broadcast %shift_right_logical3A_2345 : i32 to vector<16xi32>
        %shift_right_logical3A_2347 = arith.shrui %get3A_2320, %shift_right_logical3A_2346 : vector<16xi32>
        %shift_right_logical3A_2348 = arith.constant 8 : i32
        %shift_right_logical3A_2349 = vector.broadcast %shift_right_logical3A_2348 : i32 to vector<16xi32>
        %shift_right_logical3A_2350 = arith.shrui %get3A_2326, %shift_right_logical3A_2349 : vector<16xi32>
        %and3A_2351 = arith.constant 255 : i32
        %and3A_2352 = vector.broadcast %and3A_2351 : i32 to vector<16xi32>
        %and3A_2353 = arith.andi %get3A_2284, %and3A_2352 : vector<16xi32>
        %and3A_2354 = arith.constant 255 : i32
        %and3A_2355 = vector.broadcast %and3A_2354 : i32 to vector<16xi32>
        %and3A_2356 = arith.andi %get3A_2290, %and3A_2355 : vector<16xi32>
        %and3A_2357 = arith.constant 255 : i32
        %and3A_2358 = vector.broadcast %and3A_2357 : i32 to vector<16xi32>
        %and3A_2359 = arith.andi %get3A_2296, %and3A_2358 : vector<16xi32>
        %and3A_2360 = arith.constant 255 : i32
        %and3A_2361 = vector.broadcast %and3A_2360 : i32 to vector<16xi32>
        %and3A_2362 = arith.andi %get3A_2302, %and3A_2361 : vector<16xi32>
        %and3A_2363 = arith.constant 255 : i32
        %and3A_2364 = vector.broadcast %and3A_2363 : i32 to vector<16xi32>
        %and3A_2365 = arith.andi %get3A_2308, %and3A_2364 : vector<16xi32>
        %and3A_2366 = arith.constant 255 : i32
        %and3A_2367 = vector.broadcast %and3A_2366 : i32 to vector<16xi32>
        %and3A_2368 = arith.andi %get3A_2314, %and3A_2367 : vector<16xi32>
        %and3A_2369 = arith.constant 255 : i32
        %and3A_2370 = vector.broadcast %and3A_2369 : i32 to vector<16xi32>
        %and3A_2371 = arith.andi %get3A_2320, %and3A_2370 : vector<16xi32>
        %and3A_2372 = arith.constant 255 : i32
        %and3A_2373 = vector.broadcast %and3A_2372 : i32 to vector<16xi32>
        %and3A_2374 = arith.andi %get3A_2326, %and3A_2373 : vector<16xi32>
        %gather3A_2375 = tpu.vector_load_idx %arg6[%shift_right_logical3A_2329, %and3A_2353] : memref<224x224xf32, #tpu.memory_space<vmem>>[vector<16xi32>, vector<16xi32>], vector<16xf32>,
        %gather3A_2376 = tpu.vector_load_idx %arg6[%shift_right_logical3A_2332, %and3A_2356] : memref<224x224xf32, #tpu.memory_space<vmem>>[vector<16xi32>, vector<16xi32>], vector<16xf32>,
        %gather3A_2377 = tpu.vector_load_idx %arg6[%shift_right_logical3A_2335, %and3A_2359] : memref<224x224xf32, #tpu.memory_space<vmem>>[vector<16xi32>, vector<16xi32>], vector<16xf32>,
        %gather3A_2378 = tpu.vector_load_idx %arg6[%shift_right_logical3A_2338, %and3A_2362] : memref<224x224xf32, #tpu.memory_space<vmem>>[vector<16xi32>, vector<16xi32>], vector<16xf32>,
        %gather3A_2379 = tpu.vector_load_idx %arg6[%shift_right_logical3A_2341, %and3A_2365] : memref<224x224xf32, #tpu.memory_space<vmem>>[vector<16xi32>, vector<16xi32>], vector<16xf32>,
        %gather3A_2380 = tpu.vector_load_idx %arg6[%shift_right_logical3A_2344, %and3A_2368] : memref<224x224xf32, #tpu.memory_space<vmem>>[vector<16xi32>, vector<16xi32>], vector<16xf32>,
        %gather3A_2381 = tpu.vector_load_idx %arg6[%shift_right_logical3A_2347, %and3A_2371] : memref<224x224xf32, #tpu.memory_space<vmem>>[vector<16xi32>, vector<16xi32>], vector<16xf32>,
        %gather3A_2382 = tpu.vector_load_idx %arg6[%shift_right_logical3A_2350, %and3A_2374] : memref<224x224xf32, #tpu.memory_space<vmem>>[vector<16xi32>, vector<16xi32>], vector<16xf32>,
        %swap3A_2383 = arith.constant 0 : i32
        %swap3A_2384 = arith.index_cast %swap3A_2383 : i32 to index
        %swap3A_2385 = arith.constant 0 : index
        %swap3A_2386 = tpu.vector_load %arg8[%swap3A_2384, %swap3A_2385] {strides = array<i32>} : memref<8x224xf32, #tpu.memory_space<vmem>>, vector<16xf32>,
        tpu.vector_store %arg8[%swap3A_2384, %swap3A_2385], %gather3A_2375 {strides = array<i32>} : memref<8x224xf32, #tpu.memory_space<vmem>>, vector<16xf32>,
        %swap3A_2387 = arith.constant 0 : i32
        %swap3A_2388 = arith.index_cast %swap3A_2387 : i32 to index
        %swap3A_2389 = arith.constant 16 : index
        %swap3A_2390 = tpu.vector_load %arg8[%swap3A_2388, %swap3A_2389] {strides = array<i32>} : memref<8x224xf32, #tpu.memory_space<vmem>>, vector<16xf32>,
        tpu.vector_store %arg8[%swap3A_2388, %swap3A_2389], %gather3A_2376 {strides = array<i32>} : memref<8x224xf32, #tpu.memory_space<vmem>>, vector<16xf32>,
        %swap3A_2391 = arith.constant 0 : i32
        %swap3A_2392 = arith.index_cast %swap3A_2391 : i32 to index
        %swap3A_2393 = arith.constant 32 : index
        %swap3A_2394 = tpu.vector_load %arg8[%swap3A_2392, %swap3A_2393] {strides = array<i32>} : memref<8x224xf32, #tpu.memory_space<vmem>>, vector<16xf32>,
        tpu.vector_store %arg8[%swap3A_2392, %swap3A_2393], %gather3A_2377 {strides = array<i32>} : memref<8x224xf32, #tpu.memory_space<vmem>>, vector<16xf32>,
        %swap3A_2395 = arith.constant 0 : i32
        %swap3A_2396 = arith.index_cast %swap3A_2395 : i32 to index
        %swap3A_2397 = arith.constant 48 : index
        %swap3A_2398 = tpu.vector_load %arg8[%swap3A_2396, %swap3A_2397] {strides = array<i32>} : memref<8x224xf32, #tpu.memory_space<vmem>>, vector<16xf32>,
        tpu.vector_store %arg8[%swap3A_2396, %swap3A_2397], %gather3A_2378 {strides = array<i32>} : memref<8x224xf32, #tpu.memory_space<vmem>>, vector<16xf32>,
        %swap3A_2399 = arith.constant 0 : i32
        %swap3A_2400 = arith.index_cast %swap3A_2399 : i32 to index
        %swap3A_2401 = arith.constant 64 : index
        %swap3A_2402 = tpu.vector_load %arg8[%swap3A_2400, %swap3A_2401] {strides = array<i32>} : memref<8x224xf32, #tpu.memory_space<vmem>>, vector<16xf32>,
        tpu.vector_store %arg8[%swap3A_2400, %swap3A_2401], %gather3A_2379 {strides = array<i32>} : memref<8x224xf32, #tpu.memory_space<vmem>>, vector<16xf32>,
        %swap3A_2403 = arith.constant 0 : i32
        %swap3A_2404 = arith.index_cast %swap3A_2403 : i32 to index
        %swap3A_2405 = arith.constant 80 : index
        %swap3A_2406 = tpu.vector_load %arg8[%swap3A_2404, %swap3A_2405] {strides = array<i32>} : memref<8x224xf32, #tpu.memory_space<vmem>>, vector<16xf32>,
        tpu.vector_store %arg8[%swap3A_2404, %swap3A_2405], %gather3A_2380 {strides = array<i32>} : memref<8x224xf32, #tpu.memory_space<vmem>>, vector<16xf32>,
        %swap3A_2407 = arith.constant 0 : i32
        %swap3A_2408 = arith.index_cast %swap3A_2407 : i32 to index
        %swap3A_2409 = arith.constant 96 : index
        %swap3A_2410 = tpu.vector_load %arg8[%swap3A_2408, %swap3A_2409] {strides = array<i32>} : memref<8x224xf32, #tpu.memory_space<vmem>>, vector<16xf32>,
        tpu.vector_store %arg8[%swap3A_2408, %swap3A_2409], %gather3A_2381 {strides = array<i32>} : memref<8x224xf32, #tpu.memory_space<vmem>>, vector<16xf32>,
        %swap3A_2411 = arith.constant 0 : i32
        %swap3A_2412 = arith.index_cast %swap3A_2411 : i32 to index
        %swap3A_2413 = arith.constant 112 : index
        %swap3A_2414 = tpu.vector_load %arg8[%swap3A_2412, %swap3A_2413] {strides = array<i32>} : memref<8x224xf32, #tpu.memory_space<vmem>>, vector<16xf32>,
        tpu.vector_store %arg8[%swap3A_2412, %swap3A_2413], %gather3A_2382 {strides = array<i32>} : memref<8x224xf32, #tpu.memory_space<vmem>>, vector<16xf32>,
        %add3A_2415 = arith.constant 0 : i32
        %add3A_2416 = arith.addi %mul3A_2278, %add3A_2415 : i32
        %add3A_2417 = arith.constant 128 : i32
        %add3A_2418 = arith.addi %add3A_2416, %add3A_2417 : i32
        %get3A_2419 = arith.index_cast %add3A_2418 : i32 to index
        %get3A_2420 = tpu.vector_load %arg5[%get3A_2419] {strides = array<i32>} : memref<50176xi32, #tpu.memory_space<vmem>>, vector<16xi32>,
        %add3A_2421 = arith.constant 0 : i32
        %add3A_2422 = arith.addi %mul3A_2278, %add3A_2421 : i32
        %add3A_2423 = arith.constant 144 : i32
        %add3A_2424 = arith.addi %add3A_2422, %add3A_2423 : i32
        %get3A_2425 = arith.index_cast %add3A_2424 : i32 to index
        %get3A_2426 = tpu.vector_load %arg5[%get3A_2425] {strides = array<i32>} : memref<50176xi32, #tpu.memory_space<vmem>>, vector<16xi32>,
        %add3A_2427 = arith.constant 0 : i32
        %add3A_2428 = arith.addi %mul3A_2278, %add3A_2427 : i32
        %add3A_2429 = arith.constant 160 : i32
        %add3A_2430 = arith.addi %add3A_2428, %add3A_2429 : i32
        %get3A_2431 = arith.index_cast %add3A_2430 : i32 to index
        %get3A_2432 = tpu.vector_load %arg5[%get3A_2431] {strides = array<i32>} : memref<50176xi32, #tpu.memory_space<vmem>>, vector<16xi32>,
        %add3A_2433 = arith.constant 0 : i32
        %add3A_2434 = arith.addi %mul3A_2278, %add3A_2433 : i32
        %add3A_2435 = arith.constant 176 : i32
        %add3A_2436 = arith.addi %add3A_2434, %add3A_2435 : i32
        %get3A_2437 = arith.index_cast %add3A_2436 : i32 to index
        %get3A_2438 = tpu.vector_load %arg5[%get3A_2437] {strides = array<i32>} : memref<50176xi32, #tpu.memory_space<vmem>>, vector<16xi32>,
        %add3A_2439 = arith.constant 0 : i32
        %add3A_2440 = arith.addi %mul3A_2278, %add3A_2439 : i32
        %add3A_2441 = arith.constant 192 : i32
        %add3A_2442 = arith.addi %add3A_2440, %add3A_2441 : i32
        %get3A_2443 = arith.index_cast %add3A_2442 : i32 to index
        %get3A_2444 = tpu.vector_load %arg5[%get3A_2443] {strides = array<i32>} : memref<50176xi32, #tpu.memory_space<vmem>>, vector<16xi32>,
        %add3A_2445 = arith.constant 0 : i32
        %add3A_2446 = arith.addi %mul3A_2278, %add3A_2445 : i32
        %add3A_2447 = arith.constant 208 : i32
        %add3A_2448 = arith.addi %add3A_2446, %add3A_2447 : i32
        %get3A_2449 = arith.index_cast %add3A_2448 : i32 to index
        %get3A_2450 = tpu.vector_load %arg5[%get3A_2449] {strides = array<i32>} : memref<50176xi32, #tpu.memory_space<vmem>>, vector<16xi32>,
        %add3A_2451 = arith.constant 224 : i32
        %add3A_2452 = arith.addi %mul3A_2278, %add3A_2451 : i32
        %add3A_2453 = arith.constant 0 : i32
        %add3A_2454 = arith.addi %add3A_2452, %add3A_2453 : i32
        %get3A_2455 = arith.index_cast %add3A_2454 : i32 to index
        %get3A_2456 = tpu.vector_load %arg5[%get3A_2455] {strides = array<i32>} : memref<50176xi32, #tpu.memory_space<vmem>>, vector<16xi32>,
        %add3A_2457 = arith.constant 224 : i32
        %add3A_2458 = arith.addi %mul3A_2278, %add3A_2457 : i32
        %add3A_2459 = arith.constant 16 : i32
        %add3A_2460 = arith.addi %add3A_2458, %add3A_2459 : i32
        %get3A_2461 = arith.index_cast %add3A_2460 : i32 to index
        %get3A_2462 = tpu.vector_load %arg5[%get3A_2461] {strides = array<i32>} : memref<50176xi32, #tpu.memory_space<vmem>>, vector<16xi32>,
        %shift_right_logical3A_2463 = arith.constant 8 : i32
        %shift_right_logical3A_2464 = vector.broadcast %shift_right_logical3A_2463 : i32 to vector<16xi32>
        %shift_right_logical3A_2465 = arith.shrui %get3A_2420, %shift_right_logical3A_2464 : vector<16xi32>
        %shift_right_logical3A_2466 = arith.constant 8 : i32
        %shift_right_logical3A_2467 = vector.broadcast %shift_right_logical3A_2466 : i32 to vector<16xi32>
        %shift_right_logical3A_2468 = arith.shrui %get3A_2426, %shift_right_logical3A_2467 : vector<16xi32>
        %shift_right_logical3A_2469 = arith.constant 8 : i32
        %shift_right_logical3A_2470 = vector.broadcast %shift_right_logical3A_2469 : i32 to vector<16xi32>
        %shift_right_logical3A_2471 = arith.shrui %get3A_2432, %shift_right_logical3A_2470 : vector<16xi32>
        %shift_right_logical3A_2472 = arith.constant 8 : i32
        %shift_right_logical3A_2473 = vector.broadcast %shift_right_logical3A_2472 : i32 to vector<16xi32>
        %shift_right_logical3A_2474 = arith.shrui %get3A_2438, %shift_right_logical3A_2473 : vector<16xi32>
        %shift_right_logical3A_2475 = arith.constant 8 : i32
        %shift_right_logical3A_2476 = vector.broadcast %shift_right_logical3A_2475 : i32 to vector<16xi32>
        %shift_right_logical3A_2477 = arith.shrui %get3A_2444, %shift_right_logical3A_2476 : vector<16xi32>
        %shift_right_logical3A_2478 = arith.constant 8 : i32
        %shift_right_logical3A_2479 = vector.broadcast %shift_right_logical3A_2478 : i32 to vector<16xi32>
        %shift_right_logical3A_2480 = arith.shrui %get3A_2450, %shift_right_logical3A_2479 : vector<16xi32>
        %shift_right_logical3A_2481 = arith.constant 8 : i32
        %shift_right_logical3A_2482 = vector.broadcast %shift_right_logical3A_2481 : i32 to vector<16xi32>
        %shift_right_logical3A_2483 = arith.shrui %get3A_2456, %shift_right_logical3A_2482 : vector<16xi32>
        %shift_right_logical3A_2484 = arith.constant 8 : i32
        %shift_right_logical3A_2485 = vector.broadcast %shift_right_logical3A_2484 : i32 to vector<16xi32>
        %shift_right_logical3A_2486 = arith.shrui %get3A_2462, %shift_right_logical3A_2485 : vector<16xi32>
        %and3A_2487 = arith.constant 255 : i32
        %and3A_2488 = vector.broadcast %and3A_2487 : i32 to vector<16xi32>
        %and3A_2489 = arith.andi %get3A_2420, %and3A_2488 : vector<16xi32>
        %and3A_2490 = arith.constant 255 : i32
        %and3A_2491 = vector.broadcast %and3A_2490 : i32 to vector<16xi32>
        %and3A_2492 = arith.andi %get3A_2426, %and3A_2491 : vector<16xi32>
        %and3A_2493 = arith.constant 255 : i32
        %and3A_2494 = vector.broadcast %and3A_2493 : i32 to vector<16xi32>
        %and3A_2495 = arith.andi %get3A_2432, %and3A_2494 : vector<16xi32>
        %and3A_2496 = arith.constant 255 : i32
        %and3A_2497 = vector.broadcast %and3A_2496 : i32 to vector<16xi32>
        %and3A_2498 = arith.andi %get3A_2438, %and3A_2497 : vector<16xi32>
        %and3A_2499 = arith.constant 255 : i32
        %and3A_2500 = vector.broadcast %and3A_2499 : i32 to vector<16xi32>
        %and3A_2501 = arith.andi %get3A_2444, %and3A_2500 : vector<16xi32>
        %and3A_2502 = arith.constant 255 : i32
        %and3A_2503 = vector.broadcast %and3A_2502 : i32 to vector<16xi32>
        %and3A_2504 = arith.andi %get3A_2450, %and3A_2503 : vector<16xi32>
        %and3A_2505 = arith.constant 255 : i32
        %and3A_2506 = vector.broadcast %and3A_2505 : i32 to vector<16xi32>
        %and3A_2507 = arith.andi %get3A_2456, %and3A_2506 : vector<16xi32>
        %and3A_2508 = arith.constant 255 : i32
        %and3A_2509 = vector.broadcast %and3A_2508 : i32 to vector<16xi32>
        %and3A_2510 = arith.andi %get3A_2462, %and3A_2509 : vector<16xi32>
        %gather3A_2511 = tpu.vector_load_idx %arg6[%shift_right_logical3A_2465, %and3A_2489] : memref<224x224xf32, #tpu.memory_space<vmem>>[vector<16xi32>, vector<16xi32>], vector<16xf32>,
        %gather3A_2512 = tpu.vector_load_idx %arg6[%shift_right_logical3A_2468, %and3A_2492] : memref<224x224xf32, #tpu.memory_space<vmem>>[vector<16xi32>, vector<16xi32>], vector<16xf32>,
        %gather3A_2513 = tpu.vector_load_idx %arg6[%shift_right_logical3A_2471, %and3A_2495] : memref<224x224xf32, #tpu.memory_space<vmem>>[vector<16xi32>, vector<16xi32>], vector<16xf32>,
        %gather3A_2514 = tpu.vector_load_idx %arg6[%shift_right_logical3A_2474, %and3A_2498] : memref<224x224xf32, #tpu.memory_space<vmem>>[vector<16xi32>, vector<16xi32>], vector<16xf32>,
        %gather3A_2515 = tpu.vector_load_idx %arg6[%shift_right_logical3A_2477, %and3A_2501] : memref<224x224xf32, #tpu.memory_space<vmem>>[vector<16xi32>, vector<16xi32>], vector<16xf32>,
        %gather3A_2516 = tpu.vector_load_idx %arg6[%shift_right_logical3A_2480, %and3A_2504] : memref<224x224xf32, #tpu.memory_space<vmem>>[vector<16xi32>, vector<16xi32>], vector<16xf32>,
        %gather3A_2517 = tpu.vector_load_idx %arg6[%shift_right_logical3A_2483, %and3A_2507] : memref<224x224xf32, #tpu.memory_space<vmem>>[vector<16xi32>, vector<16xi32>], vector<16xf32>,
        %gather3A_2518 = tpu.vector_load_idx %arg6[%shift_right_logical3A_2486, %and3A_2510] : memref<224x224xf32, #tpu.memory_space<vmem>>[vector<16xi32>, vector<16xi32>], vector<16xf32>,
        %swap3A_2519 = arith.constant 0 : i32
        %swap3A_2520 = arith.index_cast %swap3A_2519 : i32 to index
        %swap3A_2521 = arith.constant 128 : index
        %swap3A_2522 = tpu.vector_load %arg8[%swap3A_2520, %swap3A_2521] {strides = array<i32>} : memref<8x224xf32, #tpu.memory_space<vmem>>, vector<16xf32>,
        tpu.vector_store %arg8[%swap3A_2520, %swap3A_2521], %gather3A_2511 {strides = array<i32>} : memref<8x224xf32, #tpu.memory_space<vmem>>, vector<16xf32>,
        %swap3A_2523 = arith.constant 0 : i32
        %swap3A_2524 = arith.index_cast %swap3A_2523 : i32 to index
        %swap3A_2525 = arith.constant 144 : index
        %swap3A_2526 = tpu.vector_load %arg8[%swap3A_2524, %swap3A_2525] {strides = array<i32>} : memref<8x224xf32, #tpu.memory_space<vmem>>, vector<16xf32>,
        tpu.vector_store %arg8[%swap3A_2524, %swap3A_2525], %gather3A_2512 {strides = array<i32>} : memref<8x224xf32, #tpu.memory_space<vmem>>, vector<16xf32>,
        %swap3A_2527 = arith.constant 0 : i32
        %swap3A_2528 = arith.index_cast %swap3A_2527 : i32 to index
        %swap3A_2529 = arith.constant 160 : index
        %swap3A_2530 = tpu.vector_load %arg8[%swap3A_2528, %swap3A_2529] {strides = array<i32>} : memref<8x224xf32, #tpu.memory_space<vmem>>, vector<16xf32>,
        tpu.vector_store %arg8[%swap3A_2528, %swap3A_2529], %gather3A_2513 {strides = array<i32>} : memref<8x224xf32, #tpu.memory_space<vmem>>, vector<16xf32>,
        %swap3A_2531 = arith.constant 0 : i32
        %swap3A_2532 = arith.index_cast %swap3A_2531 : i32 to index
        %swap3A_2533 = arith.constant 176 : index
        %swap3A_2534 = tpu.vector_load %arg8[%swap3A_2532, %swap3A_2533] {strides = array<i32>} : memref<8x224xf32, #tpu.memory_space<vmem>>, vector<16xf32>,
        tpu.vector_store %arg8[%swap3A_2532, %swap3A_2533], %gather3A_2514 {strides = array<i32>} : memref<8x224xf32, #tpu.memory_space<vmem>>, vector<16xf32>,
        %swap3A_2535 = arith.constant 0 : i32
        %swap3A_2536 = arith.index_cast %swap3A_2535 : i32 to index
        %swap3A_2537 = arith.constant 192 : index
        %swap3A_2538 = tpu.vector_load %arg8[%swap3A_2536, %swap3A_2537] {strides = array<i32>} : memref<8x224xf32, #tpu.memory_space<vmem>>, vector<16xf32>,
        tpu.vector_store %arg8[%swap3A_2536, %swap3A_2537], %gather3A_2515 {strides = array<i32>} : memref<8x224xf32, #tpu.memory_space<vmem>>, vector<16xf32>,
        %swap3A_2539 = arith.constant 0 : i32
        %swap3A_2540 = arith.index_cast %swap3A_2539 : i32 to index
        %swap3A_2541 = arith.constant 208 : index
        %swap3A_2542 = tpu.vector_load %arg8[%swap3A_2540, %swap3A_2541] {strides = array<i32>} : memref<8x224xf32, #tpu.memory_space<vmem>>, vector<16xf32>,
        tpu.vector_store %arg8[%swap3A_2540, %swap3A_2541], %gather3A_2516 {strides = array<i32>} : memref<8x224xf32, #tpu.memory_space<vmem>>, vector<16xf32>,
        %swap3A_2543 = arith.constant 1 : i32
        %swap3A_2544 = arith.index_cast %swap3A_2543 : i32 to index
        %swap3A_2545 = arith.constant 0 : index
        %swap3A_2546 = tpu.vector_load %arg8[%swap3A_2544, %swap3A_2545] {strides = array<i32>} : memref<8x224xf32, #tpu.memory_space<vmem>>, vector<16xf32>,
        tpu.vector_store %arg8[%swap3A_2544, %swap3A_2545], %gather3A_2517 {strides = array<i32>} : memref<8x224xf32, #tpu.memory_space<vmem>>, vector<16xf32>,
        %swap3A_2547 = arith.constant 1 : i32
        %swap3A_2548 = arith.index_cast %swap3A_2547 : i32 to index
        %swap3A_2549 = arith.constant 16 : index
        %swap3A_2550 = tpu.vector_load %arg8[%swap3A_2548, %swap3A_2549] {strides = array<i32>} : memref<8x224xf32, #tpu.memory_space<vmem>>, vector<16xf32>,
        tpu.vector_store %arg8[%swap3A_2548, %swap3A_2549], %gather3A_2518 {strides = array<i32>} : memref<8x224xf32, #tpu.memory_space<vmem>>, vector<16xf32>,
        %add3A_2551 = arith.constant 224 : i32
        %add3A_2552 = arith.addi %mul3A_2278, %add3A_2551 : i32
        %add3A_2553 = arith.constant 32 : i32
        %add3A_2554 = arith.addi %add3A_2552, %add3A_2553 : i32
        %get3A_2555 = arith.index_cast %add3A_2554 : i32 to index
        %get3A_2556 = tpu.vector_load %arg5[%get3A_2555] {strides = array<i32>} : memref<50176xi32, #tpu.memory_space<vmem>>, vector<16xi32>,
        %add3A_2557 = arith.constant 224 : i32
        %add3A_2558 = arith.addi %mul3A_2278, %add3A_2557 : i32
        %add3A_2559 = arith.constant 48 : i32
        %add3A_2560 = arith.addi %add3A_2558, %add3A_2559 : i32
        %get3A_2561 = arith.index_cast %add3A_2560 : i32 to index
        %get3A_2562 = tpu.vector_load %arg5[%get3A_2561] {strides = array<i32>} : memref<50176xi32, #tpu.memory_space<vmem>>, vector<16xi32>,
        %add3A_2563 = arith.constant 224 : i32
        %add3A_2564 = arith.addi %mul3A_2278, %add3A_2563 : i32
        %add3A_2565 = arith.constant 64 : i32
        %add3A_2566 = arith.addi %add3A_2564, %add3A_2565 : i32
        %get3A_2567 = arith.index_cast %add3A_2566 : i32 to index
        %get3A_2568 = tpu.vector_load %arg5[%get3A_2567] {strides = array<i32>} : memref<50176xi32, #tpu.memory_space<vmem>>, vector<16xi32>,
        %add3A_2569 = arith.constant 224 : i32
        %add3A_2570 = arith.addi %mul3A_2278, %add3A_2569 : i32
        %add3A_2571 = arith.constant 80 : i32
        %add3A_2572 = arith.addi %add3A_2570, %add3A_2571 : i32
        %get3A_2573 = arith.index_cast %add3A_2572 : i32 to index
        %get3A_2574 = tpu.vector_load %arg5[%get3A_2573] {strides = array<i32>} : memref<50176xi32, #tpu.memory_space<vmem>>, vector<16xi32>,
        %add3A_2575 = arith.constant 224 : i32
        %add3A_2576 = arith.addi %mul3A_2278, %add3A_2575 : i32
        %add3A_2577 = arith.constant 96 : i32
        %add3A_2578 = arith.addi %add3A_2576, %add3A_2577 : i32
        %get3A_2579 = arith.index_cast %add3A_2578 : i32 to index
        %get3A_2580 = tpu.vector_load %arg5[%get3A_2579] {strides = array<i32>} : memref<50176xi32, #tpu.memory_space<vmem>>, vector<16xi32>,
        %add3A_2581 = arith.constant 224 : i32
        %add3A_2582 = arith.addi %mul3A_2278, %add3A_2581 : i32
        %add3A_2583 = arith.constant 112 : i32
        %add3A_2584 = arith.addi %add3A_2582, %add3A_2583 : i32
        %get3A_2585 = arith.index_cast %add3A_2584 : i32 to index
        %get3A_2586 = tpu.vector_load %arg5[%get3A_2585] {strides = array<i32>} : memref<50176xi32, #tpu.memory_space<vmem>>, vector<16xi32>,
        %add3A_2587 = arith.constant 224 : i32
        %add3A_2588 = arith.addi %mul3A_2278, %add3A_2587 : i32
        %add3A_2589 = arith.constant 128 : i32
        %add3A_2590 = arith.addi %add3A_2588, %add3A_2589 : i32
        %get3A_2591 = arith.index_cast %add3A_2590 : i32 to index
        %get3A_2592 = tpu.vector_load %arg5[%get3A_2591] {strides = array<i32>} : memref<50176xi32, #tpu.memory_space<vmem>>, vector<16xi32>,
        %add3A_2593 = arith.constant 224 : i32
        %add3A_2594 = arith.addi %mul3A_2278, %add3A_2593 : i32
        %add3A_2595 = arith.constant 144 : i32
        %add3A_2596 = arith.addi %add3A_2594, %add3A_2595 : i32
        %get3A_2597 = arith.index_cast %add3A_2596 : i32 to index
        %get3A_2598 = tpu.vector_load %arg5[%get3A_2597] {strides = array<i32>} : memref<50176xi32, #tpu.memory_space<vmem>>, vector<16xi32>,
        %shift_right_logical3A_2599 = arith.constant 8 : i32
        %shift_right_logical3A_2600 = vector.broadcast %shift_right_logical3A_2599 : i32 to vector<16xi32>
        %shift_right_logical3A_2601 = arith.shrui %get3A_2556, %shift_right_logical3A_2600 : vector<16xi32>
        %shift_right_logical3A_2602 = arith.constant 8 : i32
        %shift_right_logical3A_2603 = vector.broadcast %shift_right_logical3A_2602 : i32 to vector<16xi32>
        %shift_right_logical3A_2604 = arith.shrui %get3A_2562, %shift_right_logical3A_2603 : vector<16xi32>
        %shift_right_logical3A_2605 = arith.constant 8 : i32
        %shift_right_logical3A_2606 = vector.broadcast %shift_right_logical3A_2605 : i32 to vector<16xi32>
        %shift_right_logical3A_2607 = arith.shrui %get3A_2568, %shift_right_logical3A_2606 : vector<16xi32>
        %shift_right_logical3A_2608 = arith.constant 8 : i32
        %shift_right_logical3A_2609 = vector.broadcast %shift_right_logical3A_2608 : i32 to vector<16xi32>
        %shift_right_logical3A_2610 = arith.shrui %get3A_2574, %shift_right_logical3A_2609 : vector<16xi32>
        %shift_right_logical3A_2611 = arith.constant 8 : i32
        %shift_right_logical3A_2612 = vector.broadcast %shift_right_logical3A_2611 : i32 to vector<16xi32>
        %shift_right_logical3A_2613 = arith.shrui %get3A_2580, %shift_right_logical3A_2612 : vector<16xi32>
        %shift_right_logical3A_2614 = arith.constant 8 : i32
        %shift_right_logical3A_2615 = vector.broadcast %shift_right_logical3A_2614 : i32 to vector<16xi32>
        %shift_right_logical3A_2616 = arith.shrui %get3A_2586, %shift_right_logical3A_2615 : vector<16xi32>
        %shift_right_logical3A_2617 = arith.constant 8 : i32
        %shift_right_logical3A_2618 = vector.broadcast %shift_right_logical3A_2617 : i32 to vector<16xi32>
        %shift_right_logical3A_2619 = arith.shrui %get3A_2592, %shift_right_logical3A_2618 : vector<16xi32>
        %shift_right_logical3A_2620 = arith.constant 8 : i32
        %shift_right_logical3A_2621 = vector.broadcast %shift_right_logical3A_2620 : i32 to vector<16xi32>
        %shift_right_logical3A_2622 = arith.shrui %get3A_2598, %shift_right_logical3A_2621 : vector<16xi32>
        %and3A_2623 = arith.constant 255 : i32
        %and3A_2624 = vector.broadcast %and3A_2623 : i32 to vector<16xi32>
        %and3A_2625 = arith.andi %get3A_2556, %and3A_2624 : vector<16xi32>
        %and3A_2626 = arith.constant 255 : i32
        %and3A_2627 = vector.broadcast %and3A_2626 : i32 to vector<16xi32>
        %and3A_2628 = arith.andi %get3A_2562, %and3A_2627 : vector<16xi32>
        %and3A_2629 = arith.constant 255 : i32
        %and3A_2630 = vector.broadcast %and3A_2629 : i32 to vector<16xi32>
        %and3A_2631 = arith.andi %get3A_2568, %and3A_2630 : vector<16xi32>
        %and3A_2632 = arith.constant 255 : i32
        %and3A_2633 = vector.broadcast %and3A_2632 : i32 to vector<16xi32>
        %and3A_2634 = arith.andi %get3A_2574, %and3A_2633 : vector<16xi32>
        %and3A_2635 = arith.constant 255 : i32
        %and3A_2636 = vector.broadcast %and3A_2635 : i32 to vector<16xi32>
        %and3A_2637 = arith.andi %get3A_2580, %and3A_2636 : vector<16xi32>
        %and3A_2638 = arith.constant 255 : i32
        %and3A_2639 = vector.broadcast %and3A_2638 : i32 to vector<16xi32>
        %and3A_2640 = arith.andi %get3A_2586, %and3A_2639 : vector<16xi32>
        %and3A_2641 = arith.constant 255 : i32
        %and3A_2642 = vector.broadcast %and3A_2641 : i32 to vector<16xi32>
        %and3A_2643 = arith.andi %get3A_2592, %and3A_2642 : vector<16xi32>
        %and3A_2644 = arith.constant 255 : i32
        %and3A_2645 = vector.broadcast %and3A_2644 : i32 to vector<16xi32>
        %and3A_2646 = arith.andi %get3A_2598, %and3A_2645 : vector<16xi32>
        %gather3A_2647 = tpu.vector_load_idx %arg6[%shift_right_logical3A_2601, %and3A_2625] : memref<224x224xf32, #tpu.memory_space<vmem>>[vector<16xi32>, vector<16xi32>], vector<16xf32>,
        %gather3A_2648 = tpu.vector_load_idx %arg6[%shift_right_logical3A_2604, %and3A_2628] : memref<224x224xf32, #tpu.memory_space<vmem>>[vector<16xi32>, vector<16xi32>], vector<16xf32>,
        %gather3A_2649 = tpu.vector_load_idx %arg6[%shift_right_logical3A_2607, %and3A_2631] : memref<224x224xf32, #tpu.memory_space<vmem>>[vector<16xi32>, vector<16xi32>], vector<16xf32>,
        %gather3A_2650 = tpu.vector_load_idx %arg6[%shift_right_logical3A_2610, %and3A_2634] : memref<224x224xf32, #tpu.memory_space<vmem>>[vector<16xi32>, vector<16xi32>], vector<16xf32>,
        %gather3A_2651 = tpu.vector_load_idx %arg6[%shift_right_logical3A_2613, %and3A_2637] : memref<224x224xf32, #tpu.memory_space<vmem>>[vector<16xi32>, vector<16xi32>], vector<16xf32>,
        %gather3A_2652 = tpu.vector_load_idx %arg6[%shift_right_logical3A_2616, %and3A_2640] : memref<224x224xf32, #tpu.memory_space<vmem>>[vector<16xi32>, vector<16xi32>], vector<16xf32>,
        %gather3A_2653 = tpu.vector_load_idx %arg6[%shift_right_logical3A_2619, %and3A_2643] : memref<224x224xf32, #tpu.memory_space<vmem>>[vector<16xi32>, vector<16xi32>], vector<16xf32>,
        %gather3A_2654 = tpu.vector_load_idx %arg6[%shift_right_logical3A_2622, %and3A_2646] : memref<224x224xf32, #tpu.memory_space<vmem>>[vector<16xi32>, vector<16xi32>], vector<16xf32>,
        %swap3A_2655 = arith.constant 1 : i32
        %swap3A_2656 = arith.index_cast %swap3A_2655 : i32 to index
        %swap3A_2657 = arith.constant 32 : index
        %swap3A_2658 = tpu.vector_load %arg8[%swap3A_2656, %swap3A_2657] {strides = array<i32>} : memref<8x224xf32, #tpu.memory_space<vmem>>, vector<16xf32>,
        tpu.vector_store %arg8[%swap3A_2656, %swap3A_2657], %gather3A_2647 {strides = array<i32>} : memref<8x224xf32, #tpu.memory_space<vmem>>, vector<16xf32>,
        %swap3A_2659 = arith.constant 1 : i32
        %swap3A_2660 = arith.index_cast %swap3A_2659 : i32 to index
        %swap3A_2661 = arith.constant 48 : index
        %swap3A_2662 = tpu.vector_load %arg8[%swap3A_2660, %swap3A_2661] {strides = array<i32>} : memref<8x224xf32, #tpu.memory_space<vmem>>, vector<16xf32>,
        tpu.vector_store %arg8[%swap3A_2660, %swap3A_2661], %gather3A_2648 {strides = array<i32>} : memref<8x224xf32, #tpu.memory_space<vmem>>, vector<16xf32>,
        %swap3A_2663 = arith.constant 1 : i32
        %swap3A_2664 = arith.index_cast %swap3A_2663 : i32 to index
        %swap3A_2665 = arith.constant 64 : index
        %swap3A_2666 = tpu.vector_load %arg8[%swap3A_2664, %swap3A_2665] {strides = array<i32>} : memref<8x224xf32, #tpu.memory_space<vmem>>, vector<16xf32>,
        tpu.vector_store %arg8[%swap3A_2664, %swap3A_2665], %gather3A_2649 {strides = array<i32>} : memref<8x224xf32, #tpu.memory_space<vmem>>, vector<16xf32>,
        %swap3A_2667 = arith.constant 1 : i32
        %swap3A_2668 = arith.index_cast %swap3A_2667 : i32 to index
        %swap3A_2669 = arith.constant 80 : index
        %swap3A_2670 = tpu.vector_load %arg8[%swap3A_2668, %swap3A_2669] {strides = array<i32>} : memref<8x224xf32, #tpu.memory_space<vmem>>, vector<16xf32>,
        tpu.vector_store %arg8[%swap3A_2668, %swap3A_2669], %gather3A_2650 {strides = array<i32>} : memref<8x224xf32, #tpu.memory_space<vmem>>, vector<16xf32>,
        %swap3A_2671 = arith.constant 1 : i32
        %swap3A_2672 = arith.index_cast %swap3A_2671 : i32 to index
        %swap3A_2673 = arith.constant 96 : index
        %swap3A_2674 = tpu.vector_load %arg8[%swap3A_2672, %swap3A_2673] {strides = array<i32>} : memref<8x224xf32, #tpu.memory_space<vmem>>, vector<16xf32>,
        tpu.vector_store %arg8[%swap3A_2672, %swap3A_2673], %gather3A_2651 {strides = array<i32>} : memref<8x224xf32, #tpu.memory_space<vmem>>, vector<16xf32>,
        %swap3A_2675 = arith.constant 1 : i32
        %swap3A_2676 = arith.index_cast %swap3A_2675 : i32 to index
        %swap3A_2677 = arith.constant 112 : index
        %swap3A_2678 = tpu.vector_load %arg8[%swap3A_2676, %swap3A_2677] {strides = array<i32>} : memref<8x224xf32, #tpu.memory_space<vmem>>, vector<16xf32>,
        tpu.vector_store %arg8[%swap3A_2676, %swap3A_2677], %gather3A_2652 {strides = array<i32>} : memref<8x224xf32, #tpu.memory_space<vmem>>, vector<16xf32>,
        %swap3A_2679 = arith.constant 1 : i32
        %swap3A_2680 = arith.index_cast %swap3A_2679 : i32 to index
        %swap3A_2681 = arith.constant 128 : index
        %swap3A_2682 = tpu.vector_load %arg8[%swap3A_2680, %swap3A_2681] {strides = array<i32>} : memref<8x224xf32, #tpu.memory_space<vmem>>, vector<16xf32>,
        tpu.vector_store %arg8[%swap3A_2680, %swap3A_2681], %gather3A_2653 {strides = array<i32>} : memref<8x224xf32, #tpu.memory_space<vmem>>, vector<16xf32>,
        %swap3A_2683 = arith.constant 1 : i32
        %swap3A_2684 = arith.index_cast %swap3A_2683 : i32 to index
        %swap3A_2685 = arith.constant 144 : index
        %swap3A_2686 = tpu.vector_load %arg8[%swap3A_2684, %swap3A_2685] {strides = array<i32>} : memref<8x224xf32, #tpu.memory_space<vmem>>, vector<16xf32>,
        tpu.vector_store %arg8[%swap3A_2684, %swap3A_2685], %gather3A_2654 {strides = array<i32>} : memref<8x224xf32, #tpu.memory_space<vmem>>, vector<16xf32>,
        %add3A_2687 = arith.constant 224 : i32
        %add3A_2688 = arith.addi %mul3A_2278, %add3A_2687 : i32
        %add3A_2689 = arith.constant 160 : i32
        %add3A_2690 = arith.addi %add3A_2688, %add3A_2689 : i32
        %get3A_2691 = arith.index_cast %add3A_2690 : i32 to index
        %get3A_2692 = tpu.vector_load %arg5[%get3A_2691] {strides = array<i32>} : memref<50176xi32, #tpu.memory_space<vmem>>, vector<16xi32>,
        %add3A_2693 = arith.constant 224 : i32
        %add3A_2694 = arith.addi %mul3A_2278, %add3A_2693 : i32
        %add3A_2695 = arith.constant 176 : i32
        %add3A_2696 = arith.addi %add3A_2694, %add3A_2695 : i32
        %get3A_2697 = arith.index_cast %add3A_2696 : i32 to index
        %get3A_2698 = tpu.vector_load %arg5[%get3A_2697] {strides = array<i32>} : memref<50176xi32, #tpu.memory_space<vmem>>, vector<16xi32>,
        %add3A_2699 = arith.constant 224 : i32
        %add3A_2700 = arith.addi %mul3A_2278, %add3A_2699 : i32
        %add3A_2701 = arith.constant 192 : i32
        %add3A_2702 = arith.addi %add3A_2700, %add3A_2701 : i32
        %get3A_2703 = arith.index_cast %add3A_2702 : i32 to index
        %get3A_2704 = tpu.vector_load %arg5[%get3A_2703] {strides = array<i32>} : memref<50176xi32, #tpu.memory_space<vmem>>, vector<16xi32>,
        %add3A_2705 = arith.constant 224 : i32
        %add3A_2706 = arith.addi %mul3A_2278, %add3A_2705 : i32
        %add3A_2707 = arith.constant 208 : i32
        %add3A_2708 = arith.addi %add3A_2706, %add3A_2707 : i32
        %get3A_2709 = arith.index_cast %add3A_2708 : i32 to index
        %get3A_2710 = tpu.vector_load %arg5[%get3A_2709] {strides = array<i32>} : memref<50176xi32, #tpu.memory_space<vmem>>, vector<16xi32>,
        %add3A_2711 = arith.constant 448 : i32
        %add3A_2712 = arith.addi %mul3A_2278, %add3A_2711 : i32
        %add3A_2713 = arith.constant 0 : i32
        %add3A_2714 = arith.addi %add3A_2712, %add3A_2713 : i32
        %get3A_2715 = arith.index_cast %add3A_2714 : i32 to index
        %get3A_2716 = tpu.vector_load %arg5[%get3A_2715] {strides = array<i32>} : memref<50176xi32, #tpu.memory_space<vmem>>, vector<16xi32>,
        %add3A_2717 = arith.constant 448 : i32
        %add3A_2718 = arith.addi %mul3A_2278, %add3A_2717 : i32
        %add3A_2719 = arith.constant 16 : i32
        %add3A_2720 = arith.addi %add3A_2718, %add3A_2719 : i32
        %get3A_2721 = arith.index_cast %add3A_2720 : i32 to index
        %get3A_2722 = tpu.vector_load %arg5[%get3A_2721] {strides = array<i32>} : memref<50176xi32, #tpu.memory_space<vmem>>, vector<16xi32>,
        %add3A_2723 = arith.constant 448 : i32
        %add3A_2724 = arith.addi %mul3A_2278, %add3A_2723 : i32
        %add3A_2725 = arith.constant 32 : i32
        %add3A_2726 = arith.addi %add3A_2724, %add3A_2725 : i32
        %get3A_2727 = arith.index_cast %add3A_2726 : i32 to index
        %get3A_2728 = tpu.vector_load %arg5[%get3A_2727] {strides = array<i32>} : memref<50176xi32, #tpu.memory_space<vmem>>, vector<16xi32>,
        %add3A_2729 = arith.constant 448 : i32
        %add3A_2730 = arith.addi %mul3A_2278, %add3A_2729 : i32
        %add3A_2731 = arith.constant 48 : i32
        %add3A_2732 = arith.addi %add3A_2730, %add3A_2731 : i32
        %get3A_2733 = arith.index_cast %add3A_2732 : i32 to index
        %get3A_2734 = tpu.vector_load %arg5[%get3A_2733] {strides = array<i32>} : memref<50176xi32, #tpu.memory_space<vmem>>, vector<16xi32>,
        %shift_right_logical3A_2735 = arith.constant 8 : i32
        %shift_right_logical3A_2736 = vector.broadcast %shift_right_logical3A_2735 : i32 to vector<16xi32>
        %shift_right_logical3A_2737 = arith.shrui %get3A_2692, %shift_right_logical3A_2736 : vector<16xi32>
        %shift_right_logical3A_2738 = arith.constant 8 : i32
        %shift_right_logical3A_2739 = vector.broadcast %shift_right_logical3A_2738 : i32 to vector<16xi32>
        %shift_right_logical3A_2740 = arith.shrui %get3A_2698, %shift_right_logical3A_2739 : vector<16xi32>
        %shift_right_logical3A_2741 = arith.constant 8 : i32
        %shift_right_logical3A_2742 = vector.broadcast %shift_right_logical3A_2741 : i32 to vector<16xi32>
        %shift_right_logical3A_2743 = arith.shrui %get3A_2704, %shift_right_logical3A_2742 : vector<16xi32>
        %shift_right_logical3A_2744 = arith.constant 8 : i32
        %shift_right_logical3A_2745 = vector.broadcast %shift_right_logical3A_2744 : i32 to vector<16xi32>
        %shift_right_logical3A_2746 = arith.shrui %get3A_2710, %shift_right_logical3A_2745 : vector<16xi32>
        %shift_right_logical3A_2747 = arith.constant 8 : i32
        %shift_right_logical3A_2748 = vector.broadcast %shift_right_logical3A_2747 : i32 to vector<16xi32>
        %shift_right_logical3A_2749 = arith.shrui %get3A_2716, %shift_right_logical3A_2748 : vector<16xi32>
        %shift_right_logical3A_2750 = arith.constant 8 : i32
        %shift_right_logical3A_2751 = vector.broadcast %shift_right_logical3A_2750 : i32 to vector<16xi32>
        %shift_right_logical3A_2752 = arith.shrui %get3A_2722, %shift_right_logical3A_2751 : vector<16xi32>
        %shift_right_logical3A_2753 = arith.constant 8 : i32
        %shift_right_logical3A_2754 = vector.broadcast %shift_right_logical3A_2753 : i32 to vector<16xi32>
        %shift_right_logical3A_2755 = arith.shrui %get3A_2728, %shift_right_logical3A_2754 : vector<16xi32>
        %shift_right_logical3A_2756 = arith.constant 8 : i32
        %shift_right_logical3A_2757 = vector.broadcast %shift_right_logical3A_2756 : i32 to vector<16xi32>
        %shift_right_logical3A_2758 = arith.shrui %get3A_2734, %shift_right_logical3A_2757 : vector<16xi32>
        %and3A_2759 = arith.constant 255 : i32
        %and3A_2760 = vector.broadcast %and3A_2759 : i32 to vector<16xi32>
        %and3A_2761 = arith.andi %get3A_2692, %and3A_2760 : vector<16xi32>
        %and3A_2762 = arith.constant 255 : i32
        %and3A_2763 = vector.broadcast %and3A_2762 : i32 to vector<16xi32>
        %and3A_2764 = arith.andi %get3A_2698, %and3A_2763 : vector<16xi32>
        %and3A_2765 = arith.constant 255 : i32
        %and3A_2766 = vector.broadcast %and3A_2765 : i32 to vector<16xi32>
        %and3A_2767 = arith.andi %get3A_2704, %and3A_2766 : vector<16xi32>
        %and3A_2768 = arith.constant 255 : i32
        %and3A_2769 = vector.broadcast %and3A_2768 : i32 to vector<16xi32>
        %and3A_2770 = arith.andi %get3A_2710, %and3A_2769 : vector<16xi32>
        %and3A_2771 = arith.constant 255 : i32
        %and3A_2772 = vector.broadcast %and3A_2771 : i32 to vector<16xi32>
        %and3A_2773 = arith.andi %get3A_2716, %and3A_2772 : vector<16xi32>
        %and3A_2774 = arith.constant 255 : i32
        %and3A_2775 = vector.broadcast %and3A_2774 : i32 to vector<16xi32>
        %and3A_2776 = arith.andi %get3A_2722, %and3A_2775 : vector<16xi32>
        %and3A_2777 = arith.constant 255 : i32
        %and3A_2778 = vector.broadcast %and3A_2777 : i32 to vector<16xi32>
        %and3A_2779 = arith.andi %get3A_2728, %and3A_2778 : vector<16xi32>
        %and3A_2780 = arith.constant 255 : i32
        %and3A_2781 = vector.broadcast %and3A_2780 : i32 to vector<16xi32>
        %and3A_2782 = arith.andi %get3A_2734, %and3A_2781 : vector<16xi32>
        %gather3A_2783 = tpu.vector_load_idx %arg6[%shift_right_logical3A_2737, %and3A_2761] : memref<224x224xf32, #tpu.memory_space<vmem>>[vector<16xi32>, vector<16xi32>], vector<16xf32>,
        %gather3A_2784 = tpu.vector_load_idx %arg6[%shift_right_logical3A_2740, %and3A_2764] : memref<224x224xf32, #tpu.memory_space<vmem>>[vector<16xi32>, vector<16xi32>], vector<16xf32>,
        %gather3A_2785 = tpu.vector_load_idx %arg6[%shift_right_logical3A_2743, %and3A_2767] : memref<224x224xf32, #tpu.memory_space<vmem>>[vector<16xi32>, vector<16xi32>], vector<16xf32>,
        %gather3A_2786 = tpu.vector_load_idx %arg6[%shift_right_logical3A_2746, %and3A_2770] : memref<224x224xf32, #tpu.memory_space<vmem>>[vector<16xi32>, vector<16xi32>], vector<16xf32>,
        %gather3A_2787 = tpu.vector_load_idx %arg6[%shift_right_logical3A_2749, %and3A_2773] : memref<224x224xf32, #tpu.memory_space<vmem>>[vector<16xi32>, vector<16xi32>], vector<16xf32>,
        %gather3A_2788 = tpu.vector_load_idx %arg6[%shift_right_logical3A_2752, %and3A_2776] : memref<224x224xf32, #tpu.memory_space<vmem>>[vector<16xi32>, vector<16xi32>], vector<16xf32>,
        %gather3A_2789 = tpu.vector_load_idx %arg6[%shift_right_logical3A_2755, %and3A_2779] : memref<224x224xf32, #tpu.memory_space<vmem>>[vector<16xi32>, vector<16xi32>], vector<16xf32>,
        %gather3A_2790 = tpu.vector_load_idx %arg6[%shift_right_logical3A_2758, %and3A_2782] : memref<224x224xf32, #tpu.memory_space<vmem>>[vector<16xi32>, vector<16xi32>], vector<16xf32>,
        %swap3A_2791 = arith.constant 1 : i32
        %swap3A_2792 = arith.index_cast %swap3A_2791 : i32 to index
        %swap3A_2793 = arith.constant 160 : index
        %swap3A_2794 = tpu.vector_load %arg8[%swap3A_2792, %swap3A_2793] {strides = array<i32>} : memref<8x224xf32, #tpu.memory_space<vmem>>, vector<16xf32>,
        tpu.vector_store %arg8[%swap3A_2792, %swap3A_2793], %gather3A_2783 {strides = array<i32>} : memref<8x224xf32, #tpu.memory_space<vmem>>, vector<16xf32>,
        %swap3A_2795 = arith.constant 1 : i32
        %swap3A_2796 = arith.index_cast %swap3A_2795 : i32 to index
        %swap3A_2797 = arith.constant 176 : index
        %swap3A_2798 = tpu.vector_load %arg8[%swap3A_2796, %swap3A_2797] {strides = array<i32>} : memref<8x224xf32, #tpu.memory_space<vmem>>, vector<16xf32>,
        tpu.vector_store %arg8[%swap3A_2796, %swap3A_2797], %gather3A_2784 {strides = array<i32>} : memref<8x224xf32, #tpu.memory_space<vmem>>, vector<16xf32>,
        %swap3A_2799 = arith.constant 1 : i32
        %swap3A_2800 = arith.index_cast %swap3A_2799 : i32 to index
        %swap3A_2801 = arith.constant 192 : index
        %swap3A_2802 = tpu.vector_load %arg8[%swap3A_2800, %swap3A_2801] {strides = array<i32>} : memref<8x224xf32, #tpu.memory_space<vmem>>, vector<16xf32>,
        tpu.vector_store %arg8[%swap3A_2800, %swap3A_2801], %gather3A_2785 {strides = array<i32>} : memref<8x224xf32, #tpu.memory_space<vmem>>, vector<16xf32>,
        %swap3A_2803 = arith.constant 1 : i32
        %swap3A_2804 = arith.index_cast %swap3A_2803 : i32 to index
        %swap3A_2805 = arith.constant 208 : index
        %swap3A_2806 = tpu.vector_load %arg8[%swap3A_2804, %swap3A_2805] {strides = array<i32>} : memref<8x224xf32, #tpu.memory_space<vmem>>, vector<16xf32>,
        tpu.vector_store %arg8[%swap3A_2804, %swap3A_2805], %gather3A_2786 {strides = array<i32>} : memref<8x224xf32, #tpu.memory_space<vmem>>, vector<16xf32>,
        %swap3A_2807 = arith.constant 2 : i32
        %swap3A_2808 = arith.index_cast %swap3A_2807 : i32 to index
        %swap3A_2809 = arith.constant 0 : index
        %swap3A_2810 = tpu.vector_load %arg8[%swap3A_2808, %swap3A_2809] {strides = array<i32>} : memref<8x224xf32, #tpu.memory_space<vmem>>, vector<16xf32>,
        tpu.vector_store %arg8[%swap3A_2808, %swap3A_2809], %gather3A_2787 {strides = array<i32>} : memref<8x224xf32, #tpu.memory_space<vmem>>, vector<16xf32>,
        %swap3A_2811 = arith.constant 2 : i32
        %swap3A_2812 = arith.index_cast %swap3A_2811 : i32 to index
        %swap3A_2813 = arith.constant 16 : index
        %swap3A_2814 = tpu.vector_load %arg8[%swap3A_2812, %swap3A_2813] {strides = array<i32>} : memref<8x224xf32, #tpu.memory_space<vmem>>, vector<16xf32>,
        tpu.vector_store %arg8[%swap3A_2812, %swap3A_2813], %gather3A_2788 {strides = array<i32>} : memref<8x224xf32, #tpu.memory_space<vmem>>, vector<16xf32>,
        %swap3A_2815 = arith.constant 2 : i32
        %swap3A_2816 = arith.index_cast %swap3A_2815 : i32 to index
        %swap3A_2817 = arith.constant 32 : index
        %swap3A_2818 = tpu.vector_load %arg8[%swap3A_2816, %swap3A_2817] {strides = array<i32>} : memref<8x224xf32, #tpu.memory_space<vmem>>, vector<16xf32>,
        tpu.vector_store %arg8[%swap3A_2816, %swap3A_2817], %gather3A_2789 {strides = array<i32>} : memref<8x224xf32, #tpu.memory_space<vmem>>, vector<16xf32>,
        %swap3A_2819 = arith.constant 2 : i32
        %swap3A_2820 = arith.index_cast %swap3A_2819 : i32 to index
        %swap3A_2821 = arith.constant 48 : index
        %swap3A_2822 = tpu.vector_load %arg8[%swap3A_2820, %swap3A_2821] {strides = array<i32>} : memref<8x224xf32, #tpu.memory_space<vmem>>, vector<16xf32>,
        tpu.vector_store %arg8[%swap3A_2820, %swap3A_2821], %gather3A_2790 {strides = array<i32>} : memref<8x224xf32, #tpu.memory_space<vmem>>, vector<16xf32>,
        %add3A_2823 = arith.constant 448 : i32
        %add3A_2824 = arith.addi %mul3A_2278, %add3A_2823 : i32
        %add3A_2825 = arith.constant 64 : i32
        %add3A_2826 = arith.addi %add3A_2824, %add3A_2825 : i32
        %get3A_2827 = arith.index_cast %add3A_2826 : i32 to index
        %get3A_2828 = tpu.vector_load %arg5[%get3A_2827] {strides = array<i32>} : memref<50176xi32, #tpu.memory_space<vmem>>, vector<16xi32>,
        %add3A_2829 = arith.constant 448 : i32
        %add3A_2830 = arith.addi %mul3A_2278, %add3A_2829 : i32
        %add3A_2831 = arith.constant 80 : i32
        %add3A_2832 = arith.addi %add3A_2830, %add3A_2831 : i32
        %get3A_2833 = arith.index_cast %add3A_2832 : i32 to index
        %get3A_2834 = tpu.vector_load %arg5[%get3A_2833] {strides = array<i32>} : memref<50176xi32, #tpu.memory_space<vmem>>, vector<16xi32>,
        %add3A_2835 = arith.constant 448 : i32
        %add3A_2836 = arith.addi %mul3A_2278, %add3A_2835 : i32
        %add3A_2837 = arith.constant 96 : i32
        %add3A_2838 = arith.addi %add3A_2836, %add3A_2837 : i32
        %get3A_2839 = arith.index_cast %add3A_2838 : i32 to index
        %get3A_2840 = tpu.vector_load %arg5[%get3A_2839] {strides = array<i32>} : memref<50176xi32, #tpu.memory_space<vmem>>, vector<16xi32>,
        %add3A_2841 = arith.constant 448 : i32
        %add3A_2842 = arith.addi %mul3A_2278, %add3A_2841 : i32
        %add3A_2843 = arith.constant 112 : i32
        %add3A_2844 = arith.addi %add3A_2842, %add3A_2843 : i32
        %get3A_2845 = arith.index_cast %add3A_2844 : i32 to index
        %get3A_2846 = tpu.vector_load %arg5[%get3A_2845] {strides = array<i32>} : memref<50176xi32, #tpu.memory_space<vmem>>, vector<16xi32>,
        %add3A_2847 = arith.constant 448 : i32
        %add3A_2848 = arith.addi %mul3A_2278, %add3A_2847 : i32
        %add3A_2849 = arith.constant 128 : i32
        %add3A_2850 = arith.addi %add3A_2848, %add3A_2849 : i32
        %get3A_2851 = arith.index_cast %add3A_2850 : i32 to index
        %get3A_2852 = tpu.vector_load %arg5[%get3A_2851] {strides = array<i32>} : memref<50176xi32, #tpu.memory_space<vmem>>, vector<16xi32>,
        %add3A_2853 = arith.constant 448 : i32
        %add3A_2854 = arith.addi %mul3A_2278, %add3A_2853 : i32
        %add3A_2855 = arith.constant 144 : i32
        %add3A_2856 = arith.addi %add3A_2854, %add3A_2855 : i32
        %get3A_2857 = arith.index_cast %add3A_2856 : i32 to index
        %get3A_2858 = tpu.vector_load %arg5[%get3A_2857] {strides = array<i32>} : memref<50176xi32, #tpu.memory_space<vmem>>, vector<16xi32>,
        %add3A_2859 = arith.constant 448 : i32
        %add3A_2860 = arith.addi %mul3A_2278, %add3A_2859 : i32
        %add3A_2861 = arith.constant 160 : i32
        %add3A_2862 = arith.addi %add3A_2860, %add3A_2861 : i32
        %get3A_2863 = arith.index_cast %add3A_2862 : i32 to index
        %get3A_2864 = tpu.vector_load %arg5[%get3A_2863] {strides = array<i32>} : memref<50176xi32, #tpu.memory_space<vmem>>, vector<16xi32>,
        %add3A_2865 = arith.constant 448 : i32
        %add3A_2866 = arith.addi %mul3A_2278, %add3A_2865 : i32
        %add3A_2867 = arith.constant 176 : i32
        %add3A_2868 = arith.addi %add3A_2866, %add3A_2867 : i32
        %get3A_2869 = arith.index_cast %add3A_2868 : i32 to index
        %get3A_2870 = tpu.vector_load %arg5[%get3A_2869] {strides = array<i32>} : memref<50176xi32, #tpu.memory_space<vmem>>, vector<16xi32>,
        %shift_right_logical3A_2871 = arith.constant 8 : i32
        %shift_right_logical3A_2872 = vector.broadcast %shift_right_logical3A_2871 : i32 to vector<16xi32>
        %shift_right_logical3A_2873 = arith.shrui %get3A_2828, %shift_right_logical3A_2872 : vector<16xi32>
        %shift_right_logical3A_2874 = arith.constant 8 : i32
        %shift_right_logical3A_2875 = vector.broadcast %shift_right_logical3A_2874 : i32 to vector<16xi32>
        %shift_right_logical3A_2876 = arith.shrui %get3A_2834, %shift_right_logical3A_2875 : vector<16xi32>
        %shift_right_logical3A_2877 = arith.constant 8 : i32
        %shift_right_logical3A_2878 = vector.broadcast %shift_right_logical3A_2877 : i32 to vector<16xi32>
        %shift_right_logical3A_2879 = arith.shrui %get3A_2840, %shift_right_logical3A_2878 : vector<16xi32>
        %shift_right_logical3A_2880 = arith.constant 8 : i32
        %shift_right_logical3A_2881 = vector.broadcast %shift_right_logical3A_2880 : i32 to vector<16xi32>
        %shift_right_logical3A_2882 = arith.shrui %get3A_2846, %shift_right_logical3A_2881 : vector<16xi32>
        %shift_right_logical3A_2883 = arith.constant 8 : i32
        %shift_right_logical3A_2884 = vector.broadcast %shift_right_logical3A_2883 : i32 to vector<16xi32>
        %shift_right_logical3A_2885 = arith.shrui %get3A_2852, %shift_right_logical3A_2884 : vector<16xi32>
        %shift_right_logical3A_2886 = arith.constant 8 : i32
        %shift_right_logical3A_2887 = vector.broadcast %shift_right_logical3A_2886 : i32 to vector<16xi32>
        %shift_right_logical3A_2888 = arith.shrui %get3A_2858, %shift_right_logical3A_2887 : vector<16xi32>
        %shift_right_logical3A_2889 = arith.constant 8 : i32
        %shift_right_logical3A_2890 = vector.broadcast %shift_right_logical3A_2889 : i32 to vector<16xi32>
        %shift_right_logical3A_2891 = arith.shrui %get3A_2864, %shift_right_logical3A_2890 : vector<16xi32>
        %shift_right_logical3A_2892 = arith.constant 8 : i32
        %shift_right_logical3A_2893 = vector.broadcast %shift_right_logical3A_2892 : i32 to vector<16xi32>
        %shift_right_logical3A_2894 = arith.shrui %get3A_2870, %shift_right_logical3A_2893 : vector<16xi32>
        %and3A_2895 = arith.constant 255 : i32
        %and3A_2896 = vector.broadcast %and3A_2895 : i32 to vector<16xi32>
        %and3A_2897 = arith.andi %get3A_2828, %and3A_2896 : vector<16xi32>
        %and3A_2898 = arith.constant 255 : i32
        %and3A_2899 = vector.broadcast %and3A_2898 : i32 to vector<16xi32>
        %and3A_2900 = arith.andi %get3A_2834, %and3A_2899 : vector<16xi32>
        %and3A_2901 = arith.constant 255 : i32
        %and3A_2902 = vector.broadcast %and3A_2901 : i32 to vector<16xi32>
        %and3A_2903 = arith.andi %get3A_2840, %and3A_2902 : vector<16xi32>
        %and3A_2904 = arith.constant 255 : i32
        %and3A_2905 = vector.broadcast %and3A_2904 : i32 to vector<16xi32>
        %and3A_2906 = arith.andi %get3A_2846, %and3A_2905 : vector<16xi32>
        %and3A_2907 = arith.constant 255 : i32
        %and3A_2908 = vector.broadcast %and3A_2907 : i32 to vector<16xi32>
        %and3A_2909 = arith.andi %get3A_2852, %and3A_2908 : vector<16xi32>
        %and3A_2910 = arith.constant 255 : i32
        %and3A_2911 = vector.broadcast %and3A_2910 : i32 to vector<16xi32>
        %and3A_2912 = arith.andi %get3A_2858, %and3A_2911 : vector<16xi32>
        %and3A_2913 = arith.constant 255 : i32
        %and3A_2914 = vector.broadcast %and3A_2913 : i32 to vector<16xi32>
        %and3A_2915 = arith.andi %get3A_2864, %and3A_2914 : vector<16xi32>
        %and3A_2916 = arith.constant 255 : i32
        %and3A_2917 = vector.broadcast %and3A_2916 : i32 to vector<16xi32>
        %and3A_2918 = arith.andi %get3A_2870, %and3A_2917 : vector<16xi32>
        %gather3A_2919 = tpu.vector_load_idx %arg6[%shift_right_logical3A_2873, %and3A_2897] : memref<224x224xf32, #tpu.memory_space<vmem>>[vector<16xi32>, vector<16xi32>], vector<16xf32>,
        %gather3A_2920 = tpu.vector_load_idx %arg6[%shift_right_logical3A_2876, %and3A_2900] : memref<224x224xf32, #tpu.memory_space<vmem>>[vector<16xi32>, vector<16xi32>], vector<16xf32>,
        %gather3A_2921 = tpu.vector_load_idx %arg6[%shift_right_logical3A_2879, %and3A_2903] : memref<224x224xf32, #tpu.memory_space<vmem>>[vector<16xi32>, vector<16xi32>], vector<16xf32>,
        %gather3A_2922 = tpu.vector_load_idx %arg6[%shift_right_logical3A_2882, %and3A_2906] : memref<224x224xf32, #tpu.memory_space<vmem>>[vector<16xi32>, vector<16xi32>], vector<16xf32>,
        %gather3A_2923 = tpu.vector_load_idx %arg6[%shift_right_logical3A_2885, %and3A_2909] : memref<224x224xf32, #tpu.memory_space<vmem>>[vector<16xi32>, vector<16xi32>], vector<16xf32>,
        %gather3A_2924 = tpu.vector_load_idx %arg6[%shift_right_logical3A_2888, %and3A_2912] : memref<224x224xf32, #tpu.memory_space<vmem>>[vector<16xi32>, vector<16xi32>], vector<16xf32>,
        %gather3A_2925 = tpu.vector_load_idx %arg6[%shift_right_logical3A_2891, %and3A_2915] : memref<224x224xf32, #tpu.memory_space<vmem>>[vector<16xi32>, vector<16xi32>], vector<16xf32>,
        %gather3A_2926 = tpu.vector_load_idx %arg6[%shift_right_logical3A_2894, %and3A_2918] : memref<224x224xf32, #tpu.memory_space<vmem>>[vector<16xi32>, vector<16xi32>], vector<16xf32>,
        %swap3A_2927 = arith.constant 2 : i32
        %swap3A_2928 = arith.index_cast %swap3A_2927 : i32 to index
        %swap3A_2929 = arith.constant 64 : index
        %swap3A_2930 = tpu.vector_load %arg8[%swap3A_2928, %swap3A_2929] {strides = array<i32>} : memref<8x224xf32, #tpu.memory_space<vmem>>, vector<16xf32>,
        tpu.vector_store %arg8[%swap3A_2928, %swap3A_2929], %gather3A_2919 {strides = array<i32>} : memref<8x224xf32, #tpu.memory_space<vmem>>, vector<16xf32>,
        %swap3A_2931 = arith.constant 2 : i32
        %swap3A_2932 = arith.index_cast %swap3A_2931 : i32 to index
        %swap3A_2933 = arith.constant 80 : index
        %swap3A_2934 = tpu.vector_load %arg8[%swap3A_2932, %swap3A_2933] {strides = array<i32>} : memref<8x224xf32, #tpu.memory_space<vmem>>, vector<16xf32>,
        tpu.vector_store %arg8[%swap3A_2932, %swap3A_2933], %gather3A_2920 {strides = array<i32>} : memref<8x224xf32, #tpu.memory_space<vmem>>, vector<16xf32>,
        %swap3A_2935 = arith.constant 2 : i32
        %swap3A_2936 = arith.index_cast %swap3A_2935 : i32 to index
        %swap3A_2937 = arith.constant 96 : index
        %swap3A_2938 = tpu.vector_load %arg8[%swap3A_2936, %swap3A_2937] {strides = array<i32>} : memref<8x224xf32, #tpu.memory_space<vmem>>, vector<16xf32>,
        tpu.vector_store %arg8[%swap3A_2936, %swap3A_2937], %gather3A_2921 {strides = array<i32>} : memref<8x224xf32, #tpu.memory_space<vmem>>, vector<16xf32>,
        %swap3A_2939 = arith.constant 2 : i32
        %swap3A_2940 = arith.index_cast %swap3A_2939 : i32 to index
        %swap3A_2941 = arith.constant 112 : index
        %swap3A_2942 = tpu.vector_load %arg8[%swap3A_2940, %swap3A_2941] {strides = array<i32>} : memref<8x224xf32, #tpu.memory_space<vmem>>, vector<16xf32>,
        tpu.vector_store %arg8[%swap3A_2940, %swap3A_2941], %gather3A_2922 {strides = array<i32>} : memref<8x224xf32, #tpu.memory_space<vmem>>, vector<16xf32>,
        %swap3A_2943 = arith.constant 2 : i32
        %swap3A_2944 = arith.index_cast %swap3A_2943 : i32 to index
        %swap3A_2945 = arith.constant 128 : index
        %swap3A_2946 = tpu.vector_load %arg8[%swap3A_2944, %swap3A_2945] {strides = array<i32>} : memref<8x224xf32, #tpu.memory_space<vmem>>, vector<16xf32>,
        tpu.vector_store %arg8[%swap3A_2944, %swap3A_2945], %gather3A_2923 {strides = array<i32>} : memref<8x224xf32, #tpu.memory_space<vmem>>, vector<16xf32>,
        %swap3A_2947 = arith.constant 2 : i32
        %swap3A_2948 = arith.index_cast %swap3A_2947 : i32 to index
        %swap3A_2949 = arith.constant 144 : index
        %swap3A_2950 = tpu.vector_load %arg8[%swap3A_2948, %swap3A_2949] {strides = array<i32>} : memref<8x224xf32, #tpu.memory_space<vmem>>, vector<16xf32>,
        tpu.vector_store %arg8[%swap3A_2948, %swap3A_2949], %gather3A_2924 {strides = array<i32>} : memref<8x224xf32, #tpu.memory_space<vmem>>, vector<16xf32>,
        %swap3A_2951 = arith.constant 2 : i32
        %swap3A_2952 = arith.index_cast %swap3A_2951 : i32 to index
        %swap3A_2953 = arith.constant 160 : index
        %swap3A_2954 = tpu.vector_load %arg8[%swap3A_2952, %swap3A_2953] {strides = array<i32>} : memref<8x224xf32, #tpu.memory_space<vmem>>, vector<16xf32>,
        tpu.vector_store %arg8[%swap3A_2952, %swap3A_2953], %gather3A_2925 {strides = array<i32>} : memref<8x224xf32, #tpu.memory_space<vmem>>, vector<16xf32>,
        %swap3A_2955 = arith.constant 2 : i32
        %swap3A_2956 = arith.index_cast %swap3A_2955 : i32 to index
        %swap3A_2957 = arith.constant 176 : index
        %swap3A_2958 = tpu.vector_load %arg8[%swap3A_2956, %swap3A_2957] {strides = array<i32>} : memref<8x224xf32, #tpu.memory_space<vmem>>, vector<16xf32>,
        tpu.vector_store %arg8[%swap3A_2956, %swap3A_2957], %gather3A_2926 {strides = array<i32>} : memref<8x224xf32, #tpu.memory_space<vmem>>, vector<16xf32>,
        %add3A_2959 = arith.constant 448 : i32
        %add3A_2960 = arith.addi %mul3A_2278, %add3A_2959 : i32
        %add3A_2961 = arith.constant 192 : i32
        %add3A_2962 = arith.addi %add3A_2960, %add3A_2961 : i32
        %get3A_2963 = arith.index_cast %add3A_2962 : i32 to index
        %get3A_2964 = tpu.vector_load %arg5[%get3A_2963] {strides = array<i32>} : memref<50176xi32, #tpu.memory_space<vmem>>, vector<16xi32>,
        %add3A_2965 = arith.constant 448 : i32
        %add3A_2966 = arith.addi %mul3A_2278, %add3A_2965 : i32
        %add3A_2967 = arith.constant 208 : i32
        %add3A_2968 = arith.addi %add3A_2966, %add3A_2967 : i32
        %get3A_2969 = arith.index_cast %add3A_2968 : i32 to index
        %get3A_2970 = tpu.vector_load %arg5[%get3A_2969] {strides = array<i32>} : memref<50176xi32, #tpu.memory_space<vmem>>, vector<16xi32>,
        %add3A_2971 = arith.constant 672 : i32
        %add3A_2972 = arith.addi %mul3A_2278, %add3A_2971 : i32
        %add3A_2973 = arith.constant 0 : i32
        %add3A_2974 = arith.addi %add3A_2972, %add3A_2973 : i32
        %get3A_2975 = arith.index_cast %add3A_2974 : i32 to index
        %get3A_2976 = tpu.vector_load %arg5[%get3A_2975] {strides = array<i32>} : memref<50176xi32, #tpu.memory_space<vmem>>, vector<16xi32>,
        %add3A_2977 = arith.constant 672 : i32
        %add3A_2978 = arith.addi %mul3A_2278, %add3A_2977 : i32
        %add3A_2979 = arith.constant 16 : i32
        %add3A_2980 = arith.addi %add3A_2978, %add3A_2979 : i32
        %get3A_2981 = arith.index_cast %add3A_2980 : i32 to index
        %get3A_2982 = tpu.vector_load %arg5[%get3A_2981] {strides = array<i32>} : memref<50176xi32, #tpu.memory_space<vmem>>, vector<16xi32>,
        %add3A_2983 = arith.constant 672 : i32
        %add3A_2984 = arith.addi %mul3A_2278, %add3A_2983 : i32
        %add3A_2985 = arith.constant 32 : i32
        %add3A_2986 = arith.addi %add3A_2984, %add3A_2985 : i32
        %get3A_2987 = arith.index_cast %add3A_2986 : i32 to index
        %get3A_2988 = tpu.vector_load %arg5[%get3A_2987] {strides = array<i32>} : memref<50176xi32, #tpu.memory_space<vmem>>, vector<16xi32>,
        %add3A_2989 = arith.constant 672 : i32
        %add3A_2990 = arith.addi %mul3A_2278, %add3A_2989 : i32
        %add3A_2991 = arith.constant 48 : i32
        %add3A_2992 = arith.addi %add3A_2990, %add3A_2991 : i32
        %get3A_2993 = arith.index_cast %add3A_2992 : i32 to index
        %get3A_2994 = tpu.vector_load %arg5[%get3A_2993] {strides = array<i32>} : memref<50176xi32, #tpu.memory_space<vmem>>, vector<16xi32>,
        %add3A_2995 = arith.constant 672 : i32
        %add3A_2996 = arith.addi %mul3A_2278, %add3A_2995 : i32
        %add3A_2997 = arith.constant 64 : i32
        %add3A_2998 = arith.addi %add3A_2996, %add3A_2997 : i32
        %get3A_2999 = arith.index_cast %add3A_2998 : i32 to index
        %get3A_3000 = tpu.vector_load %arg5[%get3A_2999] {strides = array<i32>} : memref<50176xi32, #tpu.memory_space<vmem>>, vector<16xi32>,
        %add3A_3001 = arith.constant 672 : i32
        %add3A_3002 = arith.addi %mul3A_2278, %add3A_3001 : i32
        %add3A_3003 = arith.constant 80 : i32
        %add3A_3004 = arith.addi %add3A_3002, %add3A_3003 : i32
        %get3A_3005 = arith.index_cast %add3A_3004 : i32 to index
        %get3A_3006 = tpu.vector_load %arg5[%get3A_3005] {strides = array<i32>} : memref<50176xi32, #tpu.memory_space<vmem>>, vector<16xi32>,
        %shift_right_logical3A_3007 = arith.constant 8 : i32
        %shift_right_logical3A_3008 = vector.broadcast %shift_right_logical3A_3007 : i32 to vector<16xi32>
        %shift_right_logical3A_3009 = arith.shrui %get3A_2964, %shift_right_logical3A_3008 : vector<16xi32>
        %shift_right_logical3A_3010 = arith.constant 8 : i32
        %shift_right_logical3A_3011 = vector.broadcast %shift_right_logical3A_3010 : i32 to vector<16xi32>
        %shift_right_logical3A_3012 = arith.shrui %get3A_2970, %shift_right_logical3A_3011 : vector<16xi32>
        %shift_right_logical3A_3013 = arith.constant 8 : i32
        %shift_right_logical3A_3014 = vector.broadcast %shift_right_logical3A_3013 : i32 to vector<16xi32>
        %shift_right_logical3A_3015 = arith.shrui %get3A_2976, %shift_right_logical3A_3014 : vector<16xi32>
        %shift_right_logical3A_3016 = arith.constant 8 : i32
        %shift_right_logical3A_3017 = vector.broadcast %shift_right_logical3A_3016 : i32 to vector<16xi32>
        %shift_right_logical3A_3018 = arith.shrui %get3A_2982, %shift_right_logical3A_3017 : vector<16xi32>
        %shift_right_logical3A_3019 = arith.constant 8 : i32
        %shift_right_logical3A_3020 = vector.broadcast %shift_right_logical3A_3019 : i32 to vector<16xi32>
        %shift_right_logical3A_3021 = arith.shrui %get3A_2988, %shift_right_logical3A_3020 : vector<16xi32>
        %shift_right_logical3A_3022 = arith.constant 8 : i32
        %shift_right_logical3A_3023 = vector.broadcast %shift_right_logical3A_3022 : i32 to vector<16xi32>
        %shift_right_logical3A_3024 = arith.shrui %get3A_2994, %shift_right_logical3A_3023 : vector<16xi32>
        %shift_right_logical3A_3025 = arith.constant 8 : i32
        %shift_right_logical3A_3026 = vector.broadcast %shift_right_logical3A_3025 : i32 to vector<16xi32>
        %shift_right_logical3A_3027 = arith.shrui %get3A_3000, %shift_right_logical3A_3026 : vector<16xi32>
        %shift_right_logical3A_3028 = arith.constant 8 : i32
        %shift_right_logical3A_3029 = vector.broadcast %shift_right_logical3A_3028 : i32 to vector<16xi32>
        %shift_right_logical3A_3030 = arith.shrui %get3A_3006, %shift_right_logical3A_3029 : vector<16xi32>
        %and3A_3031 = arith.constant 255 : i32
        %and3A_3032 = vector.broadcast %and3A_3031 : i32 to vector<16xi32>
        %and3A_3033 = arith.andi %get3A_2964, %and3A_3032 : vector<16xi32>
        %and3A_3034 = arith.constant 255 : i32
        %and3A_3035 = vector.broadcast %and3A_3034 : i32 to vector<16xi32>
        %and3A_3036 = arith.andi %get3A_2970, %and3A_3035 : vector<16xi32>
        %and3A_3037 = arith.constant 255 : i32
        %and3A_3038 = vector.broadcast %and3A_3037 : i32 to vector<16xi32>
        %and3A_3039 = arith.andi %get3A_2976, %and3A_3038 : vector<16xi32>
        %and3A_3040 = arith.constant 255 : i32
        %and3A_3041 = vector.broadcast %and3A_3040 : i32 to vector<16xi32>
        %and3A_3042 = arith.andi %get3A_2982, %and3A_3041 : vector<16xi32>
        %and3A_3043 = arith.constant 255 : i32
        %and3A_3044 = vector.broadcast %and3A_3043 : i32 to vector<16xi32>
        %and3A_3045 = arith.andi %get3A_2988, %and3A_3044 : vector<16xi32>
        %and3A_3046 = arith.constant 255 : i32
        %and3A_3047 = vector.broadcast %and3A_3046 : i32 to vector<16xi32>
        %and3A_3048 = arith.andi %get3A_2994, %and3A_3047 : vector<16xi32>
        %and3A_3049 = arith.constant 255 : i32
        %and3A_3050 = vector.broadcast %and3A_3049 : i32 to vector<16xi32>
        %and3A_3051 = arith.andi %get3A_3000, %and3A_3050 : vector<16xi32>
        %and3A_3052 = arith.constant 255 : i32
        %and3A_3053 = vector.broadcast %and3A_3052 : i32 to vector<16xi32>
        %and3A_3054 = arith.andi %get3A_3006, %and3A_3053 : vector<16xi32>
        %gather3A_3055 = tpu.vector_load_idx %arg6[%shift_right_logical3A_3009, %and3A_3033] : memref<224x224xf32, #tpu.memory_space<vmem>>[vector<16xi32>, vector<16xi32>], vector<16xf32>,
        %gather3A_3056 = tpu.vector_load_idx %arg6[%shift_right_logical3A_3012, %and3A_3036] : memref<224x224xf32, #tpu.memory_space<vmem>>[vector<16xi32>, vector<16xi32>], vector<16xf32>,
        %gather3A_3057 = tpu.vector_load_idx %arg6[%shift_right_logical3A_3015, %and3A_3039] : memref<224x224xf32, #tpu.memory_space<vmem>>[vector<16xi32>, vector<16xi32>], vector<16xf32>,
        %gather3A_3058 = tpu.vector_load_idx %arg6[%shift_right_logical3A_3018, %and3A_3042] : memref<224x224xf32, #tpu.memory_space<vmem>>[vector<16xi32>, vector<16xi32>], vector<16xf32>,
        %gather3A_3059 = tpu.vector_load_idx %arg6[%shift_right_logical3A_3021, %and3A_3045] : memref<224x224xf32, #tpu.memory_space<vmem>>[vector<16xi32>, vector<16xi32>], vector<16xf32>,
        %gather3A_3060 = tpu.vector_load_idx %arg6[%shift_right_logical3A_3024, %and3A_3048] : memref<224x224xf32, #tpu.memory_space<vmem>>[vector<16xi32>, vector<16xi32>], vector<16xf32>,
        %gather3A_3061 = tpu.vector_load_idx %arg6[%shift_right_logical3A_3027, %and3A_3051] : memref<224x224xf32, #tpu.memory_space<vmem>>[vector<16xi32>, vector<16xi32>], vector<16xf32>,
        %gather3A_3062 = tpu.vector_load_idx %arg6[%shift_right_logical3A_3030, %and3A_3054] : memref<224x224xf32, #tpu.memory_space<vmem>>[vector<16xi32>, vector<16xi32>], vector<16xf32>,
        %swap3A_3063 = arith.constant 2 : i32
        %swap3A_3064 = arith.index_cast %swap3A_3063 : i32 to index
        %swap3A_3065 = arith.constant 192 : index
        %swap3A_3066 = tpu.vector_load %arg8[%swap3A_3064, %swap3A_3065] {strides = array<i32>} : memref<8x224xf32, #tpu.memory_space<vmem>>, vector<16xf32>,
        tpu.vector_store %arg8[%swap3A_3064, %swap3A_3065], %gather3A_3055 {strides = array<i32>} : memref<8x224xf32, #tpu.memory_space<vmem>>, vector<16xf32>,
        %swap3A_3067 = arith.constant 2 : i32
        %swap3A_3068 = arith.index_cast %swap3A_3067 : i32 to index
        %swap3A_3069 = arith.constant 208 : index
        %swap3A_3070 = tpu.vector_load %arg8[%swap3A_3068, %swap3A_3069] {strides = array<i32>} : memref<8x224xf32, #tpu.memory_space<vmem>>, vector<16xf32>,
        tpu.vector_store %arg8[%swap3A_3068, %swap3A_3069], %gather3A_3056 {strides = array<i32>} : memref<8x224xf32, #tpu.memory_space<vmem>>, vector<16xf32>,
        %swap3A_3071 = arith.constant 3 : i32
        %swap3A_3072 = arith.index_cast %swap3A_3071 : i32 to index
        %swap3A_3073 = arith.constant 0 : index
        %swap3A_3074 = tpu.vector_load %arg8[%swap3A_3072, %swap3A_3073] {strides = array<i32>} : memref<8x224xf32, #tpu.memory_space<vmem>>, vector<16xf32>,
        tpu.vector_store %arg8[%swap3A_3072, %swap3A_3073], %gather3A_3057 {strides = array<i32>} : memref<8x224xf32, #tpu.memory_space<vmem>>, vector<16xf32>,
        %swap3A_3075 = arith.constant 3 : i32
        %swap3A_3076 = arith.index_cast %swap3A_3075 : i32 to index
        %swap3A_3077 = arith.constant 16 : index
        %swap3A_3078 = tpu.vector_load %arg8[%swap3A_3076, %swap3A_3077] {strides = array<i32>} : memref<8x224xf32, #tpu.memory_space<vmem>>, vector<16xf32>,
        tpu.vector_store %arg8[%swap3A_3076, %swap3A_3077], %gather3A_3058 {strides = array<i32>} : memref<8x224xf32, #tpu.memory_space<vmem>>, vector<16xf32>,
        %swap3A_3079 = arith.constant 3 : i32
        %swap3A_3080 = arith.index_cast %swap3A_3079 : i32 to index
        %swap3A_3081 = arith.constant 32 : index
        %swap3A_3082 = tpu.vector_load %arg8[%swap3A_3080, %swap3A_3081] {strides = array<i32>} : memref<8x224xf32, #tpu.memory_space<vmem>>, vector<16xf32>,
        tpu.vector_store %arg8[%swap3A_3080, %swap3A_3081], %gather3A_3059 {strides = array<i32>} : memref<8x224xf32, #tpu.memory_space<vmem>>, vector<16xf32>,
        %swap3A_3083 = arith.constant 3 : i32
        %swap3A_3084 = arith.index_cast %swap3A_3083 : i32 to index
        %swap3A_3085 = arith.constant 48 : index
        %swap3A_3086 = tpu.vector_load %arg8[%swap3A_3084, %swap3A_3085] {strides = array<i32>} : memref<8x224xf32, #tpu.memory_space<vmem>>, vector<16xf32>,
        tpu.vector_store %arg8[%swap3A_3084, %swap3A_3085], %gather3A_3060 {strides = array<i32>} : memref<8x224xf32, #tpu.memory_space<vmem>>, vector<16xf32>,
        %swap3A_3087 = arith.constant 3 : i32
        %swap3A_3088 = arith.index_cast %swap3A_3087 : i32 to index
        %swap3A_3089 = arith.constant 64 : index
        %swap3A_3090 = tpu.vector_load %arg8[%swap3A_3088, %swap3A_3089] {strides = array<i32>} : memref<8x224xf32, #tpu.memory_space<vmem>>, vector<16xf32>,
        tpu.vector_store %arg8[%swap3A_3088, %swap3A_3089], %gather3A_3061 {strides = array<i32>} : memref<8x224xf32, #tpu.memory_space<vmem>>, vector<16xf32>,
        %swap3A_3091 = arith.constant 3 : i32
        %swap3A_3092 = arith.index_cast %swap3A_3091 : i32 to index
        %swap3A_3093 = arith.constant 80 : index
        %swap3A_3094 = tpu.vector_load %arg8[%swap3A_3092, %swap3A_3093] {strides = array<i32>} : memref<8x224xf32, #tpu.memory_space<vmem>>, vector<16xf32>,
        tpu.vector_store %arg8[%swap3A_3092, %swap3A_3093], %gather3A_3062 {strides = array<i32>} : memref<8x224xf32, #tpu.memory_space<vmem>>, vector<16xf32>,
        %add3A_3095 = arith.constant 672 : i32
        %add3A_3096 = arith.addi %mul3A_2278, %add3A_3095 : i32
        %add3A_3097 = arith.constant 96 : i32
        %add3A_3098 = arith.addi %add3A_3096, %add3A_3097 : i32
        %get3A_3099 = arith.index_cast %add3A_3098 : i32 to index
        %get3A_3100 = tpu.vector_load %arg5[%get3A_3099] {strides = array<i32>} : memref<50176xi32, #tpu.memory_space<vmem>>, vector<16xi32>,
        %add3A_3101 = arith.constant 672 : i32
        %add3A_3102 = arith.addi %mul3A_2278, %add3A_3101 : i32
        %add3A_3103 = arith.constant 112 : i32
        %add3A_3104 = arith.addi %add3A_3102, %add3A_3103 : i32
        %get3A_3105 = arith.index_cast %add3A_3104 : i32 to index
        %get3A_3106 = tpu.vector_load %arg5[%get3A_3105] {strides = array<i32>} : memref<50176xi32, #tpu.memory_space<vmem>>, vector<16xi32>,
        %add3A_3107 = arith.constant 672 : i32
        %add3A_3108 = arith.addi %mul3A_2278, %add3A_3107 : i32
        %add3A_3109 = arith.constant 128 : i32
        %add3A_3110 = arith.addi %add3A_3108, %add3A_3109 : i32
        %get3A_3111 = arith.index_cast %add3A_3110 : i32 to index
        %get3A_3112 = tpu.vector_load %arg5[%get3A_3111] {strides = array<i32>} : memref<50176xi32, #tpu.memory_space<vmem>>, vector<16xi32>,
        %add3A_3113 = arith.constant 672 : i32
        %add3A_3114 = arith.addi %mul3A_2278, %add3A_3113 : i32
        %add3A_3115 = arith.constant 144 : i32
        %add3A_3116 = arith.addi %add3A_3114, %add3A_3115 : i32
        %get3A_3117 = arith.index_cast %add3A_3116 : i32 to index
        %get3A_3118 = tpu.vector_load %arg5[%get3A_3117] {strides = array<i32>} : memref<50176xi32, #tpu.memory_space<vmem>>, vector<16xi32>,
        %add3A_3119 = arith.constant 672 : i32
        %add3A_3120 = arith.addi %mul3A_2278, %add3A_3119 : i32
        %add3A_3121 = arith.constant 160 : i32
        %add3A_3122 = arith.addi %add3A_3120, %add3A_3121 : i32
        %get3A_3123 = arith.index_cast %add3A_3122 : i32 to index
        %get3A_3124 = tpu.vector_load %arg5[%get3A_3123] {strides = array<i32>} : memref<50176xi32, #tpu.memory_space<vmem>>, vector<16xi32>,
        %add3A_3125 = arith.constant 672 : i32
        %add3A_3126 = arith.addi %mul3A_2278, %add3A_3125 : i32
        %add3A_3127 = arith.constant 176 : i32
        %add3A_3128 = arith.addi %add3A_3126, %add3A_3127 : i32
        %get3A_3129 = arith.index_cast %add3A_3128 : i32 to index
        %get3A_3130 = tpu.vector_load %arg5[%get3A_3129] {strides = array<i32>} : memref<50176xi32, #tpu.memory_space<vmem>>, vector<16xi32>,
        %add3A_3131 = arith.constant 672 : i32
        %add3A_3132 = arith.addi %mul3A_2278, %add3A_3131 : i32
        %add3A_3133 = arith.constant 192 : i32
        %add3A_3134 = arith.addi %add3A_3132, %add3A_3133 : i32
        %get3A_3135 = arith.index_cast %add3A_3134 : i32 to index
        %get3A_3136 = tpu.vector_load %arg5[%get3A_3135] {strides = array<i32>} : memref<50176xi32, #tpu.memory_space<vmem>>, vector<16xi32>,
        %add3A_3137 = arith.constant 672 : i32
        %add3A_3138 = arith.addi %mul3A_2278, %add3A_3137 : i32
        %add3A_3139 = arith.constant 208 : i32
        %add3A_3140 = arith.addi %add3A_3138, %add3A_3139 : i32
        %get3A_3141 = arith.index_cast %add3A_3140 : i32 to index
        %get3A_3142 = tpu.vector_load %arg5[%get3A_3141] {strides = array<i32>} : memref<50176xi32, #tpu.memory_space<vmem>>, vector<16xi32>,
        %shift_right_logical3A_3143 = arith.constant 8 : i32
        %shift_right_logical3A_3144 = vector.broadcast %shift_right_logical3A_3143 : i32 to vector<16xi32>
        %shift_right_logical3A_3145 = arith.shrui %get3A_3100, %shift_right_logical3A_3144 : vector<16xi32>
        %shift_right_logical3A_3146 = arith.constant 8 : i32
        %shift_right_logical3A_3147 = vector.broadcast %shift_right_logical3A_3146 : i32 to vector<16xi32>
        %shift_right_logical3A_3148 = arith.shrui %get3A_3106, %shift_right_logical3A_3147 : vector<16xi32>
        %shift_right_logical3A_3149 = arith.constant 8 : i32
        %shift_right_logical3A_3150 = vector.broadcast %shift_right_logical3A_3149 : i32 to vector<16xi32>
        %shift_right_logical3A_3151 = arith.shrui %get3A_3112, %shift_right_logical3A_3150 : vector<16xi32>
        %shift_right_logical3A_3152 = arith.constant 8 : i32
        %shift_right_logical3A_3153 = vector.broadcast %shift_right_logical3A_3152 : i32 to vector<16xi32>
        %shift_right_logical3A_3154 = arith.shrui %get3A_3118, %shift_right_logical3A_3153 : vector<16xi32>
        %shift_right_logical3A_3155 = arith.constant 8 : i32
        %shift_right_logical3A_3156 = vector.broadcast %shift_right_logical3A_3155 : i32 to vector<16xi32>
        %shift_right_logical3A_3157 = arith.shrui %get3A_3124, %shift_right_logical3A_3156 : vector<16xi32>
        %shift_right_logical3A_3158 = arith.constant 8 : i32
        %shift_right_logical3A_3159 = vector.broadcast %shift_right_logical3A_3158 : i32 to vector<16xi32>
        %shift_right_logical3A_3160 = arith.shrui %get3A_3130, %shift_right_logical3A_3159 : vector<16xi32>
        %shift_right_logical3A_3161 = arith.constant 8 : i32
        %shift_right_logical3A_3162 = vector.broadcast %shift_right_logical3A_3161 : i32 to vector<16xi32>
        %shift_right_logical3A_3163 = arith.shrui %get3A_3136, %shift_right_logical3A_3162 : vector<16xi32>
        %shift_right_logical3A_3164 = arith.constant 8 : i32
        %shift_right_logical3A_3165 = vector.broadcast %shift_right_logical3A_3164 : i32 to vector<16xi32>
        %shift_right_logical3A_3166 = arith.shrui %get3A_3142, %shift_right_logical3A_3165 : vector<16xi32>
        %and3A_3167 = arith.constant 255 : i32
        %and3A_3168 = vector.broadcast %and3A_3167 : i32 to vector<16xi32>
        %and3A_3169 = arith.andi %get3A_3100, %and3A_3168 : vector<16xi32>
        %and3A_3170 = arith.constant 255 : i32
        %and3A_3171 = vector.broadcast %and3A_3170 : i32 to vector<16xi32>
        %and3A_3172 = arith.andi %get3A_3106, %and3A_3171 : vector<16xi32>
        %and3A_3173 = arith.constant 255 : i32
        %and3A_3174 = vector.broadcast %and3A_3173 : i32 to vector<16xi32>
        %and3A_3175 = arith.andi %get3A_3112, %and3A_3174 : vector<16xi32>
        %and3A_3176 = arith.constant 255 : i32
        %and3A_3177 = vector.broadcast %and3A_3176 : i32 to vector<16xi32>
        %and3A_3178 = arith.andi %get3A_3118, %and3A_3177 : vector<16xi32>
        %and3A_3179 = arith.constant 255 : i32
        %and3A_3180 = vector.broadcast %and3A_3179 : i32 to vector<16xi32>
        %and3A_3181 = arith.andi %get3A_3124, %and3A_3180 : vector<16xi32>
        %and3A_3182 = arith.constant 255 : i32
        %and3A_3183 = vector.broadcast %and3A_3182 : i32 to vector<16xi32>
        %and3A_3184 = arith.andi %get3A_3130, %and3A_3183 : vector<16xi32>
        %and3A_3185 = arith.constant 255 : i32
        %and3A_3186 = vector.broadcast %and3A_3185 : i32 to vector<16xi32>
        %and3A_3187 = arith.andi %get3A_3136, %and3A_3186 : vector<16xi32>
        %and3A_3188 = arith.constant 255 : i32
        %and3A_3189 = vector.broadcast %and3A_3188 : i32 to vector<16xi32>
        %and3A_3190 = arith.andi %get3A_3142, %and3A_3189 : vector<16xi32>
        %gather3A_3191 = tpu.vector_load_idx %arg6[%shift_right_logical3A_3145, %and3A_3169] : memref<224x224xf32, #tpu.memory_space<vmem>>[vector<16xi32>, vector<16xi32>], vector<16xf32>,
        %gather3A_3192 = tpu.vector_load_idx %arg6[%shift_right_logical3A_3148, %and3A_3172] : memref<224x224xf32, #tpu.memory_space<vmem>>[vector<16xi32>, vector<16xi32>], vector<16xf32>,
        %gather3A_3193 = tpu.vector_load_idx %arg6[%shift_right_logical3A_3151, %and3A_3175] : memref<224x224xf32, #tpu.memory_space<vmem>>[vector<16xi32>, vector<16xi32>], vector<16xf32>,
        %gather3A_3194 = tpu.vector_load_idx %arg6[%shift_right_logical3A_3154, %and3A_3178] : memref<224x224xf32, #tpu.memory_space<vmem>>[vector<16xi32>, vector<16xi32>], vector<16xf32>,
        %gather3A_3195 = tpu.vector_load_idx %arg6[%shift_right_logical3A_3157, %and3A_3181] : memref<224x224xf32, #tpu.memory_space<vmem>>[vector<16xi32>, vector<16xi32>], vector<16xf32>,
        %gather3A_3196 = tpu.vector_load_idx %arg6[%shift_right_logical3A_3160, %and3A_3184] : memref<224x224xf32, #tpu.memory_space<vmem>>[vector<16xi32>, vector<16xi32>], vector<16xf32>,
        %gather3A_3197 = tpu.vector_load_idx %arg6[%shift_right_logical3A_3163, %and3A_3187] : memref<224x224xf32, #tpu.memory_space<vmem>>[vector<16xi32>, vector<16xi32>], vector<16xf32>,
        %gather3A_3198 = tpu.vector_load_idx %arg6[%shift_right_logical3A_3166, %and3A_3190] : memref<224x224xf32, #tpu.memory_space<vmem>>[vector<16xi32>, vector<16xi32>], vector<16xf32>,
        %swap3A_3199 = arith.constant 3 : i32
        %swap3A_3200 = arith.index_cast %swap3A_3199 : i32 to index
        %swap3A_3201 = arith.constant 96 : index
        %swap3A_3202 = tpu.vector_load %arg8[%swap3A_3200, %swap3A_3201] {strides = array<i32>} : memref<8x224xf32, #tpu.memory_space<vmem>>, vector<16xf32>,
        tpu.vector_store %arg8[%swap3A_3200, %swap3A_3201], %gather3A_3191 {strides = array<i32>} : memref<8x224xf32, #tpu.memory_space<vmem>>, vector<16xf32>,
        %swap3A_3203 = arith.constant 3 : i32
        %swap3A_3204 = arith.index_cast %swap3A_3203 : i32 to index
        %swap3A_3205 = arith.constant 112 : index
        %swap3A_3206 = tpu.vector_load %arg8[%swap3A_3204, %swap3A_3205] {strides = array<i32>} : memref<8x224xf32, #tpu.memory_space<vmem>>, vector<16xf32>,
        tpu.vector_store %arg8[%swap3A_3204, %swap3A_3205], %gather3A_3192 {strides = array<i32>} : memref<8x224xf32, #tpu.memory_space<vmem>>, vector<16xf32>,
        %swap3A_3207 = arith.constant 3 : i32
        %swap3A_3208 = arith.index_cast %swap3A_3207 : i32 to index
        %swap3A_3209 = arith.constant 128 : index
        %swap3A_3210 = tpu.vector_load %arg8[%swap3A_3208, %swap3A_3209] {strides = array<i32>} : memref<8x224xf32, #tpu.memory_space<vmem>>, vector<16xf32>,
        tpu.vector_store %arg8[%swap3A_3208, %swap3A_3209], %gather3A_3193 {strides = array<i32>} : memref<8x224xf32, #tpu.memory_space<vmem>>, vector<16xf32>,
        %swap3A_3211 = arith.constant 3 : i32
        %swap3A_3212 = arith.index_cast %swap3A_3211 : i32 to index
        %swap3A_3213 = arith.constant 144 : index
        %swap3A_3214 = tpu.vector_load %arg8[%swap3A_3212, %swap3A_3213] {strides = array<i32>} : memref<8x224xf32, #tpu.memory_space<vmem>>, vector<16xf32>,
        tpu.vector_store %arg8[%swap3A_3212, %swap3A_3213], %gather3A_3194 {strides = array<i32>} : memref<8x224xf32, #tpu.memory_space<vmem>>, vector<16xf32>,
        %swap3A_3215 = arith.constant 3 : i32
        %swap3A_3216 = arith.index_cast %swap3A_3215 : i32 to index
        %swap3A_3217 = arith.constant 160 : index
        %swap3A_3218 = tpu.vector_load %arg8[%swap3A_3216, %swap3A_3217] {strides = array<i32>} : memref<8x224xf32, #tpu.memory_space<vmem>>, vector<16xf32>,
        tpu.vector_store %arg8[%swap3A_3216, %swap3A_3217], %gather3A_3195 {strides = array<i32>} : memref<8x224xf32, #tpu.memory_space<vmem>>, vector<16xf32>,
        %swap3A_3219 = arith.constant 3 : i32
        %swap3A_3220 = arith.index_cast %swap3A_3219 : i32 to index
        %swap3A_3221 = arith.constant 176 : index
        %swap3A_3222 = tpu.vector_load %arg8[%swap3A_3220, %swap3A_3221] {strides = array<i32>} : memref<8x224xf32, #tpu.memory_space<vmem>>, vector<16xf32>,
        tpu.vector_store %arg8[%swap3A_3220, %swap3A_3221], %gather3A_3196 {strides = array<i32>} : memref<8x224xf32, #tpu.memory_space<vmem>>, vector<16xf32>,
        %swap3A_3223 = arith.constant 3 : i32
        %swap3A_3224 = arith.index_cast %swap3A_3223 : i32 to index
        %swap3A_3225 = arith.constant 192 : index
        %swap3A_3226 = tpu.vector_load %arg8[%swap3A_3224, %swap3A_3225] {strides = array<i32>} : memref<8x224xf32, #tpu.memory_space<vmem>>, vector<16xf32>,
        tpu.vector_store %arg8[%swap3A_3224, %swap3A_3225], %gather3A_3197 {strides = array<i32>} : memref<8x224xf32, #tpu.memory_space<vmem>>, vector<16xf32>,
        %swap3A_3227 = arith.constant 3 : i32
        %swap3A_3228 = arith.index_cast %swap3A_3227 : i32 to index
        %swap3A_3229 = arith.constant 208 : index
        %swap3A_3230 = tpu.vector_load %arg8[%swap3A_3228, %swap3A_3229] {strides = array<i32>} : memref<8x224xf32, #tpu.memory_space<vmem>>, vector<16xf32>,
        tpu.vector_store %arg8[%swap3A_3228, %swap3A_3229], %gather3A_3198 {strides = array<i32>} : memref<8x224xf32, #tpu.memory_space<vmem>>, vector<16xf32>,
        %add3A_3231 = arith.constant 896 : i32
        %add3A_3232 = arith.addi %mul3A_2278, %add3A_3231 : i32
        %add3A_3233 = arith.constant 0 : i32
        %add3A_3234 = arith.addi %add3A_3232, %add3A_3233 : i32
        %get3A_3235 = arith.index_cast %add3A_3234 : i32 to index
        %get3A_3236 = tpu.vector_load %arg5[%get3A_3235] {strides = array<i32>} : memref<50176xi32, #tpu.memory_space<vmem>>, vector<16xi32>,
        %add3A_3237 = arith.constant 896 : i32
        %add3A_3238 = arith.addi %mul3A_2278, %add3A_3237 : i32
        %add3A_3239 = arith.constant 16 : i32
        %add3A_3240 = arith.addi %add3A_3238, %add3A_3239 : i32
        %get3A_3241 = arith.index_cast %add3A_3240 : i32 to index
        %get3A_3242 = tpu.vector_load %arg5[%get3A_3241] {strides = array<i32>} : memref<50176xi32, #tpu.memory_space<vmem>>, vector<16xi32>,
        %add3A_3243 = arith.constant 896 : i32
        %add3A_3244 = arith.addi %mul3A_2278, %add3A_3243 : i32
        %add3A_3245 = arith.constant 32 : i32
        %add3A_3246 = arith.addi %add3A_3244, %add3A_3245 : i32
        %get3A_3247 = arith.index_cast %add3A_3246 : i32 to index
        %get3A_3248 = tpu.vector_load %arg5[%get3A_3247] {strides = array<i32>} : memref<50176xi32, #tpu.memory_space<vmem>>, vector<16xi32>,
        %add3A_3249 = arith.constant 896 : i32
        %add3A_3250 = arith.addi %mul3A_2278, %add3A_3249 : i32
        %add3A_3251 = arith.constant 48 : i32
        %add3A_3252 = arith.addi %add3A_3250, %add3A_3251 : i32
        %get3A_3253 = arith.index_cast %add3A_3252 : i32 to index
        %get3A_3254 = tpu.vector_load %arg5[%get3A_3253] {strides = array<i32>} : memref<50176xi32, #tpu.memory_space<vmem>>, vector<16xi32>,
        %add3A_3255 = arith.constant 896 : i32
        %add3A_3256 = arith.addi %mul3A_2278, %add3A_3255 : i32
        %add3A_3257 = arith.constant 64 : i32
        %add3A_3258 = arith.addi %add3A_3256, %add3A_3257 : i32
        %get3A_3259 = arith.index_cast %add3A_3258 : i32 to index
        %get3A_3260 = tpu.vector_load %arg5[%get3A_3259] {strides = array<i32>} : memref<50176xi32, #tpu.memory_space<vmem>>, vector<16xi32>,
        %add3A_3261 = arith.constant 896 : i32
        %add3A_3262 = arith.addi %mul3A_2278, %add3A_3261 : i32
        %add3A_3263 = arith.constant 80 : i32
        %add3A_3264 = arith.addi %add3A_3262, %add3A_3263 : i32
        %get3A_3265 = arith.index_cast %add3A_3264 : i32 to index
        %get3A_3266 = tpu.vector_load %arg5[%get3A_3265] {strides = array<i32>} : memref<50176xi32, #tpu.memory_space<vmem>>, vector<16xi32>,
        %add3A_3267 = arith.constant 896 : i32
        %add3A_3268 = arith.addi %mul3A_2278, %add3A_3267 : i32
        %add3A_3269 = arith.constant 96 : i32
        %add3A_3270 = arith.addi %add3A_3268, %add3A_3269 : i32
        %get3A_3271 = arith.index_cast %add3A_3270 : i32 to index
        %get3A_3272 = tpu.vector_load %arg5[%get3A_3271] {strides = array<i32>} : memref<50176xi32, #tpu.memory_space<vmem>>, vector<16xi32>,
        %add3A_3273 = arith.constant 896 : i32
        %add3A_3274 = arith.addi %mul3A_2278, %add3A_3273 : i32
        %add3A_3275 = arith.constant 112 : i32
        %add3A_3276 = arith.addi %add3A_3274, %add3A_3275 : i32
        %get3A_3277 = arith.index_cast %add3A_3276 : i32 to index
        %get3A_3278 = tpu.vector_load %arg5[%get3A_3277] {strides = array<i32>} : memref<50176xi32, #tpu.memory_space<vmem>>, vector<16xi32>,
        %shift_right_logical3A_3279 = arith.constant 8 : i32
        %shift_right_logical3A_3280 = vector.broadcast %shift_right_logical3A_3279 : i32 to vector<16xi32>
        %shift_right_logical3A_3281 = arith.shrui %get3A_3236, %shift_right_logical3A_3280 : vector<16xi32>
        %shift_right_logical3A_3282 = arith.constant 8 : i32
        %shift_right_logical3A_3283 = vector.broadcast %shift_right_logical3A_3282 : i32 to vector<16xi32>
        %shift_right_logical3A_3284 = arith.shrui %get3A_3242, %shift_right_logical3A_3283 : vector<16xi32>
        %shift_right_logical3A_3285 = arith.constant 8 : i32
        %shift_right_logical3A_3286 = vector.broadcast %shift_right_logical3A_3285 : i32 to vector<16xi32>
        %shift_right_logical3A_3287 = arith.shrui %get3A_3248, %shift_right_logical3A_3286 : vector<16xi32>
        %shift_right_logical3A_3288 = arith.constant 8 : i32
        %shift_right_logical3A_3289 = vector.broadcast %shift_right_logical3A_3288 : i32 to vector<16xi32>
        %shift_right_logical3A_3290 = arith.shrui %get3A_3254, %shift_right_logical3A_3289 : vector<16xi32>
        %shift_right_logical3A_3291 = arith.constant 8 : i32
        %shift_right_logical3A_3292 = vector.broadcast %shift_right_logical3A_3291 : i32 to vector<16xi32>
        %shift_right_logical3A_3293 = arith.shrui %get3A_3260, %shift_right_logical3A_3292 : vector<16xi32>
        %shift_right_logical3A_3294 = arith.constant 8 : i32
        %shift_right_logical3A_3295 = vector.broadcast %shift_right_logical3A_3294 : i32 to vector<16xi32>
        %shift_right_logical3A_3296 = arith.shrui %get3A_3266, %shift_right_logical3A_3295 : vector<16xi32>
        %shift_right_logical3A_3297 = arith.constant 8 : i32
        %shift_right_logical3A_3298 = vector.broadcast %shift_right_logical3A_3297 : i32 to vector<16xi32>
        %shift_right_logical3A_3299 = arith.shrui %get3A_3272, %shift_right_logical3A_3298 : vector<16xi32>
        %shift_right_logical3A_3300 = arith.constant 8 : i32
        %shift_right_logical3A_3301 = vector.broadcast %shift_right_logical3A_3300 : i32 to vector<16xi32>
        %shift_right_logical3A_3302 = arith.shrui %get3A_3278, %shift_right_logical3A_3301 : vector<16xi32>
        %and3A_3303 = arith.constant 255 : i32
        %and3A_3304 = vector.broadcast %and3A_3303 : i32 to vector<16xi32>
        %and3A_3305 = arith.andi %get3A_3236, %and3A_3304 : vector<16xi32>
        %and3A_3306 = arith.constant 255 : i32
        %and3A_3307 = vector.broadcast %and3A_3306 : i32 to vector<16xi32>
        %and3A_3308 = arith.andi %get3A_3242, %and3A_3307 : vector<16xi32>
        %and3A_3309 = arith.constant 255 : i32
        %and3A_3310 = vector.broadcast %and3A_3309 : i32 to vector<16xi32>
        %and3A_3311 = arith.andi %get3A_3248, %and3A_3310 : vector<16xi32>
        %and3A_3312 = arith.constant 255 : i32
        %and3A_3313 = vector.broadcast %and3A_3312 : i32 to vector<16xi32>
        %and3A_3314 = arith.andi %get3A_3254, %and3A_3313 : vector<16xi32>
        %and3A_3315 = arith.constant 255 : i32
        %and3A_3316 = vector.broadcast %and3A_3315 : i32 to vector<16xi32>
        %and3A_3317 = arith.andi %get3A_3260, %and3A_3316 : vector<16xi32>
        %and3A_3318 = arith.constant 255 : i32
        %and3A_3319 = vector.broadcast %and3A_3318 : i32 to vector<16xi32>
        %and3A_3320 = arith.andi %get3A_3266, %and3A_3319 : vector<16xi32>
        %and3A_3321 = arith.constant 255 : i32
        %and3A_3322 = vector.broadcast %and3A_3321 : i32 to vector<16xi32>
        %and3A_3323 = arith.andi %get3A_3272, %and3A_3322 : vector<16xi32>
        %and3A_3324 = arith.constant 255 : i32
        %and3A_3325 = vector.broadcast %and3A_3324 : i32 to vector<16xi32>
        %and3A_3326 = arith.andi %get3A_3278, %and3A_3325 : vector<16xi32>
        %gather3A_3327 = tpu.vector_load_idx %arg6[%shift_right_logical3A_3281, %and3A_3305] : memref<224x224xf32, #tpu.memory_space<vmem>>[vector<16xi32>, vector<16xi32>], vector<16xf32>,
        %gather3A_3328 = tpu.vector_load_idx %arg6[%shift_right_logical3A_3284, %and3A_3308] : memref<224x224xf32, #tpu.memory_space<vmem>>[vector<16xi32>, vector<16xi32>], vector<16xf32>,
        %gather3A_3329 = tpu.vector_load_idx %arg6[%shift_right_logical3A_3287, %and3A_3311] : memref<224x224xf32, #tpu.memory_space<vmem>>[vector<16xi32>, vector<16xi32>], vector<16xf32>,
        %gather3A_3330 = tpu.vector_load_idx %arg6[%shift_right_logical3A_3290, %and3A_3314] : memref<224x224xf32, #tpu.memory_space<vmem>>[vector<16xi32>, vector<16xi32>], vector<16xf32>,
        %gather3A_3331 = tpu.vector_load_idx %arg6[%shift_right_logical3A_3293, %and3A_3317] : memref<224x224xf32, #tpu.memory_space<vmem>>[vector<16xi32>, vector<16xi32>], vector<16xf32>,
        %gather3A_3332 = tpu.vector_load_idx %arg6[%shift_right_logical3A_3296, %and3A_3320] : memref<224x224xf32, #tpu.memory_space<vmem>>[vector<16xi32>, vector<16xi32>], vector<16xf32>,
        %gather3A_3333 = tpu.vector_load_idx %arg6[%shift_right_logical3A_3299, %and3A_3323] : memref<224x224xf32, #tpu.memory_space<vmem>>[vector<16xi32>, vector<16xi32>], vector<16xf32>,
        %gather3A_3334 = tpu.vector_load_idx %arg6[%shift_right_logical3A_3302, %and3A_3326] : memref<224x224xf32, #tpu.memory_space<vmem>>[vector<16xi32>, vector<16xi32>], vector<16xf32>,
        %swap3A_3335 = arith.constant 4 : i32
        %swap3A_3336 = arith.index_cast %swap3A_3335 : i32 to index
        %swap3A_3337 = arith.constant 0 : index
        %swap3A_3338 = tpu.vector_load %arg8[%swap3A_3336, %swap3A_3337] {strides = array<i32>} : memref<8x224xf32, #tpu.memory_space<vmem>>, vector<16xf32>,
        tpu.vector_store %arg8[%swap3A_3336, %swap3A_3337], %gather3A_3327 {strides = array<i32>} : memref<8x224xf32, #tpu.memory_space<vmem>>, vector<16xf32>,
        %swap3A_3339 = arith.constant 4 : i32
        %swap3A_3340 = arith.index_cast %swap3A_3339 : i32 to index
        %swap3A_3341 = arith.constant 16 : index
        %swap3A_3342 = tpu.vector_load %arg8[%swap3A_3340, %swap3A_3341] {strides = array<i32>} : memref<8x224xf32, #tpu.memory_space<vmem>>, vector<16xf32>,
        tpu.vector_store %arg8[%swap3A_3340, %swap3A_3341], %gather3A_3328 {strides = array<i32>} : memref<8x224xf32, #tpu.memory_space<vmem>>, vector<16xf32>,
        %swap3A_3343 = arith.constant 4 : i32
        %swap3A_3344 = arith.index_cast %swap3A_3343 : i32 to index
        %swap3A_3345 = arith.constant 32 : index
        %swap3A_3346 = tpu.vector_load %arg8[%swap3A_3344, %swap3A_3345] {strides = array<i32>} : memref<8x224xf32, #tpu.memory_space<vmem>>, vector<16xf32>,
        tpu.vector_store %arg8[%swap3A_3344, %swap3A_3345], %gather3A_3329 {strides = array<i32>} : memref<8x224xf32, #tpu.memory_space<vmem>>, vector<16xf32>,
        %swap3A_3347 = arith.constant 4 : i32
        %swap3A_3348 = arith.index_cast %swap3A_3347 : i32 to index
        %swap3A_3349 = arith.constant 48 : index
        %swap3A_3350 = tpu.vector_load %arg8[%swap3A_3348, %swap3A_3349] {strides = array<i32>} : memref<8x224xf32, #tpu.memory_space<vmem>>, vector<16xf32>,
        tpu.vector_store %arg8[%swap3A_3348, %swap3A_3349], %gather3A_3330 {strides = array<i32>} : memref<8x224xf32, #tpu.memory_space<vmem>>, vector<16xf32>,
        %swap3A_3351 = arith.constant 4 : i32
        %swap3A_3352 = arith.index_cast %swap3A_3351 : i32 to index
        %swap3A_3353 = arith.constant 64 : index
        %swap3A_3354 = tpu.vector_load %arg8[%swap3A_3352, %swap3A_3353] {strides = array<i32>} : memref<8x224xf32, #tpu.memory_space<vmem>>, vector<16xf32>,
        tpu.vector_store %arg8[%swap3A_3352, %swap3A_3353], %gather3A_3331 {strides = array<i32>} : memref<8x224xf32, #tpu.memory_space<vmem>>, vector<16xf32>,
        %swap3A_3355 = arith.constant 4 : i32
        %swap3A_3356 = arith.index_cast %swap3A_3355 : i32 to index
        %swap3A_3357 = arith.constant 80 : index
        %swap3A_3358 = tpu.vector_load %arg8[%swap3A_3356, %swap3A_3357] {strides = array<i32>} : memref<8x224xf32, #tpu.memory_space<vmem>>, vector<16xf32>,
        tpu.vector_store %arg8[%swap3A_3356, %swap3A_3357], %gather3A_3332 {strides = array<i32>} : memref<8x224xf32, #tpu.memory_space<vmem>>, vector<16xf32>,
        %swap3A_3359 = arith.constant 4 : i32
        %swap3A_3360 = arith.index_cast %swap3A_3359 : i32 to index
        %swap3A_3361 = arith.constant 96 : index
        %swap3A_3362 = tpu.vector_load %arg8[%swap3A_3360, %swap3A_3361] {strides = array<i32>} : memref<8x224xf32, #tpu.memory_space<vmem>>, vector<16xf32>,
        tpu.vector_store %arg8[%swap3A_3360, %swap3A_3361], %gather3A_3333 {strides = array<i32>} : memref<8x224xf32, #tpu.memory_space<vmem>>, vector<16xf32>,
        %swap3A_3363 = arith.constant 4 : i32
        %swap3A_3364 = arith.index_cast %swap3A_3363 : i32 to index
        %swap3A_3365 = arith.constant 112 : index
        %swap3A_3366 = tpu.vector_load %arg8[%swap3A_3364, %swap3A_3365] {strides = array<i32>} : memref<8x224xf32, #tpu.memory_space<vmem>>, vector<16xf32>,
        tpu.vector_store %arg8[%swap3A_3364, %swap3A_3365], %gather3A_3334 {strides = array<i32>} : memref<8x224xf32, #tpu.memory_space<vmem>>, vector<16xf32>,
        %add3A_3367 = arith.constant 896 : i32
        %add3A_3368 = arith.addi %mul3A_2278, %add3A_3367 : i32
        %add3A_3369 = arith.constant 128 : i32
        %add3A_3370 = arith.addi %add3A_3368, %add3A_3369 : i32
        %get3A_3371 = arith.index_cast %add3A_3370 : i32 to index
        %get3A_3372 = tpu.vector_load %arg5[%get3A_3371] {strides = array<i32>} : memref<50176xi32, #tpu.memory_space<vmem>>, vector<16xi32>,
        %add3A_3373 = arith.constant 896 : i32
        %add3A_3374 = arith.addi %mul3A_2278, %add3A_3373 : i32
        %add3A_3375 = arith.constant 144 : i32
        %add3A_3376 = arith.addi %add3A_3374, %add3A_3375 : i32
        %get3A_3377 = arith.index_cast %add3A_3376 : i32 to index
        %get3A_3378 = tpu.vector_load %arg5[%get3A_3377] {strides = array<i32>} : memref<50176xi32, #tpu.memory_space<vmem>>, vector<16xi32>,
        %add3A_3379 = arith.constant 896 : i32
        %add3A_3380 = arith.addi %mul3A_2278, %add3A_3379 : i32
        %add3A_3381 = arith.constant 160 : i32
        %add3A_3382 = arith.addi %add3A_3380, %add3A_3381 : i32
        %get3A_3383 = arith.index_cast %add3A_3382 : i32 to index
        %get3A_3384 = tpu.vector_load %arg5[%get3A_3383] {strides = array<i32>} : memref<50176xi32, #tpu.memory_space<vmem>>, vector<16xi32>,
        %add3A_3385 = arith.constant 896 : i32
        %add3A_3386 = arith.addi %mul3A_2278, %add3A_3385 : i32
        %add3A_3387 = arith.constant 176 : i32
        %add3A_3388 = arith.addi %add3A_3386, %add3A_3387 : i32
        %get3A_3389 = arith.index_cast %add3A_3388 : i32 to index
        %get3A_3390 = tpu.vector_load %arg5[%get3A_3389] {strides = array<i32>} : memref<50176xi32, #tpu.memory_space<vmem>>, vector<16xi32>,
        %add3A_3391 = arith.constant 896 : i32
        %add3A_3392 = arith.addi %mul3A_2278, %add3A_3391 : i32
        %add3A_3393 = arith.constant 192 : i32
        %add3A_3394 = arith.addi %add3A_3392, %add3A_3393 : i32
        %get3A_3395 = arith.index_cast %add3A_3394 : i32 to index
        %get3A_3396 = tpu.vector_load %arg5[%get3A_3395] {strides = array<i32>} : memref<50176xi32, #tpu.memory_space<vmem>>, vector<16xi32>,
        %add3A_3397 = arith.constant 896 : i32
        %add3A_3398 = arith.addi %mul3A_2278, %add3A_3397 : i32
        %add3A_3399 = arith.constant 208 : i32
        %add3A_3400 = arith.addi %add3A_3398, %add3A_3399 : i32
        %get3A_3401 = arith.index_cast %add3A_3400 : i32 to index
        %get3A_3402 = tpu.vector_load %arg5[%get3A_3401] {strides = array<i32>} : memref<50176xi32, #tpu.memory_space<vmem>>, vector<16xi32>,
        %add3A_3403 = arith.constant 1120 : i32
        %add3A_3404 = arith.addi %mul3A_2278, %add3A_3403 : i32
        %add3A_3405 = arith.constant 0 : i32
        %add3A_3406 = arith.addi %add3A_3404, %add3A_3405 : i32
        %get3A_3407 = arith.index_cast %add3A_3406 : i32 to index
        %get3A_3408 = tpu.vector_load %arg5[%get3A_3407] {strides = array<i32>} : memref<50176xi32, #tpu.memory_space<vmem>>, vector<16xi32>,
        %add3A_3409 = arith.constant 1120 : i32
        %add3A_3410 = arith.addi %mul3A_2278, %add3A_3409 : i32
        %add3A_3411 = arith.constant 16 : i32
        %add3A_3412 = arith.addi %add3A_3410, %add3A_3411 : i32
        %get3A_3413 = arith.index_cast %add3A_3412 : i32 to index
        %get3A_3414 = tpu.vector_load %arg5[%get3A_3413] {strides = array<i32>} : memref<50176xi32, #tpu.memory_space<vmem>>, vector<16xi32>,
        %shift_right_logical3A_3415 = arith.constant 8 : i32
        %shift_right_logical3A_3416 = vector.broadcast %shift_right_logical3A_3415 : i32 to vector<16xi32>
        %shift_right_logical3A_3417 = arith.shrui %get3A_3372, %shift_right_logical3A_3416 : vector<16xi32>
        %shift_right_logical3A_3418 = arith.constant 8 : i32
        %shift_right_logical3A_3419 = vector.broadcast %shift_right_logical3A_3418 : i32 to vector<16xi32>
        %shift_right_logical3A_3420 = arith.shrui %get3A_3378, %shift_right_logical3A_3419 : vector<16xi32>
        %shift_right_logical3A_3421 = arith.constant 8 : i32
        %shift_right_logical3A_3422 = vector.broadcast %shift_right_logical3A_3421 : i32 to vector<16xi32>
        %shift_right_logical3A_3423 = arith.shrui %get3A_3384, %shift_right_logical3A_3422 : vector<16xi32>
        %shift_right_logical3A_3424 = arith.constant 8 : i32
        %shift_right_logical3A_3425 = vector.broadcast %shift_right_logical3A_3424 : i32 to vector<16xi32>
        %shift_right_logical3A_3426 = arith.shrui %get3A_3390, %shift_right_logical3A_3425 : vector<16xi32>
        %shift_right_logical3A_3427 = arith.constant 8 : i32
        %shift_right_logical3A_3428 = vector.broadcast %shift_right_logical3A_3427 : i32 to vector<16xi32>
        %shift_right_logical3A_3429 = arith.shrui %get3A_3396, %shift_right_logical3A_3428 : vector<16xi32>
        %shift_right_logical3A_3430 = arith.constant 8 : i32
        %shift_right_logical3A_3431 = vector.broadcast %shift_right_logical3A_3430 : i32 to vector<16xi32>
        %shift_right_logical3A_3432 = arith.shrui %get3A_3402, %shift_right_logical3A_3431 : vector<16xi32>
        %shift_right_logical3A_3433 = arith.constant 8 : i32
        %shift_right_logical3A_3434 = vector.broadcast %shift_right_logical3A_3433 : i32 to vector<16xi32>
        %shift_right_logical3A_3435 = arith.shrui %get3A_3408, %shift_right_logical3A_3434 : vector<16xi32>
        %shift_right_logical3A_3436 = arith.constant 8 : i32
        %shift_right_logical3A_3437 = vector.broadcast %shift_right_logical3A_3436 : i32 to vector<16xi32>
        %shift_right_logical3A_3438 = arith.shrui %get3A_3414, %shift_right_logical3A_3437 : vector<16xi32>
        %and3A_3439 = arith.constant 255 : i32
        %and3A_3440 = vector.broadcast %and3A_3439 : i32 to vector<16xi32>
        %and3A_3441 = arith.andi %get3A_3372, %and3A_3440 : vector<16xi32>
        %and3A_3442 = arith.constant 255 : i32
        %and3A_3443 = vector.broadcast %and3A_3442 : i32 to vector<16xi32>
        %and3A_3444 = arith.andi %get3A_3378, %and3A_3443 : vector<16xi32>
        %and3A_3445 = arith.constant 255 : i32
        %and3A_3446 = vector.broadcast %and3A_3445 : i32 to vector<16xi32>
        %and3A_3447 = arith.andi %get3A_3384, %and3A_3446 : vector<16xi32>
        %and3A_3448 = arith.constant 255 : i32
        %and3A_3449 = vector.broadcast %and3A_3448 : i32 to vector<16xi32>
        %and3A_3450 = arith.andi %get3A_3390, %and3A_3449 : vector<16xi32>
        %and3A_3451 = arith.constant 255 : i32
        %and3A_3452 = vector.broadcast %and3A_3451 : i32 to vector<16xi32>
        %and3A_3453 = arith.andi %get3A_3396, %and3A_3452 : vector<16xi32>
        %and3A_3454 = arith.constant 255 : i32
        %and3A_3455 = vector.broadcast %and3A_3454 : i32 to vector<16xi32>
        %and3A_3456 = arith.andi %get3A_3402, %and3A_3455 : vector<16xi32>
        %and3A_3457 = arith.constant 255 : i32
        %and3A_3458 = vector.broadcast %and3A_3457 : i32 to vector<16xi32>
        %and3A_3459 = arith.andi %get3A_3408, %and3A_3458 : vector<16xi32>
        %and3A_3460 = arith.constant 255 : i32
        %and3A_3461 = vector.broadcast %and3A_3460 : i32 to vector<16xi32>
        %and3A_3462 = arith.andi %get3A_3414, %and3A_3461 : vector<16xi32>
        %gather3A_3463 = tpu.vector_load_idx %arg6[%shift_right_logical3A_3417, %and3A_3441] : memref<224x224xf32, #tpu.memory_space<vmem>>[vector<16xi32>, vector<16xi32>], vector<16xf32>,
        %gather3A_3464 = tpu.vector_load_idx %arg6[%shift_right_logical3A_3420, %and3A_3444] : memref<224x224xf32, #tpu.memory_space<vmem>>[vector<16xi32>, vector<16xi32>], vector<16xf32>,
        %gather3A_3465 = tpu.vector_load_idx %arg6[%shift_right_logical3A_3423, %and3A_3447] : memref<224x224xf32, #tpu.memory_space<vmem>>[vector<16xi32>, vector<16xi32>], vector<16xf32>,
        %gather3A_3466 = tpu.vector_load_idx %arg6[%shift_right_logical3A_3426, %and3A_3450] : memref<224x224xf32, #tpu.memory_space<vmem>>[vector<16xi32>, vector<16xi32>], vector<16xf32>,
        %gather3A_3467 = tpu.vector_load_idx %arg6[%shift_right_logical3A_3429, %and3A_3453] : memref<224x224xf32, #tpu.memory_space<vmem>>[vector<16xi32>, vector<16xi32>], vector<16xf32>,
        %gather3A_3468 = tpu.vector_load_idx %arg6[%shift_right_logical3A_3432, %and3A_3456] : memref<224x224xf32, #tpu.memory_space<vmem>>[vector<16xi32>, vector<16xi32>], vector<16xf32>,
        %gather3A_3469 = tpu.vector_load_idx %arg6[%shift_right_logical3A_3435, %and3A_3459] : memref<224x224xf32, #tpu.memory_space<vmem>>[vector<16xi32>, vector<16xi32>], vector<16xf32>,
        %gather3A_3470 = tpu.vector_load_idx %arg6[%shift_right_logical3A_3438, %and3A_3462] : memref<224x224xf32, #tpu.memory_space<vmem>>[vector<16xi32>, vector<16xi32>], vector<16xf32>,
        %swap3A_3471 = arith.constant 4 : i32
        %swap3A_3472 = arith.index_cast %swap3A_3471 : i32 to index
        %swap3A_3473 = arith.constant 128 : index
        %swap3A_3474 = tpu.vector_load %arg8[%swap3A_3472, %swap3A_3473] {strides = array<i32>} : memref<8x224xf32, #tpu.memory_space<vmem>>, vector<16xf32>,
        tpu.vector_store %arg8[%swap3A_3472, %swap3A_3473], %gather3A_3463 {strides = array<i32>} : memref<8x224xf32, #tpu.memory_space<vmem>>, vector<16xf32>,
        %swap3A_3475 = arith.constant 4 : i32
        %swap3A_3476 = arith.index_cast %swap3A_3475 : i32 to index
        %swap3A_3477 = arith.constant 144 : index
        %swap3A_3478 = tpu.vector_load %arg8[%swap3A_3476, %swap3A_3477] {strides = array<i32>} : memref<8x224xf32, #tpu.memory_space<vmem>>, vector<16xf32>,
        tpu.vector_store %arg8[%swap3A_3476, %swap3A_3477], %gather3A_3464 {strides = array<i32>} : memref<8x224xf32, #tpu.memory_space<vmem>>, vector<16xf32>,
        %swap3A_3479 = arith.constant 4 : i32
        %swap3A_3480 = arith.index_cast %swap3A_3479 : i32 to index
        %swap3A_3481 = arith.constant 160 : index
        %swap3A_3482 = tpu.vector_load %arg8[%swap3A_3480, %swap3A_3481] {strides = array<i32>} : memref<8x224xf32, #tpu.memory_space<vmem>>, vector<16xf32>,
        tpu.vector_store %arg8[%swap3A_3480, %swap3A_3481], %gather3A_3465 {strides = array<i32>} : memref<8x224xf32, #tpu.memory_space<vmem>>, vector<16xf32>,
        %swap3A_3483 = arith.constant 4 : i32
        %swap3A_3484 = arith.index_cast %swap3A_3483 : i32 to index
        %swap3A_3485 = arith.constant 176 : index
        %swap3A_3486 = tpu.vector_load %arg8[%swap3A_3484, %swap3A_3485] {strides = array<i32>} : memref<8x224xf32, #tpu.memory_space<vmem>>, vector<16xf32>,
        tpu.vector_store %arg8[%swap3A_3484, %swap3A_3485], %gather3A_3466 {strides = array<i32>} : memref<8x224xf32, #tpu.memory_space<vmem>>, vector<16xf32>,
        %swap3A_3487 = arith.constant 4 : i32
        %swap3A_3488 = arith.index_cast %swap3A_3487 : i32 to index
        %swap3A_3489 = arith.constant 192 : index
        %swap3A_3490 = tpu.vector_load %arg8[%swap3A_3488, %swap3A_3489] {strides = array<i32>} : memref<8x224xf32, #tpu.memory_space<vmem>>, vector<16xf32>,
        tpu.vector_store %arg8[%swap3A_3488, %swap3A_3489], %gather3A_3467 {strides = array<i32>} : memref<8x224xf32, #tpu.memory_space<vmem>>, vector<16xf32>,
        %swap3A_3491 = arith.constant 4 : i32
        %swap3A_3492 = arith.index_cast %swap3A_3491 : i32 to index
        %swap3A_3493 = arith.constant 208 : index
        %swap3A_3494 = tpu.vector_load %arg8[%swap3A_3492, %swap3A_3493] {strides = array<i32>} : memref<8x224xf32, #tpu.memory_space<vmem>>, vector<16xf32>,
        tpu.vector_store %arg8[%swap3A_3492, %swap3A_3493], %gather3A_3468 {strides = array<i32>} : memref<8x224xf32, #tpu.memory_space<vmem>>, vector<16xf32>,
        %swap3A_3495 = arith.constant 5 : i32
        %swap3A_3496 = arith.index_cast %swap3A_3495 : i32 to index
        %swap3A_3497 = arith.constant 0 : index
        %swap3A_3498 = tpu.vector_load %arg8[%swap3A_3496, %swap3A_3497] {strides = array<i32>} : memref<8x224xf32, #tpu.memory_space<vmem>>, vector<16xf32>,
        tpu.vector_store %arg8[%swap3A_3496, %swap3A_3497], %gather3A_3469 {strides = array<i32>} : memref<8x224xf32, #tpu.memory_space<vmem>>, vector<16xf32>,
        %swap3A_3499 = arith.constant 5 : i32
        %swap3A_3500 = arith.index_cast %swap3A_3499 : i32 to index
        %swap3A_3501 = arith.constant 16 : index
        %swap3A_3502 = tpu.vector_load %arg8[%swap3A_3500, %swap3A_3501] {strides = array<i32>} : memref<8x224xf32, #tpu.memory_space<vmem>>, vector<16xf32>,
        tpu.vector_store %arg8[%swap3A_3500, %swap3A_3501], %gather3A_3470 {strides = array<i32>} : memref<8x224xf32, #tpu.memory_space<vmem>>, vector<16xf32>,
        %add3A_3503 = arith.constant 1120 : i32
        %add3A_3504 = arith.addi %mul3A_2278, %add3A_3503 : i32
        %add3A_3505 = arith.constant 32 : i32
        %add3A_3506 = arith.addi %add3A_3504, %add3A_3505 : i32
        %get3A_3507 = arith.index_cast %add3A_3506 : i32 to index
        %get3A_3508 = tpu.vector_load %arg5[%get3A_3507] {strides = array<i32>} : memref<50176xi32, #tpu.memory_space<vmem>>, vector<16xi32>,
        %add3A_3509 = arith.constant 1120 : i32
        %add3A_3510 = arith.addi %mul3A_2278, %add3A_3509 : i32
        %add3A_3511 = arith.constant 48 : i32
        %add3A_3512 = arith.addi %add3A_3510, %add3A_3511 : i32
        %get3A_3513 = arith.index_cast %add3A_3512 : i32 to index
        %get3A_3514 = tpu.vector_load %arg5[%get3A_3513] {strides = array<i32>} : memref<50176xi32, #tpu.memory_space<vmem>>, vector<16xi32>,
        %add3A_3515 = arith.constant 1120 : i32
        %add3A_3516 = arith.addi %mul3A_2278, %add3A_3515 : i32
        %add3A_3517 = arith.constant 64 : i32
        %add3A_3518 = arith.addi %add3A_3516, %add3A_3517 : i32
        %get3A_3519 = arith.index_cast %add3A_3518 : i32 to index
        %get3A_3520 = tpu.vector_load %arg5[%get3A_3519] {strides = array<i32>} : memref<50176xi32, #tpu.memory_space<vmem>>, vector<16xi32>,
        %add3A_3521 = arith.constant 1120 : i32
        %add3A_3522 = arith.addi %mul3A_2278, %add3A_3521 : i32
        %add3A_3523 = arith.constant 80 : i32
        %add3A_3524 = arith.addi %add3A_3522, %add3A_3523 : i32
        %get3A_3525 = arith.index_cast %add3A_3524 : i32 to index
        %get3A_3526 = tpu.vector_load %arg5[%get3A_3525] {strides = array<i32>} : memref<50176xi32, #tpu.memory_space<vmem>>, vector<16xi32>,
        %add3A_3527 = arith.constant 1120 : i32
        %add3A_3528 = arith.addi %mul3A_2278, %add3A_3527 : i32
        %add3A_3529 = arith.constant 96 : i32
        %add3A_3530 = arith.addi %add3A_3528, %add3A_3529 : i32
        %get3A_3531 = arith.index_cast %add3A_3530 : i32 to index
        %get3A_3532 = tpu.vector_load %arg5[%get3A_3531] {strides = array<i32>} : memref<50176xi32, #tpu.memory_space<vmem>>, vector<16xi32>,
        %add3A_3533 = arith.constant 1120 : i32
        %add3A_3534 = arith.addi %mul3A_2278, %add3A_3533 : i32
        %add3A_3535 = arith.constant 112 : i32
        %add3A_3536 = arith.addi %add3A_3534, %add3A_3535 : i32
        %get3A_3537 = arith.index_cast %add3A_3536 : i32 to index
        %get3A_3538 = tpu.vector_load %arg5[%get3A_3537] {strides = array<i32>} : memref<50176xi32, #tpu.memory_space<vmem>>, vector<16xi32>,
        %add3A_3539 = arith.constant 1120 : i32
        %add3A_3540 = arith.addi %mul3A_2278, %add3A_3539 : i32
        %add3A_3541 = arith.constant 128 : i32
        %add3A_3542 = arith.addi %add3A_3540, %add3A_3541 : i32
        %get3A_3543 = arith.index_cast %add3A_3542 : i32 to index
        %get3A_3544 = tpu.vector_load %arg5[%get3A_3543] {strides = array<i32>} : memref<50176xi32, #tpu.memory_space<vmem>>, vector<16xi32>,
        %add3A_3545 = arith.constant 1120 : i32
        %add3A_3546 = arith.addi %mul3A_2278, %add3A_3545 : i32
        %add3A_3547 = arith.constant 144 : i32
        %add3A_3548 = arith.addi %add3A_3546, %add3A_3547 : i32
        %get3A_3549 = arith.index_cast %add3A_3548 : i32 to index
        %get3A_3550 = tpu.vector_load %arg5[%get3A_3549] {strides = array<i32>} : memref<50176xi32, #tpu.memory_space<vmem>>, vector<16xi32>,
        %shift_right_logical3A_3551 = arith.constant 8 : i32
        %shift_right_logical3A_3552 = vector.broadcast %shift_right_logical3A_3551 : i32 to vector<16xi32>
        %shift_right_logical3A_3553 = arith.shrui %get3A_3508, %shift_right_logical3A_3552 : vector<16xi32>
        %shift_right_logical3A_3554 = arith.constant 8 : i32
        %shift_right_logical3A_3555 = vector.broadcast %shift_right_logical3A_3554 : i32 to vector<16xi32>
        %shift_right_logical3A_3556 = arith.shrui %get3A_3514, %shift_right_logical3A_3555 : vector<16xi32>
        %shift_right_logical3A_3557 = arith.constant 8 : i32
        %shift_right_logical3A_3558 = vector.broadcast %shift_right_logical3A_3557 : i32 to vector<16xi32>
        %shift_right_logical3A_3559 = arith.shrui %get3A_3520, %shift_right_logical3A_3558 : vector<16xi32>
        %shift_right_logical3A_3560 = arith.constant 8 : i32
        %shift_right_logical3A_3561 = vector.broadcast %shift_right_logical3A_3560 : i32 to vector<16xi32>
        %shift_right_logical3A_3562 = arith.shrui %get3A_3526, %shift_right_logical3A_3561 : vector<16xi32>
        %shift_right_logical3A_3563 = arith.constant 8 : i32
        %shift_right_logical3A_3564 = vector.broadcast %shift_right_logical3A_3563 : i32 to vector<16xi32>
        %shift_right_logical3A_3565 = arith.shrui %get3A_3532, %shift_right_logical3A_3564 : vector<16xi32>
        %shift_right_logical3A_3566 = arith.constant 8 : i32
        %shift_right_logical3A_3567 = vector.broadcast %shift_right_logical3A_3566 : i32 to vector<16xi32>
        %shift_right_logical3A_3568 = arith.shrui %get3A_3538, %shift_right_logical3A_3567 : vector<16xi32>
        %shift_right_logical3A_3569 = arith.constant 8 : i32
        %shift_right_logical3A_3570 = vector.broadcast %shift_right_logical3A_3569 : i32 to vector<16xi32>
        %shift_right_logical3A_3571 = arith.shrui %get3A_3544, %shift_right_logical3A_3570 : vector<16xi32>
        %shift_right_logical3A_3572 = arith.constant 8 : i32
        %shift_right_logical3A_3573 = vector.broadcast %shift_right_logical3A_3572 : i32 to vector<16xi32>
        %shift_right_logical3A_3574 = arith.shrui %get3A_3550, %shift_right_logical3A_3573 : vector<16xi32>
        %and3A_3575 = arith.constant 255 : i32
        %and3A_3576 = vector.broadcast %and3A_3575 : i32 to vector<16xi32>
        %and3A_3577 = arith.andi %get3A_3508, %and3A_3576 : vector<16xi32>
        %and3A_3578 = arith.constant 255 : i32
        %and3A_3579 = vector.broadcast %and3A_3578 : i32 to vector<16xi32>
        %and3A_3580 = arith.andi %get3A_3514, %and3A_3579 : vector<16xi32>
        %and3A_3581 = arith.constant 255 : i32
        %and3A_3582 = vector.broadcast %and3A_3581 : i32 to vector<16xi32>
        %and3A_3583 = arith.andi %get3A_3520, %and3A_3582 : vector<16xi32>
        %and3A_3584 = arith.constant 255 : i32
        %and3A_3585 = vector.broadcast %and3A_3584 : i32 to vector<16xi32>
        %and3A_3586 = arith.andi %get3A_3526, %and3A_3585 : vector<16xi32>
        %and3A_3587 = arith.constant 255 : i32
        %and3A_3588 = vector.broadcast %and3A_3587 : i32 to vector<16xi32>
        %and3A_3589 = arith.andi %get3A_3532, %and3A_3588 : vector<16xi32>
        %and3A_3590 = arith.constant 255 : i32
        %and3A_3591 = vector.broadcast %and3A_3590 : i32 to vector<16xi32>
        %and3A_3592 = arith.andi %get3A_3538, %and3A_3591 : vector<16xi32>
        %and3A_3593 = arith.constant 255 : i32
        %and3A_3594 = vector.broadcast %and3A_3593 : i32 to vector<16xi32>
        %and3A_3595 = arith.andi %get3A_3544, %and3A_3594 : vector<16xi32>
        %and3A_3596 = arith.constant 255 : i32
        %and3A_3597 = vector.broadcast %and3A_3596 : i32 to vector<16xi32>
        %and3A_3598 = arith.andi %get3A_3550, %and3A_3597 : vector<16xi32>
        %gather3A_3599 = tpu.vector_load_idx %arg6[%shift_right_logical3A_3553, %and3A_3577] : memref<224x224xf32, #tpu.memory_space<vmem>>[vector<16xi32>, vector<16xi32>], vector<16xf32>,
        %gather3A_3600 = tpu.vector_load_idx %arg6[%shift_right_logical3A_3556, %and3A_3580] : memref<224x224xf32, #tpu.memory_space<vmem>>[vector<16xi32>, vector<16xi32>], vector<16xf32>,
        %gather3A_3601 = tpu.vector_load_idx %arg6[%shift_right_logical3A_3559, %and3A_3583] : memref<224x224xf32, #tpu.memory_space<vmem>>[vector<16xi32>, vector<16xi32>], vector<16xf32>,
        %gather3A_3602 = tpu.vector_load_idx %arg6[%shift_right_logical3A_3562, %and3A_3586] : memref<224x224xf32, #tpu.memory_space<vmem>>[vector<16xi32>, vector<16xi32>], vector<16xf32>,
        %gather3A_3603 = tpu.vector_load_idx %arg6[%shift_right_logical3A_3565, %and3A_3589] : memref<224x224xf32, #tpu.memory_space<vmem>>[vector<16xi32>, vector<16xi32>], vector<16xf32>,
        %gather3A_3604 = tpu.vector_load_idx %arg6[%shift_right_logical3A_3568, %and3A_3592] : memref<224x224xf32, #tpu.memory_space<vmem>>[vector<16xi32>, vector<16xi32>], vector<16xf32>,
        %gather3A_3605 = tpu.vector_load_idx %arg6[%shift_right_logical3A_3571, %and3A_3595] : memref<224x224xf32, #tpu.memory_space<vmem>>[vector<16xi32>, vector<16xi32>], vector<16xf32>,
        %gather3A_3606 = tpu.vector_load_idx %arg6[%shift_right_logical3A_3574, %and3A_3598] : memref<224x224xf32, #tpu.memory_space<vmem>>[vector<16xi32>, vector<16xi32>], vector<16xf32>,
        %swap3A_3607 = arith.constant 5 : i32
        %swap3A_3608 = arith.index_cast %swap3A_3607 : i32 to index
        %swap3A_3609 = arith.constant 32 : index
        %swap3A_3610 = tpu.vector_load %arg8[%swap3A_3608, %swap3A_3609] {strides = array<i32>} : memref<8x224xf32, #tpu.memory_space<vmem>>, vector<16xf32>,
        tpu.vector_store %arg8[%swap3A_3608, %swap3A_3609], %gather3A_3599 {strides = array<i32>} : memref<8x224xf32, #tpu.memory_space<vmem>>, vector<16xf32>,
        %swap3A_3611 = arith.constant 5 : i32
        %swap3A_3612 = arith.index_cast %swap3A_3611 : i32 to index
        %swap3A_3613 = arith.constant 48 : index
        %swap3A_3614 = tpu.vector_load %arg8[%swap3A_3612, %swap3A_3613] {strides = array<i32>} : memref<8x224xf32, #tpu.memory_space<vmem>>, vector<16xf32>,
        tpu.vector_store %arg8[%swap3A_3612, %swap3A_3613], %gather3A_3600 {strides = array<i32>} : memref<8x224xf32, #tpu.memory_space<vmem>>, vector<16xf32>,
        %swap3A_3615 = arith.constant 5 : i32
        %swap3A_3616 = arith.index_cast %swap3A_3615 : i32 to index
        %swap3A_3617 = arith.constant 64 : index
        %swap3A_3618 = tpu.vector_load %arg8[%swap3A_3616, %swap3A_3617] {strides = array<i32>} : memref<8x224xf32, #tpu.memory_space<vmem>>, vector<16xf32>,
        tpu.vector_store %arg8[%swap3A_3616, %swap3A_3617], %gather3A_3601 {strides = array<i32>} : memref<8x224xf32, #tpu.memory_space<vmem>>, vector<16xf32>,
        %swap3A_3619 = arith.constant 5 : i32
        %swap3A_3620 = arith.index_cast %swap3A_3619 : i32 to index
        %swap3A_3621 = arith.constant 80 : index
        %swap3A_3622 = tpu.vector_load %arg8[%swap3A_3620, %swap3A_3621] {strides = array<i32>} : memref<8x224xf32, #tpu.memory_space<vmem>>, vector<16xf32>,
        tpu.vector_store %arg8[%swap3A_3620, %swap3A_3621], %gather3A_3602 {strides = array<i32>} : memref<8x224xf32, #tpu.memory_space<vmem>>, vector<16xf32>,
        %swap3A_3623 = arith.constant 5 : i32
        %swap3A_3624 = arith.index_cast %swap3A_3623 : i32 to index
        %swap3A_3625 = arith.constant 96 : index
        %swap3A_3626 = tpu.vector_load %arg8[%swap3A_3624, %swap3A_3625] {strides = array<i32>} : memref<8x224xf32, #tpu.memory_space<vmem>>, vector<16xf32>,
        tpu.vector_store %arg8[%swap3A_3624, %swap3A_3625], %gather3A_3603 {strides = array<i32>} : memref<8x224xf32, #tpu.memory_space<vmem>>, vector<16xf32>,
        %swap3A_3627 = arith.constant 5 : i32
        %swap3A_3628 = arith.index_cast %swap3A_3627 : i32 to index
        %swap3A_3629 = arith.constant 112 : index
        %swap3A_3630 = tpu.vector_load %arg8[%swap3A_3628, %swap3A_3629] {strides = array<i32>} : memref<8x224xf32, #tpu.memory_space<vmem>>, vector<16xf32>,
        tpu.vector_store %arg8[%swap3A_3628, %swap3A_3629], %gather3A_3604 {strides = array<i32>} : memref<8x224xf32, #tpu.memory_space<vmem>>, vector<16xf32>,
        %swap3A_3631 = arith.constant 5 : i32
        %swap3A_3632 = arith.index_cast %swap3A_3631 : i32 to index
        %swap3A_3633 = arith.constant 128 : index
        %swap3A_3634 = tpu.vector_load %arg8[%swap3A_3632, %swap3A_3633] {strides = array<i32>} : memref<8x224xf32, #tpu.memory_space<vmem>>, vector<16xf32>,
        tpu.vector_store %arg8[%swap3A_3632, %swap3A_3633], %gather3A_3605 {strides = array<i32>} : memref<8x224xf32, #tpu.memory_space<vmem>>, vector<16xf32>,
        %swap3A_3635 = arith.constant 5 : i32
        %swap3A_3636 = arith.index_cast %swap3A_3635 : i32 to index
        %swap3A_3637 = arith.constant 144 : index
        %swap3A_3638 = tpu.vector_load %arg8[%swap3A_3636, %swap3A_3637] {strides = array<i32>} : memref<8x224xf32, #tpu.memory_space<vmem>>, vector<16xf32>,
        tpu.vector_store %arg8[%swap3A_3636, %swap3A_3637], %gather3A_3606 {strides = array<i32>} : memref<8x224xf32, #tpu.memory_space<vmem>>, vector<16xf32>,
        %add3A_3639 = arith.constant 1120 : i32
        %add3A_3640 = arith.addi %mul3A_2278, %add3A_3639 : i32
        %add3A_3641 = arith.constant 160 : i32
        %add3A_3642 = arith.addi %add3A_3640, %add3A_3641 : i32
        %get3A_3643 = arith.index_cast %add3A_3642 : i32 to index
        %get3A_3644 = tpu.vector_load %arg5[%get3A_3643] {strides = array<i32>} : memref<50176xi32, #tpu.memory_space<vmem>>, vector<16xi32>,
        %add3A_3645 = arith.constant 1120 : i32
        %add3A_3646 = arith.addi %mul3A_2278, %add3A_3645 : i32
        %add3A_3647 = arith.constant 176 : i32
        %add3A_3648 = arith.addi %add3A_3646, %add3A_3647 : i32
        %get3A_3649 = arith.index_cast %add3A_3648 : i32 to index
        %get3A_3650 = tpu.vector_load %arg5[%get3A_3649] {strides = array<i32>} : memref<50176xi32, #tpu.memory_space<vmem>>, vector<16xi32>,
        %add3A_3651 = arith.constant 1120 : i32
        %add3A_3652 = arith.addi %mul3A_2278, %add3A_3651 : i32
        %add3A_3653 = arith.constant 192 : i32
        %add3A_3654 = arith.addi %add3A_3652, %add3A_3653 : i32
        %get3A_3655 = arith.index_cast %add3A_3654 : i32 to index
        %get3A_3656 = tpu.vector_load %arg5[%get3A_3655] {strides = array<i32>} : memref<50176xi32, #tpu.memory_space<vmem>>, vector<16xi32>,
        %add3A_3657 = arith.constant 1120 : i32
        %add3A_3658 = arith.addi %mul3A_2278, %add3A_3657 : i32
        %add3A_3659 = arith.constant 208 : i32
        %add3A_3660 = arith.addi %add3A_3658, %add3A_3659 : i32
        %get3A_3661 = arith.index_cast %add3A_3660 : i32 to index
        %get3A_3662 = tpu.vector_load %arg5[%get3A_3661] {strides = array<i32>} : memref<50176xi32, #tpu.memory_space<vmem>>, vector<16xi32>,
        %add3A_3663 = arith.constant 1344 : i32
        %add3A_3664 = arith.addi %mul3A_2278, %add3A_3663 : i32
        %add3A_3665 = arith.constant 0 : i32
        %add3A_3666 = arith.addi %add3A_3664, %add3A_3665 : i32
        %get3A_3667 = arith.index_cast %add3A_3666 : i32 to index
        %get3A_3668 = tpu.vector_load %arg5[%get3A_3667] {strides = array<i32>} : memref<50176xi32, #tpu.memory_space<vmem>>, vector<16xi32>,
        %add3A_3669 = arith.constant 1344 : i32
        %add3A_3670 = arith.addi %mul3A_2278, %add3A_3669 : i32
        %add3A_3671 = arith.constant 16 : i32
        %add3A_3672 = arith.addi %add3A_3670, %add3A_3671 : i32
        %get3A_3673 = arith.index_cast %add3A_3672 : i32 to index
        %get3A_3674 = tpu.vector_load %arg5[%get3A_3673] {strides = array<i32>} : memref<50176xi32, #tpu.memory_space<vmem>>, vector<16xi32>,
        %add3A_3675 = arith.constant 1344 : i32
        %add3A_3676 = arith.addi %mul3A_2278, %add3A_3675 : i32
        %add3A_3677 = arith.constant 32 : i32
        %add3A_3678 = arith.addi %add3A_3676, %add3A_3677 : i32
        %get3A_3679 = arith.index_cast %add3A_3678 : i32 to index
        %get3A_3680 = tpu.vector_load %arg5[%get3A_3679] {strides = array<i32>} : memref<50176xi32, #tpu.memory_space<vmem>>, vector<16xi32>,
        %add3A_3681 = arith.constant 1344 : i32
        %add3A_3682 = arith.addi %mul3A_2278, %add3A_3681 : i32
        %add3A_3683 = arith.constant 48 : i32
        %add3A_3684 = arith.addi %add3A_3682, %add3A_3683 : i32
        %get3A_3685 = arith.index_cast %add3A_3684 : i32 to index
        %get3A_3686 = tpu.vector_load %arg5[%get3A_3685] {strides = array<i32>} : memref<50176xi32, #tpu.memory_space<vmem>>, vector<16xi32>,
        %shift_right_logical3A_3687 = arith.constant 8 : i32
        %shift_right_logical3A_3688 = vector.broadcast %shift_right_logical3A_3687 : i32 to vector<16xi32>
        %shift_right_logical3A_3689 = arith.shrui %get3A_3644, %shift_right_logical3A_3688 : vector<16xi32>
        %shift_right_logical3A_3690 = arith.constant 8 : i32
        %shift_right_logical3A_3691 = vector.broadcast %shift_right_logical3A_3690 : i32 to vector<16xi32>
        %shift_right_logical3A_3692 = arith.shrui %get3A_3650, %shift_right_logical3A_3691 : vector<16xi32>
        %shift_right_logical3A_3693 = arith.constant 8 : i32
        %shift_right_logical3A_3694 = vector.broadcast %shift_right_logical3A_3693 : i32 to vector<16xi32>
        %shift_right_logical3A_3695 = arith.shrui %get3A_3656, %shift_right_logical3A_3694 : vector<16xi32>
        %shift_right_logical3A_3696 = arith.constant 8 : i32
        %shift_right_logical3A_3697 = vector.broadcast %shift_right_logical3A_3696 : i32 to vector<16xi32>
        %shift_right_logical3A_3698 = arith.shrui %get3A_3662, %shift_right_logical3A_3697 : vector<16xi32>
        %shift_right_logical3A_3699 = arith.constant 8 : i32
        %shift_right_logical3A_3700 = vector.broadcast %shift_right_logical3A_3699 : i32 to vector<16xi32>
        %shift_right_logical3A_3701 = arith.shrui %get3A_3668, %shift_right_logical3A_3700 : vector<16xi32>
        %shift_right_logical3A_3702 = arith.constant 8 : i32
        %shift_right_logical3A_3703 = vector.broadcast %shift_right_logical3A_3702 : i32 to vector<16xi32>
        %shift_right_logical3A_3704 = arith.shrui %get3A_3674, %shift_right_logical3A_3703 : vector<16xi32>
        %shift_right_logical3A_3705 = arith.constant 8 : i32
        %shift_right_logical3A_3706 = vector.broadcast %shift_right_logical3A_3705 : i32 to vector<16xi32>
        %shift_right_logical3A_3707 = arith.shrui %get3A_3680, %shift_right_logical3A_3706 : vector<16xi32>
        %shift_right_logical3A_3708 = arith.constant 8 : i32
        %shift_right_logical3A_3709 = vector.broadcast %shift_right_logical3A_3708 : i32 to vector<16xi32>
        %shift_right_logical3A_3710 = arith.shrui %get3A_3686, %shift_right_logical3A_3709 : vector<16xi32>
        %and3A_3711 = arith.constant 255 : i32
        %and3A_3712 = vector.broadcast %and3A_3711 : i32 to vector<16xi32>
        %and3A_3713 = arith.andi %get3A_3644, %and3A_3712 : vector<16xi32>
        %and3A_3714 = arith.constant 255 : i32
        %and3A_3715 = vector.broadcast %and3A_3714 : i32 to vector<16xi32>
        %and3A_3716 = arith.andi %get3A_3650, %and3A_3715 : vector<16xi32>
        %and3A_3717 = arith.constant 255 : i32
        %and3A_3718 = vector.broadcast %and3A_3717 : i32 to vector<16xi32>
        %and3A_3719 = arith.andi %get3A_3656, %and3A_3718 : vector<16xi32>
        %and3A_3720 = arith.constant 255 : i32
        %and3A_3721 = vector.broadcast %and3A_3720 : i32 to vector<16xi32>
        %and3A_3722 = arith.andi %get3A_3662, %and3A_3721 : vector<16xi32>
        %and3A_3723 = arith.constant 255 : i32
        %and3A_3724 = vector.broadcast %and3A_3723 : i32 to vector<16xi32>
        %and3A_3725 = arith.andi %get3A_3668, %and3A_3724 : vector<16xi32>
        %and3A_3726 = arith.constant 255 : i32
        %and3A_3727 = vector.broadcast %and3A_3726 : i32 to vector<16xi32>
        %and3A_3728 = arith.andi %get3A_3674, %and3A_3727 : vector<16xi32>
        %and3A_3729 = arith.constant 255 : i32
        %and3A_3730 = vector.broadcast %and3A_3729 : i32 to vector<16xi32>
        %and3A_3731 = arith.andi %get3A_3680, %and3A_3730 : vector<16xi32>
        %and3A_3732 = arith.constant 255 : i32
        %and3A_3733 = vector.broadcast %and3A_3732 : i32 to vector<16xi32>
        %and3A_3734 = arith.andi %get3A_3686, %and3A_3733 : vector<16xi32>
        %gather3A_3735 = tpu.vector_load_idx %arg6[%shift_right_logical3A_3689, %and3A_3713] : memref<224x224xf32, #tpu.memory_space<vmem>>[vector<16xi32>, vector<16xi32>], vector<16xf32>,
        %gather3A_3736 = tpu.vector_load_idx %arg6[%shift_right_logical3A_3692, %and3A_3716] : memref<224x224xf32, #tpu.memory_space<vmem>>[vector<16xi32>, vector<16xi32>], vector<16xf32>,
        %gather3A_3737 = tpu.vector_load_idx %arg6[%shift_right_logical3A_3695, %and3A_3719] : memref<224x224xf32, #tpu.memory_space<vmem>>[vector<16xi32>, vector<16xi32>], vector<16xf32>,
        %gather3A_3738 = tpu.vector_load_idx %arg6[%shift_right_logical3A_3698, %and3A_3722] : memref<224x224xf32, #tpu.memory_space<vmem>>[vector<16xi32>, vector<16xi32>], vector<16xf32>,
        %gather3A_3739 = tpu.vector_load_idx %arg6[%shift_right_logical3A_3701, %and3A_3725] : memref<224x224xf32, #tpu.memory_space<vmem>>[vector<16xi32>, vector<16xi32>], vector<16xf32>,
        %gather3A_3740 = tpu.vector_load_idx %arg6[%shift_right_logical3A_3704, %and3A_3728] : memref<224x224xf32, #tpu.memory_space<vmem>>[vector<16xi32>, vector<16xi32>], vector<16xf32>,
        %gather3A_3741 = tpu.vector_load_idx %arg6[%shift_right_logical3A_3707, %and3A_3731] : memref<224x224xf32, #tpu.memory_space<vmem>>[vector<16xi32>, vector<16xi32>], vector<16xf32>,
        %gather3A_3742 = tpu.vector_load_idx %arg6[%shift_right_logical3A_3710, %and3A_3734] : memref<224x224xf32, #tpu.memory_space<vmem>>[vector<16xi32>, vector<16xi32>], vector<16xf32>,
        %swap3A_3743 = arith.constant 5 : i32
        %swap3A_3744 = arith.index_cast %swap3A_3743 : i32 to index
        %swap3A_3745 = arith.constant 160 : index
        %swap3A_3746 = tpu.vector_load %arg8[%swap3A_3744, %swap3A_3745] {strides = array<i32>} : memref<8x224xf32, #tpu.memory_space<vmem>>, vector<16xf32>,
        tpu.vector_store %arg8[%swap3A_3744, %swap3A_3745], %gather3A_3735 {strides = array<i32>} : memref<8x224xf32, #tpu.memory_space<vmem>>, vector<16xf32>,
        %swap3A_3747 = arith.constant 5 : i32
        %swap3A_3748 = arith.index_cast %swap3A_3747 : i32 to index
        %swap3A_3749 = arith.constant 176 : index
        %swap3A_3750 = tpu.vector_load %arg8[%swap3A_3748, %swap3A_3749] {strides = array<i32>} : memref<8x224xf32, #tpu.memory_space<vmem>>, vector<16xf32>,
        tpu.vector_store %arg8[%swap3A_3748, %swap3A_3749], %gather3A_3736 {strides = array<i32>} : memref<8x224xf32, #tpu.memory_space<vmem>>, vector<16xf32>,
        %swap3A_3751 = arith.constant 5 : i32
        %swap3A_3752 = arith.index_cast %swap3A_3751 : i32 to index
        %swap3A_3753 = arith.constant 192 : index
        %swap3A_3754 = tpu.vector_load %arg8[%swap3A_3752, %swap3A_3753] {strides = array<i32>} : memref<8x224xf32, #tpu.memory_space<vmem>>, vector<16xf32>,
        tpu.vector_store %arg8[%swap3A_3752, %swap3A_3753], %gather3A_3737 {strides = array<i32>} : memref<8x224xf32, #tpu.memory_space<vmem>>, vector<16xf32>,
        %swap3A_3755 = arith.constant 5 : i32
        %swap3A_3756 = arith.index_cast %swap3A_3755 : i32 to index
        %swap3A_3757 = arith.constant 208 : index
        %swap3A_3758 = tpu.vector_load %arg8[%swap3A_3756, %swap3A_3757] {strides = array<i32>} : memref<8x224xf32, #tpu.memory_space<vmem>>, vector<16xf32>,
        tpu.vector_store %arg8[%swap3A_3756, %swap3A_3757], %gather3A_3738 {strides = array<i32>} : memref<8x224xf32, #tpu.memory_space<vmem>>, vector<16xf32>,
        %swap3A_3759 = arith.constant 6 : i32
        %swap3A_3760 = arith.index_cast %swap3A_3759 : i32 to index
        %swap3A_3761 = arith.constant 0 : index
        %swap3A_3762 = tpu.vector_load %arg8[%swap3A_3760, %swap3A_3761] {strides = array<i32>} : memref<8x224xf32, #tpu.memory_space<vmem>>, vector<16xf32>,
        tpu.vector_store %arg8[%swap3A_3760, %swap3A_3761], %gather3A_3739 {strides = array<i32>} : memref<8x224xf32, #tpu.memory_space<vmem>>, vector<16xf32>,
        %swap3A_3763 = arith.constant 6 : i32
        %swap3A_3764 = arith.index_cast %swap3A_3763 : i32 to index
        %swap3A_3765 = arith.constant 16 : index
        %swap3A_3766 = tpu.vector_load %arg8[%swap3A_3764, %swap3A_3765] {strides = array<i32>} : memref<8x224xf32, #tpu.memory_space<vmem>>, vector<16xf32>,
        tpu.vector_store %arg8[%swap3A_3764, %swap3A_3765], %gather3A_3740 {strides = array<i32>} : memref<8x224xf32, #tpu.memory_space<vmem>>, vector<16xf32>,
        %swap3A_3767 = arith.constant 6 : i32
        %swap3A_3768 = arith.index_cast %swap3A_3767 : i32 to index
        %swap3A_3769 = arith.constant 32 : index
        %swap3A_3770 = tpu.vector_load %arg8[%swap3A_3768, %swap3A_3769] {strides = array<i32>} : memref<8x224xf32, #tpu.memory_space<vmem>>, vector<16xf32>,
        tpu.vector_store %arg8[%swap3A_3768, %swap3A_3769], %gather3A_3741 {strides = array<i32>} : memref<8x224xf32, #tpu.memory_space<vmem>>, vector<16xf32>,
        %swap3A_3771 = arith.constant 6 : i32
        %swap3A_3772 = arith.index_cast %swap3A_3771 : i32 to index
        %swap3A_3773 = arith.constant 48 : index
        %swap3A_3774 = tpu.vector_load %arg8[%swap3A_3772, %swap3A_3773] {strides = array<i32>} : memref<8x224xf32, #tpu.memory_space<vmem>>, vector<16xf32>,
        tpu.vector_store %arg8[%swap3A_3772, %swap3A_3773], %gather3A_3742 {strides = array<i32>} : memref<8x224xf32, #tpu.memory_space<vmem>>, vector<16xf32>,
        %add3A_3775 = arith.constant 1344 : i32
        %add3A_3776 = arith.addi %mul3A_2278, %add3A_3775 : i32
        %add3A_3777 = arith.constant 64 : i32
        %add3A_3778 = arith.addi %add3A_3776, %add3A_3777 : i32
        %get3A_3779 = arith.index_cast %add3A_3778 : i32 to index
        %get3A_3780 = tpu.vector_load %arg5[%get3A_3779] {strides = array<i32>} : memref<50176xi32, #tpu.memory_space<vmem>>, vector<16xi32>,
        %add3A_3781 = arith.constant 1344 : i32
        %add3A_3782 = arith.addi %mul3A_2278, %add3A_3781 : i32
        %add3A_3783 = arith.constant 80 : i32
        %add3A_3784 = arith.addi %add3A_3782, %add3A_3783 : i32
        %get3A_3785 = arith.index_cast %add3A_3784 : i32 to index
        %get3A_3786 = tpu.vector_load %arg5[%get3A_3785] {strides = array<i32>} : memref<50176xi32, #tpu.memory_space<vmem>>, vector<16xi32>,
        %add3A_3787 = arith.constant 1344 : i32
        %add3A_3788 = arith.addi %mul3A_2278, %add3A_3787 : i32
        %add3A_3789 = arith.constant 96 : i32
        %add3A_3790 = arith.addi %add3A_3788, %add3A_3789 : i32
        %get3A_3791 = arith.index_cast %add3A_3790 : i32 to index
        %get3A_3792 = tpu.vector_load %arg5[%get3A_3791] {strides = array<i32>} : memref<50176xi32, #tpu.memory_space<vmem>>, vector<16xi32>,
        %add3A_3793 = arith.constant 1344 : i32
        %add3A_3794 = arith.addi %mul3A_2278, %add3A_3793 : i32
        %add3A_3795 = arith.constant 112 : i32
        %add3A_3796 = arith.addi %add3A_3794, %add3A_3795 : i32
        %get3A_3797 = arith.index_cast %add3A_3796 : i32 to index
        %get3A_3798 = tpu.vector_load %arg5[%get3A_3797] {strides = array<i32>} : memref<50176xi32, #tpu.memory_space<vmem>>, vector<16xi32>,
        %add3A_3799 = arith.constant 1344 : i32
        %add3A_3800 = arith.addi %mul3A_2278, %add3A_3799 : i32
        %add3A_3801 = arith.constant 128 : i32
        %add3A_3802 = arith.addi %add3A_3800, %add3A_3801 : i32
        %get3A_3803 = arith.index_cast %add3A_3802 : i32 to index
        %get3A_3804 = tpu.vector_load %arg5[%get3A_3803] {strides = array<i32>} : memref<50176xi32, #tpu.memory_space<vmem>>, vector<16xi32>,
        %add3A_3805 = arith.constant 1344 : i32
        %add3A_3806 = arith.addi %mul3A_2278, %add3A_3805 : i32
        %add3A_3807 = arith.constant 144 : i32
        %add3A_3808 = arith.addi %add3A_3806, %add3A_3807 : i32
        %get3A_3809 = arith.index_cast %add3A_3808 : i32 to index
        %get3A_3810 = tpu.vector_load %arg5[%get3A_3809] {strides = array<i32>} : memref<50176xi32, #tpu.memory_space<vmem>>, vector<16xi32>,
        %add3A_3811 = arith.constant 1344 : i32
        %add3A_3812 = arith.addi %mul3A_2278, %add3A_3811 : i32
        %add3A_3813 = arith.constant 160 : i32
        %add3A_3814 = arith.addi %add3A_3812, %add3A_3813 : i32
        %get3A_3815 = arith.index_cast %add3A_3814 : i32 to index
        %get3A_3816 = tpu.vector_load %arg5[%get3A_3815] {strides = array<i32>} : memref<50176xi32, #tpu.memory_space<vmem>>, vector<16xi32>,
        %add3A_3817 = arith.constant 1344 : i32
        %add3A_3818 = arith.addi %mul3A_2278, %add3A_3817 : i32
        %add3A_3819 = arith.constant 176 : i32
        %add3A_3820 = arith.addi %add3A_3818, %add3A_3819 : i32
        %get3A_3821 = arith.index_cast %add3A_3820 : i32 to index
        %get3A_3822 = tpu.vector_load %arg5[%get3A_3821] {strides = array<i32>} : memref<50176xi32, #tpu.memory_space<vmem>>, vector<16xi32>,
        %shift_right_logical3A_3823 = arith.constant 8 : i32
        %shift_right_logical3A_3824 = vector.broadcast %shift_right_logical3A_3823 : i32 to vector<16xi32>
        %shift_right_logical3A_3825 = arith.shrui %get3A_3780, %shift_right_logical3A_3824 : vector<16xi32>
        %shift_right_logical3A_3826 = arith.constant 8 : i32
        %shift_right_logical3A_3827 = vector.broadcast %shift_right_logical3A_3826 : i32 to vector<16xi32>
        %shift_right_logical3A_3828 = arith.shrui %get3A_3786, %shift_right_logical3A_3827 : vector<16xi32>
        %shift_right_logical3A_3829 = arith.constant 8 : i32
        %shift_right_logical3A_3830 = vector.broadcast %shift_right_logical3A_3829 : i32 to vector<16xi32>
        %shift_right_logical3A_3831 = arith.shrui %get3A_3792, %shift_right_logical3A_3830 : vector<16xi32>
        %shift_right_logical3A_3832 = arith.constant 8 : i32
        %shift_right_logical3A_3833 = vector.broadcast %shift_right_logical3A_3832 : i32 to vector<16xi32>
        %shift_right_logical3A_3834 = arith.shrui %get3A_3798, %shift_right_logical3A_3833 : vector<16xi32>
        %shift_right_logical3A_3835 = arith.constant 8 : i32
        %shift_right_logical3A_3836 = vector.broadcast %shift_right_logical3A_3835 : i32 to vector<16xi32>
        %shift_right_logical3A_3837 = arith.shrui %get3A_3804, %shift_right_logical3A_3836 : vector<16xi32>
        %shift_right_logical3A_3838 = arith.constant 8 : i32
        %shift_right_logical3A_3839 = vector.broadcast %shift_right_logical3A_3838 : i32 to vector<16xi32>
        %shift_right_logical3A_3840 = arith.shrui %get3A_3810, %shift_right_logical3A_3839 : vector<16xi32>
        %shift_right_logical3A_3841 = arith.constant 8 : i32
        %shift_right_logical3A_3842 = vector.broadcast %shift_right_logical3A_3841 : i32 to vector<16xi32>
        %shift_right_logical3A_3843 = arith.shrui %get3A_3816, %shift_right_logical3A_3842 : vector<16xi32>
        %shift_right_logical3A_3844 = arith.constant 8 : i32
        %shift_right_logical3A_3845 = vector.broadcast %shift_right_logical3A_3844 : i32 to vector<16xi32>
        %shift_right_logical3A_3846 = arith.shrui %get3A_3822, %shift_right_logical3A_3845 : vector<16xi32>
        %and3A_3847 = arith.constant 255 : i32
        %and3A_3848 = vector.broadcast %and3A_3847 : i32 to vector<16xi32>
        %and3A_3849 = arith.andi %get3A_3780, %and3A_3848 : vector<16xi32>
        %and3A_3850 = arith.constant 255 : i32
        %and3A_3851 = vector.broadcast %and3A_3850 : i32 to vector<16xi32>
        %and3A_3852 = arith.andi %get3A_3786, %and3A_3851 : vector<16xi32>
        %and3A_3853 = arith.constant 255 : i32
        %and3A_3854 = vector.broadcast %and3A_3853 : i32 to vector<16xi32>
        %and3A_3855 = arith.andi %get3A_3792, %and3A_3854 : vector<16xi32>
        %and3A_3856 = arith.constant 255 : i32
        %and3A_3857 = vector.broadcast %and3A_3856 : i32 to vector<16xi32>
        %and3A_3858 = arith.andi %get3A_3798, %and3A_3857 : vector<16xi32>
        %and3A_3859 = arith.constant 255 : i32
        %and3A_3860 = vector.broadcast %and3A_3859 : i32 to vector<16xi32>
        %and3A_3861 = arith.andi %get3A_3804, %and3A_3860 : vector<16xi32>
        %and3A_3862 = arith.constant 255 : i32
        %and3A_3863 = vector.broadcast %and3A_3862 : i32 to vector<16xi32>
        %and3A_3864 = arith.andi %get3A_3810, %and3A_3863 : vector<16xi32>
        %and3A_3865 = arith.constant 255 : i32
        %and3A_3866 = vector.broadcast %and3A_3865 : i32 to vector<16xi32>
        %and3A_3867 = arith.andi %get3A_3816, %and3A_3866 : vector<16xi32>
        %and3A_3868 = arith.constant 255 : i32
        %and3A_3869 = vector.broadcast %and3A_3868 : i32 to vector<16xi32>
        %and3A_3870 = arith.andi %get3A_3822, %and3A_3869 : vector<16xi32>
        %gather3A_3871 = tpu.vector_load_idx %arg6[%shift_right_logical3A_3825, %and3A_3849] : memref<224x224xf32, #tpu.memory_space<vmem>>[vector<16xi32>, vector<16xi32>], vector<16xf32>,
        %gather3A_3872 = tpu.vector_load_idx %arg6[%shift_right_logical3A_3828, %and3A_3852] : memref<224x224xf32, #tpu.memory_space<vmem>>[vector<16xi32>, vector<16xi32>], vector<16xf32>,
        %gather3A_3873 = tpu.vector_load_idx %arg6[%shift_right_logical3A_3831, %and3A_3855] : memref<224x224xf32, #tpu.memory_space<vmem>>[vector<16xi32>, vector<16xi32>], vector<16xf32>,
        %gather3A_3874 = tpu.vector_load_idx %arg6[%shift_right_logical3A_3834, %and3A_3858] : memref<224x224xf32, #tpu.memory_space<vmem>>[vector<16xi32>, vector<16xi32>], vector<16xf32>,
        %gather3A_3875 = tpu.vector_load_idx %arg6[%shift_right_logical3A_3837, %and3A_3861] : memref<224x224xf32, #tpu.memory_space<vmem>>[vector<16xi32>, vector<16xi32>], vector<16xf32>,
        %gather3A_3876 = tpu.vector_load_idx %arg6[%shift_right_logical3A_3840, %and3A_3864] : memref<224x224xf32, #tpu.memory_space<vmem>>[vector<16xi32>, vector<16xi32>], vector<16xf32>,
        %gather3A_3877 = tpu.vector_load_idx %arg6[%shift_right_logical3A_3843, %and3A_3867] : memref<224x224xf32, #tpu.memory_space<vmem>>[vector<16xi32>, vector<16xi32>], vector<16xf32>,
        %gather3A_3878 = tpu.vector_load_idx %arg6[%shift_right_logical3A_3846, %and3A_3870] : memref<224x224xf32, #tpu.memory_space<vmem>>[vector<16xi32>, vector<16xi32>], vector<16xf32>,
        %swap3A_3879 = arith.constant 6 : i32
        %swap3A_3880 = arith.index_cast %swap3A_3879 : i32 to index
        %swap3A_3881 = arith.constant 64 : index
        %swap3A_3882 = tpu.vector_load %arg8[%swap3A_3880, %swap3A_3881] {strides = array<i32>} : memref<8x224xf32, #tpu.memory_space<vmem>>, vector<16xf32>,
        tpu.vector_store %arg8[%swap3A_3880, %swap3A_3881], %gather3A_3871 {strides = array<i32>} : memref<8x224xf32, #tpu.memory_space<vmem>>, vector<16xf32>,
        %swap3A_3883 = arith.constant 6 : i32
        %swap3A_3884 = arith.index_cast %swap3A_3883 : i32 to index
        %swap3A_3885 = arith.constant 80 : index
        %swap3A_3886 = tpu.vector_load %arg8[%swap3A_3884, %swap3A_3885] {strides = array<i32>} : memref<8x224xf32, #tpu.memory_space<vmem>>, vector<16xf32>,
        tpu.vector_store %arg8[%swap3A_3884, %swap3A_3885], %gather3A_3872 {strides = array<i32>} : memref<8x224xf32, #tpu.memory_space<vmem>>, vector<16xf32>,
        %swap3A_3887 = arith.constant 6 : i32
        %swap3A_3888 = arith.index_cast %swap3A_3887 : i32 to index
        %swap3A_3889 = arith.constant 96 : index
        %swap3A_3890 = tpu.vector_load %arg8[%swap3A_3888, %swap3A_3889] {strides = array<i32>} : memref<8x224xf32, #tpu.memory_space<vmem>>, vector<16xf32>,
        tpu.vector_store %arg8[%swap3A_3888, %swap3A_3889], %gather3A_3873 {strides = array<i32>} : memref<8x224xf32, #tpu.memory_space<vmem>>, vector<16xf32>,
        %swap3A_3891 = arith.constant 6 : i32
        %swap3A_3892 = arith.index_cast %swap3A_3891 : i32 to index
        %swap3A_3893 = arith.constant 112 : index
        %swap3A_3894 = tpu.vector_load %arg8[%swap3A_3892, %swap3A_3893] {strides = array<i32>} : memref<8x224xf32, #tpu.memory_space<vmem>>, vector<16xf32>,
        tpu.vector_store %arg8[%swap3A_3892, %swap3A_3893], %gather3A_3874 {strides = array<i32>} : memref<8x224xf32, #tpu.memory_space<vmem>>, vector<16xf32>,
        %swap3A_3895 = arith.constant 6 : i32
        %swap3A_3896 = arith.index_cast %swap3A_3895 : i32 to index
        %swap3A_3897 = arith.constant 128 : index
        %swap3A_3898 = tpu.vector_load %arg8[%swap3A_3896, %swap3A_3897] {strides = array<i32>} : memref<8x224xf32, #tpu.memory_space<vmem>>, vector<16xf32>,
        tpu.vector_store %arg8[%swap3A_3896, %swap3A_3897], %gather3A_3875 {strides = array<i32>} : memref<8x224xf32, #tpu.memory_space<vmem>>, vector<16xf32>,
        %swap3A_3899 = arith.constant 6 : i32
        %swap3A_3900 = arith.index_cast %swap3A_3899 : i32 to index
        %swap3A_3901 = arith.constant 144 : index
        %swap3A_3902 = tpu.vector_load %arg8[%swap3A_3900, %swap3A_3901] {strides = array<i32>} : memref<8x224xf32, #tpu.memory_space<vmem>>, vector<16xf32>,
        tpu.vector_store %arg8[%swap3A_3900, %swap3A_3901], %gather3A_3876 {strides = array<i32>} : memref<8x224xf32, #tpu.memory_space<vmem>>, vector<16xf32>,
        %swap3A_3903 = arith.constant 6 : i32
        %swap3A_3904 = arith.index_cast %swap3A_3903 : i32 to index
        %swap3A_3905 = arith.constant 160 : index
        %swap3A_3906 = tpu.vector_load %arg8[%swap3A_3904, %swap3A_3905] {strides = array<i32>} : memref<8x224xf32, #tpu.memory_space<vmem>>, vector<16xf32>,
        tpu.vector_store %arg8[%swap3A_3904, %swap3A_3905], %gather3A_3877 {strides = array<i32>} : memref<8x224xf32, #tpu.memory_space<vmem>>, vector<16xf32>,
        %swap3A_3907 = arith.constant 6 : i32
        %swap3A_3908 = arith.index_cast %swap3A_3907 : i32 to index
        %swap3A_3909 = arith.constant 176 : index
        %swap3A_3910 = tpu.vector_load %arg8[%swap3A_3908, %swap3A_3909] {strides = array<i32>} : memref<8x224xf32, #tpu.memory_space<vmem>>, vector<16xf32>,
        tpu.vector_store %arg8[%swap3A_3908, %swap3A_3909], %gather3A_3878 {strides = array<i32>} : memref<8x224xf32, #tpu.memory_space<vmem>>, vector<16xf32>,
        %add3A_3911 = arith.constant 1344 : i32
        %add3A_3912 = arith.addi %mul3A_2278, %add3A_3911 : i32
        %add3A_3913 = arith.constant 192 : i32
        %add3A_3914 = arith.addi %add3A_3912, %add3A_3913 : i32
        %get3A_3915 = arith.index_cast %add3A_3914 : i32 to index
        %get3A_3916 = tpu.vector_load %arg5[%get3A_3915] {strides = array<i32>} : memref<50176xi32, #tpu.memory_space<vmem>>, vector<16xi32>,
        %add3A_3917 = arith.constant 1344 : i32
        %add3A_3918 = arith.addi %mul3A_2278, %add3A_3917 : i32
        %add3A_3919 = arith.constant 208 : i32
        %add3A_3920 = arith.addi %add3A_3918, %add3A_3919 : i32
        %get3A_3921 = arith.index_cast %add3A_3920 : i32 to index
        %get3A_3922 = tpu.vector_load %arg5[%get3A_3921] {strides = array<i32>} : memref<50176xi32, #tpu.memory_space<vmem>>, vector<16xi32>,
        %add3A_3923 = arith.constant 1568 : i32
        %add3A_3924 = arith.addi %mul3A_2278, %add3A_3923 : i32
        %add3A_3925 = arith.constant 0 : i32
        %add3A_3926 = arith.addi %add3A_3924, %add3A_3925 : i32
        %get3A_3927 = arith.index_cast %add3A_3926 : i32 to index
        %get3A_3928 = tpu.vector_load %arg5[%get3A_3927] {strides = array<i32>} : memref<50176xi32, #tpu.memory_space<vmem>>, vector<16xi32>,
        %add3A_3929 = arith.constant 1568 : i32
        %add3A_3930 = arith.addi %mul3A_2278, %add3A_3929 : i32
        %add3A_3931 = arith.constant 16 : i32
        %add3A_3932 = arith.addi %add3A_3930, %add3A_3931 : i32
        %get3A_3933 = arith.index_cast %add3A_3932 : i32 to index
        %get3A_3934 = tpu.vector_load %arg5[%get3A_3933] {strides = array<i32>} : memref<50176xi32, #tpu.memory_space<vmem>>, vector<16xi32>,
        %add3A_3935 = arith.constant 1568 : i32
        %add3A_3936 = arith.addi %mul3A_2278, %add3A_3935 : i32
        %add3A_3937 = arith.constant 32 : i32
        %add3A_3938 = arith.addi %add3A_3936, %add3A_3937 : i32
        %get3A_3939 = arith.index_cast %add3A_3938 : i32 to index
        %get3A_3940 = tpu.vector_load %arg5[%get3A_3939] {strides = array<i32>} : memref<50176xi32, #tpu.memory_space<vmem>>, vector<16xi32>,
        %add3A_3941 = arith.constant 1568 : i32
        %add3A_3942 = arith.addi %mul3A_2278, %add3A_3941 : i32
        %add3A_3943 = arith.constant 48 : i32
        %add3A_3944 = arith.addi %add3A_3942, %add3A_3943 : i32
        %get3A_3945 = arith.index_cast %add3A_3944 : i32 to index
        %get3A_3946 = tpu.vector_load %arg5[%get3A_3945] {strides = array<i32>} : memref<50176xi32, #tpu.memory_space<vmem>>, vector<16xi32>,
        %add3A_3947 = arith.constant 1568 : i32
        %add3A_3948 = arith.addi %mul3A_2278, %add3A_3947 : i32
        %add3A_3949 = arith.constant 64 : i32
        %add3A_3950 = arith.addi %add3A_3948, %add3A_3949 : i32
        %get3A_3951 = arith.index_cast %add3A_3950 : i32 to index
        %get3A_3952 = tpu.vector_load %arg5[%get3A_3951] {strides = array<i32>} : memref<50176xi32, #tpu.memory_space<vmem>>, vector<16xi32>,
        %add3A_3953 = arith.constant 1568 : i32
        %add3A_3954 = arith.addi %mul3A_2278, %add3A_3953 : i32
        %add3A_3955 = arith.constant 80 : i32
        %add3A_3956 = arith.addi %add3A_3954, %add3A_3955 : i32
        %get3A_3957 = arith.index_cast %add3A_3956 : i32 to index
        %get3A_3958 = tpu.vector_load %arg5[%get3A_3957] {strides = array<i32>} : memref<50176xi32, #tpu.memory_space<vmem>>, vector<16xi32>,
        %shift_right_logical3A_3959 = arith.constant 8 : i32
        %shift_right_logical3A_3960 = vector.broadcast %shift_right_logical3A_3959 : i32 to vector<16xi32>
        %shift_right_logical3A_3961 = arith.shrui %get3A_3916, %shift_right_logical3A_3960 : vector<16xi32>
        %shift_right_logical3A_3962 = arith.constant 8 : i32
        %shift_right_logical3A_3963 = vector.broadcast %shift_right_logical3A_3962 : i32 to vector<16xi32>
        %shift_right_logical3A_3964 = arith.shrui %get3A_3922, %shift_right_logical3A_3963 : vector<16xi32>
        %shift_right_logical3A_3965 = arith.constant 8 : i32
        %shift_right_logical3A_3966 = vector.broadcast %shift_right_logical3A_3965 : i32 to vector<16xi32>
        %shift_right_logical3A_3967 = arith.shrui %get3A_3928, %shift_right_logical3A_3966 : vector<16xi32>
        %shift_right_logical3A_3968 = arith.constant 8 : i32
        %shift_right_logical3A_3969 = vector.broadcast %shift_right_logical3A_3968 : i32 to vector<16xi32>
        %shift_right_logical3A_3970 = arith.shrui %get3A_3934, %shift_right_logical3A_3969 : vector<16xi32>
        %shift_right_logical3A_3971 = arith.constant 8 : i32
        %shift_right_logical3A_3972 = vector.broadcast %shift_right_logical3A_3971 : i32 to vector<16xi32>
        %shift_right_logical3A_3973 = arith.shrui %get3A_3940, %shift_right_logical3A_3972 : vector<16xi32>
        %shift_right_logical3A_3974 = arith.constant 8 : i32
        %shift_right_logical3A_3975 = vector.broadcast %shift_right_logical3A_3974 : i32 to vector<16xi32>
        %shift_right_logical3A_3976 = arith.shrui %get3A_3946, %shift_right_logical3A_3975 : vector<16xi32>
        %shift_right_logical3A_3977 = arith.constant 8 : i32
        %shift_right_logical3A_3978 = vector.broadcast %shift_right_logical3A_3977 : i32 to vector<16xi32>
        %shift_right_logical3A_3979 = arith.shrui %get3A_3952, %shift_right_logical3A_3978 : vector<16xi32>
        %shift_right_logical3A_3980 = arith.constant 8 : i32
        %shift_right_logical3A_3981 = vector.broadcast %shift_right_logical3A_3980 : i32 to vector<16xi32>
        %shift_right_logical3A_3982 = arith.shrui %get3A_3958, %shift_right_logical3A_3981 : vector<16xi32>
        %and3A_3983 = arith.constant 255 : i32
        %and3A_3984 = vector.broadcast %and3A_3983 : i32 to vector<16xi32>
        %and3A_3985 = arith.andi %get3A_3916, %and3A_3984 : vector<16xi32>
        %and3A_3986 = arith.constant 255 : i32
        %and3A_3987 = vector.broadcast %and3A_3986 : i32 to vector<16xi32>
        %and3A_3988 = arith.andi %get3A_3922, %and3A_3987 : vector<16xi32>
        %and3A_3989 = arith.constant 255 : i32
        %and3A_3990 = vector.broadcast %and3A_3989 : i32 to vector<16xi32>
        %and3A_3991 = arith.andi %get3A_3928, %and3A_3990 : vector<16xi32>
        %and3A_3992 = arith.constant 255 : i32
        %and3A_3993 = vector.broadcast %and3A_3992 : i32 to vector<16xi32>
        %and3A_3994 = arith.andi %get3A_3934, %and3A_3993 : vector<16xi32>
        %and3A_3995 = arith.constant 255 : i32
        %and3A_3996 = vector.broadcast %and3A_3995 : i32 to vector<16xi32>
        %and3A_3997 = arith.andi %get3A_3940, %and3A_3996 : vector<16xi32>
        %and3A_3998 = arith.constant 255 : i32
        %and3A_3999 = vector.broadcast %and3A_3998 : i32 to vector<16xi32>
        %and3A_4000 = arith.andi %get3A_3946, %and3A_3999 : vector<16xi32>
        %and3A_4001 = arith.constant 255 : i32
        %and3A_4002 = vector.broadcast %and3A_4001 : i32 to vector<16xi32>
        %and3A_4003 = arith.andi %get3A_3952, %and3A_4002 : vector<16xi32>
        %and3A_4004 = arith.constant 255 : i32
        %and3A_4005 = vector.broadcast %and3A_4004 : i32 to vector<16xi32>
        %and3A_4006 = arith.andi %get3A_3958, %and3A_4005 : vector<16xi32>
        %gather3A_4007 = tpu.vector_load_idx %arg6[%shift_right_logical3A_3961, %and3A_3985] : memref<224x224xf32, #tpu.memory_space<vmem>>[vector<16xi32>, vector<16xi32>], vector<16xf32>,
        %gather3A_4008 = tpu.vector_load_idx %arg6[%shift_right_logical3A_3964, %and3A_3988] : memref<224x224xf32, #tpu.memory_space<vmem>>[vector<16xi32>, vector<16xi32>], vector<16xf32>,
        %gather3A_4009 = tpu.vector_load_idx %arg6[%shift_right_logical3A_3967, %and3A_3991] : memref<224x224xf32, #tpu.memory_space<vmem>>[vector<16xi32>, vector<16xi32>], vector<16xf32>,
        %gather3A_4010 = tpu.vector_load_idx %arg6[%shift_right_logical3A_3970, %and3A_3994] : memref<224x224xf32, #tpu.memory_space<vmem>>[vector<16xi32>, vector<16xi32>], vector<16xf32>,
        %gather3A_4011 = tpu.vector_load_idx %arg6[%shift_right_logical3A_3973, %and3A_3997] : memref<224x224xf32, #tpu.memory_space<vmem>>[vector<16xi32>, vector<16xi32>], vector<16xf32>,
        %gather3A_4012 = tpu.vector_load_idx %arg6[%shift_right_logical3A_3976, %and3A_4000] : memref<224x224xf32, #tpu.memory_space<vmem>>[vector<16xi32>, vector<16xi32>], vector<16xf32>,
        %gather3A_4013 = tpu.vector_load_idx %arg6[%shift_right_logical3A_3979, %and3A_4003] : memref<224x224xf32, #tpu.memory_space<vmem>>[vector<16xi32>, vector<16xi32>], vector<16xf32>,
        %gather3A_4014 = tpu.vector_load_idx %arg6[%shift_right_logical3A_3982, %and3A_4006] : memref<224x224xf32, #tpu.memory_space<vmem>>[vector<16xi32>, vector<16xi32>], vector<16xf32>,
        %swap3A_4015 = arith.constant 6 : i32
        %swap3A_4016 = arith.index_cast %swap3A_4015 : i32 to index
        %swap3A_4017 = arith.constant 192 : index
        %swap3A_4018 = tpu.vector_load %arg8[%swap3A_4016, %swap3A_4017] {strides = array<i32>} : memref<8x224xf32, #tpu.memory_space<vmem>>, vector<16xf32>,
        tpu.vector_store %arg8[%swap3A_4016, %swap3A_4017], %gather3A_4007 {strides = array<i32>} : memref<8x224xf32, #tpu.memory_space<vmem>>, vector<16xf32>,
        %swap3A_4019 = arith.constant 6 : i32
        %swap3A_4020 = arith.index_cast %swap3A_4019 : i32 to index
        %swap3A_4021 = arith.constant 208 : index
        %swap3A_4022 = tpu.vector_load %arg8[%swap3A_4020, %swap3A_4021] {strides = array<i32>} : memref<8x224xf32, #tpu.memory_space<vmem>>, vector<16xf32>,
        tpu.vector_store %arg8[%swap3A_4020, %swap3A_4021], %gather3A_4008 {strides = array<i32>} : memref<8x224xf32, #tpu.memory_space<vmem>>, vector<16xf32>,
        %swap3A_4023 = arith.constant 7 : i32
        %swap3A_4024 = arith.index_cast %swap3A_4023 : i32 to index
        %swap3A_4025 = arith.constant 0 : index
        %swap3A_4026 = tpu.vector_load %arg8[%swap3A_4024, %swap3A_4025] {strides = array<i32>} : memref<8x224xf32, #tpu.memory_space<vmem>>, vector<16xf32>,
        tpu.vector_store %arg8[%swap3A_4024, %swap3A_4025], %gather3A_4009 {strides = array<i32>} : memref<8x224xf32, #tpu.memory_space<vmem>>, vector<16xf32>,
        %swap3A_4027 = arith.constant 7 : i32
        %swap3A_4028 = arith.index_cast %swap3A_4027 : i32 to index
        %swap3A_4029 = arith.constant 16 : index
        %swap3A_4030 = tpu.vector_load %arg8[%swap3A_4028, %swap3A_4029] {strides = array<i32>} : memref<8x224xf32, #tpu.memory_space<vmem>>, vector<16xf32>,
        tpu.vector_store %arg8[%swap3A_4028, %swap3A_4029], %gather3A_4010 {strides = array<i32>} : memref<8x224xf32, #tpu.memory_space<vmem>>, vector<16xf32>,
        %swap3A_4031 = arith.constant 7 : i32
        %swap3A_4032 = arith.index_cast %swap3A_4031 : i32 to index
        %swap3A_4033 = arith.constant 32 : index
        %swap3A_4034 = tpu.vector_load %arg8[%swap3A_4032, %swap3A_4033] {strides = array<i32>} : memref<8x224xf32, #tpu.memory_space<vmem>>, vector<16xf32>,
        tpu.vector_store %arg8[%swap3A_4032, %swap3A_4033], %gather3A_4011 {strides = array<i32>} : memref<8x224xf32, #tpu.memory_space<vmem>>, vector<16xf32>,
        %swap3A_4035 = arith.constant 7 : i32
        %swap3A_4036 = arith.index_cast %swap3A_4035 : i32 to index
        %swap3A_4037 = arith.constant 48 : index
        %swap3A_4038 = tpu.vector_load %arg8[%swap3A_4036, %swap3A_4037] {strides = array<i32>} : memref<8x224xf32, #tpu.memory_space<vmem>>, vector<16xf32>,
        tpu.vector_store %arg8[%swap3A_4036, %swap3A_4037], %gather3A_4012 {strides = array<i32>} : memref<8x224xf32, #tpu.memory_space<vmem>>, vector<16xf32>,
        %swap3A_4039 = arith.constant 7 : i32
        %swap3A_4040 = arith.index_cast %swap3A_4039 : i32 to index
        %swap3A_4041 = arith.constant 64 : index
        %swap3A_4042 = tpu.vector_load %arg8[%swap3A_4040, %swap3A_4041] {strides = array<i32>} : memref<8x224xf32, #tpu.memory_space<vmem>>, vector<16xf32>,
        tpu.vector_store %arg8[%swap3A_4040, %swap3A_4041], %gather3A_4013 {strides = array<i32>} : memref<8x224xf32, #tpu.memory_space<vmem>>, vector<16xf32>,
        %swap3A_4043 = arith.constant 7 : i32
        %swap3A_4044 = arith.index_cast %swap3A_4043 : i32 to index
        %swap3A_4045 = arith.constant 80 : index
        %swap3A_4046 = tpu.vector_load %arg8[%swap3A_4044, %swap3A_4045] {strides = array<i32>} : memref<8x224xf32, #tpu.memory_space<vmem>>, vector<16xf32>,
        tpu.vector_store %arg8[%swap3A_4044, %swap3A_4045], %gather3A_4014 {strides = array<i32>} : memref<8x224xf32, #tpu.memory_space<vmem>>, vector<16xf32>,
        %add3A_4047 = arith.constant 1568 : i32
        %add3A_4048 = arith.addi %mul3A_2278, %add3A_4047 : i32
        %add3A_4049 = arith.constant 96 : i32
        %add3A_4050 = arith.addi %add3A_4048, %add3A_4049 : i32
        %get3A_4051 = arith.index_cast %add3A_4050 : i32 to index
        %get3A_4052 = tpu.vector_load %arg5[%get3A_4051] {strides = array<i32>} : memref<50176xi32, #tpu.memory_space<vmem>>, vector<16xi32>,
        %add3A_4053 = arith.constant 1568 : i32
        %add3A_4054 = arith.addi %mul3A_2278, %add3A_4053 : i32
        %add3A_4055 = arith.constant 112 : i32
        %add3A_4056 = arith.addi %add3A_4054, %add3A_4055 : i32
        %get3A_4057 = arith.index_cast %add3A_4056 : i32 to index
        %get3A_4058 = tpu.vector_load %arg5[%get3A_4057] {strides = array<i32>} : memref<50176xi32, #tpu.memory_space<vmem>>, vector<16xi32>,
        %add3A_4059 = arith.constant 1568 : i32
        %add3A_4060 = arith.addi %mul3A_2278, %add3A_4059 : i32
        %add3A_4061 = arith.constant 128 : i32
        %add3A_4062 = arith.addi %add3A_4060, %add3A_4061 : i32
        %get3A_4063 = arith.index_cast %add3A_4062 : i32 to index
        %get3A_4064 = tpu.vector_load %arg5[%get3A_4063] {strides = array<i32>} : memref<50176xi32, #tpu.memory_space<vmem>>, vector<16xi32>,
        %add3A_4065 = arith.constant 1568 : i32
        %add3A_4066 = arith.addi %mul3A_2278, %add3A_4065 : i32
        %add3A_4067 = arith.constant 144 : i32
        %add3A_4068 = arith.addi %add3A_4066, %add3A_4067 : i32
        %get3A_4069 = arith.index_cast %add3A_4068 : i32 to index
        %get3A_4070 = tpu.vector_load %arg5[%get3A_4069] {strides = array<i32>} : memref<50176xi32, #tpu.memory_space<vmem>>, vector<16xi32>,
        %add3A_4071 = arith.constant 1568 : i32
        %add3A_4072 = arith.addi %mul3A_2278, %add3A_4071 : i32
        %add3A_4073 = arith.constant 160 : i32
        %add3A_4074 = arith.addi %add3A_4072, %add3A_4073 : i32
        %get3A_4075 = arith.index_cast %add3A_4074 : i32 to index
        %get3A_4076 = tpu.vector_load %arg5[%get3A_4075] {strides = array<i32>} : memref<50176xi32, #tpu.memory_space<vmem>>, vector<16xi32>,
        %add3A_4077 = arith.constant 1568 : i32
        %add3A_4078 = arith.addi %mul3A_2278, %add3A_4077 : i32
        %add3A_4079 = arith.constant 176 : i32
        %add3A_4080 = arith.addi %add3A_4078, %add3A_4079 : i32
        %get3A_4081 = arith.index_cast %add3A_4080 : i32 to index
        %get3A_4082 = tpu.vector_load %arg5[%get3A_4081] {strides = array<i32>} : memref<50176xi32, #tpu.memory_space<vmem>>, vector<16xi32>,
        %add3A_4083 = arith.constant 1568 : i32
        %add3A_4084 = arith.addi %mul3A_2278, %add3A_4083 : i32
        %add3A_4085 = arith.constant 192 : i32
        %add3A_4086 = arith.addi %add3A_4084, %add3A_4085 : i32
        %get3A_4087 = arith.index_cast %add3A_4086 : i32 to index
        %get3A_4088 = tpu.vector_load %arg5[%get3A_4087] {strides = array<i32>} : memref<50176xi32, #tpu.memory_space<vmem>>, vector<16xi32>,
        %add3A_4089 = arith.constant 1568 : i32
        %add3A_4090 = arith.addi %mul3A_2278, %add3A_4089 : i32
        %add3A_4091 = arith.constant 208 : i32
        %add3A_4092 = arith.addi %add3A_4090, %add3A_4091 : i32
        %get3A_4093 = arith.index_cast %add3A_4092 : i32 to index
        %get3A_4094 = tpu.vector_load %arg5[%get3A_4093] {strides = array<i32>} : memref<50176xi32, #tpu.memory_space<vmem>>, vector<16xi32>,
        %shift_right_logical3A_4095 = arith.constant 8 : i32
        %shift_right_logical3A_4096 = vector.broadcast %shift_right_logical3A_4095 : i32 to vector<16xi32>
        %shift_right_logical3A_4097 = arith.shrui %get3A_4052, %shift_right_logical3A_4096 : vector<16xi32>
        %shift_right_logical3A_4098 = arith.constant 8 : i32
        %shift_right_logical3A_4099 = vector.broadcast %shift_right_logical3A_4098 : i32 to vector<16xi32>
        %shift_right_logical3A_4100 = arith.shrui %get3A_4058, %shift_right_logical3A_4099 : vector<16xi32>
        %shift_right_logical3A_4101 = arith.constant 8 : i32
        %shift_right_logical3A_4102 = vector.broadcast %shift_right_logical3A_4101 : i32 to vector<16xi32>
        %shift_right_logical3A_4103 = arith.shrui %get3A_4064, %shift_right_logical3A_4102 : vector<16xi32>
        %shift_right_logical3A_4104 = arith.constant 8 : i32
        %shift_right_logical3A_4105 = vector.broadcast %shift_right_logical3A_4104 : i32 to vector<16xi32>
        %shift_right_logical3A_4106 = arith.shrui %get3A_4070, %shift_right_logical3A_4105 : vector<16xi32>
        %shift_right_logical3A_4107 = arith.constant 8 : i32
        %shift_right_logical3A_4108 = vector.broadcast %shift_right_logical3A_4107 : i32 to vector<16xi32>
        %shift_right_logical3A_4109 = arith.shrui %get3A_4076, %shift_right_logical3A_4108 : vector<16xi32>
        %shift_right_logical3A_4110 = arith.constant 8 : i32
        %shift_right_logical3A_4111 = vector.broadcast %shift_right_logical3A_4110 : i32 to vector<16xi32>
        %shift_right_logical3A_4112 = arith.shrui %get3A_4082, %shift_right_logical3A_4111 : vector<16xi32>
        %shift_right_logical3A_4113 = arith.constant 8 : i32
        %shift_right_logical3A_4114 = vector.broadcast %shift_right_logical3A_4113 : i32 to vector<16xi32>
        %shift_right_logical3A_4115 = arith.shrui %get3A_4088, %shift_right_logical3A_4114 : vector<16xi32>
        %shift_right_logical3A_4116 = arith.constant 8 : i32
        %shift_right_logical3A_4117 = vector.broadcast %shift_right_logical3A_4116 : i32 to vector<16xi32>
        %shift_right_logical3A_4118 = arith.shrui %get3A_4094, %shift_right_logical3A_4117 : vector<16xi32>
        %and3A_4119 = arith.constant 255 : i32
        %and3A_4120 = vector.broadcast %and3A_4119 : i32 to vector<16xi32>
        %and3A_4121 = arith.andi %get3A_4052, %and3A_4120 : vector<16xi32>
        %and3A_4122 = arith.constant 255 : i32
        %and3A_4123 = vector.broadcast %and3A_4122 : i32 to vector<16xi32>
        %and3A_4124 = arith.andi %get3A_4058, %and3A_4123 : vector<16xi32>
        %and3A_4125 = arith.constant 255 : i32
        %and3A_4126 = vector.broadcast %and3A_4125 : i32 to vector<16xi32>
        %and3A_4127 = arith.andi %get3A_4064, %and3A_4126 : vector<16xi32>
        %and3A_4128 = arith.constant 255 : i32
        %and3A_4129 = vector.broadcast %and3A_4128 : i32 to vector<16xi32>
        %and3A_4130 = arith.andi %get3A_4070, %and3A_4129 : vector<16xi32>
        %and3A_4131 = arith.constant 255 : i32
        %and3A_4132 = vector.broadcast %and3A_4131 : i32 to vector<16xi32>
        %and3A_4133 = arith.andi %get3A_4076, %and3A_4132 : vector<16xi32>
        %and3A_4134 = arith.constant 255 : i32
        %and3A_4135 = vector.broadcast %and3A_4134 : i32 to vector<16xi32>
        %and3A_4136 = arith.andi %get3A_4082, %and3A_4135 : vector<16xi32>
        %and3A_4137 = arith.constant 255 : i32
        %and3A_4138 = vector.broadcast %and3A_4137 : i32 to vector<16xi32>
        %and3A_4139 = arith.andi %get3A_4088, %and3A_4138 : vector<16xi32>
        %and3A_4140 = arith.constant 255 : i32
        %and3A_4141 = vector.broadcast %and3A_4140 : i32 to vector<16xi32>
        %and3A_4142 = arith.andi %get3A_4094, %and3A_4141 : vector<16xi32>
        %gather3A_4143 = tpu.vector_load_idx %arg6[%shift_right_logical3A_4097, %and3A_4121] : memref<224x224xf32, #tpu.memory_space<vmem>>[vector<16xi32>, vector<16xi32>], vector<16xf32>,
        %gather3A_4144 = tpu.vector_load_idx %arg6[%shift_right_logical3A_4100, %and3A_4124] : memref<224x224xf32, #tpu.memory_space<vmem>>[vector<16xi32>, vector<16xi32>], vector<16xf32>,
        %gather3A_4145 = tpu.vector_load_idx %arg6[%shift_right_logical3A_4103, %and3A_4127] : memref<224x224xf32, #tpu.memory_space<vmem>>[vector<16xi32>, vector<16xi32>], vector<16xf32>,
        %gather3A_4146 = tpu.vector_load_idx %arg6[%shift_right_logical3A_4106, %and3A_4130] : memref<224x224xf32, #tpu.memory_space<vmem>>[vector<16xi32>, vector<16xi32>], vector<16xf32>,
        %gather3A_4147 = tpu.vector_load_idx %arg6[%shift_right_logical3A_4109, %and3A_4133] : memref<224x224xf32, #tpu.memory_space<vmem>>[vector<16xi32>, vector<16xi32>], vector<16xf32>,
        %gather3A_4148 = tpu.vector_load_idx %arg6[%shift_right_logical3A_4112, %and3A_4136] : memref<224x224xf32, #tpu.memory_space<vmem>>[vector<16xi32>, vector<16xi32>], vector<16xf32>,
        %gather3A_4149 = tpu.vector_load_idx %arg6[%shift_right_logical3A_4115, %and3A_4139] : memref<224x224xf32, #tpu.memory_space<vmem>>[vector<16xi32>, vector<16xi32>], vector<16xf32>,
        %gather3A_4150 = tpu.vector_load_idx %arg6[%shift_right_logical3A_4118, %and3A_4142] : memref<224x224xf32, #tpu.memory_space<vmem>>[vector<16xi32>, vector<16xi32>], vector<16xf32>,
        %swap3A_4151 = arith.constant 7 : i32
        %swap3A_4152 = arith.index_cast %swap3A_4151 : i32 to index
        %swap3A_4153 = arith.constant 96 : index
        %swap3A_4154 = tpu.vector_load %arg8[%swap3A_4152, %swap3A_4153] {strides = array<i32>} : memref<8x224xf32, #tpu.memory_space<vmem>>, vector<16xf32>,
        tpu.vector_store %arg8[%swap3A_4152, %swap3A_4153], %gather3A_4143 {strides = array<i32>} : memref<8x224xf32, #tpu.memory_space<vmem>>, vector<16xf32>,
        %swap3A_4155 = arith.constant 7 : i32
        %swap3A_4156 = arith.index_cast %swap3A_4155 : i32 to index
        %swap3A_4157 = arith.constant 112 : index
        %swap3A_4158 = tpu.vector_load %arg8[%swap3A_4156, %swap3A_4157] {strides = array<i32>} : memref<8x224xf32, #tpu.memory_space<vmem>>, vector<16xf32>,
        tpu.vector_store %arg8[%swap3A_4156, %swap3A_4157], %gather3A_4144 {strides = array<i32>} : memref<8x224xf32, #tpu.memory_space<vmem>>, vector<16xf32>,
        %swap3A_4159 = arith.constant 7 : i32
        %swap3A_4160 = arith.index_cast %swap3A_4159 : i32 to index
        %swap3A_4161 = arith.constant 128 : index
        %swap3A_4162 = tpu.vector_load %arg8[%swap3A_4160, %swap3A_4161] {strides = array<i32>} : memref<8x224xf32, #tpu.memory_space<vmem>>, vector<16xf32>,
        tpu.vector_store %arg8[%swap3A_4160, %swap3A_4161], %gather3A_4145 {strides = array<i32>} : memref<8x224xf32, #tpu.memory_space<vmem>>, vector<16xf32>,
        %swap3A_4163 = arith.constant 7 : i32
        %swap3A_4164 = arith.index_cast %swap3A_4163 : i32 to index
        %swap3A_4165 = arith.constant 144 : index
        %swap3A_4166 = tpu.vector_load %arg8[%swap3A_4164, %swap3A_4165] {strides = array<i32>} : memref<8x224xf32, #tpu.memory_space<vmem>>, vector<16xf32>,
        tpu.vector_store %arg8[%swap3A_4164, %swap3A_4165], %gather3A_4146 {strides = array<i32>} : memref<8x224xf32, #tpu.memory_space<vmem>>, vector<16xf32>,
        %swap3A_4167 = arith.constant 7 : i32
        %swap3A_4168 = arith.index_cast %swap3A_4167 : i32 to index
        %swap3A_4169 = arith.constant 160 : index
        %swap3A_4170 = tpu.vector_load %arg8[%swap3A_4168, %swap3A_4169] {strides = array<i32>} : memref<8x224xf32, #tpu.memory_space<vmem>>, vector<16xf32>,
        tpu.vector_store %arg8[%swap3A_4168, %swap3A_4169], %gather3A_4147 {strides = array<i32>} : memref<8x224xf32, #tpu.memory_space<vmem>>, vector<16xf32>,
        %swap3A_4171 = arith.constant 7 : i32
        %swap3A_4172 = arith.index_cast %swap3A_4171 : i32 to index
        %swap3A_4173 = arith.constant 176 : index
        %swap3A_4174 = tpu.vector_load %arg8[%swap3A_4172, %swap3A_4173] {strides = array<i32>} : memref<8x224xf32, #tpu.memory_space<vmem>>, vector<16xf32>,
        tpu.vector_store %arg8[%swap3A_4172, %swap3A_4173], %gather3A_4148 {strides = array<i32>} : memref<8x224xf32, #tpu.memory_space<vmem>>, vector<16xf32>,
        %swap3A_4175 = arith.constant 7 : i32
        %swap3A_4176 = arith.index_cast %swap3A_4175 : i32 to index
        %swap3A_4177 = arith.constant 192 : index
        %swap3A_4178 = tpu.vector_load %arg8[%swap3A_4176, %swap3A_4177] {strides = array<i32>} : memref<8x224xf32, #tpu.memory_space<vmem>>, vector<16xf32>,
        tpu.vector_store %arg8[%swap3A_4176, %swap3A_4177], %gather3A_4149 {strides = array<i32>} : memref<8x224xf32, #tpu.memory_space<vmem>>, vector<16xf32>,
        %swap3A_4179 = arith.constant 7 : i32
        %swap3A_4180 = arith.index_cast %swap3A_4179 : i32 to index
        %swap3A_4181 = arith.constant 208 : index
        %swap3A_4182 = tpu.vector_load %arg8[%swap3A_4180, %swap3A_4181] {strides = array<i32>} : memref<8x224xf32, #tpu.memory_space<vmem>>, vector<16xf32>,
        tpu.vector_store %arg8[%swap3A_4180, %swap3A_4181], %gather3A_4150 {strides = array<i32>} : memref<8x224xf32, #tpu.memory_space<vmem>>, vector<16xf32>,
        %mul3A_4183 = arith.constant 8 : i32
        %mul3A_4184 = arith.muli %add3A_2271, %mul3A_4183 : i32
        %dma_start3A_4185 = arith.constant 0 : i32
        %dma_start3A_4186 = tpu.memref_slice %arg4[%add3A_143, %mul3A_4184, %dma_start3A_4185] : memref<768x224x224xf32, #tpu.memory_space<hbm>> -> memref<1x8x224xf32, #tpu.memory_space<hbm>>
        %dma_start3A_4187 = tpu.memref_squeeze %dma_start3A_4186 : memref<1x8x224xf32, #tpu.memory_space<hbm>> -> memref<8x224xf32, #tpu.memory_space<hbm>>
        %dma_start3A_4188 = arith.constant 0 : i32
        %dma_start3A_4189 = tpu.memref_slice %arg4[%add3A_143, %mul3A_4184, %dma_start3A_4188] : memref<768x224x224xf32, #tpu.memory_space<hbm>> -> memref<1x8x224xf32, #tpu.memory_space<hbm>>
        %dma_start3A_4190 = tpu.memref_squeeze %dma_start3A_4189 : memref<1x8x224xf32, #tpu.memory_space<hbm>> -> memref<8x224xf32, #tpu.memory_space<hbm>>
        tpu.enqueue_dma source(%arg8 : memref<8x224xf32, #tpu.memory_space<vmem>>) target(%dma_start3A_4190 : memref<8x224xf32, #tpu.memory_space<hbm>>) target_semaphore(%arg10 : memref<!tpu.dma_semaphore, #tpu.memory_space<semaphore_mem>>)
      }
      %scan3A_345 = arith.constant 14 : i32
    }
    %scan3A_113 = arith.constant 24 : i32
    %mul3A_114 = arith.constant 96 : i32
    %mul3A_115 = arith.muli %select_n3A, %mul3A_114 : i32
    %mul3A_116 = arith.constant 24 : i32
    %mul3A_117 = arith.muli %select_n3A_30, %mul3A_116 : i32
    %add3A_118 = arith.addi %mul3A_115, %mul3A_117 : i32
    %add3A_119 = arith.constant 23 : i32
    %add3A_120 = arith.addi %add3A_118, %add3A_119 : i32
    %dma_wait3A_121 = arith.constant 208 : i32
    %dma_wait3A_122 = arith.constant 0 : i32
    %dma_wait3A_123 = tpu.memref_slice %arg4[%add3A_120, %dma_wait3A_121, %dma_wait3A_122] : memref<768x224x224xf32, #tpu.memory_space<hbm>> -> memref<1x8x224xf32, #tpu.memory_space<hbm>>
    %dma_wait3A_124 = tpu.memref_squeeze %dma_wait3A_123 : memref<1x8x224xf32, #tpu.memory_space<hbm>> -> memref<8x224xf32, #tpu.memory_space<hbm>>
    %dma_wait3A_125 = arith.constant 208 : i32
    %dma_wait3A_126 = arith.constant 0 : i32
    %dma_wait3A_127 = tpu.memref_slice %arg4[%add3A_120, %dma_wait3A_125, %dma_wait3A_126] : memref<768x224x224xf32, #tpu.memory_space<hbm>> -> memref<1x8x224xf32, #tpu.memory_space<hbm>>
    %dma_wait3A_128 = tpu.memref_squeeze %dma_wait3A_127 : memref<1x8x224xf32, #tpu.memory_space<hbm>> -> memref<8x224xf32, #tpu.memory_space<hbm>>
    tpu.wait_dma2 semaphore(%arg9 : memref<!tpu.dma_semaphore, #tpu.memory_space<semaphore_mem>>) src(%arg7 : memref<8x224xf32, #tpu.memory_space<vmem>>) dst(%dma_wait3A_128 : memref<8x224xf32, #tpu.memory_space<hbm>>)
    %dma_wait3A_129 = arith.constant 216 : i32
    %dma_wait3A_130 = arith.constant 0 : i32
    %dma_wait3A_131 = tpu.memref_slice %arg4[%add3A_120, %dma_wait3A_129, %dma_wait3A_130] : memref<768x224x224xf32, #tpu.memory_space<hbm>> -> memref<1x8x224xf32, #tpu.memory_space<hbm>>
    %dma_wait3A_132 = tpu.memref_squeeze %dma_wait3A_131 : memref<1x8x224xf32, #tpu.memory_space<hbm>> -> memref<8x224xf32, #tpu.memory_space<hbm>>
    %dma_wait3A_133 = arith.constant 216 : i32
    %dma_wait3A_134 = arith.constant 0 : i32
    %dma_wait3A_135 = tpu.memref_slice %arg4[%add3A_120, %dma_wait3A_133, %dma_wait3A_134] : memref<768x224x224xf32, #tpu.memory_space<hbm>> -> memref<1x8x224xf32, #tpu.memory_space<hbm>>
    %dma_wait3A_136 = tpu.memref_squeeze %dma_wait3A_135 : memref<1x8x224xf32, #tpu.memory_space<hbm>> -> memref<8x224xf32, #tpu.memory_space<hbm>>
    tpu.wait_dma2 semaphore(%arg10 : memref<!tpu.dma_semaphore, #tpu.memory_space<semaphore_mem>>) src(%arg8 : memref<8x224xf32, #tpu.memory_space<vmem>>) dst(%dma_wait3A_136 : memref<8x224xf32, #tpu.memory_space<hbm>>)
    return
  }
}

</mosaic_0001>

<sc_bundles>
// kernel: kernel.3.cloned.1.call-start
scs
__scs_entry_jumppad:
0x0: {  	(pc) =	sbr.rel $0x88, $3  }
0x1: {  	(tag) =	ssettag $0x0;
	lr =	simm.s32 $0x1  }
0x2: {  	[smem:$0x3F9F] =	sst lr;
	_ =	strace $0xD0000000  }
0x3: {  	_ = 	snop  }
0x4: {  	_ = 	snop  }
0x5: {  	_ = 	snop  }
0x6: {  	_ = 	snop  }
0x7: {  	_ = 	snop  }
__scs_overlays_trampoline_lowered:
0x8: {  	[smem:$0x3FAE] =	sst s0  }
0x9: {  	[smem:$0x3FAF] =	sst s1  }
0xa: {  	[smem:$0x3FB0] =	sst s2  }
0xb: {  	[smem:$0x3FB1] =	sst s3  }
0xc: {  	[smem:$0x3FB2] =	sst s4  }
0xd: {  	[smem:$0x3FB3] =	sst s5  }
0xe: {  	[smem:$0x3FB4] =	sst s6  }
0xf: {  	[smem:$0x3FB5] =	sst s7  }
0x10: {  	[smem:$0x3FB6] =	sst s8  }
0x11: {  	[smem:$0x3FB7] =	sst s9;
	s0 =	simm.s32 @!p0 $0x0  }
0x12: {  	s1 =	sld [smem:$0x3F9D];
	s0 =	simm.s32 @p0 $0x1  }
0x13: {  	[smem:$0x3FB8] =	sst s0;
	s0 =	simm.s32 @!p1 $0x0  }
0x14: {  	s2 =	sld [smem:$0x3F9C];
	s0 =	simm.s32 @p1 $0x1  }
0x15: {  	[smem:$0x3FB9] =	sst s0;
	s0 =	simm.s32 @!p2 $0x0  }
0x16: {  	s3 =	sld [smem:$0x3FDB];
	s0 =	simm.s32 @p2 $0x1  }
0x17: {  	s4 =	simm.s32 $0x1BF5;
	[smem:$0x3FBB] =	sst s0  }
0x18: {  	s0 =	sld [smem:$0x3F9E];
	_ =	swait.ge [sflag:s4], $0x0  }
0x19: {  	s7 =	sld [smem:$0x3F9F]  }
0x1a: {  	s8 =	sadd.s32 $0xFFFFE003, lr  }
0x1b: {  	s9 =	sadd.s32 $0xFFFFFEF7, lr;
	s5 =	simm.s32 $0xFFFFFFFF;
	p2 =	slt.u32 s8, $0xFFFFF086  }
0x1c: {  	p1 =	slt.u32 s9, $0xF7A;
	s5 =	simm.s32 @!p2 $0x0  }
0x1d: {  	s5 =	simm.s32 @p1 $0x1;
	p0 =	seq.s32 s7, s2  }
0x1e: {  	s7 =	smul.u32 @!p0 $0xF7A, s2;
	p2 =	seq.s32 @!p0 s5, $0x0  }
0x1f: {  	s9 =	smul.u32 $0xF7A, s1;
	s8 =	simm.s32 @!p0 $0x1BF5;
	p2 =	por !p2, p0  }
0x20: {  	[sflag:s8] =	ssyncset.s32 @!p0 $0xFFFFF086;
	s6 =	sadd.s32 @!p0 s3, s7;
	s7 =	simm.s32 @!p0 $0x108  }
0x21: {  	s3 =	sadd.s32 s3, s9;
	s6 =	sadd.s32 @!p0 $0x88, s6;
	s7 =	simm.s32 @p2 $0x1082  }
0x22: {  	[simem:s7], [sflag:s8] =	dma.local @!p0 [hbm:s6], $0xF7A  }
0x23: {  	s9 =	sor.u32 $0xD0000000, s2;
	s6 =	simm.s32 $0x108;
	_ =	swait.ge @!p0 [sflag:s8], $0x0  }
0x24: {  	s3 =	sadd.s32 $0x88, s3;
	s6 =	simm.s32 @!p1 $0x1082;
	[sflag:s4] =	ssyncset.s32 $0xFFFFF086  }
0x25: {  	[simem:s6], [sflag:s4] =	dma.local [hbm:s3], $0xF7A  }
0x26: {  	[smem:$0x3F9F] =	sst s1;
	(tag) =	ssettag s2;
	_ =	strace s9  }
0x27: {  	s1 =	sld [smem:$0x3FAF]  }
0x28: {  	s2 =	sld [smem:$0x3FB0]  }
0x29: {  	s4 =	sld [smem:$0x3FB2]  }
0x2a: {  	p0 =	seq.s32 s5, $0x0;
	s5 =	sld [smem:$0x3FB3]  }
0x2b: {  	s6 =	sld [smem:$0x3FB4]  }
0x2c: {  	s7 =	sld [smem:$0x3FB5]  }
0x2d: {  	s3 =	simm.s32 $0x108;
	s8 =	sld [smem:$0x3FB6]  }
0x2e: {  	s3 =	simm.s32 @!p0 $0x1082;
	s9 =	sld [smem:$0x3FB7]  }
0x2f: {  	lr =	sadd.s32 s0, s3;
	s0 =	sld [smem:$0x3FAE]  }
0x30: {  	s3 =	sld [smem:$0x3FB1]  }
0x31: {  	[smem:$0x3FBA] =	sst s10  }
0x32: {  	s10 =	sld [smem:$0x3FB8];
	_ =	sdelay $0x3  }
0x33: {  	p0 =	seq.s32 s10, $0x1;
	s10 =	sld [smem:$0x3FBA];
	_ =	sdelay $0x3  }
0x34: {  	[smem:$0x3FBA] =	sst s10  }
0x35: {  	s10 =	sld [smem:$0x3FB9];
	_ =	sdelay $0x3  }
0x36: {  	p1 =	seq.s32 s10, $0x1;
	s10 =	sld [smem:$0x3FBA];
	_ =	sdelay $0x3  }
0x37: {  	[smem:$0x3FBA] =	sst s10  }
0x38: {  	s10 =	sld [smem:$0x3FBB]  }
0x39: {  	_ = 	snop;
	(pc) =	sbr.ind lr, $3  }
0x3a: {  	_ = 	snop  }
0x3b: {  	_ = 	snop  }
0x3c: {  	p2 =	seq.s32 s10, $0x1;
	s10 =	sld [smem:$0x3FBA]  }
0x3d: {  	_ =	shalt  }
0x3e: {  	_ =	shalt  }
0x3f: {  	_ =	shalt  }
0x40: {  	_ =	shalt  }
0x41: {  	_ =	shalt  }
0x42: {  	_ =	shalt  }
0x43: {  	_ =	shalt  }
0x44: {  	_ =	shalt  }
0x45: {  	_ =	shalt  }
0x46: {  	_ =	shalt  }
0x47: {  	_ =	shalt  }
0x48: {  	_ =	shalt  }
0x49: {  	_ =	shalt  }
0x4a: {  	_ =	shalt  }
0x4b: {  	_ =	shalt  }
0x4c: {  	_ =	shalt  }
0x4d: {  	_ =	shalt  }
0x4e: {  	_ =	shalt  }
0x4f: {  	_ =	shalt  }
0x50: {  	_ =	shalt  }
0x51: {  	_ =	shalt  }
0x52: {  	_ =	shalt  }
0x53: {  	_ =	shalt  }
0x54: {  	_ =	shalt  }
0x55: {  	_ =	shalt  }
0x56: {  	_ =	shalt  }
0x57: {  	_ =	shalt  }
0x58: {  	_ =	shalt  }
0x59: {  	_ =	shalt  }
0x5a: {  	_ =	shalt  }
0x5b: {  	_ =	shalt  }
0x5c: {  	_ =	shalt  }
0x5d: {  	_ =	shalt  }
0x5e: {  	_ =	shalt  }
0x5f: {  	_ =	shalt  }
0x60: {  	_ =	shalt  }
0x61: {  	_ =	shalt  }
0x62: {  	_ =	shalt  }
0x63: {  	_ =	shalt  }
0x64: {  	_ =	shalt  }
0x65: {  	_ =	shalt  }
0x66: {  	_ =	shalt  }
0x67: {  	_ =	shalt  }
0x68: {  	_ =	shalt  }
0x69: {  	_ =	shalt  }
0x6a: {  	_ =	shalt  }
0x6b: {  	_ =	shalt  }
0x6c: {  	_ =	shalt  }
0x6d: {  	_ =	shalt  }
0x6e: {  	_ =	shalt  }
0x6f: {  	_ =	shalt  }
0x70: {  	_ =	shalt  }
0x71: {  	_ =	shalt  }
0x72: {  	_ =	shalt  }
0x73: {  	_ =	shalt  }
0x74: {  	_ =	shalt  }
0x75: {  	_ =	shalt  }
0x76: {  	_ =	shalt  }
0x77: {  	_ =	shalt  }
0x78: {  	_ =	shalt  }
0x79: {  	_ =	shalt  }
0x7a: {  	_ =	shalt  }
0x7b: {  	_ =	shalt  }
0x7c: {  	_ =	shalt  }
0x7d: {  	_ =	shalt  }
0x7e: {  	_ =	shalt  }
0x7f: {  	_ =	shalt  }
0x80: {  	_ =	shalt  }
0x81: {  	_ =	shalt  }
0x82: {  	_ =	shalt  }
0x83: {  	_ =	shalt  }
0x84: {  	_ =	shalt  }
0x85: {  	_ =	shalt  }
0x86: {  	_ =	shalt  }
0x87: {  	_ =	shalt  }
.Lfunc_end0:
.L_simem_size_0:
called_computation_lowered:
.L_overlay_start_0:
0x88: {  	s2 =	sld [smem:$0x3FD9]  }
0x89: {  	s3 =	sld [smem:$0x3FFE];
	_ =	sdelay $0x1  }
0x8a: {  	s1 =	srdreg.scid  }
0x8b: {  	s0 =	sand.u32 $0x1, s1  }
0x8c: {  	s17 =	sshll.u32 s0, $0xA;
	s2 =	sadd.s32 s3, s2  }
0x8d: {  	s2 =	sadd.s32 s2, s17  }
0x8e: {  	[smem:$0x3FC6] =	sst s2  }
0x8f: {  	_ = 	snop  }
0x90: {  	s2 =	sld [smem:$0x3FC9]  }
0x91: {  	s18 =	sld [smem:$0x3FD0];
	(tm) =	ssettm $0x1  }
0x92: {  	s4 =	sld [smem:$0x3FFB];
	_ =	sdelay $0x3  }
0x93: {  	_ =	strace s4  }
0x94: {  	s4 =	sld [smem:$0x3FFC];
	_ =	sdelay $0x3  }
0x95: {  	_ =	strace s4  }
0x96: {  	s4 =	sld [smem:$0x3FFD];
	_ =	sdelay $0x3  }
0x97: {  	_ =	strace s4  }
0x98: {  	_ =	strace $0x8FFFFFFF  }
0x99: {  	s19 =	sld [smem:$0x3FDB];
	_ =	sdelay $0x1  }
0x9a: {  	s5 =	simm.s32 $_scs_section_size  }
0x9b: {  	s6 =	simm.s32 $_size__tile_overlayer_lowered;
	s7 =	simm.s32 $_tile_overlayer_lowered  }
0x9c: {  	s22 =	simm.s32 $0x1BFF;
	s21 =	sshll.u32 s7, $0x1;
	s4 =	sadd.s32 s5, s19  }
0x9d: {  	s8 =	simm.s32 $0x0;
	s20 =	sshll.u32 s6, $0x1;
	s6 =	sadd.s32 s21, s4  }
0x9e: {  	[timem:s8], [sflag:s22] =	dma.local [hbm:s6], s20  }
0x9f: {  	_ =	swait.ge [sflag:s22], s20  }
0xa0: {  	s5 =	ssub.s32 $0x0, s20;
	[sflag:s22] =	ssyncset.done $0x0  }
0xa1: {  	[sflag:s22] =	ssyncadd.s32 s5;
	_ =	sdelay $0x1  }
0xa2: {  	s23 =	simm.s32 $0x1B8B  }
0xa3: {  	_ =	swait.ge [sflag:s23], $0x1  }
0xa4: {  	[sflag:s23] =	ssyncset.done $0x0  }
0xa5: {  	s25 =	simm.s32 $0x1B8E;
	s24 =	sld [smem:$0x3FFE];
	[sflag:s23] =	ssyncadd.s32 $0xFFFFFFFF  }
0xa6: {  	s26 =	simm.s32 $execute0_lowered;
	[smem:$0x3FD2] =	sst s25  }
0xa7: {  	s6 =	sshll.u32 s26, $0x1;
	_ =	strace $0x80000046;
	[dreg:$0x1] =	wrdreg $0xFFFFFFFF  }
0xa8: {  	s28 =	simm.s32 $_size_execute0_lowered;
	s4 =	sadd.s32 s4, s6;
	[dreg:$0x0] =	wrdreg $0x0  }
0xa9: {  	s6 =	sshll.u32 s28, $0x1;
	[dreg:$0x2] =	wrdreg s4  }
0xaa: {  	[dreg:$0x3] =	wrdreg s6  }
0xab: {  	[dreg:$0x4] =	wrdreg $0xC0  }
0xac: {  	_ =	task [dreg:s8], $0x5FFFF  }
0xad: {  	[dreg:$0x1] =	wrdreg $0xFFFFFFFF  }
0xae: {  	[dreg:$0x0] =	wrdreg $0x60  }
0xaf: {  	[dreg:$0x2] =	wrdreg s2  }
0xb0: {  	[dreg:$0x3] =	wrdreg s24  }
0xb1: {  	[dreg:$0x4] =	wrdreg s18  }
0xb2: {  	[dreg:$0x5] =	wrdreg $0x9  }
0xb3: {  	_ =	task.clear_ibuf [dreg:s8], $0x6FFFF;
	_ =	strace $0x90000046  }
0xb4: {  	s29 =	simm.s32 $0x9;
	_ =	strace $0x80000048  }
0xb5: {  	_ =	swait.ge [sflag:s29], $0x1  }
0xb6: {  	[sflag:s29] =	ssyncadd.s32 $0xFFFFFFFF  }
0xb7: {  	_ =	strace $0x90000048  }
0xb8: {  	_ =	sfence  }
0xb9: {  	s30 =	sld [smem:$0x0];
	_ =	sdelay $0x2  }
0xba: {  	s31 =	sshll.u32 s1, $0xD;
	s1 =	sshrl.u32 s1, $0x2  }
0xbb: {  	s3 =	sand.u32 $0x4000, s31;
	s1 =	sadd.s32 s1, s30  }
0xbc: {  	s0 =	sor.u32 s3, s0;
	s1 =	sshll.u32 s1, $0x11  }
0xbd: {  	s0 =	sor.u32 s1, s0  }
0xbe: {  	s0 =	sadd.s32 $0x8F2B, s0  }
0xbf: {  	[sflag:s0] =	ssyncadd.remote.s32 $0x1  }
0xc0: {  	_ =	sfence.sel $0xFFFF  }
0xc1: {  	[dreg:$0x0] =	wrdreg $0xFFFFFFFF;
	(pc) =	sbr.abs _section_cstart, $3  }
0xc2: {  	[dreg:$0x1] =	wrdreg $0xFFFFFFFF  }
0xc3: {  	_ =	task.clear_ibuf [dreg:s8], $0x2FFFF;
	_ =	strace $0x9FFFFFFF  }
0xc4: {  	(tm) =	ssettm $0x7FFFFFFF  }
0xc5: {  	_ =	shalt  }
tec
execute0_lowered:
.L_overlay_start_1:
0x0: {  	(tag) =	ssettag $0x1  }
0x1: {  	s1 =	rddreg [dreg:$0x0]  }
0x2: {  	s0 =	rddreg [dreg:$0x1]  }
0x3: {  	s2 =	rddreg [dreg:$0x2]  }
0x4: {  	s4 =	simm.s32 $0x0;
	s6 =	stileid.u32;
	s3 =	srdreg.scid  }
0x5: {  	s12 =	simm.s32 $0x400;
	s15 =	simm.s32 $0x9300;
	s16 =	simm.s32 $0x3  }
0x6: {  	s17 =	simm.s32 $0xC400;
	s18 =	simm.s32 $0xE400;
	s19 =	simm.s32 $0x10400  }
0x7: {  	s20 =	simm.s32 $0x12400;
	s21 =	simm.s32 $0x14400;
	s22 =	simm.s32 $0x16400  }
0x8: {  	s23 =	simm.s32 $0x18400;
	s24 =	simm.s32 $0x1A400;
	s25 =	simm.s32 $0x1AC00  }
0x9: {  	s26 =	simm.s32 $0x1;
	s28 =	simm.s32 $0x2;
	s29 =	simm.s32 $0x0  }
0xa: {  	[smem:$0x7FF] =	sst s4;
	s5 =	sshrl.u32 s6, $0x1;
	s3 =	sand.u32 $0x1, s3  }
0xb: {  	s6 =	sshll.u32 s6, $0x1;
	_ =	strace $0x80000047;
	s7 =	sshll.u32 s5, $0x4  }
0xc: {  	s8 =	ssub.s32 $0x2, s3;
	s6 =	sand.u32 $0x2, s6;
	s10 =	smul.u32 $0x60, s5  }
0xd: {  	s9 =	sshrl.u32 s8, $0x1;
	s3 =	sor.u32 s3, s6;
	s0 =	sadd.s32 s7, s0  }
0xe: {  	s11 =	ssub.s32 s8, s9;
	s3 =	smul.u32 $0x18, s3;
	s5 =	sadd.s32 $0x400, s0  }
0xf: {  	s6 =	sadd.s32 $0x3500, s0;
	s7 =	sadd.s32 $0x6600, s0;
	s8 =	sadd.s32 $0x9700, s0  }
0x10: {  	s9 =	sadd.s32 s10, s3;
	s10 =	smax.u32 s11, $0x1;
	s11 =	simm.s32 $0x80  }
.LBB2_1:
0x11: {  	[tilespmem:s4], [sflag:$0x3] =	stream.strided.gather [hbm4b:s5+s11], $0x3100, s12, s11, $0x38;
	[tilespmem:$0x1B400] =	vst v63  }
0x12: {  	s0 =	simm.s32 $0x3100  }
0x13: {  	[tilespmem:s0], [sflag:$0x3] =	stream.strided.gather [hbm4b:s6+s11], $0x3100, s12, s11, $0x38;
	[tilespmem:$0x1B400] =	vst v63  }
0x14: {  	s31 =	simm.s32 $0x6200  }
0x15: {  	[tilespmem:s31], [sflag:$0x3] =	stream.strided.gather [hbm4b:s7+s11], $0x3100, s12, s11, $0x38;
	[tilespmem:$0x1B400] =	vst v63  }
0x16: {  	_ = 	snop  }
0x17: {  	[tilespmem:s15], [sflag:$0x3] =	stream.strided.gather [hbm4b:s8+s11], $0x3100, s12, s11, $0x38;
	[tilespmem:$0x1B400] =	vst v63  }
0x18: {  	_ =	swait.ge [sflag:s16], $0x3100  }
0x19: {  	[sflag:s16] =	ssyncset.done $0x0  }
0x1a: {  	[sflag:s16] =	ssyncadd.s32 $0xFFFFCF00  }
0x1b: {  	_ =	swait.ge [sflag:s16], $0x3100  }
0x1c: {  	[sflag:s16] =	ssyncset.done $0x0  }
0x1d: {  	[sflag:s16] =	ssyncadd.s32 $0xFFFFCF00  }
0x1e: {  	_ =	swait.ge [sflag:s16], $0x3100  }
0x1f: {  	[sflag:s16] =	ssyncset.done $0x0  }
0x20: {  	[sflag:s16] =	ssyncadd.s32 $0xFFFFCF00  }
0x21: {  	_ =	swait.ge [sflag:s16], $0x3100  }
0x22: {  	[sflag:s16] =	ssyncset.done $0x0  }
0x23: {  	s30 =	simm.s32 $0x0;
	[sflag:s16] =	ssyncadd.s32 $0xFFFFCF00  }
.LBB2_2:
0x24: {  	s0 =	sadd.s32 s30, s9  }
0x25: {  	s31 =	smul.u32 $0xE000, s0;
	_ =	sdelay $0x1  }
0x26: {  	s0 =	sshrl.u32 s31, $0x3  }
0x27: {  	s3 =	sadd.s32 s1, s0;
	s0 =	simm.s32 $0x0  }
0x28: {  	[tilespmem:s17], [sflag:$0x3] =	stream.linear.gather [hbm4b:s3+s0], $0x2000, $0x38;
	[tilespmem:$0x1B400] =	vst v63  }
0x29: {  	s13 =	sadd.s32 $0x400, s3  }
0x2a: {  	[tilespmem:s18], [sflag:$0x3] =	stream.linear.gather [hbm4b:s13+s0], $0x2000, $0x38;
	[tilespmem:$0x1B400] =	vst v63  }
0x2b: {  	s14 =	sadd.s32 $0x800, s3  }
0x2c: {  	[tilespmem:s19], [sflag:$0x3] =	stream.linear.gather [hbm4b:s14+s0], $0x2000, $0x38;
	[tilespmem:$0x1B400] =	vst v63  }
0x2d: {  	s14 =	sadd.s32 $0xC00, s3  }
0x2e: {  	[tilespmem:s20], [sflag:$0x3] =	stream.linear.gather [hbm4b:s14+s0], $0x2000, $0x38;
	[tilespmem:$0x1B400] =	vst v63  }
0x2f: {  	s14 =	sadd.s32 $0x1000, s3  }
0x30: {  	[tilespmem:s21], [sflag:$0x3] =	stream.linear.gather [hbm4b:s14+s0], $0x2000, $0x38;
	[tilespmem:$0x1B400] =	vst v63  }
0x31: {  	s14 =	sadd.s32 $0x1400, s3  }
0x32: {  	[tilespmem:s22], [sflag:$0x3] =	stream.linear.gather [hbm4b:s14+s0], $0x2000, $0x38;
	[tilespmem:$0x1B400] =	vst v63  }
0x33: {  	s3 =	sadd.s32 $0x1800, s3  }
0x34: {  	[tilespmem:s23], [sflag:$0x3] =	stream.linear.gather [hbm4b:s3+s0], $0x2000, $0x38;
	[tilespmem:$0x1B400] =	vst v63  }
0x35: {  	_ =	swait.ge [sflag:s16], $0x2000  }
0x36: {  	[sflag:s16] =	ssyncset.done $0x0  }
0x37: {  	[sflag:s16] =	ssyncadd.s32 $0xFFFFE000  }
0x38: {  	_ =	swait.ge [sflag:s16], $0x2000  }
0x39: {  	[sflag:s16] =	ssyncset.done $0x0  }
0x3a: {  	[sflag:s16] =	ssyncadd.s32 $0xFFFFE000  }
0x3b: {  	_ =	swait.ge [sflag:s16], $0x2000  }
0x3c: {  	[sflag:s16] =	ssyncset.done $0x0  }
0x3d: {  	[sflag:s16] =	ssyncadd.s32 $0xFFFFE000  }
0x3e: {  	_ =	swait.ge [sflag:s16], $0x2000  }
0x3f: {  	[sflag:s16] =	ssyncset.done $0x0  }
0x40: {  	[sflag:s16] =	ssyncadd.s32 $0xFFFFE000  }
0x41: {  	_ =	swait.ge [sflag:s16], $0x2000  }
0x42: {  	[sflag:s16] =	ssyncset.done $0x0  }
0x43: {  	[sflag:s16] =	ssyncadd.s32 $0xFFFFE000  }
0x44: {  	_ =	swait.ge [sflag:s16], $0x2000  }
0x45: {  	[sflag:s16] =	ssyncset.done $0x0  }
0x46: {  	[sflag:s16] =	ssyncadd.s32 $0xFFFFE000  }
0x47: {  	_ =	swait.ge [sflag:s16], $0x2000  }
0x48: {  	[sflag:s16] =	ssyncset.done $0x0  }
0x49: {  	[sflag:s16] =	ssyncadd.s32 $0xFFFFE000  }
.LBB2_3:
0x4a: {  	s3 =	sor.u32 s30, s0  }
0x4b: {  	p0 =	seq.s32 s3, $0x0  }
0x4c: {  	s3 =	simm.s32 @!p0 $0x1  }
0x4d: {  	s13 =	smul.u32 $0x3800, s0;
	_ =	swait.ge @!p0 [sflag:s3], $0x800  }
0x4e: {  	[sflag:s3] =	ssyncset.done @!p0 $0x0  }
0x4f: {  	s14 =	sshra.s32 s13, $0x2;
	[sflag:s3] =	ssyncadd.s32 @!p0 $0xFFFFF800  }
0x50: {  	v0 =	vld [tilespmem:s14+$0x0]  }
0x51: {  	v1 =	vld [tilespmem:s14+$0x10]  }
0x52: {  	v2 =	vld [tilespmem:s14+$0x20]  }
0x53: {  	v5 =	vld [tilespmem:s14+$0x30]  }
0x54: {  	v6 =	vld [tilespmem:s14+$0x40]  }
0x55: {  	v9 =	vld [tilespmem:s14+$0x50];
	v3 =	vshll.u32 v0, $0x3  }
0x56: {  	v34 =	vld [tilespmem:s14+$0x60];
	v4 =	vshrl.u32 v0, $0x1;
	v0 =	vand.u32 $0xFFFFF87F, v0;
	v29 =	vshll.u32 v1, $0x3  }
0x57: {  	v38 =	vld [tilespmem:s14+$0x70];
	v30 =	vshrl.u32 v1, $0x1;
	v1 =	vand.u32 $0xFFFFF87F, v1;
	v7 =	vshll.u32 v2, $0x3  }
0x58: {  	v8 =	vshrl.u32 v2, $0x1;
	v2 =	vand.u32 $0xFFFFF87F, v2;
	v32 =	vshll.u32 v5, $0x3  }
0x59: {  	v33 =	vshrl.u32 v5, $0x1;
	v5 =	vand.u32 $0xFFFFF87F, v5;
	v35 =	vshll.u32 v6, $0x3  }
0x5a: {  	v37 =	vand.u32 $0xFFFFF87F, v6;
	v6 =	vshrl.u32 v6, $0x1;
	v39 =	vshll.u32 v9, $0x3  }
0x5b: {  	v10 =	vshrl.u32 v9, $0x1;
	v9 =	vand.u32 $0xFFFFF87F, v9;
	v40 =	vshll.u32 v34, $0x3  }
0x5c: {  	v41 =	vshrl.u32 v34, $0x1;
	v42 =	vshll.u32 v38, $0x3;
	v43 =	vshrl.u32 v38, $0x1  }
0x5d: {  	v3 =	vand.u32 $0x400, v3;
	v4 =	vand.u32 $0x380, v4;
	v7 =	vand.u32 $0x400, v7  }
0x5e: {  	v31 =	vand.u32 $0x380, v8;
	v36 =	vand.u32 $0x400, v35;
	v6 =	vand.u32 $0x380, v6  }
0x5f: {  	v10 =	vand.u32 $0x380, v10;
	v8 =	vand.u32 $0xFFFFF87F, v38;
	v0 =	vor.u32 v3, v0  }
0x60: {  	v3 =	vand.u32 $0x400, v29;
	v2 =	vor.u32 v7, v2;
	v7 =	vand.u32 $0xFFFFF87F, v34  }
0x61: {  	v0 =	vor.u32 v4, v0;
	v4 =	vand.u32 $0x380, v30;
	v1 =	vor.u32 v3, v1  }
0x62: {  	v2 =	vor.u32 v31, v2;
	v3 =	vand.u32 $0x400, v32;
	v1 =	vor.u32 v4, v1  }
0x63: {  	v4 =	vand.u32 $0x380, v33;
	v3 =	vor.u32 v3, v5;
	v5 =	vand.u32 $0x400, v39  }
0x64: {  	v3 =	vor.u32 v4, v3;
	v4 =	vor.u32 v36, v37;
	v5 =	vor.u32 v5, v9  }
0x65: {  	v9 =	vand.u32 $0x380, v41;
	v4 =	vor.u32 v6, v4;
	v6 =	vand.u32 $0x400, v40  }
0x66: {  	v5 =	vor.u32 v10, v5;
	v6 =	vor.u32 v6, v7;
	v7 =	vand.u32 $0x400, v42;
	v0 =	vld.idx.msk [tilespmem:v0+s17+$0x0], $0xffff  }
0x67: {  	v44 =	vand.u32 $0x380, v43;
	v6 =	vor.u32 v9, v6;
	v7 =	vor.u32 v7, v8;
	v2 =	vld.idx.msk [tilespmem:v2+s17+$0x0], $0xffff  }
0x68: {  	v1 =	vld.idx.msk [tilespmem:v1+s17+$0x0], $0xffff;
	v7 =	vor.u32 v44, v7  }
0x69: {  	v3 =	vld.idx.msk [tilespmem:v3+s17+$0x0], $0xffff  }
0x6a: {  	v4 =	vld.idx.msk [tilespmem:v4+s17+$0x0], $0xffff  }
0x6b: {  	v5 =	vld.idx.msk [tilespmem:v5+s17+$0x0], $0xffff  }
0x6c: {  	v6 =	vld.idx.msk [tilespmem:v6+s17+$0x0], $0xffff  }
0x6d: {  	v7 =	vld.idx.msk [tilespmem:v7+s17+$0x0], $0xffff;
	[tilespmem:$0x1A400] =	vst v0  }
0x6e: {  	[tilespmem:$0x1A410] =	vst v1  }
0x6f: {  	[tilespmem:$0x1A420] =	vst v2  }
0x70: {  	[tilespmem:$0x1A430] =	vst v3  }
0x71: {  	[tilespmem:$0x1A440] =	vst v4  }
0x72: {  	[tilespmem:$0x1A450] =	vst v5  }
0x73: {  	[tilespmem:$0x1A460] =	vst v6  }
0x74: {  	[tilespmem:$0x1A470] =	vst v7  }
0x75: {  	v0 =	vld [tilespmem:s14+$0x80]  }
0x76: {  	v1 =	vld [tilespmem:s14+$0x90]  }
0x77: {  	v2 =	vld [tilespmem:s14+$0xA0]  }
0x78: {  	v5 =	vld [tilespmem:s14+$0xB0]  }
0x79: {  	v6 =	vld [tilespmem:s14+$0xC0]  }
0x7a: {  	v51 =	vld [tilespmem:s14+$0xD0];
	v45 =	vshll.u32 v0, $0x3  }
0x7b: {  	v55 =	vld [tilespmem:s14+$0xE0];
	v46 =	vshrl.u32 v0, $0x1;
	v0 =	vand.u32 $0xFFFFF87F, v0;
	v47 =	vshll.u32 v1, $0x3  }
0x7c: {  	v59 =	vld [tilespmem:s14+$0xF0];
	v48 =	vshrl.u32 v1, $0x1;
	v1 =	vand.u32 $0xFFFFF87F, v1;
	v49 =	vshll.u32 v2, $0x3  }
0x7d: {  	v50 =	vshrl.u32 v2, $0x1;
	v2 =	vand.u32 $0xFFFFF87F, v2;
	v53 =	vshll.u32 v5, $0x3  }
0x7e: {  	v54 =	vshrl.u32 v5, $0x1;
	v5 =	vand.u32 $0xFFFFF87F, v5;
	v56 =	vshll.u32 v6, $0x3  }
0x7f: {  	v58 =	vand.u32 $0xFFFFF87F, v6;
	v6 =	vshrl.u32 v6, $0x1;
	v60 =	vshll.u32 v51, $0x3  }
0x80: {  	v61 =	vshrl.u32 v51, $0x1;
	v9 =	vand.u32 $0xFFFFF87F, v51;
	v62 =	vshll.u32 v55, $0x3  }
0x81: {  	v63 =	vshrl.u32 v55, $0x1;
	v11 =	vshll.u32 v59, $0x3;
	v12 =	vshrl.u32 v59, $0x1  }
0x82: {  	v8 =	vand.u32 $0xFFFFF87F, v59;
	v3 =	vand.u32 $0x400, v45;
	v4 =	vand.u32 $0x380, v46  }
0x83: {  	v7 =	vand.u32 $0x400, v49;
	v52 =	vand.u32 $0x380, v50;
	v57 =	vand.u32 $0x400, v56  }
0x84: {  	v6 =	vand.u32 $0x380, v6;
	v10 =	vand.u32 $0x380, v61;
	v0 =	vor.u32 v3, v0  }
0x85: {  	v3 =	vand.u32 $0x400, v47;
	v2 =	vor.u32 v7, v2;
	v7 =	vand.u32 $0xFFFFF87F, v55  }
0x86: {  	v0 =	vor.u32 v4, v0;
	v4 =	vand.u32 $0x380, v48;
	v1 =	vor.u32 v3, v1  }
0x87: {  	v2 =	vor.u32 v52, v2;
	v3 =	vand.u32 $0x400, v53;
	v1 =	vor.u32 v4, v1  }
0x88: {  	v4 =	vand.u32 $0x380, v54;
	v3 =	vor.u32 v3, v5;
	v5 =	vand.u32 $0x400, v60  }
0x89: {  	v3 =	vor.u32 v4, v3;
	v4 =	vor.u32 v57, v58;
	v5 =	vor.u32 v5, v9  }
0x8a: {  	v9 =	vand.u32 $0x380, v63;
	v4 =	vor.u32 v6, v4;
	v6 =	vand.u32 $0x400, v62  }
0x8b: {  	v5 =	vor.u32 v10, v5;
	v6 =	vor.u32 v6, v7;
	v7 =	vand.u32 $0x400, v11;
	v0 =	vld.idx.msk [tilespmem:v0+s17+$0x0], $0xffff  }
0x8c: {  	v13 =	vand.u32 $0x380, v12;
	v6 =	vor.u32 v9, v6;
	v7 =	vor.u32 v7, v8;
	v2 =	vld.idx.msk [tilespmem:v2+s17+$0x0], $0xffff  }
0x8d: {  	v1 =	vld.idx.msk [tilespmem:v1+s17+$0x0], $0xffff;
	v7 =	vor.u32 v13, v7  }
0x8e: {  	v3 =	vld.idx.msk [tilespmem:v3+s17+$0x0], $0xffff  }
0x8f: {  	v4 =	vld.idx.msk [tilespmem:v4+s17+$0x0], $0xffff  }
0x90: {  	v5 =	vld.idx.msk [tilespmem:v5+s17+$0x0], $0xffff  }
0x91: {  	v6 =	vld.idx.msk [tilespmem:v6+s17+$0x0], $0xffff  }
0x92: {  	v7 =	vld.idx.msk [tilespmem:v7+s17+$0x0], $0xffff;
	[tilespmem:$0x1A800] =	vst v0  }
0x93: {  	[tilespmem:$0x1A810] =	vst v1  }
0x94: {  	[tilespmem:$0x1A820] =	vst v2  }
0x95: {  	[tilespmem:$0x1A830] =	vst v3  }
0x96: {  	[tilespmem:$0x1A840] =	vst v4  }
0x97: {  	[tilespmem:$0x1A850] =	vst v5  }
0x98: {  	[tilespmem:$0x1A480] =	vst v6  }
0x99: {  	[tilespmem:$0x1A490] =	vst v7  }
0x9a: {  	v0 =	vld [tilespmem:s14+$0x100]  }
0x9b: {  	v1 =	vld [tilespmem:s14+$0x110]  }
0x9c: {  	v2 =	vld [tilespmem:s14+$0x120]  }
0x9d: {  	v5 =	vld [tilespmem:s14+$0x130]  }
0x9e: {  	v6 =	vld [tilespmem:s14+$0x140]  }
0x9f: {  	v20 =	vld [tilespmem:s14+$0x150];
	v14 =	vshll.u32 v0, $0x3  }
0xa0: {  	v24 =	vld [tilespmem:s14+$0x160];
	v15 =	vshrl.u32 v0, $0x1;
	v0 =	vand.u32 $0xFFFFF87F, v0;
	v16 =	vshll.u32 v1, $0x3  }
0xa1: {  	v28 =	vld [tilespmem:s14+$0x170];
	v17 =	vshrl.u32 v1, $0x1;
	v1 =	vand.u32 $0xFFFFF87F, v1;
	v18 =	vshll.u32 v2, $0x3  }
0xa2: {  	v19 =	vshrl.u32 v2, $0x1;
	v2 =	vand.u32 $0xFFFFF87F, v2;
	v22 =	vshll.u32 v5, $0x3  }
0xa3: {  	v23 =	vshrl.u32 v5, $0x1;
	v5 =	vand.u32 $0xFFFFF87F, v5;
	v25 =	vshll.u32 v6, $0x3  }
0xa4: {  	v27 =	vand.u32 $0xFFFFF87F, v6;
	v6 =	vshrl.u32 v6, $0x1;
	v29 =	vshll.u32 v20, $0x3  }
0xa5: {  	v30 =	vshrl.u32 v20, $0x1;
	v9 =	vand.u32 $0xFFFFF87F, v20;
	v31 =	vshll.u32 v24, $0x3  }
0xa6: {  	v32 =	vshrl.u32 v24, $0x1;
	v33 =	vshll.u32 v28, $0x3;
	v34 =	vshrl.u32 v28, $0x1  }
0xa7: {  	v8 =	vand.u32 $0xFFFFF87F, v28;
	v3 =	vand.u32 $0x400, v14;
	v4 =	vand.u32 $0x380, v15  }
0xa8: {  	v7 =	vand.u32 $0x400, v18;
	v21 =	vand.u32 $0x380, v19;
	v26 =	vand.u32 $0x400, v25  }
0xa9: {  	v6 =	vand.u32 $0x380, v6;
	v10 =	vand.u32 $0x380, v30;
	v0 =	vor.u32 v3, v0  }
0xaa: {  	v3 =	vand.u32 $0x400, v16;
	v2 =	vor.u32 v7, v2;
	v7 =	vand.u32 $0xFFFFF87F, v24  }
0xab: {  	v0 =	vor.u32 v4, v0;
	v4 =	vand.u32 $0x380, v17;
	v1 =	vor.u32 v3, v1  }
0xac: {  	v2 =	vor.u32 v21, v2;
	v3 =	vand.u32 $0x400, v22;
	v1 =	vor.u32 v4, v1  }
0xad: {  	v4 =	vand.u32 $0x380, v23;
	v3 =	vor.u32 v3, v5;
	v5 =	vand.u32 $0x400, v29  }
0xae: {  	v3 =	vor.u32 v4, v3;
	v4 =	vor.u32 v26, v27;
	v5 =	vor.u32 v5, v9  }
0xaf: {  	v9 =	vand.u32 $0x380, v32;
	v4 =	vor.u32 v6, v4;
	v6 =	vand.u32 $0x400, v31  }
0xb0: {  	v5 =	vor.u32 v10, v5;
	v6 =	vor.u32 v6, v7;
	v7 =	vand.u32 $0x400, v33;
	v0 =	vld.idx.msk [tilespmem:v0+s17+$0x0], $0xffff  }
0xb1: {  	v35 =	vand.u32 $0x380, v34;
	v6 =	vor.u32 v9, v6;
	v7 =	vor.u32 v7, v8;
	v2 =	vld.idx.msk [tilespmem:v2+s17+$0x0], $0xffff  }
0xb2: {  	v1 =	vld.idx.msk [tilespmem:v1+s17+$0x0], $0xffff;
	v7 =	vor.u32 v35, v7  }
0xb3: {  	v3 =	vld.idx.msk [tilespmem:v3+s17+$0x0], $0xffff  }
0xb4: {  	v4 =	vld.idx.msk [tilespmem:v4+s17+$0x0], $0xffff  }
0xb5: {  	v5 =	vld.idx.msk [tilespmem:v5+s17+$0x0], $0xffff  }
0xb6: {  	v6 =	vld.idx.msk [tilespmem:v6+s17+$0x0], $0xffff  }
0xb7: {  	v7 =	vld.idx.msk [tilespmem:v7+s17+$0x0], $0xffff;
	[tilespmem:$0x1A4A0] =	vst v0  }
0xb8: {  	[tilespmem:$0x1A4B0] =	vst v1  }
0xb9: {  	[tilespmem:$0x1A4C0] =	vst v2  }
0xba: {  	[tilespmem:$0x1A4D0] =	vst v3  }
0xbb: {  	[tilespmem:$0x1A4E0] =	vst v4  }
0xbc: {  	[tilespmem:$0x1A4F0] =	vst v5  }
0xbd: {  	[tilespmem:$0x1A880] =	vst v6  }
0xbe: {  	[tilespmem:$0x1A890] =	vst v7  }
0xbf: {  	v0 =	vld [tilespmem:s14+$0x180]  }
0xc0: {  	v1 =	vld [tilespmem:s14+$0x190]  }
0xc1: {  	v2 =	vld [tilespmem:s14+$0x1A0]  }
0xc2: {  	v5 =	vld [tilespmem:s14+$0x1B0]  }
0xc3: {  	v6 =	vld [tilespmem:s14+$0x1C0]  }
0xc4: {  	v42 =	vld [tilespmem:s14+$0x1D0];
	v36 =	vshll.u32 v0, $0x3  }
0xc5: {  	v46 =	vld [tilespmem:s14+$0x1E0];
	v37 =	vshrl.u32 v0, $0x1;
	v0 =	vand.u32 $0xFFFFF87F, v0;
	v38 =	vshll.u32 v1, $0x3  }
0xc6: {  	v50 =	vld [tilespmem:s14+$0x1F0];
	v39 =	vshrl.u32 v1, $0x1;
	v1 =	vand.u32 $0xFFFFF87F, v1;
	v40 =	vshll.u32 v2, $0x3  }
0xc7: {  	v41 =	vshrl.u32 v2, $0x1;
	v2 =	vand.u32 $0xFFFFF87F, v2;
	v44 =	vshll.u32 v5, $0x3  }
0xc8: {  	v45 =	vshrl.u32 v5, $0x1;
	v5 =	vand.u32 $0xFFFFF87F, v5;
	v47 =	vshll.u32 v6, $0x3  }
0xc9: {  	v49 =	vand.u32 $0xFFFFF87F, v6;
	v6 =	vshrl.u32 v6, $0x1;
	v51 =	vshll.u32 v42, $0x3  }
0xca: {  	v52 =	vshrl.u32 v42, $0x1;
	v9 =	vand.u32 $0xFFFFF87F, v42;
	v53 =	vshll.u32 v46, $0x3  }
0xcb: {  	v54 =	vshrl.u32 v46, $0x1;
	v55 =	vshll.u32 v50, $0x3;
	v56 =	vshrl.u32 v50, $0x1  }
0xcc: {  	v8 =	vand.u32 $0xFFFFF87F, v50;
	v3 =	vand.u32 $0x400, v36;
	v4 =	vand.u32 $0x380, v37  }
0xcd: {  	v7 =	vand.u32 $0x400, v40;
	v43 =	vand.u32 $0x380, v41;
	v48 =	vand.u32 $0x400, v47  }
0xce: {  	v6 =	vand.u32 $0x380, v6;
	v10 =	vand.u32 $0x380, v52;
	v0 =	vor.u32 v3, v0  }
0xcf: {  	v3 =	vand.u32 $0x400, v38;
	v2 =	vor.u32 v7, v2;
	v7 =	vand.u32 $0xFFFFF87F, v46  }
0xd0: {  	v0 =	vor.u32 v4, v0;
	v4 =	vand.u32 $0x380, v39;
	v1 =	vor.u32 v3, v1  }
0xd1: {  	v2 =	vor.u32 v43, v2;
	v3 =	vand.u32 $0x400, v44;
	v1 =	vor.u32 v4, v1  }
0xd2: {  	v4 =	vand.u32 $0x380, v45;
	v3 =	vor.u32 v3, v5;
	v5 =	vand.u32 $0x400, v51  }
0xd3: {  	v3 =	vor.u32 v4, v3;
	v4 =	vor.u32 v48, v49;
	v5 =	vor.u32 v5, v9  }
0xd4: {  	v9 =	vand.u32 $0x380, v54;
	v4 =	vor.u32 v6, v4;
	v6 =	vand.u32 $0x400, v53  }
0xd5: {  	v5 =	vor.u32 v10, v5;
	v6 =	vor.u32 v6, v7;
	v7 =	vand.u32 $0x400, v55;
	v0 =	vld.idx.msk [tilespmem:v0+s17+$0x0], $0xffff  }
0xd6: {  	v57 =	vand.u32 $0x380, v56;
	v6 =	vor.u32 v9, v6;
	v7 =	vor.u32 v7, v8;
	v2 =	vld.idx.msk [tilespmem:v2+s17+$0x0], $0xffff  }
0xd7: {  	v1 =	vld.idx.msk [tilespmem:v1+s17+$0x0], $0xffff;
	v7 =	vor.u32 v57, v7  }
0xd8: {  	v3 =	vld.idx.msk [tilespmem:v3+s17+$0x0], $0xffff  }
0xd9: {  	v4 =	vld.idx.msk [tilespmem:v4+s17+$0x0], $0xffff  }
0xda: {  	v5 =	vld.idx.msk [tilespmem:v5+s17+$0x0], $0xffff  }
0xdb: {  	v6 =	vld.idx.msk [tilespmem:v6+s17+$0x0], $0xffff  }
0xdc: {  	v7 =	vld.idx.msk [tilespmem:v7+s17+$0x0], $0xffff;
	[tilespmem:$0x1A8A0] =	vst v0  }
0xdd: {  	[tilespmem:$0x1A8B0] =	vst v1  }
0xde: {  	[tilespmem:$0x1A8C0] =	vst v2  }
0xdf: {  	[tilespmem:$0x1A8D0] =	vst v3  }
0xe0: {  	[tilespmem:$0x1A500] =	vst v4  }
0xe1: {  	[tilespmem:$0x1A510] =	vst v5  }
0xe2: {  	[tilespmem:$0x1A520] =	vst v6  }
0xe3: {  	[tilespmem:$0x1A530] =	vst v7  }
0xe4: {  	v0 =	vld [tilespmem:s14+$0x200]  }
0xe5: {  	v1 =	vld [tilespmem:s14+$0x210]  }
0xe6: {  	v2 =	vld [tilespmem:s14+$0x220]  }
0xe7: {  	v5 =	vld [tilespmem:s14+$0x230]  }
0xe8: {  	v6 =	vld [tilespmem:s14+$0x240]  }
0xe9: {  	v12 =	vld [tilespmem:s14+$0x250];
	v58 =	vshll.u32 v0, $0x3  }
0xea: {  	v16 =	vld [tilespmem:s14+$0x260];
	v59 =	vshrl.u32 v0, $0x1;
	v0 =	vand.u32 $0xFFFFF87F, v0;
	v60 =	vshll.u32 v1, $0x3  }
0xeb: {  	v20 =	vld [tilespmem:s14+$0x270];
	v61 =	vshrl.u32 v1, $0x1;
	v1 =	vand.u32 $0xFFFFF87F, v1;
	v62 =	vshll.u32 v2, $0x3  }
0xec: {  	v63 =	vshrl.u32 v2, $0x1;
	v2 =	vand.u32 $0xFFFFF87F, v2;
	v14 =	vshll.u32 v5, $0x3  }
0xed: {  	v15 =	vshrl.u32 v5, $0x1;
	v5 =	vand.u32 $0xFFFFF87F, v5;
	v17 =	vshll.u32 v6, $0x3  }
0xee: {  	v19 =	vand.u32 $0xFFFFF87F, v6;
	v6 =	vshrl.u32 v6, $0x1;
	v21 =	vshll.u32 v12, $0x3  }
0xef: {  	v22 =	vshrl.u32 v12, $0x1;
	v9 =	vand.u32 $0xFFFFF87F, v12;
	v23 =	vshll.u32 v16, $0x3  }
0xf0: {  	v24 =	vshrl.u32 v16, $0x1;
	v25 =	vshll.u32 v20, $0x3;
	v26 =	vshrl.u32 v20, $0x1  }
0xf1: {  	v8 =	vand.u32 $0xFFFFF87F, v20;
	v3 =	vand.u32 $0x400, v58;
	v4 =	vand.u32 $0x380, v59  }
0xf2: {  	v7 =	vand.u32 $0x400, v62;
	v13 =	vand.u32 $0x380, v63;
	v18 =	vand.u32 $0x400, v17  }
0xf3: {  	v6 =	vand.u32 $0x380, v6;
	v10 =	vand.u32 $0x380, v22;
	v0 =	vor.u32 v3, v0  }
0xf4: {  	v3 =	vand.u32 $0x400, v60;
	v2 =	vor.u32 v7, v2;
	v7 =	vand.u32 $0xFFFFF87F, v16  }
0xf5: {  	v0 =	vor.u32 v4, v0;
	v4 =	vand.u32 $0x380, v61;
	v1 =	vor.u32 v3, v1  }
0xf6: {  	v2 =	vor.u32 v13, v2;
	v3 =	vand.u32 $0x400, v14;
	v1 =	vor.u32 v4, v1  }
0xf7: {  	v4 =	vand.u32 $0x380, v15;
	v3 =	vor.u32 v3, v5;
	v5 =	vand.u32 $0x400, v21  }
0xf8: {  	v3 =	vor.u32 v4, v3;
	v4 =	vor.u32 v18, v19;
	v5 =	vor.u32 v5, v9  }
0xf9: {  	v9 =	vand.u32 $0x380, v24;
	v4 =	vor.u32 v6, v4;
	v6 =	vand.u32 $0x400, v23  }
0xfa: {  	v5 =	vor.u32 v10, v5;
	v6 =	vor.u32 v6, v7;
	v7 =	vand.u32 $0x400, v25;
	v0 =	vld.idx.msk [tilespmem:v0+s17+$0x0], $0xffff  }
0xfb: {  	v27 =	vand.u32 $0x380, v26;
	v6 =	vor.u32 v9, v6;
	v7 =	vor.u32 v7, v8;
	v2 =	vld.idx.msk [tilespmem:v2+s17+$0x0], $0xffff  }
0xfc: {  	v1 =	vld.idx.msk [tilespmem:v1+s17+$0x0], $0xffff;
	v7 =	vor.u32 v27, v7  }
0xfd: {  	v3 =	vld.idx.msk [tilespmem:v3+s17+$0x0], $0xffff  }
0xfe: {  	v4 =	vld.idx.msk [tilespmem:v4+s17+$0x0], $0xffff  }
0xff: {  	v5 =	vld.idx.msk [tilespmem:v5+s17+$0x0], $0xffff  }
0x100: {  	v6 =	vld.idx.msk [tilespmem:v6+s17+$0x0], $0xffff  }
0x101: {  	v7 =	vld.idx.msk [tilespmem:v7+s17+$0x0], $0xffff;
	[tilespmem:$0x1A540] =	vst v0  }
0x102: {  	[tilespmem:$0x1A550] =	vst v1  }
0x103: {  	[tilespmem:$0x1A560] =	vst v2  }
0x104: {  	[tilespmem:$0x1A570] =	vst v3  }
0x105: {  	[tilespmem:$0x1A900] =	vst v4  }
0x106: {  	[tilespmem:$0x1A910] =	vst v5  }
0x107: {  	[tilespmem:$0x1A920] =	vst v6  }
0x108: {  	[tilespmem:$0x1A930] =	vst v7  }
0x109: {  	v0 =	vld [tilespmem:s14+$0x280]  }
0x10a: {  	v1 =	vld [tilespmem:s14+$0x290]  }
0x10b: {  	v2 =	vld [tilespmem:s14+$0x2A0]  }
0x10c: {  	v5 =	vld [tilespmem:s14+$0x2B0]  }
0x10d: {  	v6 =	vld [tilespmem:s14+$0x2C0]  }
0x10e: {  	v34 =	vld [tilespmem:s14+$0x2D0];
	v28 =	vshll.u32 v0, $0x3  }
0x10f: {  	v38 =	vld [tilespmem:s14+$0x2E0];
	v29 =	vshrl.u32 v0, $0x1;
	v0 =	vand.u32 $0xFFFFF87F, v0;
	v30 =	vshll.u32 v1, $0x3  }
0x110: {  	v42 =	vld [tilespmem:s14+$0x2F0];
	v31 =	vshrl.u32 v1, $0x1;
	v1 =	vand.u32 $0xFFFFF87F, v1;
	v32 =	vshll.u32 v2, $0x3  }
0x111: {  	v33 =	vshrl.u32 v2, $0x1;
	v2 =	vand.u32 $0xFFFFF87F, v2;
	v36 =	vshll.u32 v5, $0x3  }
0x112: {  	v37 =	vshrl.u32 v5, $0x1;
	v5 =	vand.u32 $0xFFFFF87F, v5;
	v39 =	vshll.u32 v6, $0x3  }
0x113: {  	v41 =	vand.u32 $0xFFFFF87F, v6;
	v6 =	vshrl.u32 v6, $0x1;
	v43 =	vshll.u32 v34, $0x3  }
0x114: {  	v44 =	vshrl.u32 v34, $0x1;
	v9 =	vand.u32 $0xFFFFF87F, v34;
	v45 =	vshll.u32 v38, $0x3  }
0x115: {  	v46 =	vshrl.u32 v38, $0x1;
	v47 =	vshll.u32 v42, $0x3;
	v48 =	vshrl.u32 v42, $0x1  }
0x116: {  	v8 =	vand.u32 $0xFFFFF87F, v42;
	v3 =	vand.u32 $0x400, v28;
	v4 =	vand.u32 $0x380, v29  }
0x117: {  	v7 =	vand.u32 $0x400, v32;
	v35 =	vand.u32 $0x380, v33;
	v40 =	vand.u32 $0x400, v39  }
0x118: {  	v6 =	vand.u32 $0x380, v6;
	v10 =	vand.u32 $0x380, v44;
	v0 =	vor.u32 v3, v0  }
0x119: {  	v3 =	vand.u32 $0x400, v30;
	v2 =	vor.u32 v7, v2;
	v7 =	vand.u32 $0xFFFFF87F, v38  }
0x11a: {  	v0 =	vor.u32 v4, v0;
	v4 =	vand.u32 $0x380, v31;
	v1 =	vor.u32 v3, v1  }
0x11b: {  	v2 =	vor.u32 v35, v2;
	v3 =	vand.u32 $0x400, v36;
	v1 =	vor.u32 v4, v1  }
0x11c: {  	v4 =	vand.u32 $0x380, v37;
	v3 =	vor.u32 v3, v5;
	v5 =	vand.u32 $0x400, v43  }
0x11d: {  	v3 =	vor.u32 v4, v3;
	v4 =	vor.u32 v40, v41;
	v5 =	vor.u32 v5, v9  }
0x11e: {  	v9 =	vand.u32 $0x380, v46;
	v4 =	vor.u32 v6, v4;
	v6 =	vand.u32 $0x400, v45  }
0x11f: {  	v5 =	vor.u32 v10, v5;
	v6 =	vor.u32 v6, v7;
	v7 =	vand.u32 $0x400, v47;
	v0 =	vld.idx.msk [tilespmem:v0+s17+$0x0], $0xffff  }
0x120: {  	v49 =	vand.u32 $0x380, v48;
	v6 =	vor.u32 v9, v6;
	v7 =	vor.u32 v7, v8;
	v2 =	vld.idx.msk [tilespmem:v2+s17+$0x0], $0xffff  }
0x121: {  	v1 =	vld.idx.msk [tilespmem:v1+s17+$0x0], $0xffff;
	v7 =	vor.u32 v49, v7  }
0x122: {  	v3 =	vld.idx.msk [tilespmem:v3+s17+$0x0], $0xffff  }
0x123: {  	v4 =	vld.idx.msk [tilespmem:v4+s17+$0x0], $0xffff  }
0x124: {  	v5 =	vld.idx.msk [tilespmem:v5+s17+$0x0], $0xffff  }
0x125: {  	v6 =	vld.idx.msk [tilespmem:v6+s17+$0x0], $0xffff  }
0x126: {  	v7 =	vld.idx.msk [tilespmem:v7+s17+$0x0], $0xffff;
	[tilespmem:$0x1A940] =	vst v0  }
0x127: {  	[tilespmem:$0x1A950] =	vst v1  }
0x128: {  	[tilespmem:$0x1A580] =	vst v2  }
0x129: {  	[tilespmem:$0x1A590] =	vst v3  }
0x12a: {  	[tilespmem:$0x1A5A0] =	vst v4  }
0x12b: {  	[tilespmem:$0x1A5B0] =	vst v5  }
0x12c: {  	[tilespmem:$0x1A5C0] =	vst v6  }
0x12d: {  	[tilespmem:$0x1A5D0] =	vst v7  }
0x12e: {  	v0 =	vld [tilespmem:s14+$0x300]  }
0x12f: {  	v1 =	vld [tilespmem:s14+$0x310]  }
0x130: {  	v2 =	vld [tilespmem:s14+$0x320]  }
0x131: {  	v5 =	vld [tilespmem:s14+$0x330]  }
0x132: {  	v6 =	vld [tilespmem:s14+$0x340]  }
0x133: {  	v56 =	vld [tilespmem:s14+$0x350];
	v50 =	vshll.u32 v0, $0x3  }
0x134: {  	v60 =	vld [tilespmem:s14+$0x360];
	v51 =	vshrl.u32 v0, $0x1;
	v0 =	vand.u32 $0xFFFFF87F, v0;
	v52 =	vshll.u32 v1, $0x3  }
0x135: {  	v12 =	vld [tilespmem:s14+$0x370];
	v53 =	vshrl.u32 v1, $0x1;
	v1 =	vand.u32 $0xFFFFF87F, v1;
	v54 =	vshll.u32 v2, $0x3  }
0x136: {  	v55 =	vshrl.u32 v2, $0x1;
	v2 =	vand.u32 $0xFFFFF87F, v2;
	v58 =	vshll.u32 v5, $0x3  }
0x137: {  	v59 =	vshrl.u32 v5, $0x1;
	v5 =	vand.u32 $0xFFFFF87F, v5;
	v61 =	vshll.u32 v6, $0x3  }
0x138: {  	v63 =	vand.u32 $0xFFFFF87F, v6;
	v6 =	vshrl.u32 v6, $0x1;
	v13 =	vshll.u32 v56, $0x3  }
0x139: {  	v14 =	vshrl.u32 v56, $0x1;
	v9 =	vand.u32 $0xFFFFF87F, v56;
	v15 =	vshll.u32 v60, $0x3  }
0x13a: {  	v16 =	vshrl.u32 v60, $0x1;
	v17 =	vshll.u32 v12, $0x3;
	v18 =	vshrl.u32 v12, $0x1  }
0x13b: {  	v8 =	vand.u32 $0xFFFFF87F, v12;
	v3 =	vand.u32 $0x400, v50;
	v4 =	vand.u32 $0x380, v51  }
0x13c: {  	v7 =	vand.u32 $0x400, v54;
	v57 =	vand.u32 $0x380, v55;
	v62 =	vand.u32 $0x400, v61  }
0x13d: {  	v6 =	vand.u32 $0x380, v6;
	v10 =	vand.u32 $0x380, v14;
	v0 =	vor.u32 v3, v0  }
0x13e: {  	v3 =	vand.u32 $0x400, v52;
	v2 =	vor.u32 v7, v2;
	v7 =	vand.u32 $0xFFFFF87F, v60  }
0x13f: {  	v0 =	vor.u32 v4, v0;
	v4 =	vand.u32 $0x380, v53;
	v1 =	vor.u32 v3, v1  }
0x140: {  	v2 =	vor.u32 v57, v2;
	v3 =	vand.u32 $0x400, v58;
	v1 =	vor.u32 v4, v1  }
0x141: {  	v4 =	vand.u32 $0x380, v59;
	v3 =	vor.u32 v3, v5;
	v5 =	vand.u32 $0x400, v13  }
0x142: {  	v3 =	vor.u32 v4, v3;
	v4 =	vor.u32 v62, v63;
	v5 =	vor.u32 v5, v9  }
0x143: {  	v9 =	vand.u32 $0x380, v16;
	v4 =	vor.u32 v6, v4;
	v6 =	vand.u32 $0x400, v15  }
0x144: {  	v5 =	vor.u32 v10, v5;
	v6 =	vor.u32 v6, v7;
	v7 =	vand.u32 $0x400, v17;
	v0 =	vld.idx.msk [tilespmem:v0+s17+$0x0], $0xffff  }
0x145: {  	v19 =	vand.u32 $0x380, v18;
	v6 =	vor.u32 v9, v6;
	v7 =	vor.u32 v7, v8;
	v2 =	vld.idx.msk [tilespmem:v2+s17+$0x0], $0xffff  }
0x146: {  	v1 =	vld.idx.msk [tilespmem:v1+s17+$0x0], $0xffff;
	v7 =	vor.u32 v19, v7  }
0x147: {  	v3 =	vld.idx.msk [tilespmem:v3+s17+$0x0], $0xffff  }
0x148: {  	v4 =	vld.idx.msk [tilespmem:v4+s17+$0x0], $0xffff  }
0x149: {  	v5 =	vld.idx.msk [tilespmem:v5+s17+$0x0], $0xffff  }
0x14a: {  	v6 =	vld.idx.msk [tilespmem:v6+s17+$0x0], $0xffff  }
0x14b: {  	v7 =	vld.idx.msk [tilespmem:v7+s17+$0x0], $0xffff;
	[tilespmem:$0x1A5E0] =	vst v0  }
0x14c: {  	[tilespmem:$0x1A5F0] =	vst v1  }
0x14d: {  	[tilespmem:$0x1A980] =	vst v2  }
0x14e: {  	[tilespmem:$0x1A990] =	vst v3  }
0x14f: {  	[tilespmem:$0x1A9A0] =	vst v4  }
0x150: {  	[tilespmem:$0x1A9B0] =	vst v5  }
0x151: {  	[tilespmem:$0x1A9C0] =	vst v6  }
0x152: {  	[tilespmem:$0x1A9D0] =	vst v7  }
0x153: {  	v0 =	vld [tilespmem:s14+$0x380]  }
0x154: {  	v1 =	vld [tilespmem:s14+$0x390]  }
0x155: {  	v2 =	vld [tilespmem:s14+$0x3A0]  }
0x156: {  	v5 =	vld [tilespmem:s14+$0x3B0]  }
0x157: {  	v6 =	vld [tilespmem:s14+$0x3C0]  }
0x158: {  	v26 =	vld [tilespmem:s14+$0x3D0];
	v20 =	vshll.u32 v0, $0x3  }
0x159: {  	v30 =	vld [tilespmem:s14+$0x3E0];
	v21 =	vshrl.u32 v0, $0x1;
	v0 =	vand.u32 $0xFFFFF87F, v0;
	v22 =	vshll.u32 v1, $0x3  }
0x15a: {  	v34 =	vld [tilespmem:s14+$0x3F0];
	v23 =	vshrl.u32 v1, $0x1;
	v1 =	vand.u32 $0xFFFFF87F, v1;
	v24 =	vshll.u32 v2, $0x3  }
0x15b: {  	v25 =	vshrl.u32 v2, $0x1;
	v2 =	vand.u32 $0xFFFFF87F, v2;
	v28 =	vshll.u32 v5, $0x3  }
0x15c: {  	v29 =	vshrl.u32 v5, $0x1;
	v5 =	vand.u32 $0xFFFFF87F, v5;
	v31 =	vshll.u32 v6, $0x3  }
0x15d: {  	v33 =	vand.u32 $0xFFFFF87F, v6;
	v6 =	vshrl.u32 v6, $0x1;
	v35 =	vshll.u32 v26, $0x3  }
0x15e: {  	v36 =	vshrl.u32 v26, $0x1;
	v9 =	vand.u32 $0xFFFFF87F, v26;
	v37 =	vshll.u32 v30, $0x3  }
0x15f: {  	v38 =	vshrl.u32 v30, $0x1;
	v39 =	vshll.u32 v34, $0x3;
	v40 =	vshrl.u32 v34, $0x1  }
0x160: {  	v8 =	vand.u32 $0xFFFFF87F, v34;
	v3 =	vand.u32 $0x400, v20;
	v4 =	vand.u32 $0x380, v21  }
0x161: {  	v7 =	vand.u32 $0x400, v24;
	v27 =	vand.u32 $0x380, v25;
	v32 =	vand.u32 $0x400, v31  }
0x162: {  	v6 =	vand.u32 $0x380, v6;
	v10 =	vand.u32 $0x380, v36;
	v0 =	vor.u32 v3, v0  }
0x163: {  	v3 =	vand.u32 $0x400, v22;
	v2 =	vor.u32 v7, v2;
	v7 =	vand.u32 $0xFFFFF87F, v30  }
0x164: {  	v0 =	vor.u32 v4, v0;
	v4 =	vand.u32 $0x380, v23;
	v1 =	vor.u32 v3, v1  }
0x165: {  	v2 =	vor.u32 v27, v2;
	v3 =	vand.u32 $0x400, v28;
	v1 =	vor.u32 v4, v1  }
0x166: {  	v4 =	vand.u32 $0x380, v29;
	v3 =	vor.u32 v3, v5;
	v5 =	vand.u32 $0x400, v35  }
0x167: {  	v3 =	vor.u32 v4, v3;
	v4 =	vor.u32 v32, v33;
	v5 =	vor.u32 v5, v9  }
0x168: {  	v9 =	vand.u32 $0x380, v38;
	v4 =	vor.u32 v6, v4;
	v6 =	vand.u32 $0x400, v37  }
0x169: {  	v5 =	vor.u32 v10, v5;
	v6 =	vor.u32 v6, v7;
	v7 =	vand.u32 $0x400, v39;
	v0 =	vld.idx.msk [tilespmem:v0+s17+$0x0], $0xffff  }
0x16a: {  	v41 =	vand.u32 $0x380, v40;
	v6 =	vor.u32 v9, v6;
	v7 =	vor.u32 v7, v8;
	v2 =	vld.idx.msk [tilespmem:v2+s17+$0x0], $0xffff  }
0x16b: {  	v1 =	vld.idx.msk [tilespmem:v1+s17+$0x0], $0xffff;
	v7 =	vor.u32 v41, v7  }
0x16c: {  	v3 =	vld.idx.msk [tilespmem:v3+s17+$0x0], $0xffff  }
0x16d: {  	v4 =	vld.idx.msk [tilespmem:v4+s17+$0x0], $0xffff  }
0x16e: {  	v5 =	vld.idx.msk [tilespmem:v5+s17+$0x0], $0xffff  }
0x16f: {  	v6 =	vld.idx.msk [tilespmem:v6+s17+$0x0], $0xffff  }
0x170: {  	v7 =	vld.idx.msk [tilespmem:v7+s17+$0x0], $0xffff;
	[tilespmem:$0x1A600] =	vst v0  }
0x171: {  	[tilespmem:$0x1A610] =	vst v1  }
0x172: {  	[tilespmem:$0x1A620] =	vst v2  }
0x173: {  	[tilespmem:$0x1A630] =	vst v3  }
0x174: {  	[tilespmem:$0x1A640] =	vst v4  }
0x175: {  	[tilespmem:$0x1A650] =	vst v5  }
0x176: {  	[tilespmem:$0x1A660] =	vst v6  }
0x177: {  	[tilespmem:$0x1A670] =	vst v7  }
0x178: {  	v0 =	vld [tilespmem:s14+$0x400]  }
0x179: {  	v1 =	vld [tilespmem:s14+$0x410]  }
0x17a: {  	v2 =	vld [tilespmem:s14+$0x420]  }
0x17b: {  	v5 =	vld [tilespmem:s14+$0x430]  }
0x17c: {  	v6 =	vld [tilespmem:s14+$0x440]  }
0x17d: {  	v48 =	vld [tilespmem:s14+$0x450];
	v42 =	vshll.u32 v0, $0x3  }
0x17e: {  	v52 =	vld [tilespmem:s14+$0x460];
	v43 =	vshrl.u32 v0, $0x1;
	v0 =	vand.u32 $0xFFFFF87F, v0;
	v44 =	vshll.u32 v1, $0x3  }
0x17f: {  	v56 =	vld [tilespmem:s14+$0x470];
	v45 =	vshrl.u32 v1, $0x1;
	v1 =	vand.u32 $0xFFFFF87F, v1;
	v46 =	vshll.u32 v2, $0x3  }
0x180: {  	v47 =	vshrl.u32 v2, $0x1;
	v2 =	vand.u32 $0xFFFFF87F, v2;
	v50 =	vshll.u32 v5, $0x3  }
0x181: {  	v51 =	vshrl.u32 v5, $0x1;
	v5 =	vand.u32 $0xFFFFF87F, v5;
	v53 =	vshll.u32 v6, $0x3  }
0x182: {  	v55 =	vand.u32 $0xFFFFF87F, v6;
	v6 =	vshrl.u32 v6, $0x1;
	v57 =	vshll.u32 v48, $0x3  }
0x183: {  	v58 =	vshrl.u32 v48, $0x1;
	v9 =	vand.u32 $0xFFFFF87F, v48;
	v59 =	vshll.u32 v52, $0x3  }
0x184: {  	v60 =	vshrl.u32 v52, $0x1;
	v61 =	vshll.u32 v56, $0x3;
	v62 =	vshrl.u32 v56, $0x1  }
0x185: {  	v8 =	vand.u32 $0xFFFFF87F, v56;
	v3 =	vand.u32 $0x400, v42;
	v4 =	vand.u32 $0x380, v43  }
0x186: {  	v7 =	vand.u32 $0x400, v46;
	v49 =	vand.u32 $0x380, v47;
	v54 =	vand.u32 $0x400, v53  }
0x187: {  	v6 =	vand.u32 $0x380, v6;
	v10 =	vand.u32 $0x380, v58;
	v0 =	vor.u32 v3, v0  }
0x188: {  	v3 =	vand.u32 $0x400, v44;
	v2 =	vor.u32 v7, v2;
	v7 =	vand.u32 $0xFFFFF87F, v52  }
0x189: {  	v0 =	vor.u32 v4, v0;
	v4 =	vand.u32 $0x380, v45;
	v1 =	vor.u32 v3, v1  }
0x18a: {  	v2 =	vor.u32 v49, v2;
	v3 =	vand.u32 $0x400, v50;
	v1 =	vor.u32 v4, v1  }
0x18b: {  	v4 =	vand.u32 $0x380, v51;
	v3 =	vor.u32 v3, v5;
	v5 =	vand.u32 $0x400, v57  }
0x18c: {  	v3 =	vor.u32 v4, v3;
	v4 =	vor.u32 v54, v55;
	v5 =	vor.u32 v5, v9  }
0x18d: {  	v9 =	vand.u32 $0x380, v60;
	v4 =	vor.u32 v6, v4;
	v6 =	vand.u32 $0x400, v59  }
0x18e: {  	v5 =	vor.u32 v10, v5;
	v6 =	vor.u32 v6, v7;
	v7 =	vand.u32 $0x400, v61;
	v0 =	vld.idx.msk [tilespmem:v0+s17+$0x0], $0xffff  }
0x18f: {  	v63 =	vand.u32 $0x380, v62;
	v6 =	vor.u32 v9, v6;
	v7 =	vor.u32 v7, v8;
	v2 =	vld.idx.msk [tilespmem:v2+s17+$0x0], $0xffff  }
0x190: {  	v1 =	vld.idx.msk [tilespmem:v1+s17+$0x0], $0xffff;
	v7 =	vor.u32 v63, v7  }
0x191: {  	v3 =	vld.idx.msk [tilespmem:v3+s17+$0x0], $0xffff  }
0x192: {  	v4 =	vld.idx.msk [tilespmem:v4+s17+$0x0], $0xffff  }
0x193: {  	v5 =	vld.idx.msk [tilespmem:v5+s17+$0x0], $0xffff  }
0x194: {  	v6 =	vld.idx.msk [tilespmem:v6+s17+$0x0], $0xffff  }
0x195: {  	v7 =	vld.idx.msk [tilespmem:v7+s17+$0x0], $0xffff;
	[tilespmem:$0x1AA00] =	vst v0  }
0x196: {  	[tilespmem:$0x1AA10] =	vst v1  }
0x197: {  	[tilespmem:$0x1AA20] =	vst v2  }
0x198: {  	[tilespmem:$0x1AA30] =	vst v3  }
0x199: {  	[tilespmem:$0x1AA40] =	vst v4  }
0x19a: {  	[tilespmem:$0x1AA50] =	vst v5  }
0x19b: {  	[tilespmem:$0x1A680] =	vst v6  }
0x19c: {  	[tilespmem:$0x1A690] =	vst v7  }
0x19d: {  	v0 =	vld [tilespmem:s14+$0x480]  }
0x19e: {  	v1 =	vld [tilespmem:s14+$0x490]  }
0x19f: {  	v2 =	vld [tilespmem:s14+$0x4A0]  }
0x1a0: {  	v5 =	vld [tilespmem:s14+$0x4B0]  }
0x1a1: {  	v6 =	vld [tilespmem:s14+$0x4C0]  }
0x1a2: {  	v15 =	vld [tilespmem:s14+$0x4D0];
	v9 =	vshll.u32 v0, $0x3  }
0x1a3: {  	v19 =	vld [tilespmem:s14+$0x4E0];
	v10 =	vshrl.u32 v0, $0x1;
	v0 =	vand.u32 $0xFFFFF87F, v0;
	v11 =	vshll.u32 v1, $0x3  }
0x1a4: {  	v23 =	vld [tilespmem:s14+$0x4F0];
	v12 =	vshrl.u32 v1, $0x1;
	v1 =	vand.u32 $0xFFFFF87F, v1;
	v13 =	vshll.u32 v2, $0x3  }
0x1a5: {  	v14 =	vshrl.u32 v2, $0x1;
	v2 =	vand.u32 $0xFFFFF87F, v2;
	v17 =	vshll.u32 v5, $0x3  }
0x1a6: {  	v18 =	vshrl.u32 v5, $0x1;
	v5 =	vand.u32 $0xFFFFF87F, v5;
	v20 =	vshll.u32 v6, $0x3  }
0x1a7: {  	v22 =	vand.u32 $0xFFFFF87F, v6;
	v6 =	vshrl.u32 v6, $0x1;
	v24 =	vshll.u32 v15, $0x3  }
0x1a8: {  	v25 =	vshrl.u32 v15, $0x1;
	v26 =	vshll.u32 v19, $0x3;
	v27 =	vshrl.u32 v19, $0x1  }
0x1a9: {  	v28 =	vshll.u32 v23, $0x3;
	v29 =	vshrl.u32 v23, $0x1;
	v8 =	vand.u32 $0xFFFFF87F, v23  }
0x1aa: {  	v3 =	vand.u32 $0x400, v9;
	v4 =	vand.u32 $0x380, v10;
	v7 =	vand.u32 $0x400, v13  }
0x1ab: {  	v16 =	vand.u32 $0x380, v14;
	v21 =	vand.u32 $0x400, v20;
	v9 =	vand.u32 $0xFFFFF87F, v15  }
0x1ac: {  	v6 =	vand.u32 $0x380, v6;
	v10 =	vand.u32 $0x380, v25;
	v0 =	vor.u32 v3, v0  }
0x1ad: {  	v3 =	vand.u32 $0x400, v11;
	v2 =	vor.u32 v7, v2;
	v7 =	vand.u32 $0xFFFFF87F, v19  }
0x1ae: {  	v0 =	vor.u32 v4, v0;
	v4 =	vand.u32 $0x380, v12;
	v1 =	vor.u32 v3, v1  }
0x1af: {  	v2 =	vor.u32 v16, v2;
	v3 =	vand.u32 $0x400, v17;
	v1 =	vor.u32 v4, v1  }
0x1b0: {  	v4 =	vand.u32 $0x380, v18;
	v3 =	vor.u32 v3, v5;
	v5 =	vand.u32 $0x400, v24  }
0x1b1: {  	v3 =	vor.u32 v4, v3;
	v4 =	vor.u32 v21, v22;
	v5 =	vor.u32 v5, v9  }
0x1b2: {  	v9 =	vand.u32 $0x380, v27;
	v4 =	vor.u32 v6, v4;
	v6 =	vand.u32 $0x400, v26  }
0x1b3: {  	v5 =	vor.u32 v10, v5;
	v6 =	vor.u32 v6, v7;
	v7 =	vand.u32 $0x400, v28;
	v0 =	vld.idx.msk [tilespmem:v0+s17+$0x0], $0xffff  }
0x1b4: {  	v30 =	vand.u32 $0x380, v29;
	v6 =	vor.u32 v9, v6;
	v7 =	vor.u32 v7, v8;
	v2 =	vld.idx.msk [tilespmem:v2+s17+$0x0], $0xffff  }
0x1b5: {  	v1 =	vld.idx.msk [tilespmem:v1+s17+$0x0], $0xffff;
	v7 =	vor.u32 v30, v7  }
0x1b6: {  	v3 =	vld.idx.msk [tilespmem:v3+s17+$0x0], $0xffff  }
0x1b7: {  	v4 =	vld.idx.msk [tilespmem:v4+s17+$0x0], $0xffff  }
0x1b8: {  	v5 =	vld.idx.msk [tilespmem:v5+s17+$0x0], $0xffff  }
0x1b9: {  	v6 =	vld.idx.msk [tilespmem:v6+s17+$0x0], $0xffff  }
0x1ba: {  	v7 =	vld.idx.msk [tilespmem:v7+s17+$0x0], $0xffff;
	[tilespmem:$0x1A6A0] =	vst v0  }
0x1bb: {  	[tilespmem:$0x1A6B0] =	vst v1  }
0x1bc: {  	[tilespmem:$0x1A6C0] =	vst v2  }
0x1bd: {  	[tilespmem:$0x1A6D0] =	vst v3  }
0x1be: {  	[tilespmem:$0x1A6E0] =	vst v4  }
0x1bf: {  	[tilespmem:$0x1A6F0] =	vst v5  }
0x1c0: {  	[tilespmem:$0x1AA80] =	vst v6  }
0x1c1: {  	[tilespmem:$0x1AA90] =	vst v7  }
0x1c2: {  	v0 =	vld [tilespmem:s14+$0x500]  }
0x1c3: {  	v1 =	vld [tilespmem:s14+$0x510]  }
0x1c4: {  	v2 =	vld [tilespmem:s14+$0x520]  }
0x1c5: {  	v5 =	vld [tilespmem:s14+$0x530]  }
0x1c6: {  	v6 =	vld [tilespmem:s14+$0x540]  }
0x1c7: {  	v37 =	vld [tilespmem:s14+$0x550];
	v31 =	vshll.u32 v0, $0x3  }
0x1c8: {  	v41 =	vld [tilespmem:s14+$0x560];
	v32 =	vshrl.u32 v0, $0x1;
	v0 =	vand.u32 $0xFFFFF87F, v0;
	v33 =	vshll.u32 v1, $0x3  }
0x1c9: {  	v45 =	vld [tilespmem:s14+$0x570];
	v34 =	vshrl.u32 v1, $0x1;
	v1 =	vand.u32 $0xFFFFF87F, v1;
	v35 =	vshll.u32 v2, $0x3  }
0x1ca: {  	v36 =	vshrl.u32 v2, $0x1;
	v2 =	vand.u32 $0xFFFFF87F, v2;
	v39 =	vshll.u32 v5, $0x3  }
0x1cb: {  	v40 =	vshrl.u32 v5, $0x1;
	v5 =	vand.u32 $0xFFFFF87F, v5;
	v42 =	vshll.u32 v6, $0x3  }
0x1cc: {  	v44 =	vand.u32 $0xFFFFF87F, v6;
	v6 =	vshrl.u32 v6, $0x1;
	v46 =	vshll.u32 v37, $0x3  }
0x1cd: {  	v47 =	vshrl.u32 v37, $0x1;
	v9 =	vand.u32 $0xFFFFF87F, v37;
	v48 =	vshll.u32 v41, $0x3  }
0x1ce: {  	v49 =	vshrl.u32 v41, $0x1;
	v50 =	vshll.u32 v45, $0x3;
	v51 =	vshrl.u32 v45, $0x1  }
0x1cf: {  	v8 =	vand.u32 $0xFFFFF87F, v45;
	v3 =	vand.u32 $0x400, v31;
	v4 =	vand.u32 $0x380, v32  }
0x1d0: {  	v7 =	vand.u32 $0x400, v35;
	v38 =	vand.u32 $0x380, v36;
	v43 =	vand.u32 $0x400, v42  }
0x1d1: {  	v6 =	vand.u32 $0x380, v6;
	v10 =	vand.u32 $0x380, v47;
	v0 =	vor.u32 v3, v0  }
0x1d2: {  	v3 =	vand.u32 $0x400, v33;
	v2 =	vor.u32 v7, v2;
	v7 =	vand.u32 $0xFFFFF87F, v41  }
0x1d3: {  	v0 =	vor.u32 v4, v0;
	v4 =	vand.u32 $0x380, v34;
	v1 =	vor.u32 v3, v1  }
0x1d4: {  	v2 =	vor.u32 v38, v2;
	v3 =	vand.u32 $0x400, v39;
	v1 =	vor.u32 v4, v1  }
0x1d5: {  	v4 =	vand.u32 $0x380, v40;
	v3 =	vor.u32 v3, v5;
	v5 =	vand.u32 $0x400, v46  }
0x1d6: {  	v3 =	vor.u32 v4, v3;
	v4 =	vor.u32 v43, v44;
	v5 =	vor.u32 v5, v9  }
0x1d7: {  	v9 =	vand.u32 $0x380, v49;
	v4 =	vor.u32 v6, v4;
	v6 =	vand.u32 $0x400, v48  }
0x1d8: {  	v5 =	vor.u32 v10, v5;
	v6 =	vor.u32 v6, v7;
	v7 =	vand.u32 $0x400, v50;
	v0 =	vld.idx.msk [tilespmem:v0+s17+$0x0], $0xffff  }
0x1d9: {  	v52 =	vand.u32 $0x380, v51;
	v6 =	vor.u32 v9, v6;
	v7 =	vor.u32 v7, v8;
	v2 =	vld.idx.msk [tilespmem:v2+s17+$0x0], $0xffff  }
0x1da: {  	v1 =	vld.idx.msk [tilespmem:v1+s17+$0x0], $0xffff;
	v7 =	vor.u32 v52, v7  }
0x1db: {  	v3 =	vld.idx.msk [tilespmem:v3+s17+$0x0], $0xffff  }
0x1dc: {  	v4 =	vld.idx.msk [tilespmem:v4+s17+$0x0], $0xffff  }
0x1dd: {  	v5 =	vld.idx.msk [tilespmem:v5+s17+$0x0], $0xffff  }
0x1de: {  	v6 =	vld.idx.msk [tilespmem:v6+s17+$0x0], $0xffff  }
0x1df: {  	v7 =	vld.idx.msk [tilespmem:v7+s17+$0x0], $0xffff;
	[tilespmem:$0x1AAA0] =	vst v0  }
0x1e0: {  	[tilespmem:$0x1AAB0] =	vst v1  }
0x1e1: {  	[tilespmem:$0x1AAC0] =	vst v2  }
0x1e2: {  	[tilespmem:$0x1AAD0] =	vst v3  }
0x1e3: {  	[tilespmem:$0x1A700] =	vst v4  }
0x1e4: {  	[tilespmem:$0x1A710] =	vst v5  }
0x1e5: {  	[tilespmem:$0x1A720] =	vst v6  }
0x1e6: {  	[tilespmem:$0x1A730] =	vst v7  }
0x1e7: {  	v0 =	vld [tilespmem:s14+$0x580]  }
0x1e8: {  	v1 =	vld [tilespmem:s14+$0x590]  }
0x1e9: {  	v2 =	vld [tilespmem:s14+$0x5A0]  }
0x1ea: {  	v5 =	vld [tilespmem:s14+$0x5B0]  }
0x1eb: {  	v6 =	vld [tilespmem:s14+$0x5C0]  }
0x1ec: {  	v59 =	vld [tilespmem:s14+$0x5D0];
	v53 =	vshll.u32 v0, $0x3  }
0x1ed: {  	v63 =	vld [tilespmem:s14+$0x5E0];
	v54 =	vshrl.u32 v0, $0x1;
	v0 =	vand.u32 $0xFFFFF87F, v0;
	v55 =	vshll.u32 v1, $0x3  }
0x1ee: {  	v15 =	vld [tilespmem:s14+$0x5F0];
	v56 =	vshrl.u32 v1, $0x1;
	v1 =	vand.u32 $0xFFFFF87F, v1;
	v57 =	vshll.u32 v2, $0x3  }
0x1ef: {  	v58 =	vshrl.u32 v2, $0x1;
	v2 =	vand.u32 $0xFFFFF87F, v2;
	v61 =	vshll.u32 v5, $0x3  }
0x1f0: {  	v62 =	vshrl.u32 v5, $0x1;
	v5 =	vand.u32 $0xFFFFF87F, v5;
	v12 =	vshll.u32 v6, $0x3  }
0x1f1: {  	v14 =	vand.u32 $0xFFFFF87F, v6;
	v6 =	vshrl.u32 v6, $0x1;
	v16 =	vshll.u32 v59, $0x3  }
0x1f2: {  	v17 =	vshrl.u32 v59, $0x1;
	v9 =	vand.u32 $0xFFFFF87F, v59;
	v18 =	vshll.u32 v63, $0x3  }
0x1f3: {  	v19 =	vshrl.u32 v63, $0x1;
	v20 =	vshll.u32 v15, $0x3;
	v21 =	vshrl.u32 v15, $0x1  }
0x1f4: {  	v8 =	vand.u32 $0xFFFFF87F, v15;
	v3 =	vand.u32 $0x400, v53;
	v4 =	vand.u32 $0x380, v54  }
0x1f5: {  	v7 =	vand.u32 $0x400, v57;
	v60 =	vand.u32 $0x380, v58;
	v13 =	vand.u32 $0x400, v12  }
0x1f6: {  	v6 =	vand.u32 $0x380, v6;
	v10 =	vand.u32 $0x380, v17;
	v0 =	vor.u32 v3, v0  }
0x1f7: {  	v3 =	vand.u32 $0x400, v55;
	v2 =	vor.u32 v7, v2;
	v7 =	vand.u32 $0xFFFFF87F, v63  }
0x1f8: {  	v0 =	vor.u32 v4, v0;
	v4 =	vand.u32 $0x380, v56;
	v1 =	vor.u32 v3, v1  }
0x1f9: {  	v2 =	vor.u32 v60, v2;
	v3 =	vand.u32 $0x400, v61;
	v1 =	vor.u32 v4, v1  }
0x1fa: {  	v4 =	vand.u32 $0x380, v62;
	v3 =	vor.u32 v3, v5;
	v5 =	vand.u32 $0x400, v16  }
0x1fb: {  	v3 =	vor.u32 v4, v3;
	v4 =	vor.u32 v13, v14;
	v5 =	vor.u32 v5, v9  }
0x1fc: {  	v9 =	vand.u32 $0x380, v19;
	v4 =	vor.u32 v6, v4;
	v6 =	vand.u32 $0x400, v18  }
0x1fd: {  	v5 =	vor.u32 v10, v5;
	v6 =	vor.u32 v6, v7;
	v7 =	vand.u32 $0x400, v20;
	v0 =	vld.idx.msk [tilespmem:v0+s17+$0x0], $0xffff  }
0x1fe: {  	v22 =	vand.u32 $0x380, v21;
	v6 =	vor.u32 v9, v6;
	v7 =	vor.u32 v7, v8;
	v2 =	vld.idx.msk [tilespmem:v2+s17+$0x0], $0xffff  }
0x1ff: {  	v1 =	vld.idx.msk [tilespmem:v1+s17+$0x0], $0xffff;
	v7 =	vor.u32 v22, v7  }
0x200: {  	v3 =	vld.idx.msk [tilespmem:v3+s17+$0x0], $0xffff  }
0x201: {  	v4 =	vld.idx.msk [tilespmem:v4+s17+$0x0], $0xffff  }
0x202: {  	v5 =	vld.idx.msk [tilespmem:v5+s17+$0x0], $0xffff  }
0x203: {  	v6 =	vld.idx.msk [tilespmem:v6+s17+$0x0], $0xffff  }
0x204: {  	v7 =	vld.idx.msk [tilespmem:v7+s17+$0x0], $0xffff;
	[tilespmem:$0x1A740] =	vst v0  }
0x205: {  	[tilespmem:$0x1A750] =	vst v1  }
0x206: {  	[tilespmem:$0x1A760] =	vst v2  }
0x207: {  	[tilespmem:$0x1A770] =	vst v3  }
0x208: {  	[tilespmem:$0x1AB00] =	vst v4  }
0x209: {  	[tilespmem:$0x1AB10] =	vst v5  }
0x20a: {  	[tilespmem:$0x1AB20] =	vst v6  }
0x20b: {  	[tilespmem:$0x1AB30] =	vst v7  }
0x20c: {  	v0 =	vld [tilespmem:s14+$0x600]  }
0x20d: {  	v1 =	vld [tilespmem:s14+$0x610]  }
0x20e: {  	v2 =	vld [tilespmem:s14+$0x620]  }
0x20f: {  	v5 =	vld [tilespmem:s14+$0x630]  }
0x210: {  	v6 =	vld [tilespmem:s14+$0x640]  }
0x211: {  	v29 =	vld [tilespmem:s14+$0x650];
	v23 =	vshll.u32 v0, $0x3  }
0x212: {  	v33 =	vld [tilespmem:s14+$0x660];
	v24 =	vshrl.u32 v0, $0x1;
	v0 =	vand.u32 $0xFFFFF87F, v0;
	v25 =	vshll.u32 v1, $0x3  }
0x213: {  	v37 =	vld [tilespmem:s14+$0x670];
	v26 =	vshrl.u32 v1, $0x1;
	v1 =	vand.u32 $0xFFFFF87F, v1;
	v27 =	vshll.u32 v2, $0x3  }
0x214: {  	v28 =	vshrl.u32 v2, $0x1;
	v2 =	vand.u32 $0xFFFFF87F, v2;
	v31 =	vshll.u32 v5, $0x3  }
0x215: {  	v32 =	vshrl.u32 v5, $0x1;
	v5 =	vand.u32 $0xFFFFF87F, v5;
	v34 =	vshll.u32 v6, $0x3  }
0x216: {  	v36 =	vand.u32 $0xFFFFF87F, v6;
	v6 =	vshrl.u32 v6, $0x1;
	v38 =	vshll.u32 v29, $0x3  }
0x217: {  	v39 =	vshrl.u32 v29, $0x1;
	v9 =	vand.u32 $0xFFFFF87F, v29;
	v40 =	vshll.u32 v33, $0x3  }
0x218: {  	v41 =	vshrl.u32 v33, $0x1;
	v42 =	vshll.u32 v37, $0x3;
	v43 =	vshrl.u32 v37, $0x1  }
0x219: {  	v8 =	vand.u32 $0xFFFFF87F, v37;
	v3 =	vand.u32 $0x400, v23;
	v4 =	vand.u32 $0x380, v24  }
0x21a: {  	v7 =	vand.u32 $0x400, v27;
	v30 =	vand.u32 $0x380, v28;
	v35 =	vand.u32 $0x400, v34  }
0x21b: {  	v6 =	vand.u32 $0x380, v6;
	v10 =	vand.u32 $0x380, v39;
	v0 =	vor.u32 v3, v0  }
0x21c: {  	v3 =	vand.u32 $0x400, v25;
	v2 =	vor.u32 v7, v2;
	v7 =	vand.u32 $0xFFFFF87F, v33  }
0x21d: {  	v0 =	vor.u32 v4, v0;
	v4 =	vand.u32 $0x380, v26;
	v1 =	vor.u32 v3, v1  }
0x21e: {  	v2 =	vor.u32 v30, v2;
	v3 =	vand.u32 $0x400, v31;
	v1 =	vor.u32 v4, v1  }
0x21f: {  	v4 =	vand.u32 $0x380, v32;
	v3 =	vor.u32 v3, v5;
	v5 =	vand.u32 $0x400, v38  }
0x220: {  	v3 =	vor.u32 v4, v3;
	v4 =	vor.u32 v35, v36;
	v5 =	vor.u32 v5, v9  }
0x221: {  	v9 =	vand.u32 $0x380, v41;
	v4 =	vor.u32 v6, v4;
	v6 =	vand.u32 $0x400, v40  }
0x222: {  	v5 =	vor.u32 v10, v5;
	v6 =	vor.u32 v6, v7;
	v7 =	vand.u32 $0x400, v42;
	v0 =	vld.idx.msk [tilespmem:v0+s17+$0x0], $0xffff  }
0x223: {  	v44 =	vand.u32 $0x380, v43;
	v6 =	vor.u32 v9, v6;
	v7 =	vor.u32 v7, v8;
	v2 =	vld.idx.msk [tilespmem:v2+s17+$0x0], $0xffff  }
0x224: {  	v1 =	vld.idx.msk [tilespmem:v1+s17+$0x0], $0xffff;
	v7 =	vor.u32 v44, v7  }
0x225: {  	v3 =	vld.idx.msk [tilespmem:v3+s17+$0x0], $0xffff  }
0x226: {  	v4 =	vld.idx.msk [tilespmem:v4+s17+$0x0], $0xffff  }
0x227: {  	v5 =	vld.idx.msk [tilespmem:v5+s17+$0x0], $0xffff  }
0x228: {  	v6 =	vld.idx.msk [tilespmem:v6+s17+$0x0], $0xffff  }
0x229: {  	v7 =	vld.idx.msk [tilespmem:v7+s17+$0x0], $0xffff;
	[tilespmem:$0x1AB40] =	vst v0  }
0x22a: {  	[tilespmem:$0x1AB50] =	vst v1  }
0x22b: {  	[tilespmem:$0x1A780] =	vst v2  }
0x22c: {  	[tilespmem:$0x1A790] =	vst v3  }
0x22d: {  	[tilespmem:$0x1A7A0] =	vst v4  }
0x22e: {  	[tilespmem:$0x1A7B0] =	vst v5  }
0x22f: {  	[tilespmem:$0x1A7C0] =	vst v6  }
0x230: {  	[tilespmem:$0x1A7D0] =	vst v7  }
0x231: {  	v0 =	vld [tilespmem:s14+$0x680]  }
0x232: {  	v1 =	vld [tilespmem:s14+$0x690]  }
0x233: {  	v2 =	vld [tilespmem:s14+$0x6A0]  }
0x234: {  	v5 =	vld [tilespmem:s14+$0x6B0]  }
0x235: {  	v6 =	vld [tilespmem:s14+$0x6C0]  }
0x236: {  	v51 =	vld [tilespmem:s14+$0x6D0];
	v45 =	vshll.u32 v0, $0x3  }
0x237: {  	v55 =	vld [tilespmem:s14+$0x6E0];
	v46 =	vshrl.u32 v0, $0x1;
	v0 =	vand.u32 $0xFFFFF87F, v0;
	v47 =	vshll.u32 v1, $0x3  }
0x238: {  	v59 =	vld [tilespmem:s14+$0x6F0];
	v48 =	vshrl.u32 v1, $0x1;
	v1 =	vand.u32 $0xFFFFF87F, v1;
	v49 =	vshll.u32 v2, $0x3  }
0x239: {  	v50 =	vshrl.u32 v2, $0x1;
	v2 =	vand.u32 $0xFFFFF87F, v2;
	v53 =	vshll.u32 v5, $0x3  }
0x23a: {  	v54 =	vshrl.u32 v5, $0x1;
	v5 =	vand.u32 $0xFFFFF87F, v5;
	v56 =	vshll.u32 v6, $0x3  }
0x23b: {  	v58 =	vand.u32 $0xFFFFF87F, v6;
	v6 =	vshrl.u32 v6, $0x1;
	v60 =	vshll.u32 v51, $0x3  }
0x23c: {  	v61 =	vshrl.u32 v51, $0x1;
	v9 =	vand.u32 $0xFFFFF87F, v51;
	v62 =	vshll.u32 v55, $0x3  }
0x23d: {  	v63 =	vshrl.u32 v55, $0x1;
	v12 =	vshll.u32 v59, $0x3;
	v13 =	vshrl.u32 v59, $0x1  }
0x23e: {  	v8 =	vand.u32 $0xFFFFF87F, v59;
	v3 =	vand.u32 $0x400, v45;
	v4 =	vand.u32 $0x380, v46  }
0x23f: {  	v7 =	vand.u32 $0x400, v49;
	v52 =	vand.u32 $0x380, v50;
	v57 =	vand.u32 $0x400, v56  }
0x240: {  	v6 =	vand.u32 $0x380, v6;
	v10 =	vand.u32 $0x380, v61;
	v0 =	vor.u32 v3, v0  }
0x241: {  	v3 =	vand.u32 $0x400, v47;
	v2 =	vor.u32 v7, v2;
	v7 =	vand.u32 $0xFFFFF87F, v55  }
0x242: {  	v0 =	vor.u32 v4, v0;
	v4 =	vand.u32 $0x380, v48;
	v1 =	vor.u32 v3, v1  }
0x243: {  	v2 =	vor.u32 v52, v2;
	v3 =	vand.u32 $0x400, v53;
	v1 =	vor.u32 v4, v1  }
0x244: {  	v4 =	vand.u32 $0x380, v54;
	v3 =	vor.u32 v3, v5;
	v5 =	vand.u32 $0x400, v60  }
0x245: {  	v3 =	vor.u32 v4, v3;
	v4 =	vor.u32 v57, v58;
	v5 =	vor.u32 v5, v9  }
0x246: {  	v9 =	vand.u32 $0x380, v63;
	v4 =	vor.u32 v6, v4;
	v6 =	vand.u32 $0x400, v62  }
0x247: {  	v5 =	vor.u32 v10, v5;
	v6 =	vor.u32 v6, v7;
	v7 =	vand.u32 $0x400, v12;
	v0 =	vld.idx.msk [tilespmem:v0+s17+$0x0], $0xffff  }
0x248: {  	v14 =	vand.u32 $0x380, v13;
	v6 =	vor.u32 v9, v6;
	v7 =	vor.u32 v7, v8;
	v2 =	vld.idx.msk [tilespmem:v2+s17+$0x0], $0xffff  }
0x249: {  	v1 =	vld.idx.msk [tilespmem:v1+s17+$0x0], $0xffff;
	v7 =	vor.u32 v14, v7  }
0x24a: {  	v3 =	vld.idx.msk [tilespmem:v3+s17+$0x0], $0xffff  }
0x24b: {  	v4 =	vld.idx.msk [tilespmem:v4+s17+$0x0], $0xffff  }
0x24c: {  	v5 =	vld.idx.msk [tilespmem:v5+s17+$0x0], $0xffff  }
0x24d: {  	v6 =	vld.idx.msk [tilespmem:v6+s17+$0x0], $0xffff  }
0x24e: {  	v7 =	vld.idx.msk [tilespmem:v7+s17+$0x0], $0xffff;
	[tilespmem:$0x1A7E0] =	vst v0  }
0x24f: {  	[tilespmem:$0x1A7F0] =	vst v1  }
0x250: {  	[tilespmem:$0x1AB80] =	vst v2  }
0x251: {  	[tilespmem:$0x1AB90] =	vst v3  }
0x252: {  	s13 =	sshll.u32 s0, $0xC;
	[tilespmem:$0x1ABA0] =	vst v4  }
0x253: {  	s3 =	sadd.s32 s31, s13;
	[tilespmem:$0x1ABB0] =	vst v5  }
0x254: {  	s3 =	sshrl.u32 s3, $0x3;
	[tilespmem:$0x1ABC0] =	vst v6  }
0x255: {  	s3 =	sadd.s32 s2, s3;
	[tilespmem:$0x1ABD0] =	vst v7  }
0x256: {  	[hbm4b:s3+s4] =	stream.linear.scatter [tilespmem:s24], [sflag:$0x1], $0x800, $0x38;
	[tilespmem:$0x1B400] =	vst v63  }
0x257: {  	s13 =	simm.s32 @!p0 $0x2;
	s3 =	sshllo.u32 s0, $0x1  }
0x258: {  	_ =	swait.ge @!p0 [sflag:s13], $0x800;
	s14 =	smul.u32 $0x1C00, s3  }
0x259: {  	[sflag:s13] =	ssyncset.done @!p0 $0x0  }
0x25a: {  	[sflag:s13] =	ssyncadd.s32 @!p0 $0xFFFFF800;
	s14 =	sshra.s32 s14, $0x2  }
0x25b: {  	v15 =	vld [tilespmem:s14+$0x0]  }
0x25c: {  	v16 =	vld [tilespmem:s14+$0x10]  }
0x25d: {  	v17 =	vld [tilespmem:s14+$0x20]  }
0x25e: {  	v20 =	vld [tilespmem:s14+$0x30]  }
0x25f: {  	v23 =	vld [tilespmem:s14+$0x40]  }
0x260: {  	v26 =	vld [tilespmem:s14+$0x50];
	v18 =	vshll.u32 v15, $0x3  }
0x261: {  	v30 =	vld [tilespmem:s14+$0x60];
	v19 =	vshrl.u32 v15, $0x1;
	v0 =	vand.u32 $0xFFFFF87F, v15;
	v21 =	vshll.u32 v16, $0x3  }
0x262: {  	v34 =	vld [tilespmem:s14+$0x70];
	v22 =	vshrl.u32 v16, $0x1;
	v1 =	vand.u32 $0xFFFFF87F, v16;
	v24 =	vshll.u32 v17, $0x3  }
0x263: {  	v25 =	vshrl.u32 v17, $0x1;
	v2 =	vand.u32 $0xFFFFF87F, v17;
	v28 =	vshll.u32 v20, $0x3  }
0x264: {  	v29 =	vshrl.u32 v20, $0x1;
	v5 =	vand.u32 $0xFFFFF87F, v20;
	v31 =	vshll.u32 v23, $0x3  }
0x265: {  	v33 =	vand.u32 $0xFFFFF87F, v23;
	v6 =	vshrl.u32 v23, $0x1;
	v35 =	vshll.u32 v26, $0x3  }
0x266: {  	v36 =	vshrl.u32 v26, $0x1;
	v9 =	vand.u32 $0xFFFFF87F, v26;
	v37 =	vshll.u32 v30, $0x3  }
0x267: {  	v38 =	vshrl.u32 v30, $0x1;
	v39 =	vshll.u32 v34, $0x3;
	v40 =	vshrl.u32 v34, $0x1  }
0x268: {  	v8 =	vand.u32 $0xFFFFF87F, v34;
	v3 =	vand.u32 $0x400, v18;
	v4 =	vand.u32 $0x380, v19  }
0x269: {  	v7 =	vand.u32 $0x400, v24;
	v27 =	vand.u32 $0x380, v25;
	v32 =	vand.u32 $0x400, v31  }
0x26a: {  	v6 =	vand.u32 $0x380, v6;
	v10 =	vand.u32 $0x380, v36;
	v0 =	vor.u32 v3, v0  }
0x26b: {  	v3 =	vand.u32 $0x400, v21;
	v2 =	vor.u32 v7, v2;
	v7 =	vand.u32 $0xFFFFF87F, v30  }
0x26c: {  	v0 =	vor.u32 v4, v0;
	v4 =	vand.u32 $0x380, v22;
	v1 =	vor.u32 v3, v1  }
0x26d: {  	v2 =	vor.u32 v27, v2;
	v3 =	vand.u32 $0x400, v28;
	v1 =	vor.u32 v4, v1  }
0x26e: {  	v4 =	vand.u32 $0x380, v29;
	v3 =	vor.u32 v3, v5;
	v5 =	vand.u32 $0x400, v35  }
0x26f: {  	v3 =	vor.u32 v4, v3;
	v4 =	vor.u32 v32, v33;
	v5 =	vor.u32 v5, v9  }
0x270: {  	v9 =	vand.u32 $0x380, v38;
	v4 =	vor.u32 v6, v4;
	v6 =	vand.u32 $0x400, v37  }
0x271: {  	v5 =	vor.u32 v10, v5;
	v6 =	vor.u32 v6, v7;
	v7 =	vand.u32 $0x400, v39;
	v0 =	vld.idx.msk [tilespmem:v0+s17+$0x0], $0xffff  }
0x272: {  	v41 =	vand.u32 $0x380, v40;
	v6 =	vor.u32 v9, v6;
	v7 =	vor.u32 v7, v8;
	v2 =	vld.idx.msk [tilespmem:v2+s17+$0x0], $0xffff  }
0x273: {  	v1 =	vld.idx.msk [tilespmem:v1+s17+$0x0], $0xffff;
	v7 =	vor.u32 v41, v7  }
0x274: {  	v3 =	vld.idx.msk [tilespmem:v3+s17+$0x0], $0xffff  }
0x275: {  	v4 =	vld.idx.msk [tilespmem:v4+s17+$0x0], $0xffff  }
0x276: {  	v5 =	vld.idx.msk [tilespmem:v5+s17+$0x0], $0xffff  }
0x277: {  	v6 =	vld.idx.msk [tilespmem:v6+s17+$0x0], $0xffff  }
0x278: {  	v7 =	vld.idx.msk [tilespmem:v7+s17+$0x0], $0xffff;
	[tilespmem:$0x1AC00] =	vst v0  }
0x279: {  	[tilespmem:$0x1AC10] =	vst v1  }
0x27a: {  	[tilespmem:$0x1AC20] =	vst v2  }
0x27b: {  	[tilespmem:$0x1AC30] =	vst v3  }
0x27c: {  	[tilespmem:$0x1AC40] =	vst v4  }
0x27d: {  	[tilespmem:$0x1AC50] =	vst v5  }
0x27e: {  	[tilespmem:$0x1AC60] =	vst v6  }
0x27f: {  	[tilespmem:$0x1AC70] =	vst v7  }
0x280: {  	v0 =	vld [tilespmem:s14+$0x80]  }
0x281: {  	v1 =	vld [tilespmem:s14+$0x90]  }
0x282: {  	v2 =	vld [tilespmem:s14+$0xA0]  }
0x283: {  	v5 =	vld [tilespmem:s14+$0xB0]  }
0x284: {  	v6 =	vld [tilespmem:s14+$0xC0]  }
0x285: {  	v48 =	vld [tilespmem:s14+$0xD0];
	v42 =	vshll.u32 v0, $0x3  }
0x286: {  	v52 =	vld [tilespmem:s14+$0xE0];
	v43 =	vshrl.u32 v0, $0x1;
	v0 =	vand.u32 $0xFFFFF87F, v0;
	v44 =	vshll.u32 v1, $0x3  }
0x287: {  	v56 =	vld [tilespmem:s14+$0xF0];
	v45 =	vshrl.u32 v1, $0x1;
	v1 =	vand.u32 $0xFFFFF87F, v1;
	v46 =	vshll.u32 v2, $0x3  }
0x288: {  	v47 =	vshrl.u32 v2, $0x1;
	v2 =	vand.u32 $0xFFFFF87F, v2;
	v50 =	vshll.u32 v5, $0x3  }
0x289: {  	v51 =	vshrl.u32 v5, $0x1;
	v5 =	vand.u32 $0xFFFFF87F, v5;
	v53 =	vshll.u32 v6, $0x3  }
0x28a: {  	v55 =	vand.u32 $0xFFFFF87F, v6;
	v6 =	vshrl.u32 v6, $0x1;
	v57 =	vshll.u32 v48, $0x3  }
0x28b: {  	v58 =	vshrl.u32 v48, $0x1;
	v9 =	vand.u32 $0xFFFFF87F, v48;
	v59 =	vshll.u32 v52, $0x3  }
0x28c: {  	v60 =	vshrl.u32 v52, $0x1;
	v61 =	vshll.u32 v56, $0x3;
	v62 =	vshrl.u32 v56, $0x1  }
0x28d: {  	v8 =	vand.u32 $0xFFFFF87F, v56;
	v3 =	vand.u32 $0x400, v42;
	v4 =	vand.u32 $0x380, v43  }
0x28e: {  	v7 =	vand.u32 $0x400, v46;
	v49 =	vand.u32 $0x380, v47;
	v54 =	vand.u32 $0x400, v53  }
0x28f: {  	v6 =	vand.u32 $0x380, v6;
	v10 =	vand.u32 $0x380, v58;
	v0 =	vor.u32 v3, v0  }
0x290: {  	v3 =	vand.u32 $0x400, v44;
	v2 =	vor.u32 v7, v2;
	v7 =	vand.u32 $0xFFFFF87F, v52  }
0x291: {  	v0 =	vor.u32 v4, v0;
	v4 =	vand.u32 $0x380, v45;
	v1 =	vor.u32 v3, v1  }
0x292: {  	v2 =	vor.u32 v49, v2;
	v3 =	vand.u32 $0x400, v50;
	v1 =	vor.u32 v4, v1  }
0x293: {  	v4 =	vand.u32 $0x380, v51;
	v3 =	vor.u32 v3, v5;
	v5 =	vand.u32 $0x400, v57  }
0x294: {  	v3 =	vor.u32 v4, v3;
	v4 =	vor.u32 v54, v55;
	v5 =	vor.u32 v5, v9  }
0x295: {  	v9 =	vand.u32 $0x380, v60;
	v4 =	vor.u32 v6, v4;
	v6 =	vand.u32 $0x400, v59  }
0x296: {  	v5 =	vor.u32 v10, v5;
	v6 =	vor.u32 v6, v7;
	v7 =	vand.u32 $0x400, v61;
	v0 =	vld.idx.msk [tilespmem:v0+s17+$0x0], $0xffff  }
0x297: {  	v63 =	vand.u32 $0x380, v62;
	v6 =	vor.u32 v9, v6;
	v7 =	vor.u32 v7, v8;
	v2 =	vld.idx.msk [tilespmem:v2+s17+$0x0], $0xffff  }
0x298: {  	v1 =	vld.idx.msk [tilespmem:v1+s17+$0x0], $0xffff;
	v7 =	vor.u32 v63, v7  }
0x299: {  	v3 =	vld.idx.msk [tilespmem:v3+s17+$0x0], $0xffff  }
0x29a: {  	v4 =	vld.idx.msk [tilespmem:v4+s17+$0x0], $0xffff  }
0x29b: {  	v5 =	vld.idx.msk [tilespmem:v5+s17+$0x0], $0xffff  }
0x29c: {  	v6 =	vld.idx.msk [tilespmem:v6+s17+$0x0], $0xffff  }
0x29d: {  	v7 =	vld.idx.msk [tilespmem:v7+s17+$0x0], $0xffff;
	[tilespmem:$0x1B000] =	vst v0  }
0x29e: {  	[tilespmem:$0x1B010] =	vst v1  }
0x29f: {  	[tilespmem:$0x1B020] =	vst v2  }
0x2a0: {  	[tilespmem:$0x1B030] =	vst v3  }
0x2a1: {  	[tilespmem:$0x1B040] =	vst v4  }
0x2a2: {  	[tilespmem:$0x1B050] =	vst v5  }
0x2a3: {  	[tilespmem:$0x1AC80] =	vst v6  }
0x2a4: {  	[tilespmem:$0x1AC90] =	vst v7  }
0x2a5: {  	v0 =	vld [tilespmem:s14+$0x100]  }
0x2a6: {  	v1 =	vld [tilespmem:s14+$0x110]  }
0x2a7: {  	v2 =	vld [tilespmem:s14+$0x120]  }
0x2a8: {  	v5 =	vld [tilespmem:s14+$0x130]  }
0x2a9: {  	v6 =	vld [tilespmem:s14+$0x140]  }
0x2aa: {  	v15 =	vld [tilespmem:s14+$0x150];
	v9 =	vshll.u32 v0, $0x3  }
0x2ab: {  	v19 =	vld [tilespmem:s14+$0x160];
	v10 =	vshrl.u32 v0, $0x1;
	v0 =	vand.u32 $0xFFFFF87F, v0;
	v11 =	vshll.u32 v1, $0x3  }
0x2ac: {  	v23 =	vld [tilespmem:s14+$0x170];
	v12 =	vshrl.u32 v1, $0x1;
	v1 =	vand.u32 $0xFFFFF87F, v1;
	v13 =	vshll.u32 v2, $0x3  }
0x2ad: {  	v14 =	vshrl.u32 v2, $0x1;
	v2 =	vand.u32 $0xFFFFF87F, v2;
	v17 =	vshll.u32 v5, $0x3  }
0x2ae: {  	v18 =	vshrl.u32 v5, $0x1;
	v5 =	vand.u32 $0xFFFFF87F, v5;
	v20 =	vshll.u32 v6, $0x3  }
0x2af: {  	v22 =	vand.u32 $0xFFFFF87F, v6;
	v6 =	vshrl.u32 v6, $0x1;
	v24 =	vshll.u32 v15, $0x3  }
0x2b0: {  	v25 =	vshrl.u32 v15, $0x1;
	v26 =	vshll.u32 v19, $0x3;
	v27 =	vshrl.u32 v19, $0x1  }
0x2b1: {  	v28 =	vshll.u32 v23, $0x3;
	v29 =	vshrl.u32 v23, $0x1;
	v8 =	vand.u32 $0xFFFFF87F, v23  }
0x2b2: {  	v3 =	vand.u32 $0x400, v9;
	v4 =	vand.u32 $0x380, v10;
	v7 =	vand.u32 $0x400, v13  }
0x2b3: {  	v16 =	vand.u32 $0x380, v14;
	v21 =	vand.u32 $0x400, v20;
	v9 =	vand.u32 $0xFFFFF87F, v15  }
0x2b4: {  	v6 =	vand.u32 $0x380, v6;
	v10 =	vand.u32 $0x380, v25;
	v0 =	vor.u32 v3, v0  }
0x2b5: {  	v3 =	vand.u32 $0x400, v11;
	v2 =	vor.u32 v7, v2;
	v7 =	vand.u32 $0xFFFFF87F, v19  }
0x2b6: {  	v0 =	vor.u32 v4, v0;
	v4 =	vand.u32 $0x380, v12;
	v1 =	vor.u32 v3, v1  }
0x2b7: {  	v2 =	vor.u32 v16, v2;
	v3 =	vand.u32 $0x400, v17;
	v1 =	vor.u32 v4, v1  }
0x2b8: {  	v4 =	vand.u32 $0x380, v18;
	v3 =	vor.u32 v3, v5;
	v5 =	vand.u32 $0x400, v24  }
0x2b9: {  	v3 =	vor.u32 v4, v3;
	v4 =	vor.u32 v21, v22;
	v5 =	vor.u32 v5, v9  }
0x2ba: {  	v9 =	vand.u32 $0x380, v27;
	v4 =	vor.u32 v6, v4;
	v6 =	vand.u32 $0x400, v26  }
0x2bb: {  	v5 =	vor.u32 v10, v5;
	v6 =	vor.u32 v6, v7;
	v7 =	vand.u32 $0x400, v28;
	v0 =	vld.idx.msk [tilespmem:v0+s17+$0x0], $0xffff  }
0x2bc: {  	v30 =	vand.u32 $0x380, v29;
	v6 =	vor.u32 v9, v6;
	v7 =	vor.u32 v7, v8;
	v2 =	vld.idx.msk [tilespmem:v2+s17+$0x0], $0xffff  }
0x2bd: {  	v1 =	vld.idx.msk [tilespmem:v1+s17+$0x0], $0xffff;
	v7 =	vor.u32 v30, v7  }
0x2be: {  	v3 =	vld.idx.msk [tilespmem:v3+s17+$0x0], $0xffff  }
0x2bf: {  	v4 =	vld.idx.msk [tilespmem:v4+s17+$0x0], $0xffff  }
0x2c0: {  	v5 =	vld.idx.msk [tilespmem:v5+s17+$0x0], $0xffff  }
0x2c1: {  	v6 =	vld.idx.msk [tilespmem:v6+s17+$0x0], $0xffff  }
0x2c2: {  	v7 =	vld.idx.msk [tilespmem:v7+s17+$0x0], $0xffff;
	[tilespmem:$0x1ACA0] =	vst v0  }
0x2c3: {  	[tilespmem:$0x1ACB0] =	vst v1  }
0x2c4: {  	[tilespmem:$0x1ACC0] =	vst v2  }
0x2c5: {  	[tilespmem:$0x1ACD0] =	vst v3  }
0x2c6: {  	[tilespmem:$0x1ACE0] =	vst v4  }
0x2c7: {  	[tilespmem:$0x1ACF0] =	vst v5  }
0x2c8: {  	[tilespmem:$0x1B080] =	vst v6  }
0x2c9: {  	[tilespmem:$0x1B090] =	vst v7  }
0x2ca: {  	v0 =	vld [tilespmem:s14+$0x180]  }
0x2cb: {  	v1 =	vld [tilespmem:s14+$0x190]  }
0x2cc: {  	v2 =	vld [tilespmem:s14+$0x1A0]  }
0x2cd: {  	v5 =	vld [tilespmem:s14+$0x1B0]  }
0x2ce: {  	v6 =	vld [tilespmem:s14+$0x1C0]  }
0x2cf: {  	v37 =	vld [tilespmem:s14+$0x1D0];
	v31 =	vshll.u32 v0, $0x3  }
0x2d0: {  	v41 =	vld [tilespmem:s14+$0x1E0];
	v32 =	vshrl.u32 v0, $0x1;
	v0 =	vand.u32 $0xFFFFF87F, v0;
	v33 =	vshll.u32 v1, $0x3  }
0x2d1: {  	v45 =	vld [tilespmem:s14+$0x1F0];
	v34 =	vshrl.u32 v1, $0x1;
	v1 =	vand.u32 $0xFFFFF87F, v1;
	v35 =	vshll.u32 v2, $0x3  }
0x2d2: {  	v36 =	vshrl.u32 v2, $0x1;
	v2 =	vand.u32 $0xFFFFF87F, v2;
	v39 =	vshll.u32 v5, $0x3  }
0x2d3: {  	v40 =	vshrl.u32 v5, $0x1;
	v5 =	vand.u32 $0xFFFFF87F, v5;
	v42 =	vshll.u32 v6, $0x3  }
0x2d4: {  	v44 =	vand.u32 $0xFFFFF87F, v6;
	v6 =	vshrl.u32 v6, $0x1;
	v46 =	vshll.u32 v37, $0x3  }
0x2d5: {  	v47 =	vshrl.u32 v37, $0x1;
	v9 =	vand.u32 $0xFFFFF87F, v37;
	v48 =	vshll.u32 v41, $0x3  }
0x2d6: {  	v49 =	vshrl.u32 v41, $0x1;
	v50 =	vshll.u32 v45, $0x3;
	v51 =	vshrl.u32 v45, $0x1  }
0x2d7: {  	v8 =	vand.u32 $0xFFFFF87F, v45;
	v3 =	vand.u32 $0x400, v31;
	v4 =	vand.u32 $0x380, v32  }
0x2d8: {  	v7 =	vand.u32 $0x400, v35;
	v38 =	vand.u32 $0x380, v36;
	v43 =	vand.u32 $0x400, v42  }
0x2d9: {  	v6 =	vand.u32 $0x380, v6;
	v10 =	vand.u32 $0x380, v47;
	v0 =	vor.u32 v3, v0  }
0x2da: {  	v3 =	vand.u32 $0x400, v33;
	v2 =	vor.u32 v7, v2;
	v7 =	vand.u32 $0xFFFFF87F, v41  }
0x2db: {  	v0 =	vor.u32 v4, v0;
	v4 =	vand.u32 $0x380, v34;
	v1 =	vor.u32 v3, v1  }
0x2dc: {  	v2 =	vor.u32 v38, v2;
	v3 =	vand.u32 $0x400, v39;
	v1 =	vor.u32 v4, v1  }
0x2dd: {  	v4 =	vand.u32 $0x380, v40;
	v3 =	vor.u32 v3, v5;
	v5 =	vand.u32 $0x400, v46  }
0x2de: {  	v3 =	vor.u32 v4, v3;
	v4 =	vor.u32 v43, v44;
	v5 =	vor.u32 v5, v9  }
0x2df: {  	v9 =	vand.u32 $0x380, v49;
	v4 =	vor.u32 v6, v4;
	v6 =	vand.u32 $0x400, v48  }
0x2e0: {  	v5 =	vor.u32 v10, v5;
	v6 =	vor.u32 v6, v7;
	v7 =	vand.u32 $0x400, v50;
	v0 =	vld.idx.msk [tilespmem:v0+s17+$0x0], $0xffff  }
0x2e1: {  	v52 =	vand.u32 $0x380, v51;
	v6 =	vor.u32 v9, v6;
	v7 =	vor.u32 v7, v8;
	v2 =	vld.idx.msk [tilespmem:v2+s17+$0x0], $0xffff  }
0x2e2: {  	v1 =	vld.idx.msk [tilespmem:v1+s17+$0x0], $0xffff;
	v7 =	vor.u32 v52, v7  }
0x2e3: {  	v3 =	vld.idx.msk [tilespmem:v3+s17+$0x0], $0xffff  }
0x2e4: {  	v4 =	vld.idx.msk [tilespmem:v4+s17+$0x0], $0xffff  }
0x2e5: {  	v5 =	vld.idx.msk [tilespmem:v5+s17+$0x0], $0xffff  }
0x2e6: {  	v6 =	vld.idx.msk [tilespmem:v6+s17+$0x0], $0xffff  }
0x2e7: {  	v7 =	vld.idx.msk [tilespmem:v7+s17+$0x0], $0xffff;
	[tilespmem:$0x1B0A0] =	vst v0  }
0x2e8: {  	[tilespmem:$0x1B0B0] =	vst v1  }
0x2e9: {  	[tilespmem:$0x1B0C0] =	vst v2  }
0x2ea: {  	[tilespmem:$0x1B0D0] =	vst v3  }
0x2eb: {  	[tilespmem:$0x1AD00] =	vst v4  }
0x2ec: {  	[tilespmem:$0x1AD10] =	vst v5  }
0x2ed: {  	[tilespmem:$0x1AD20] =	vst v6  }
0x2ee: {  	[tilespmem:$0x1AD30] =	vst v7  }
0x2ef: {  	v0 =	vld [tilespmem:s14+$0x200]  }
0x2f0: {  	v1 =	vld [tilespmem:s14+$0x210]  }
0x2f1: {  	v2 =	vld [tilespmem:s14+$0x220]  }
0x2f2: {  	v5 =	vld [tilespmem:s14+$0x230]  }
0x2f3: {  	v6 =	vld [tilespmem:s14+$0x240]  }
0x2f4: {  	v59 =	vld [tilespmem:s14+$0x250];
	v53 =	vshll.u32 v0, $0x3  }
0x2f5: {  	v63 =	vld [tilespmem:s14+$0x260];
	v54 =	vshrl.u32 v0, $0x1;
	v0 =	vand.u32 $0xFFFFF87F, v0;
	v55 =	vshll.u32 v1, $0x3  }
0x2f6: {  	v15 =	vld [tilespmem:s14+$0x270];
	v56 =	vshrl.u32 v1, $0x1;
	v1 =	vand.u32 $0xFFFFF87F, v1;
	v57 =	vshll.u32 v2, $0x3  }
0x2f7: {  	v58 =	vshrl.u32 v2, $0x1;
	v2 =	vand.u32 $0xFFFFF87F, v2;
	v61 =	vshll.u32 v5, $0x3  }
0x2f8: {  	v62 =	vshrl.u32 v5, $0x1;
	v5 =	vand.u32 $0xFFFFF87F, v5;
	v12 =	vshll.u32 v6, $0x3  }
0x2f9: {  	v14 =	vand.u32 $0xFFFFF87F, v6;
	v6 =	vshrl.u32 v6, $0x1;
	v16 =	vshll.u32 v59, $0x3  }
0x2fa: {  	v17 =	vshrl.u32 v59, $0x1;
	v9 =	vand.u32 $0xFFFFF87F, v59;
	v18 =	vshll.u32 v63, $0x3  }
0x2fb: {  	v19 =	vshrl.u32 v63, $0x1;
	v20 =	vshll.u32 v15, $0x3;
	v21 =	vshrl.u32 v15, $0x1  }
0x2fc: {  	v8 =	vand.u32 $0xFFFFF87F, v15;
	v3 =	vand.u32 $0x400, v53;
	v4 =	vand.u32 $0x380, v54  }
0x2fd: {  	v7 =	vand.u32 $0x400, v57;
	v60 =	vand.u32 $0x380, v58;
	v13 =	vand.u32 $0x400, v12  }
0x2fe: {  	v6 =	vand.u32 $0x380, v6;
	v10 =	vand.u32 $0x380, v17;
	v0 =	vor.u32 v3, v0  }
0x2ff: {  	v3 =	vand.u32 $0x400, v55;
	v2 =	vor.u32 v7, v2;
	v7 =	vand.u32 $0xFFFFF87F, v63  }
0x300: {  	v0 =	vor.u32 v4, v0;
	v4 =	vand.u32 $0x380, v56;
	v1 =	vor.u32 v3, v1  }
0x301: {  	v2 =	vor.u32 v60, v2;
	v3 =	vand.u32 $0x400, v61;
	v1 =	vor.u32 v4, v1  }
0x302: {  	v4 =	vand.u32 $0x380, v62;
	v3 =	vor.u32 v3, v5;
	v5 =	vand.u32 $0x400, v16  }
0x303: {  	v3 =	vor.u32 v4, v3;
	v4 =	vor.u32 v13, v14;
	v5 =	vor.u32 v5, v9  }
0x304: {  	v9 =	vand.u32 $0x380, v19;
	v4 =	vor.u32 v6, v4;
	v6 =	vand.u32 $0x400, v18  }
0x305: {  	v5 =	vor.u32 v10, v5;
	v6 =	vor.u32 v6, v7;
	v7 =	vand.u32 $0x400, v20;
	v0 =	vld.idx.msk [tilespmem:v0+s17+$0x0], $0xffff  }
0x306: {  	v22 =	vand.u32 $0x380, v21;
	v6 =	vor.u32 v9, v6;
	v7 =	vor.u32 v7, v8;
	v2 =	vld.idx.msk [tilespmem:v2+s17+$0x0], $0xffff  }
0x307: {  	v1 =	vld.idx.msk [tilespmem:v1+s17+$0x0], $0xffff;
	v7 =	vor.u32 v22, v7  }
0x308: {  	v3 =	vld.idx.msk [tilespmem:v3+s17+$0x0], $0xffff  }
0x309: {  	v4 =	vld.idx.msk [tilespmem:v4+s17+$0x0], $0xffff  }
0x30a: {  	v5 =	vld.idx.msk [tilespmem:v5+s17+$0x0], $0xffff  }
0x30b: {  	v6 =	vld.idx.msk [tilespmem:v6+s17+$0x0], $0xffff  }
0x30c: {  	v7 =	vld.idx.msk [tilespmem:v7+s17+$0x0], $0xffff;
	[tilespmem:$0x1AD40] =	vst v0  }
0x30d: {  	[tilespmem:$0x1AD50] =	vst v1  }
0x30e: {  	[tilespmem:$0x1AD60] =	vst v2  }
0x30f: {  	[tilespmem:$0x1AD70] =	vst v3  }
0x310: {  	[tilespmem:$0x1B100] =	vst v4  }
0x311: {  	[tilespmem:$0x1B110] =	vst v5  }
0x312: {  	[tilespmem:$0x1B120] =	vst v6  }
0x313: {  	[tilespmem:$0x1B130] =	vst v7  }
0x314: {  	v0 =	vld [tilespmem:s14+$0x280]  }
0x315: {  	v1 =	vld [tilespmem:s14+$0x290]  }
0x316: {  	v2 =	vld [tilespmem:s14+$0x2A0]  }
0x317: {  	v5 =	vld [tilespmem:s14+$0x2B0]  }
0x318: {  	v6 =	vld [tilespmem:s14+$0x2C0]  }
0x319: {  	v29 =	vld [tilespmem:s14+$0x2D0];
	v23 =	vshll.u32 v0, $0x3  }
0x31a: {  	v33 =	vld [tilespmem:s14+$0x2E0];
	v24 =	vshrl.u32 v0, $0x1;
	v0 =	vand.u32 $0xFFFFF87F, v0;
	v25 =	vshll.u32 v1, $0x3  }
0x31b: {  	v37 =	vld [tilespmem:s14+$0x2F0];
	v26 =	vshrl.u32 v1, $0x1;
	v1 =	vand.u32 $0xFFFFF87F, v1;
	v27 =	vshll.u32 v2, $0x3  }
0x31c: {  	v28 =	vshrl.u32 v2, $0x1;
	v2 =	vand.u32 $0xFFFFF87F, v2;
	v31 =	vshll.u32 v5, $0x3  }
0x31d: {  	v32 =	vshrl.u32 v5, $0x1;
	v5 =	vand.u32 $0xFFFFF87F, v5;
	v34 =	vshll.u32 v6, $0x3  }
0x31e: {  	v36 =	vand.u32 $0xFFFFF87F, v6;
	v6 =	vshrl.u32 v6, $0x1;
	v38 =	vshll.u32 v29, $0x3  }
0x31f: {  	v39 =	vshrl.u32 v29, $0x1;
	v9 =	vand.u32 $0xFFFFF87F, v29;
	v40 =	vshll.u32 v33, $0x3  }
0x320: {  	v41 =	vshrl.u32 v33, $0x1;
	v42 =	vshll.u32 v37, $0x3;
	v43 =	vshrl.u32 v37, $0x1  }
0x321: {  	v8 =	vand.u32 $0xFFFFF87F, v37;
	v3 =	vand.u32 $0x400, v23;
	v4 =	vand.u32 $0x380, v24  }
0x322: {  	v7 =	vand.u32 $0x400, v27;
	v30 =	vand.u32 $0x380, v28;
	v35 =	vand.u32 $0x400, v34  }
0x323: {  	v6 =	vand.u32 $0x380, v6;
	v10 =	vand.u32 $0x380, v39;
	v0 =	vor.u32 v3, v0  }
0x324: {  	v3 =	vand.u32 $0x400, v25;
	v2 =	vor.u32 v7, v2;
	v7 =	vand.u32 $0xFFFFF87F, v33  }
0x325: {  	v0 =	vor.u32 v4, v0;
	v4 =	vand.u32 $0x380, v26;
	v1 =	vor.u32 v3, v1  }
0x326: {  	v2 =	vor.u32 v30, v2;
	v3 =	vand.u32 $0x400, v31;
	v1 =	vor.u32 v4, v1  }
0x327: {  	v4 =	vand.u32 $0x380, v32;
	v3 =	vor.u32 v3, v5;
	v5 =	vand.u32 $0x400, v38  }
0x328: {  	v3 =	vor.u32 v4, v3;
	v4 =	vor.u32 v35, v36;
	v5 =	vor.u32 v5, v9  }
0x329: {  	v9 =	vand.u32 $0x380, v41;
	v4 =	vor.u32 v6, v4;
	v6 =	vand.u32 $0x400, v40  }
0x32a: {  	v5 =	vor.u32 v10, v5;
	v6 =	vor.u32 v6, v7;
	v7 =	vand.u32 $0x400, v42;
	v0 =	vld.idx.msk [tilespmem:v0+s17+$0x0], $0xffff  }
0x32b: {  	v44 =	vand.u32 $0x380, v43;
	v6 =	vor.u32 v9, v6;
	v7 =	vor.u32 v7, v8;
	v2 =	vld.idx.msk [tilespmem:v2+s17+$0x0], $0xffff  }
0x32c: {  	v1 =	vld.idx.msk [tilespmem:v1+s17+$0x0], $0xffff;
	v7 =	vor.u32 v44, v7  }
0x32d: {  	v3 =	vld.idx.msk [tilespmem:v3+s17+$0x0], $0xffff  }
0x32e: {  	v4 =	vld.idx.msk [tilespmem:v4+s17+$0x0], $0xffff  }
0x32f: {  	v5 =	vld.idx.msk [tilespmem:v5+s17+$0x0], $0xffff  }
0x330: {  	v6 =	vld.idx.msk [tilespmem:v6+s17+$0x0], $0xffff  }
0x331: {  	v7 =	vld.idx.msk [tilespmem:v7+s17+$0x0], $0xffff;
	[tilespmem:$0x1B140] =	vst v0  }
0x332: {  	[tilespmem:$0x1B150] =	vst v1  }
0x333: {  	[tilespmem:$0x1AD80] =	vst v2  }
0x334: {  	[tilespmem:$0x1AD90] =	vst v3  }
0x335: {  	[tilespmem:$0x1ADA0] =	vst v4  }
0x336: {  	[tilespmem:$0x1ADB0] =	vst v5  }
0x337: {  	[tilespmem:$0x1ADC0] =	vst v6  }
0x338: {  	[tilespmem:$0x1ADD0] =	vst v7  }
0x339: {  	v0 =	vld [tilespmem:s14+$0x300]  }
0x33a: {  	v1 =	vld [tilespmem:s14+$0x310]  }
0x33b: {  	v2 =	vld [tilespmem:s14+$0x320]  }
0x33c: {  	v5 =	vld [tilespmem:s14+$0x330]  }
0x33d: {  	v6 =	vld [tilespmem:s14+$0x340]  }
0x33e: {  	v51 =	vld [tilespmem:s14+$0x350];
	v45 =	vshll.u32 v0, $0x3  }
0x33f: {  	v55 =	vld [tilespmem:s14+$0x360];
	v46 =	vshrl.u32 v0, $0x1;
	v0 =	vand.u32 $0xFFFFF87F, v0;
	v47 =	vshll.u32 v1, $0x3  }
0x340: {  	v59 =	vld [tilespmem:s14+$0x370];
	v48 =	vshrl.u32 v1, $0x1;
	v1 =	vand.u32 $0xFFFFF87F, v1;
	v49 =	vshll.u32 v2, $0x3  }
0x341: {  	v50 =	vshrl.u32 v2, $0x1;
	v2 =	vand.u32 $0xFFFFF87F, v2;
	v53 =	vshll.u32 v5, $0x3  }
0x342: {  	v54 =	vshrl.u32 v5, $0x1;
	v5 =	vand.u32 $0xFFFFF87F, v5;
	v56 =	vshll.u32 v6, $0x3  }
0x343: {  	v58 =	vand.u32 $0xFFFFF87F, v6;
	v6 =	vshrl.u32 v6, $0x1;
	v60 =	vshll.u32 v51, $0x3  }
0x344: {  	v61 =	vshrl.u32 v51, $0x1;
	v9 =	vand.u32 $0xFFFFF87F, v51;
	v62 =	vshll.u32 v55, $0x3  }
0x345: {  	v63 =	vshrl.u32 v55, $0x1;
	v11 =	vshll.u32 v59, $0x3;
	v12 =	vshrl.u32 v59, $0x1  }
0x346: {  	v8 =	vand.u32 $0xFFFFF87F, v59;
	v3 =	vand.u32 $0x400, v45;
	v4 =	vand.u32 $0x380, v46  }
0x347: {  	v7 =	vand.u32 $0x400, v49;
	v52 =	vand.u32 $0x380, v50;
	v57 =	vand.u32 $0x400, v56  }
0x348: {  	v6 =	vand.u32 $0x380, v6;
	v10 =	vand.u32 $0x380, v61;
	v0 =	vor.u32 v3, v0  }
0x349: {  	v3 =	vand.u32 $0x400, v47;
	v2 =	vor.u32 v7, v2;
	v7 =	vand.u32 $0xFFFFF87F, v55  }
0x34a: {  	v0 =	vor.u32 v4, v0;
	v4 =	vand.u32 $0x380, v48;
	v1 =	vor.u32 v3, v1  }
0x34b: {  	v2 =	vor.u32 v52, v2;
	v3 =	vand.u32 $0x400, v53;
	v1 =	vor.u32 v4, v1  }
0x34c: {  	v4 =	vand.u32 $0x380, v54;
	v3 =	vor.u32 v3, v5;
	v5 =	vand.u32 $0x400, v60  }
0x34d: {  	v3 =	vor.u32 v4, v3;
	v4 =	vor.u32 v57, v58;
	v5 =	vor.u32 v5, v9  }
0x34e: {  	v9 =	vand.u32 $0x380, v63;
	v4 =	vor.u32 v6, v4;
	v6 =	vand.u32 $0x400, v62  }
0x34f: {  	v5 =	vor.u32 v10, v5;
	v6 =	vor.u32 v6, v7;
	v7 =	vand.u32 $0x400, v11;
	v0 =	vld.idx.msk [tilespmem:v0+s17+$0x0], $0xffff  }
0x350: {  	v13 =	vand.u32 $0x380, v12;
	v6 =	vor.u32 v9, v6;
	v7 =	vor.u32 v7, v8;
	v2 =	vld.idx.msk [tilespmem:v2+s17+$0x0], $0xffff  }
0x351: {  	v1 =	vld.idx.msk [tilespmem:v1+s17+$0x0], $0xffff;
	v7 =	vor.u32 v13, v7  }
0x352: {  	v3 =	vld.idx.msk [tilespmem:v3+s17+$0x0], $0xffff  }
0x353: {  	v4 =	vld.idx.msk [tilespmem:v4+s17+$0x0], $0xffff  }
0x354: {  	v5 =	vld.idx.msk [tilespmem:v5+s17+$0x0], $0xffff  }
0x355: {  	v6 =	vld.idx.msk [tilespmem:v6+s17+$0x0], $0xffff  }
0x356: {  	v7 =	vld.idx.msk [tilespmem:v7+s17+$0x0], $0xffff;
	[tilespmem:$0x1ADE0] =	vst v0  }
0x357: {  	[tilespmem:$0x1ADF0] =	vst v1  }
0x358: {  	[tilespmem:$0x1B180] =	vst v2  }
0x359: {  	[tilespmem:$0x1B190] =	vst v3  }
0x35a: {  	[tilespmem:$0x1B1A0] =	vst v4  }
0x35b: {  	[tilespmem:$0x1B1B0] =	vst v5  }
0x35c: {  	[tilespmem:$0x1B1C0] =	vst v6  }
0x35d: {  	[tilespmem:$0x1B1D0] =	vst v7  }
0x35e: {  	v0 =	vld [tilespmem:s14+$0x380]  }
0x35f: {  	v1 =	vld [tilespmem:s14+$0x390]  }
0x360: {  	v2 =	vld [tilespmem:s14+$0x3A0]  }
0x361: {  	v5 =	vld [tilespmem:s14+$0x3B0]  }
0x362: {  	v6 =	vld [tilespmem:s14+$0x3C0]  }
0x363: {  	v20 =	vld [tilespmem:s14+$0x3D0];
	v14 =	vshll.u32 v0, $0x3  }
0x364: {  	v24 =	vld [tilespmem:s14+$0x3E0];
	v15 =	vshrl.u32 v0, $0x1;
	v0 =	vand.u32 $0xFFFFF87F, v0;
	v16 =	vshll.u32 v1, $0x3  }
0x365: {  	v28 =	vld [tilespmem:s14+$0x3F0];
	v17 =	vshrl.u32 v1, $0x1;
	v1 =	vand.u32 $0xFFFFF87F, v1;
	v18 =	vshll.u32 v2, $0x3  }
0x366: {  	v19 =	vshrl.u32 v2, $0x1;
	v2 =	vand.u32 $0xFFFFF87F, v2;
	v22 =	vshll.u32 v5, $0x3  }
0x367: {  	v23 =	vshrl.u32 v5, $0x1;
	v5 =	vand.u32 $0xFFFFF87F, v5;
	v25 =	vshll.u32 v6, $0x3  }
0x368: {  	v27 =	vand.u32 $0xFFFFF87F, v6;
	v6 =	vshrl.u32 v6, $0x1;
	v29 =	vshll.u32 v20, $0x3  }
0x369: {  	v30 =	vshrl.u32 v20, $0x1;
	v9 =	vand.u32 $0xFFFFF87F, v20;
	v31 =	vshll.u32 v24, $0x3  }
0x36a: {  	v32 =	vshrl.u32 v24, $0x1;
	v33 =	vshll.u32 v28, $0x3;
	v34 =	vshrl.u32 v28, $0x1  }
0x36b: {  	v8 =	vand.u32 $0xFFFFF87F, v28;
	v3 =	vand.u32 $0x400, v14;
	v4 =	vand.u32 $0x380, v15  }
0x36c: {  	v7 =	vand.u32 $0x400, v18;
	v21 =	vand.u32 $0x380, v19;
	v26 =	vand.u32 $0x400, v25  }
0x36d: {  	v6 =	vand.u32 $0x380, v6;
	v10 =	vand.u32 $0x380, v30;
	v0 =	vor.u32 v3, v0  }
0x36e: {  	v3 =	vand.u32 $0x400, v16;
	v2 =	vor.u32 v7, v2;
	v7 =	vand.u32 $0xFFFFF87F, v24  }
0x36f: {  	v0 =	vor.u32 v4, v0;
	v4 =	vand.u32 $0x380, v17;
	v1 =	vor.u32 v3, v1  }
0x370: {  	v2 =	vor.u32 v21, v2;
	v3 =	vand.u32 $0x400, v22;
	v1 =	vor.u32 v4, v1  }
0x371: {  	v4 =	vand.u32 $0x380, v23;
	v3 =	vor.u32 v3, v5;
	v5 =	vand.u32 $0x400, v29  }
0x372: {  	v3 =	vor.u32 v4, v3;
	v4 =	vor.u32 v26, v27;
	v5 =	vor.u32 v5, v9  }
0x373: {  	v9 =	vand.u32 $0x380, v32;
	v4 =	vor.u32 v6, v4;
	v6 =	vand.u32 $0x400, v31  }
0x374: {  	v5 =	vor.u32 v10, v5;
	v6 =	vor.u32 v6, v7;
	v7 =	vand.u32 $0x400, v33;
	v0 =	vld.idx.msk [tilespmem:v0+s17+$0x0], $0xffff  }
0x375: {  	v35 =	vand.u32 $0x380, v34;
	v6 =	vor.u32 v9, v6;
	v7 =	vor.u32 v7, v8;
	v2 =	vld.idx.msk [tilespmem:v2+s17+$0x0], $0xffff  }
0x376: {  	v1 =	vld.idx.msk [tilespmem:v1+s17+$0x0], $0xffff;
	v7 =	vor.u32 v35, v7  }
0x377: {  	v3 =	vld.idx.msk [tilespmem:v3+s17+$0x0], $0xffff  }
0x378: {  	v4 =	vld.idx.msk [tilespmem:v4+s17+$0x0], $0xffff  }
0x379: {  	v5 =	vld.idx.msk [tilespmem:v5+s17+$0x0], $0xffff  }
0x37a: {  	v6 =	vld.idx.msk [tilespmem:v6+s17+$0x0], $0xffff  }
0x37b: {  	v7 =	vld.idx.msk [tilespmem:v7+s17+$0x0], $0xffff;
	[tilespmem:$0x1AE00] =	vst v0  }
0x37c: {  	[tilespmem:$0x1AE10] =	vst v1  }
0x37d: {  	[tilespmem:$0x1AE20] =	vst v2  }
0x37e: {  	[tilespmem:$0x1AE30] =	vst v3  }
0x37f: {  	[tilespmem:$0x1AE40] =	vst v4  }
0x380: {  	[tilespmem:$0x1AE50] =	vst v5  }
0x381: {  	[tilespmem:$0x1AE60] =	vst v6  }
0x382: {  	[tilespmem:$0x1AE70] =	vst v7  }
0x383: {  	v0 =	vld [tilespmem:s14+$0x400]  }
0x384: {  	v1 =	vld [tilespmem:s14+$0x410]  }
0x385: {  	v2 =	vld [tilespmem:s14+$0x420]  }
0x386: {  	v5 =	vld [tilespmem:s14+$0x430]  }
0x387: {  	v6 =	vld [tilespmem:s14+$0x440]  }
0x388: {  	v42 =	vld [tilespmem:s14+$0x450];
	v36 =	vshll.u32 v0, $0x3  }
0x389: {  	v46 =	vld [tilespmem:s14+$0x460];
	v37 =	vshrl.u32 v0, $0x1;
	v0 =	vand.u32 $0xFFFFF87F, v0;
	v38 =	vshll.u32 v1, $0x3  }
0x38a: {  	v50 =	vld [tilespmem:s14+$0x470];
	v39 =	vshrl.u32 v1, $0x1;
	v1 =	vand.u32 $0xFFFFF87F, v1;
	v40 =	vshll.u32 v2, $0x3  }
0x38b: {  	v41 =	vshrl.u32 v2, $0x1;
	v2 =	vand.u32 $0xFFFFF87F, v2;
	v44 =	vshll.u32 v5, $0x3  }
0x38c: {  	v45 =	vshrl.u32 v5, $0x1;
	v5 =	vand.u32 $0xFFFFF87F, v5;
	v47 =	vshll.u32 v6, $0x3  }
0x38d: {  	v49 =	vand.u32 $0xFFFFF87F, v6;
	v6 =	vshrl.u32 v6, $0x1;
	v51 =	vshll.u32 v42, $0x3  }
0x38e: {  	v52 =	vshrl.u32 v42, $0x1;
	v9 =	vand.u32 $0xFFFFF87F, v42;
	v53 =	vshll.u32 v46, $0x3  }
0x38f: {  	v54 =	vshrl.u32 v46, $0x1;
	v55 =	vshll.u32 v50, $0x3;
	v56 =	vshrl.u32 v50, $0x1  }
0x390: {  	v8 =	vand.u32 $0xFFFFF87F, v50;
	v3 =	vand.u32 $0x400, v36;
	v4 =	vand.u32 $0x380, v37  }
0x391: {  	v7 =	vand.u32 $0x400, v40;
	v43 =	vand.u32 $0x380, v41;
	v48 =	vand.u32 $0x400, v47  }
0x392: {  	v6 =	vand.u32 $0x380, v6;
	v10 =	vand.u32 $0x380, v52;
	v0 =	vor.u32 v3, v0  }
0x393: {  	v3 =	vand.u32 $0x400, v38;
	v2 =	vor.u32 v7, v2;
	v7 =	vand.u32 $0xFFFFF87F, v46  }
0x394: {  	v0 =	vor.u32 v4, v0;
	v4 =	vand.u32 $0x380, v39;
	v1 =	vor.u32 v3, v1  }
0x395: {  	v2 =	vor.u32 v43, v2;
	v3 =	vand.u32 $0x400, v44;
	v1 =	vor.u32 v4, v1  }
0x396: {  	v4 =	vand.u32 $0x380, v45;
	v3 =	vor.u32 v3, v5;
	v5 =	vand.u32 $0x400, v51  }
0x397: {  	v3 =	vor.u32 v4, v3;
	v4 =	vor.u32 v48, v49;
	v5 =	vor.u32 v5, v9  }
0x398: {  	v9 =	vand.u32 $0x380, v54;
	v4 =	vor.u32 v6, v4;
	v6 =	vand.u32 $0x400, v53  }
0x399: {  	v5 =	vor.u32 v10, v5;
	v6 =	vor.u32 v6, v7;
	v7 =	vand.u32 $0x400, v55;
	v0 =	vld.idx.msk [tilespmem:v0+s17+$0x0], $0xffff  }
0x39a: {  	v57 =	vand.u32 $0x380, v56;
	v6 =	vor.u32 v9, v6;
	v7 =	vor.u32 v7, v8;
	v2 =	vld.idx.msk [tilespmem:v2+s17+$0x0], $0xffff  }
0x39b: {  	v1 =	vld.idx.msk [tilespmem:v1+s17+$0x0], $0xffff;
	v7 =	vor.u32 v57, v7  }
0x39c: {  	v3 =	vld.idx.msk [tilespmem:v3+s17+$0x0], $0xffff  }
0x39d: {  	v4 =	vld.idx.msk [tilespmem:v4+s17+$0x0], $0xffff  }
0x39e: {  	v5 =	vld.idx.msk [tilespmem:v5+s17+$0x0], $0xffff  }
0x39f: {  	v6 =	vld.idx.msk [tilespmem:v6+s17+$0x0], $0xffff  }
0x3a0: {  	v7 =	vld.idx.msk [tilespmem:v7+s17+$0x0], $0xffff;
	[tilespmem:$0x1B200] =	vst v0  }
0x3a1: {  	[tilespmem:$0x1B210] =	vst v1  }
0x3a2: {  	[tilespmem:$0x1B220] =	vst v2  }
0x3a3: {  	[tilespmem:$0x1B230] =	vst v3  }
0x3a4: {  	[tilespmem:$0x1B240] =	vst v4  }
0x3a5: {  	[tilespmem:$0x1B250] =	vst v5  }
0x3a6: {  	[tilespmem:$0x1AE80] =	vst v6  }
0x3a7: {  	[tilespmem:$0x1AE90] =	vst v7  }
0x3a8: {  	v0 =	vld [tilespmem:s14+$0x480]  }
0x3a9: {  	v1 =	vld [tilespmem:s14+$0x490]  }
0x3aa: {  	v2 =	vld [tilespmem:s14+$0x4A0]  }
0x3ab: {  	v5 =	vld [tilespmem:s14+$0x4B0]  }
0x3ac: {  	v6 =	vld [tilespmem:s14+$0x4C0]  }
0x3ad: {  	v12 =	vld [tilespmem:s14+$0x4D0];
	v58 =	vshll.u32 v0, $0x3  }
0x3ae: {  	v16 =	vld [tilespmem:s14+$0x4E0];
	v59 =	vshrl.u32 v0, $0x1;
	v0 =	vand.u32 $0xFFFFF87F, v0;
	v60 =	vshll.u32 v1, $0x3  }
0x3af: {  	v20 =	vld [tilespmem:s14+$0x4F0];
	v61 =	vshrl.u32 v1, $0x1;
	v1 =	vand.u32 $0xFFFFF87F, v1;
	v62 =	vshll.u32 v2, $0x3  }
0x3b0: {  	v63 =	vshrl.u32 v2, $0x1;
	v2 =	vand.u32 $0xFFFFF87F, v2;
	v14 =	vshll.u32 v5, $0x3  }
0x3b1: {  	v15 =	vshrl.u32 v5, $0x1;
	v5 =	vand.u32 $0xFFFFF87F, v5;
	v17 =	vshll.u32 v6, $0x3  }
0x3b2: {  	v19 =	vand.u32 $0xFFFFF87F, v6;
	v6 =	vshrl.u32 v6, $0x1;
	v21 =	vshll.u32 v12, $0x3  }
0x3b3: {  	v22 =	vshrl.u32 v12, $0x1;
	v9 =	vand.u32 $0xFFFFF87F, v12;
	v23 =	vshll.u32 v16, $0x3  }
0x3b4: {  	v24 =	vshrl.u32 v16, $0x1;
	v25 =	vshll.u32 v20, $0x3;
	v26 =	vshrl.u32 v20, $0x1  }
0x3b5: {  	v8 =	vand.u32 $0xFFFFF87F, v20;
	v3 =	vand.u32 $0x400, v58;
	v4 =	vand.u32 $0x380, v59  }
0x3b6: {  	v7 =	vand.u32 $0x400, v62;
	v13 =	vand.u32 $0x380, v63;
	v18 =	vand.u32 $0x400, v17  }
0x3b7: {  	v6 =	vand.u32 $0x380, v6;
	v10 =	vand.u32 $0x380, v22;
	v0 =	vor.u32 v3, v0  }
0x3b8: {  	v3 =	vand.u32 $0x400, v60;
	v2 =	vor.u32 v7, v2;
	v7 =	vand.u32 $0xFFFFF87F, v16  }
0x3b9: {  	v0 =	vor.u32 v4, v0;
	v4 =	vand.u32 $0x380, v61;
	v1 =	vor.u32 v3, v1  }
0x3ba: {  	v2 =	vor.u32 v13, v2;
	v3 =	vand.u32 $0x400, v14;
	v1 =	vor.u32 v4, v1  }
0x3bb: {  	v4 =	vand.u32 $0x380, v15;
	v3 =	vor.u32 v3, v5;
	v5 =	vand.u32 $0x400, v21  }
0x3bc: {  	v3 =	vor.u32 v4, v3;
	v4 =	vor.u32 v18, v19;
	v5 =	vor.u32 v5, v9  }
0x3bd: {  	v9 =	vand.u32 $0x380, v24;
	v4 =	vor.u32 v6, v4;
	v6 =	vand.u32 $0x400, v23  }
0x3be: {  	v5 =	vor.u32 v10, v5;
	v6 =	vor.u32 v6, v7;
	v7 =	vand.u32 $0x400, v25;
	v0 =	vld.idx.msk [tilespmem:v0+s17+$0x0], $0xffff  }
0x3bf: {  	v27 =	vand.u32 $0x380, v26;
	v6 =	vor.u32 v9, v6;
	v7 =	vor.u32 v7, v8;
	v2 =	vld.idx.msk [tilespmem:v2+s17+$0x0], $0xffff  }
0x3c0: {  	v1 =	vld.idx.msk [tilespmem:v1+s17+$0x0], $0xffff;
	v7 =	vor.u32 v27, v7  }
0x3c1: {  	v3 =	vld.idx.msk [tilespmem:v3+s17+$0x0], $0xffff  }
0x3c2: {  	v4 =	vld.idx.msk [tilespmem:v4+s17+$0x0], $0xffff  }
0x3c3: {  	v5 =	vld.idx.msk [tilespmem:v5+s17+$0x0], $0xffff  }
0x3c4: {  	v6 =	vld.idx.msk [tilespmem:v6+s17+$0x0], $0xffff  }
0x3c5: {  	v7 =	vld.idx.msk [tilespmem:v7+s17+$0x0], $0xffff;
	[tilespmem:$0x1AEA0] =	vst v0  }
0x3c6: {  	[tilespmem:$0x1AEB0] =	vst v1  }
0x3c7: {  	[tilespmem:$0x1AEC0] =	vst v2  }
0x3c8: {  	[tilespmem:$0x1AED0] =	vst v3  }
0x3c9: {  	[tilespmem:$0x1AEE0] =	vst v4  }
0x3ca: {  	[tilespmem:$0x1AEF0] =	vst v5  }
0x3cb: {  	[tilespmem:$0x1B280] =	vst v6  }
0x3cc: {  	[tilespmem:$0x1B290] =	vst v7  }
0x3cd: {  	v0 =	vld [tilespmem:s14+$0x500]  }
0x3ce: {  	v1 =	vld [tilespmem:s14+$0x510]  }
0x3cf: {  	v2 =	vld [tilespmem:s14+$0x520]  }
0x3d0: {  	v5 =	vld [tilespmem:s14+$0x530]  }
0x3d1: {  	v6 =	vld [tilespmem:s14+$0x540]  }
0x3d2: {  	v34 =	vld [tilespmem:s14+$0x550];
	v28 =	vshll.u32 v0, $0x3  }
0x3d3: {  	v38 =	vld [tilespmem:s14+$0x560];
	v29 =	vshrl.u32 v0, $0x1;
	v0 =	vand.u32 $0xFFFFF87F, v0;
	v30 =	vshll.u32 v1, $0x3  }
0x3d4: {  	v42 =	vld [tilespmem:s14+$0x570];
	v31 =	vshrl.u32 v1, $0x1;
	v1 =	vand.u32 $0xFFFFF87F, v1;
	v32 =	vshll.u32 v2, $0x3  }
0x3d5: {  	v33 =	vshrl.u32 v2, $0x1;
	v2 =	vand.u32 $0xFFFFF87F, v2;
	v36 =	vshll.u32 v5, $0x3  }
0x3d6: {  	v37 =	vshrl.u32 v5, $0x1;
	v5 =	vand.u32 $0xFFFFF87F, v5;
	v39 =	vshll.u32 v6, $0x3  }
0x3d7: {  	v41 =	vand.u32 $0xFFFFF87F, v6;
	v6 =	vshrl.u32 v6, $0x1;
	v43 =	vshll.u32 v34, $0x3  }
0x3d8: {  	v44 =	vshrl.u32 v34, $0x1;
	v9 =	vand.u32 $0xFFFFF87F, v34;
	v45 =	vshll.u32 v38, $0x3  }
0x3d9: {  	v46 =	vshrl.u32 v38, $0x1;
	v47 =	vshll.u32 v42, $0x3;
	v48 =	vshrl.u32 v42, $0x1  }
0x3da: {  	v8 =	vand.u32 $0xFFFFF87F, v42;
	v3 =	vand.u32 $0x400, v28;
	v4 =	vand.u32 $0x380, v29  }
0x3db: {  	v7 =	vand.u32 $0x400, v32;
	v35 =	vand.u32 $0x380, v33;
	v40 =	vand.u32 $0x400, v39  }
0x3dc: {  	v6 =	vand.u32 $0x380, v6;
	v10 =	vand.u32 $0x380, v44;
	v0 =	vor.u32 v3, v0  }
0x3dd: {  	v3 =	vand.u32 $0x400, v30;
	v2 =	vor.u32 v7, v2;
	v7 =	vand.u32 $0xFFFFF87F, v38  }
0x3de: {  	v0 =	vor.u32 v4, v0;
	v4 =	vand.u32 $0x380, v31;
	v1 =	vor.u32 v3, v1  }
0x3df: {  	v2 =	vor.u32 v35, v2;
	v3 =	vand.u32 $0x400, v36;
	v1 =	vor.u32 v4, v1  }
0x3e0: {  	v4 =	vand.u32 $0x380, v37;
	v3 =	vor.u32 v3, v5;
	v5 =	vand.u32 $0x400, v43  }
0x3e1: {  	v3 =	vor.u32 v4, v3;
	v4 =	vor.u32 v40, v41;
	v5 =	vor.u32 v5, v9  }
0x3e2: {  	v9 =	vand.u32 $0x380, v46;
	v4 =	vor.u32 v6, v4;
	v6 =	vand.u32 $0x400, v45  }
0x3e3: {  	v5 =	vor.u32 v10, v5;
	v6 =	vor.u32 v6, v7;
	v7 =	vand.u32 $0x400, v47;
	v0 =	vld.idx.msk [tilespmem:v0+s17+$0x0], $0xffff  }
0x3e4: {  	v49 =	vand.u32 $0x380, v48;
	v6 =	vor.u32 v9, v6;
	v7 =	vor.u32 v7, v8;
	v2 =	vld.idx.msk [tilespmem:v2+s17+$0x0], $0xffff  }
0x3e5: {  	v1 =	vld.idx.msk [tilespmem:v1+s17+$0x0], $0xffff;
	v7 =	vor.u32 v49, v7  }
0x3e6: {  	v3 =	vld.idx.msk [tilespmem:v3+s17+$0x0], $0xffff  }
0x3e7: {  	v4 =	vld.idx.msk [tilespmem:v4+s17+$0x0], $0xffff  }
0x3e8: {  	v5 =	vld.idx.msk [tilespmem:v5+s17+$0x0], $0xffff  }
0x3e9: {  	v6 =	vld.idx.msk [tilespmem:v6+s17+$0x0], $0xffff  }
0x3ea: {  	v7 =	vld.idx.msk [tilespmem:v7+s17+$0x0], $0xffff;
	[tilespmem:$0x1B2A0] =	vst v0  }
0x3eb: {  	[tilespmem:$0x1B2B0] =	vst v1  }
0x3ec: {  	[tilespmem:$0x1B2C0] =	vst v2  }
0x3ed: {  	[tilespmem:$0x1B2D0] =	vst v3  }
0x3ee: {  	[tilespmem:$0x1AF00] =	vst v4  }
0x3ef: {  	[tilespmem:$0x1AF10] =	vst v5  }
0x3f0: {  	[tilespmem:$0x1AF20] =	vst v6  }
0x3f1: {  	[tilespmem:$0x1AF30] =	vst v7  }
0x3f2: {  	v0 =	vld [tilespmem:s14+$0x580]  }
0x3f3: {  	v1 =	vld [tilespmem:s14+$0x590]  }
0x3f4: {  	v2 =	vld [tilespmem:s14+$0x5A0]  }
0x3f5: {  	v5 =	vld [tilespmem:s14+$0x5B0]  }
0x3f6: {  	v6 =	vld [tilespmem:s14+$0x5C0]  }
0x3f7: {  	v56 =	vld [tilespmem:s14+$0x5D0];
	v50 =	vshll.u32 v0, $0x3  }
0x3f8: {  	v60 =	vld [tilespmem:s14+$0x5E0];
	v51 =	vshrl.u32 v0, $0x1;
	v0 =	vand.u32 $0xFFFFF87F, v0;
	v52 =	vshll.u32 v1, $0x3  }
0x3f9: {  	v12 =	vld [tilespmem:s14+$0x5F0];
	v53 =	vshrl.u32 v1, $0x1;
	v1 =	vand.u32 $0xFFFFF87F, v1;
	v54 =	vshll.u32 v2, $0x3  }
0x3fa: {  	v55 =	vshrl.u32 v2, $0x1;
	v2 =	vand.u32 $0xFFFFF87F, v2;
	v58 =	vshll.u32 v5, $0x3  }
0x3fb: {  	v59 =	vshrl.u32 v5, $0x1;
	v5 =	vand.u32 $0xFFFFF87F, v5;
	v61 =	vshll.u32 v6, $0x3  }
0x3fc: {  	v63 =	vand.u32 $0xFFFFF87F, v6;
	v6 =	vshrl.u32 v6, $0x1;
	v13 =	vshll.u32 v56, $0x3  }
0x3fd: {  	v14 =	vshrl.u32 v56, $0x1;
	v9 =	vand.u32 $0xFFFFF87F, v56;
	v15 =	vshll.u32 v60, $0x3  }
0x3fe: {  	v16 =	vshrl.u32 v60, $0x1;
	v17 =	vshll.u32 v12, $0x3;
	v18 =	vshrl.u32 v12, $0x1  }
0x3ff: {  	v8 =	vand.u32 $0xFFFFF87F, v12;
	v3 =	vand.u32 $0x400, v50;
	v4 =	vand.u32 $0x380, v51  }
0x400: {  	v7 =	vand.u32 $0x400, v54;
	v57 =	vand.u32 $0x380, v55;
	v62 =	vand.u32 $0x400, v61  }
0x401: {  	v6 =	vand.u32 $0x380, v6;
	v10 =	vand.u32 $0x380, v14;
	v0 =	vor.u32 v3, v0  }
0x402: {  	v3 =	vand.u32 $0x400, v52;
	v2 =	vor.u32 v7, v2;
	v7 =	vand.u32 $0xFFFFF87F, v60  }
0x403: {  	v0 =	vor.u32 v4, v0;
	v4 =	vand.u32 $0x380, v53;
	v1 =	vor.u32 v3, v1  }
0x404: {  	v2 =	vor.u32 v57, v2;
	v3 =	vand.u32 $0x400, v58;
	v1 =	vor.u32 v4, v1  }
0x405: {  	v4 =	vand.u32 $0x380, v59;
	v3 =	vor.u32 v3, v5;
	v5 =	vand.u32 $0x400, v13  }
0x406: {  	v3 =	vor.u32 v4, v3;
	v4 =	vor.u32 v62, v63;
	v5 =	vor.u32 v5, v9  }
0x407: {  	v9 =	vand.u32 $0x380, v16;
	v4 =	vor.u32 v6, v4;
	v6 =	vand.u32 $0x400, v15  }
0x408: {  	v5 =	vor.u32 v10, v5;
	v6 =	vor.u32 v6, v7;
	v7 =	vand.u32 $0x400, v17;
	v0 =	vld.idx.msk [tilespmem:v0+s17+$0x0], $0xffff  }
0x409: {  	v19 =	vand.u32 $0x380, v18;
	v6 =	vor.u32 v9, v6;
	v7 =	vor.u32 v7, v8;
	v2 =	vld.idx.msk [tilespmem:v2+s17+$0x0], $0xffff  }
0x40a: {  	v1 =	vld.idx.msk [tilespmem:v1+s17+$0x0], $0xffff;
	v7 =	vor.u32 v19, v7  }
0x40b: {  	v3 =	vld.idx.msk [tilespmem:v3+s17+$0x0], $0xffff  }
0x40c: {  	v4 =	vld.idx.msk [tilespmem:v4+s17+$0x0], $0xffff  }
0x40d: {  	v5 =	vld.idx.msk [tilespmem:v5+s17+$0x0], $0xffff  }
0x40e: {  	v6 =	vld.idx.msk [tilespmem:v6+s17+$0x0], $0xffff  }
0x40f: {  	v7 =	vld.idx.msk [tilespmem:v7+s17+$0x0], $0xffff;
	[tilespmem:$0x1AF40] =	vst v0  }
0x410: {  	[tilespmem:$0x1AF50] =	vst v1  }
0x411: {  	[tilespmem:$0x1AF60] =	vst v2  }
0x412: {  	[tilespmem:$0x1AF70] =	vst v3  }
0x413: {  	[tilespmem:$0x1B300] =	vst v4  }
0x414: {  	[tilespmem:$0x1B310] =	vst v5  }
0x415: {  	[tilespmem:$0x1B320] =	vst v6  }
0x416: {  	[tilespmem:$0x1B330] =	vst v7  }
0x417: {  	v0 =	vld [tilespmem:s14+$0x600]  }
0x418: {  	v1 =	vld [tilespmem:s14+$0x610]  }
0x419: {  	v2 =	vld [tilespmem:s14+$0x620]  }
0x41a: {  	v5 =	vld [tilespmem:s14+$0x630]  }
0x41b: {  	v6 =	vld [tilespmem:s14+$0x640]  }
0x41c: {  	v26 =	vld [tilespmem:s14+$0x650];
	v20 =	vshll.u32 v0, $0x3  }
0x41d: {  	v30 =	vld [tilespmem:s14+$0x660];
	v21 =	vshrl.u32 v0, $0x1;
	v0 =	vand.u32 $0xFFFFF87F, v0;
	v22 =	vshll.u32 v1, $0x3  }
0x41e: {  	v34 =	vld [tilespmem:s14+$0x670];
	v23 =	vshrl.u32 v1, $0x1;
	v1 =	vand.u32 $0xFFFFF87F, v1;
	v24 =	vshll.u32 v2, $0x3  }
0x41f: {  	v25 =	vshrl.u32 v2, $0x1;
	v2 =	vand.u32 $0xFFFFF87F, v2;
	v28 =	vshll.u32 v5, $0x3  }
0x420: {  	v29 =	vshrl.u32 v5, $0x1;
	v5 =	vand.u32 $0xFFFFF87F, v5;
	v31 =	vshll.u32 v6, $0x3  }
0x421: {  	v33 =	vand.u32 $0xFFFFF87F, v6;
	v6 =	vshrl.u32 v6, $0x1;
	v35 =	vshll.u32 v26, $0x3  }
0x422: {  	v36 =	vshrl.u32 v26, $0x1;
	v9 =	vand.u32 $0xFFFFF87F, v26;
	v37 =	vshll.u32 v30, $0x3  }
0x423: {  	v38 =	vshrl.u32 v30, $0x1;
	v39 =	vshll.u32 v34, $0x3;
	v40 =	vshrl.u32 v34, $0x1  }
0x424: {  	v8 =	vand.u32 $0xFFFFF87F, v34;
	v3 =	vand.u32 $0x400, v20;
	v4 =	vand.u32 $0x380, v21  }
0x425: {  	v7 =	vand.u32 $0x400, v24;
	v27 =	vand.u32 $0x380, v25;
	v32 =	vand.u32 $0x400, v31  }
0x426: {  	v6 =	vand.u32 $0x380, v6;
	v10 =	vand.u32 $0x380, v36;
	v0 =	vor.u32 v3, v0  }
0x427: {  	v3 =	vand.u32 $0x400, v22;
	v2 =	vor.u32 v7, v2;
	v7 =	vand.u32 $0xFFFFF87F, v30  }
0x428: {  	v0 =	vor.u32 v4, v0;
	v4 =	vand.u32 $0x380, v23;
	v1 =	vor.u32 v3, v1  }
0x429: {  	v2 =	vor.u32 v27, v2;
	v3 =	vand.u32 $0x400, v28;
	v1 =	vor.u32 v4, v1  }
0x42a: {  	v4 =	vand.u32 $0x380, v29;
	v3 =	vor.u32 v3, v5;
	v5 =	vand.u32 $0x400, v35  }
0x42b: {  	v3 =	vor.u32 v4, v3;
	v4 =	vor.u32 v32, v33;
	v5 =	vor.u32 v5, v9  }
0x42c: {  	v9 =	vand.u32 $0x380, v38;
	v4 =	vor.u32 v6, v4;
	v6 =	vand.u32 $0x400, v37  }
0x42d: {  	v5 =	vor.u32 v10, v5;
	v6 =	vor.u32 v6, v7;
	v7 =	vand.u32 $0x400, v39;
	v0 =	vld.idx.msk [tilespmem:v0+s17+$0x0], $0xffff  }
0x42e: {  	v41 =	vand.u32 $0x380, v40;
	v6 =	vor.u32 v9, v6;
	v7 =	vor.u32 v7, v8;
	v2 =	vld.idx.msk [tilespmem:v2+s17+$0x0], $0xffff  }
0x42f: {  	v1 =	vld.idx.msk [tilespmem:v1+s17+$0x0], $0xffff;
	v7 =	vor.u32 v41, v7  }
0x430: {  	v3 =	vld.idx.msk [tilespmem:v3+s17+$0x0], $0xffff  }
0x431: {  	v4 =	vld.idx.msk [tilespmem:v4+s17+$0x0], $0xffff  }
0x432: {  	v5 =	vld.idx.msk [tilespmem:v5+s17+$0x0], $0xffff  }
0x433: {  	v6 =	vld.idx.msk [tilespmem:v6+s17+$0x0], $0xffff  }
0x434: {  	v7 =	vld.idx.msk [tilespmem:v7+s17+$0x0], $0xffff;
	[tilespmem:$0x1B340] =	vst v0  }
0x435: {  	[tilespmem:$0x1B350] =	vst v1  }
0x436: {  	[tilespmem:$0x1AF80] =	vst v2  }
0x437: {  	[tilespmem:$0x1AF90] =	vst v3  }
0x438: {  	[tilespmem:$0x1AFA0] =	vst v4  }
0x439: {  	[tilespmem:$0x1AFB0] =	vst v5  }
0x43a: {  	[tilespmem:$0x1AFC0] =	vst v6  }
0x43b: {  	[tilespmem:$0x1AFD0] =	vst v7  }
0x43c: {  	v0 =	vld [tilespmem:s14+$0x680]  }
0x43d: {  	v1 =	vld [tilespmem:s14+$0x690]  }
0x43e: {  	v2 =	vld [tilespmem:s14+$0x6A0]  }
0x43f: {  	v5 =	vld [tilespmem:s14+$0x6B0]  }
0x440: {  	v6 =	vld [tilespmem:s14+$0x6C0]  }
0x441: {  	v48 =	vld [tilespmem:s14+$0x6D0];
	v42 =	vshll.u32 v0, $0x3  }
0x442: {  	v52 =	vld [tilespmem:s14+$0x6E0];
	v43 =	vshrl.u32 v0, $0x1;
	v0 =	vand.u32 $0xFFFFF87F, v0;
	v44 =	vshll.u32 v1, $0x3  }
0x443: {  	v56 =	vld [tilespmem:s14+$0x6F0];
	v45 =	vshrl.u32 v1, $0x1;
	v1 =	vand.u32 $0xFFFFF87F, v1;
	v46 =	vshll.u32 v2, $0x3  }
0x444: {  	v47 =	vshrl.u32 v2, $0x1;
	v2 =	vand.u32 $0xFFFFF87F, v2;
	v50 =	vshll.u32 v5, $0x3  }
0x445: {  	v51 =	vshrl.u32 v5, $0x1;
	v5 =	vand.u32 $0xFFFFF87F, v5;
	v53 =	vshll.u32 v6, $0x3  }
0x446: {  	v55 =	vand.u32 $0xFFFFF87F, v6;
	v6 =	vshrl.u32 v6, $0x1;
	v57 =	vshll.u32 v48, $0x3  }
0x447: {  	v58 =	vshrl.u32 v48, $0x1;
	v9 =	vand.u32 $0xFFFFF87F, v48;
	v59 =	vshll.u32 v52, $0x3  }
0x448: {  	v60 =	vshrl.u32 v52, $0x1;
	v61 =	vshll.u32 v56, $0x3;
	v62 =	vshrl.u32 v56, $0x1  }
0x449: {  	v8 =	vand.u32 $0xFFFFF87F, v56;
	v3 =	vand.u32 $0x400, v42;
	v4 =	vand.u32 $0x380, v43  }
0x44a: {  	v7 =	vand.u32 $0x400, v46;
	v49 =	vand.u32 $0x380, v47;
	v54 =	vand.u32 $0x400, v53  }
0x44b: {  	v6 =	vand.u32 $0x380, v6;
	v10 =	vand.u32 $0x380, v58;
	v0 =	vor.u32 v3, v0  }
0x44c: {  	v3 =	vand.u32 $0x400, v44;
	v2 =	vor.u32 v7, v2;
	v7 =	vand.u32 $0xFFFFF87F, v52  }
0x44d: {  	v0 =	vor.u32 v4, v0;
	v4 =	vand.u32 $0x380, v45;
	v1 =	vor.u32 v3, v1  }
0x44e: {  	v2 =	vor.u32 v49, v2;
	v3 =	vand.u32 $0x400, v50;
	v1 =	vor.u32 v4, v1  }
0x44f: {  	v4 =	vand.u32 $0x380, v51;
	v3 =	vor.u32 v3, v5;
	v5 =	vand.u32 $0x400, v57  }
0x450: {  	v3 =	vor.u32 v4, v3;
	v4 =	vor.u32 v54, v55;
	v5 =	vor.u32 v5, v9  }
0x451: {  	v9 =	vand.u32 $0x380, v60;
	v4 =	vor.u32 v6, v4;
	v6 =	vand.u32 $0x400, v59  }
0x452: {  	v5 =	vor.u32 v10, v5;
	v6 =	vor.u32 v6, v7;
	v7 =	vand.u32 $0x400, v61;
	v0 =	vld.idx.msk [tilespmem:v0+s17+$0x0], $0xffff  }
0x453: {  	v63 =	vand.u32 $0x380, v62;
	v6 =	vor.u32 v9, v6;
	v7 =	vor.u32 v7, v8;
	v2 =	vld.idx.msk [tilespmem:v2+s17+$0x0], $0xffff  }
0x454: {  	v1 =	vld.idx.msk [tilespmem:v1+s17+$0x0], $0xffff;
	v7 =	vor.u32 v63, v7  }
0x455: {  	v3 =	vld.idx.msk [tilespmem:v3+s17+$0x0], $0xffff  }
0x456: {  	v4 =	vld.idx.msk [tilespmem:v4+s17+$0x0], $0xffff  }
0x457: {  	v5 =	vld.idx.msk [tilespmem:v5+s17+$0x0], $0xffff  }
0x458: {  	v6 =	vld.idx.msk [tilespmem:v6+s17+$0x0], $0xffff  }
0x459: {  	v7 =	vld.idx.msk [tilespmem:v7+s17+$0x0], $0xffff;
	[tilespmem:$0x1AFE0] =	vst v0  }
0x45a: {  	[tilespmem:$0x1AFF0] =	vst v1  }
0x45b: {  	s0 =	sadd.s32 $0x1, s0;
	[tilespmem:$0x1B380] =	vst v2  }
0x45c: {  	p0 =	sne.s32 s0, $0xE;
	[tilespmem:$0x1B390] =	vst v3  }
.Ltmp0:
0x45d: {  	s3 =	sshll.u32 s3, $0xB;
	[tilespmem:$0x1B3A0] =	vst v4;
	(pc) =	sbr.rel @p0 .LBB2_3-.Ltmp0, $4  }
0x45e: {  	s3 =	sadd.s32 s31, s3;
	[tilespmem:$0x1B3B0] =	vst v5  }
0x45f: {  	s3 =	sshrl.u32 s3, $0x3;
	[tilespmem:$0x1B3C0] =	vst v6  }
0x460: {  	s3 =	sadd.s32 s2, s3;
	[tilespmem:$0x1B3D0] =	vst v7  }
0x461: {  	[hbm4b:s3+s4] =	stream.linear.scatter [tilespmem:s25], [sflag:$0x2], $0x800, $0x38;
	[tilespmem:$0x1B400] =	vst v63  }
0x462: {  	s30 =	sadd.s32 $0x1, s30  }
0x463: {  	p0 =	sne.s32 s30, $0x18  }
.Ltmp1:
0x464: {  	_ = 	snop;
	(pc) =	sbr.rel @p0 .LBB2_2-.Ltmp1, $1  }
0x465: {  	_ =	sdelay $0x3  }
0x466: {  	s29 =	sadd.s32 $0x1, s29  }
0x467: {  	_ =	swait.ge [sflag:s26], $0x800;
	p0 =	sne.s32 s29, s10  }
.Ltmp2:
0x468: {  	[sflag:s26] =	ssyncset.done $0x0;
	(pc) =	sbr.rel @p0 .LBB2_1-.Ltmp2, $4  }
0x469: {  	[sflag:s26] =	ssyncadd.s32 $0xFFFFF800  }
0x46a: {  	_ =	swait.ge [sflag:s28], $0x800  }
0x46b: {  	[sflag:s28] =	ssyncset.done $0x0  }
0x46c: {  	[sflag:s28] =	ssyncadd.s32 $0xFFFFF800  }
0x46d: {  	_ =	sfence.sel $0x180000  }
0x46e: {  	[bflag:$0x0] =	sbarrier.arrive $0xFFFF  }
0x46f: {  	_ =	strace $0x90000047  }
0x470: {  	s0 =	stileid.u32;
	[bflag:$0x2] =	sbarrier.arrive $0xFFFF  }
0x471: {  	p0 =	sne.s32 s0, $0x0;
	s0 =	rddreg [dreg:$0x3]  }
0x472: {  	s0 =	sadd.s32 @!p0 $0x100000, s0  }
0x473: {  	[sflag:s0] =	ssyncadd.tile.s32 @!p0 $0x1;
	_ =	shalt  }
.Lfunc_end2:
_tile_overlayer_lowered:
.L_overlay_start_2:
0x474: {  	(tag) =	ssettag $0x2  }
0x475: {  	s0 =	rddreg [dreg:$0x0];
	s2 =	stileid.u32  }
0x476: {  	s1 =	rddreg [dreg:$0x1];
	p0 =	sne.s32 s2, $0x0  }
0x477: {  	s3 =	rddreg [dreg:$0x2];
	[bflag:$0x3] =	sbarrier.arrive $0xFFFF;
	s2 =	simm.s32 @!p0 $0x1C04  }
0x478: {  	[timem:s3], [sflag:s2] =	dma.local @!p0 [hbm:s0], s1  }
0x479: {  	s0 =	simm.s32 @!p0 $0x4  }
0x47a: {  	_ =	swait.ge @!p0 [sflag:s0], s1  }
0x47b: {  	s1 =	ssub.s32 @!p0 $0x0, s1;
	[sflag:s0] =	ssyncset.done @!p0 $0x0  }
0x47c: {  	[sflag:s0] =	ssyncadd.s32 @!p0 s1  }
0x47d: {  	[bflag:$0x3] =	sbarrier.arrive $0xFFFF  }
0x47e: {  	_ =	shalt  }

</sc_bundles>
